<compile_context>
chip_gen: v7x
topology: tpu7x:2x2x1
jax: 0.10.2.dev20260603
libtpu: 0.0.44.dev20260713+nightly
codegen_flags: <defaults>
</compile_context>

<pallas_src>
import functools

import jax
import jax.numpy as jnp
from jax import lax
from jax.experimental import pallas as pl
from jax.experimental.pallas import tpu as pltpu
from jax.experimental.pallas import tpu_sc as plsc

NC = 2
NS = 16
L = 16

C = 4096
SPLITS = 8
NB = 4
UNROLL = 1
RCH = 128


def _make_sc_kernel(B, N, M, E):
    E8 = -(-E // (SPLITS * C)) * C
    last_len = E - (SPLITS - 1) * E8
    last_r = last_len - (last_len // C) * C
    assert last_r == 0 or last_r <= C - 8
    MR = M // L
    nrt = NB * MR // RCH
    mesh = plsc.VectorSubcoreMesh(core_axis_name="c", subcore_axis_name="s")

    @functools.partial(
        pl.kernel,
        out_type=jax.ShapeDtypeStruct((B, MR, L), jnp.float32),
        mesh=mesh,
        compiler_params=pltpu.CompilerParams(
            needs_layout_passes=False, use_tc_tiling_on_sc=False),
        scratch_types=[
            pltpu.VMEM((N,), jnp.int32),
            pltpu.VMEM((N,), jnp.int32),
            pltpu.VMEM((MR, L), jnp.float32),
            pltpu.VMEM((MR, L), jnp.float32),
            pltpu.VMEM((MR, L), jnp.float32),
            pltpu.VMEM((MR, L), jnp.float32),
            pltpu.VMEM((2, C), jnp.int32),
            pltpu.VMEM((2, C), jnp.float32),
            pltpu.VMEM((nrt, RCH), jnp.int32),
            pltpu.SemaphoreType.DMA((2,)),
            pltpu.SemaphoreType.DMA,
            pltpu.VMEM_SHARED((NB * MR, L), jnp.float32),
            pltpu.VMEM_SHARED((NB * MR, L), jnp.float32),
        ],
    )
    def body(xph, pkh, wh, biash, idnh, out, xp0, xp1, a0, a1, a2, a3,
             pv, wv, idv, sems, rsem, shr0, shr1):
        c = lax.axis_index("c")
        s = lax.axis_index("s")
        g = s // SPLITS
        h = s % SPLITS
        b0 = c * (2 * NB) + g * NB
        k0 = b0 // 2
        is_owner = h == 0
        start = h * E8
        end = jnp.minimum(start + E8, E)
        nf = (end - start) // C
        r = (end - start) - nf * C
        accs = (a0, a1, a2, a3)

        def start_chunk(slot, off):
            off = pl.multiple_of(off, 8)
            pltpu.async_copy(pkh.at[pl.ds(off, C)], pv.at[slot],
                             sems.at[slot])
            pltpu.async_copy(wh.at[pl.ds(off, C)], wv.at[slot], sems.at[slot])

        def wait_chunk(slot):
            pltpu.make_async_copy(pkh.at[pl.ds(0, C)], pv.at[slot],
                                  sems.at[slot]).wait()
            pltpu.make_async_copy(wh.at[pl.ds(0, C)], wv.at[slot],
                                  sems.at[slot]).wait()

        def compute(sl, j, mask):
            o = pl.ds(j * L, L)
            p = pv[sl, o]
            w = wv[sl, o]
            isrc = p & 0x3FFF
            irow = p >> 18
            icol = (p >> 14) & 0xF
            xw0 = plsc.load_gather(xp0, [isrc], mask=mask)
            xw1 = plsc.load_gather(xp1, [isrc], mask=mask)
            f0 = plsc.bitcast(xw0 << 16, jnp.float32)
            f1 = plsc.bitcast(xw0 & -65536, jnp.float32)
            f2 = plsc.bitcast(xw1 << 16, jnp.float32)
            f3 = plsc.bitcast(xw1 & -65536, jnp.float32)
            plsc.addupdate_scatter(a0, [irow, icol], w * f0, mask=mask)
            plsc.addupdate_scatter(a1, [irow, icol], w * f1, mask=mask)
            plsc.addupdate_scatter(a2, [irow, icol], w * f2, mask=mask)
            plsc.addupdate_scatter(a3, [irow, icol], w * f3, mask=mask)

        start_chunk(0, start)
        pltpu.sync_copy(xph.at[k0], xp0)
        pltpu.sync_copy(xph.at[k0 + 1], xp1)
        pltpu.sync_copy(idnh, idv)

        @pl.when(jnp.logical_and(is_owner, g == 0))
        def _():
            for bb in range(NB):
                pltpu.sync_copy(biash, shr0.at[pl.ds(bb * MR, MR)])

        @pl.when(jnp.logical_and(is_owner, g == 1))
        def _():
            for bb in range(NB):
                pltpu.sync_copy(biash, shr1.at[pl.ds(bb * MR, MR)])

        zero = jnp.zeros((L,), jnp.float32)

        @plsc.parallel_loop(0, MR, unroll=4)
        def _(i):
            a0[i, :] = zero
            a1[i, :] = zero
            a2[i, :] = zero
            a3[i, :] = zero

        plsc.subcore_barrier()

        def chunk_body(gp, carry):
            for sl in range(2):
                gg = 2 * gp + sl

                @pl.when(gg + 1 < nf)
                def _():
                    start_chunk(1 - sl, start + (gg + 1) * C)

                wait_chunk(sl)

                @plsc.parallel_loop(0, C // L, unroll=UNROLL)
                def _(j):
                    compute(sl, j, None)

            return carry

        lax.fori_loop(0, nf // 2, chunk_body, 0)

        @pl.when(nf % 2 == 1)
        def _():
            wait_chunk(0)

            @plsc.parallel_loop(0, C // L, unroll=UNROLL)
            def _(j):
                compute(0, j, None)

        @pl.when(r > 0)
        def _():
            o8 = pl.multiple_of((end - C + 7) & ~7, 8)
            pltpu.sync_copy(pkh.at[pl.ds(o8, C)], pv.at[1])
            pltpu.sync_copy(wh.at[pl.ds(o8, C)], wv.at[1])
            done = start + nf * C
            lane = lax.iota(jnp.int32, L)

            @plsc.parallel_loop(0, C // L, unroll=UNROLL)
            def _(j):
                e0 = o8 + j * L
                mask = jnp.logical_and(e0 + lane >= done, e0 + lane < end)
                compute(1, j, mask)

        def reduce_into(shr):
            copies = []
            for t in range(nrt):
                bb = t // (MR // RCH)
                r0 = (t % (MR // RCH)) * RCH
                copies.append(pltpu.async_copy(
                    accs[bb].at[pl.ds(r0, RCH)], shr.at[idv.at[t]], rsem,
                    add=True))
            for cp in copies:
                cp.wait()

        @pl.when(g == 0)
        def _():
            reduce_into(shr0)

        @pl.when(g == 1)
        def _():
            reduce_into(shr1)

        plsc.subcore_barrier()

        @pl.when(jnp.logical_and(is_owner, g == 0))
        def _():
            for bb in range(NB):
                pltpu.sync_copy(shr0.at[pl.ds(bb * MR, MR)], out.at[b0 + bb])

        @pl.when(jnp.logical_and(is_owner, g == 1))
        def _():
            for bb in range(NB):
                pltpu.sync_copy(shr1.at[pl.ds(bb * MR, MR)], out.at[b0 + bb])

    return body


_SLC_BLK = 262144


def _pack_rows_tc(indices, E):
    grid = -(-E // _SLC_BLK)

    def body(iref, p_ref):
        p_ref[...] = iref[0, :] | (iref[1, :] << 14)

    return pl.pallas_call(
        body,
        grid=(grid,),
        in_specs=[pl.BlockSpec((2, _SLC_BLK), lambda i: (0, i))],
        out_specs=pl.BlockSpec((_SLC_BLK,), lambda i: (i,)),
        out_shape=jax.ShapeDtypeStruct((E,), jnp.int32),
    )(indices)


def kernel(x, indices, values, bias):
    B, N, _ = x.shape
    M = bias.shape[0]
    E = values.shape[0]

    xb = lax.bitcast_convert_type(
        x[:, :, 0].astype(jnp.bfloat16).reshape(B // 2, 2, N), jnp.uint16
    ).astype(jnp.uint32)
    xp = lax.bitcast_convert_type(xb[:, 0] | (xb[:, 1] << 16), jnp.int32)

    MR = M // L
    idn = jnp.arange(4 * MR, dtype=jnp.int32).reshape(-1, RCH)

    pk = _pack_rows_tc(indices, E)
    out = _make_sc_kernel(B, N, M, E)(
        xp, pk, values, bias.reshape(MR, L), idn)
    return out.reshape(B, M)[:, :, None]

# --- scband reference (transcript-rebuilt; emitter-appended) ---
"""Pipeline reference for scband-sparse-linear-72679436582939 (READ-ONLY COPY).

The authoritative reference and input builder live on the scoring server;
editing this copy changes nothing except your own understanding.
"""

import jax, jax.numpy as jnp
import numpy as np

N = 16384
M = 16384
E = 2684354
B = 16


def setup_inputs(seed: int = 0) -> dict:
    key = jax.random.key(seed)
    k1, k2, k3, k4 = jax.random.split(key, 4)
    src = jax.random.randint(k1, (E,), 0, N, dtype=jnp.int32)
    dst = jax.random.randint(k2, (E,), 0, M, dtype=jnp.int32)
    indices = jnp.stack([src, dst], axis=0)
    # kaiming init: std = sqrt(2 / fan_in[dst]) per edge
    fan_in = jnp.bincount(dst, length=M).astype(jnp.float32)
    n_in = fan_in[dst]
    std = jnp.sqrt(2.0 / jnp.maximum(n_in, 1.0))
    values = jax.random.normal(k3, (E,), dtype=jnp.float32) * std
    bias = jnp.zeros((M, 1), dtype=jnp.float32)
    x = jax.random.normal(k4, (B, N, 1), dtype=jnp.float32)
    return {"x": x, "indices": indices, "values": values, "bias": bias}


def reference(x, indices, values, bias):
    # SparseLinear.forward: batched sparse matmul via gather -> weight -> scatter-add.
    # Equivalent to the pyg MessagePassing(aggr='add') with message = edge_weight * x_j,
    # with the batch handled by node-index incrementing (here vectorized over batch axis).
    B_ = x.shape[0]
    M_ = bias.shape[0]
    src = indices[0]
    dst = indices[1]
    xf = x[:, :, 0]                      # (B, N)
    gathered = xf[:, src]                # (B, E) gather x_j
    msgs = values[None, :] * gathered    # (B, E) edge_weight * x_j
    out = jnp.zeros((B_, M_), dtype=x.dtype).at[:, dst].add(msgs)  # scatter-add to dst
    out = out + bias[:, 0][None, :]      # + bias
    return out[:, :, None]               # (B, M, 1)

if __name__ == "__main__":
    import jax
    _d = setup_inputs()
    print(jax.jit(kernel)(*tuple(_d.values())))

</pallas_src>

<mosaic_0001>
#map = affine_map<(d0, d1) -> (0, 0)>
#map1 = affine_map<(d0, d1) -> (0)>
#map2 = affine_map<(d0, d1) -> (0, 0, 0)>
module attributes {stable_mosaic.version = 14 : i64} {
  func.func @body(%arg0: i32, %arg1: i32, %arg2: memref<8x16384xi32, #tpu.memory_space<hbm>>, %arg3: memref<2684354xi32, #tpu.memory_space<hbm>>, %arg4: memref<2684354xf32, #tpu.memory_space<hbm>>, %arg5: memref<1024x16xf32, #tpu.memory_space<hbm>>, %arg6: memref<32x128xi32, #tpu.memory_space<hbm>>, %arg7: memref<16x1024x16xf32, #tpu.memory_space<hbm>>, %arg8: memref<16384xi32, #tpu.memory_space<vmem>>, %arg9: memref<16384xi32, #tpu.memory_space<vmem>>, %arg10: memref<1024x16xf32, #tpu.memory_space<vmem>>, %arg11: memref<1024x16xf32, #tpu.memory_space<vmem>>, %arg12: memref<1024x16xf32, #tpu.memory_space<vmem>>, %arg13: memref<1024x16xf32, #tpu.memory_space<vmem>>, %arg14: memref<2x4096xi32, #tpu.memory_space<vmem>>, %arg15: memref<2x4096xf32, #tpu.memory_space<vmem>>, %arg16: memref<32x128xi32, #tpu.memory_space<vmem>>, %arg17: memref<2x!tpu.dma_semaphore, #tpu.memory_space<semaphore_mem>>, %arg18: memref<!tpu.dma_semaphore, #tpu.memory_space<semaphore_mem>>, %arg19: memref<4096x16xf32, #tpu.memory_space<vmem_shared>>, %arg20: memref<4096x16xf32, #tpu.memory_space<vmem_shared>>) attributes {dimension_semantics = [#tpu.dimension_semantics<core_parallel>, #tpu.dimension_semantics<subcore_parallel>], iteration_bounds = array<i64: 2, 16>, scalar_prefetch = 0 : i64, scratch_operands = 13 : i64, tpu.core_type = #tpu.core_type<sc_vector_subcore>, window_params = [{transform_indices = #map}, {transform_indices = #map1}, {transform_indices = #map1}, {transform_indices = #map}, {transform_indices = #map}, {transform_indices = #map2}]} {
    %jit3A = arith.constant 8 : i32
    %div3A = arith.divsi %arg1, %jit3A : i32
    %sign3A = arith.constant 0 : i32
    %sign3A_0 = arith.cmpi sgt, %arg1, %sign3A : i32
    %sign3A_1 = arith.extui %sign3A_0 : i1 to i32
    %sign3A_2 = arith.constant 0 : i32
    %sign3A_3 = arith.cmpi slt, %arg1, %sign3A_2 : i32
    %sign3A_4 = arith.extui %sign3A_3 : i1 to i32
    %sign3A_5 = arith.subi %sign3A_1, %sign3A_4 : i32
    %sign3A_6 = arith.constant 0 : i32
    %sign3A_7 = arith.cmpi sgt, %jit3A, %sign3A_6 : i32
    %sign3A_8 = arith.extui %sign3A_7 : i1 to i32
    %sign3A_9 = arith.constant 0 : i32
    %sign3A_10 = arith.cmpi slt, %jit3A, %sign3A_9 : i32
    %sign3A_11 = arith.extui %sign3A_10 : i1 to i32
    %sign3A_12 = arith.subi %sign3A_8, %sign3A_11 : i32
    %ne3A = arith.cmpi ne, %sign3A_5, %sign3A_12 : i32
    %rem3A = arith.remsi %arg1, %jit3A : i32
    %ne3A_13 = arith.constant 0 : i32
    %ne3A_14 = arith.cmpi ne, %rem3A, %ne3A_13 : i32
    %and3A = arith.andi %ne3A, %ne3A_14 : i1
    %sub3A = arith.constant 1 : i32
    %sub3A_15 = arith.subi %div3A, %sub3A : i32
    %select_n3A = arith.select %and3A, %sub3A_15, %div3A : i32
    %jit3A_16 = arith.constant 8 : i32
    %eq3A = arith.constant 0 : i32
    %eq3A_17 = arith.cmpi eq, %jit3A_16, %eq3A : i32
    %jit3A_18 = arith.constant 1 : i32
    %select_n3A_19 = arith.select %eq3A_17, %jit3A_18, %jit3A_16 : i32
    %rem3A_20 = arith.remsi %arg1, %select_n3A_19 : i32
    %ne3A_21 = arith.constant 0 : i32
    %ne3A_22 = arith.cmpi ne, %rem3A_20, %ne3A_21 : i32
    %lt3A = arith.constant 0 : i32
    %lt3A_23 = arith.cmpi slt, %rem3A_20, %lt3A : i32
    %lt3A_24 = arith.constant 0 : i32
    %lt3A_25 = arith.cmpi slt, %select_n3A_19, %lt3A_24 : i32
    %ne3A_26 = arith.xori %lt3A_23, %lt3A_25 : i1
    %and3A_27 = arith.andi %ne3A_26, %ne3A_22 : i1
    %add3A = arith.addi %rem3A_20, %select_n3A_19 : i32
    %select_n3A_28 = arith.select %and3A_27, %add3A, %rem3A_20 : i32
    %mul3A = arith.constant 8 : i32
    %mul3A_29 = arith.muli %arg0, %mul3A : i32
    %mul3A_30 = arith.constant 4 : i32
    %mul3A_31 = arith.muli %select_n3A, %mul3A_30 : i32
    %add3A_32 = arith.addi %mul3A_29, %mul3A_31 : i32
    %jit3A_33 = arith.constant 2 : i32
    %div3A_34 = arith.divsi %add3A_32, %jit3A_33 : i32
    %sign3A_35 = arith.constant 0 : i32
    %sign3A_36 = arith.cmpi sgt, %add3A_32, %sign3A_35 : i32
    %sign3A_37 = arith.extui %sign3A_36 : i1 to i32
    %sign3A_38 = arith.constant 0 : i32
    %sign3A_39 = arith.cmpi slt, %add3A_32, %sign3A_38 : i32
    %sign3A_40 = arith.extui %sign3A_39 : i1 to i32
    %sign3A_41 = arith.subi %sign3A_37, %sign3A_40 : i32
    %sign3A_42 = arith.constant 0 : i32
    %sign3A_43 = arith.cmpi sgt, %jit3A_33, %sign3A_42 : i32
    %sign3A_44 = arith.extui %sign3A_43 : i1 to i32
    %sign3A_45 = arith.constant 0 : i32
    %sign3A_46 = arith.cmpi slt, %jit3A_33, %sign3A_45 : i32
    %sign3A_47 = arith.extui %sign3A_46 : i1 to i32
    %sign3A_48 = arith.subi %sign3A_44, %sign3A_47 : i32
    %ne3A_49 = arith.cmpi ne, %sign3A_41, %sign3A_48 : i32
    %rem3A_50 = arith.remsi %add3A_32, %jit3A_33 : i32
    %ne3A_51 = arith.constant 0 : i32
    %ne3A_52 = arith.cmpi ne, %rem3A_50, %ne3A_51 : i32
    %and3A_53 = arith.andi %ne3A_49, %ne3A_52 : i1
    %sub3A_54 = arith.constant 1 : i32
    %sub3A_55 = arith.subi %div3A_34, %sub3A_54 : i32
    %select_n3A_56 = arith.select %and3A_53, %sub3A_55, %div3A_34 : i32
    %eq3A_57 = arith.constant 0 : i32
    %eq3A_58 = arith.cmpi eq, %select_n3A_28, %eq3A_57 : i32
    %mul3A_59 = arith.constant 335872 : i32
    %mul3A_60 = arith.muli %select_n3A_28, %mul3A_59 : i32
    %add3A_61 = arith.constant 335872 : i32
    %add3A_62 = arith.addi %mul3A_60, %add3A_61 : i32
    %min3A = arith.constant 2684354 : i32
    %min3A_63 = arith.minsi %add3A_62, %min3A : i32
    %sub3A_64 = arith.subi %min3A_63, %mul3A_60 : i32
    %jit3A_65 = arith.constant 4096 : i32
    %div3A_66 = arith.divsi %sub3A_64, %jit3A_65 : i32
    %sign3A_67 = arith.constant 0 : i32
    %sign3A_68 = arith.cmpi sgt, %sub3A_64, %sign3A_67 : i32
    %sign3A_69 = arith.extui %sign3A_68 : i1 to i32
    %sign3A_70 = arith.constant 0 : i32
    %sign3A_71 = arith.cmpi slt, %sub3A_64, %sign3A_70 : i32
    %sign3A_72 = arith.extui %sign3A_71 : i1 to i32
    %sign3A_73 = arith.subi %sign3A_69, %sign3A_72 : i32
    %sign3A_74 = arith.constant 0 : i32
    %sign3A_75 = arith.cmpi sgt, %jit3A_65, %sign3A_74 : i32
    %sign3A_76 = arith.extui %sign3A_75 : i1 to i32
    %sign3A_77 = arith.constant 0 : i32
    %sign3A_78 = arith.cmpi slt, %jit3A_65, %sign3A_77 : i32
    %sign3A_79 = arith.extui %sign3A_78 : i1 to i32
    %sign3A_80 = arith.subi %sign3A_76, %sign3A_79 : i32
    %ne3A_81 = arith.cmpi ne, %sign3A_73, %sign3A_80 : i32
    %rem3A_82 = arith.remsi %sub3A_64, %jit3A_65 : i32
    %ne3A_83 = arith.constant 0 : i32
    %ne3A_84 = arith.cmpi ne, %rem3A_82, %ne3A_83 : i32
    %and3A_85 = arith.andi %ne3A_81, %ne3A_84 : i1
    %sub3A_86 = arith.constant 1 : i32
    %sub3A_87 = arith.subi %div3A_66, %sub3A_86 : i32
    %select_n3A_88 = arith.select %and3A_85, %sub3A_87, %div3A_66 : i32
    %sub3A_89 = arith.subi %min3A_63, %mul3A_60 : i32
    %mul3A_90 = arith.constant 4096 : i32
    %mul3A_91 = arith.muli %select_n3A_88, %mul3A_90 : i32
    %sub3A_92 = arith.subi %sub3A_89, %mul3A_91 : i32
    %multiple_of3A = tpu.assume_multiple %mul3A_60, 8 : i32
    %dma_start3A = arith.constant 0 : i32
    %dma_start3A_93 = arith.constant 0 : i32
    %dma_start3A_94 = arith.constant 0 : i32
    %dma_start3A_95 = tpu.memref_slice %arg14[%dma_start3A, %dma_start3A_94] : memref<2x4096xi32, #tpu.memory_space<vmem>> -> memref<1x4096xi32, #tpu.memory_space<vmem>>
    %dma_start3A_96 = tpu.memref_squeeze %dma_start3A_95 : memref<1x4096xi32, #tpu.memory_space<vmem>> -> memref<4096xi32, #tpu.memory_space<vmem>>
    %dma_start3A_97 = tpu.memref_slice %arg3[%multiple_of3A] : memref<2684354xi32, #tpu.memory_space<hbm>> -> memref<4096xi32, #tpu.memory_space<hbm>>
    %dma_start3A_98 = tpu.memref_slice %arg17[%dma_start3A_93] : memref<2x!tpu.dma_semaphore, #tpu.memory_space<semaphore_mem>> -> memref<1x!tpu.dma_semaphore, #tpu.memory_space<semaphore_mem>>
    %dma_start3A_99 = tpu.memref_squeeze %dma_start3A_98 : memref<1x!tpu.dma_semaphore, #tpu.memory_space<semaphore_mem>> -> memref<!tpu.dma_semaphore, #tpu.memory_space<semaphore_mem>>
    %dma_start3A_100 = arith.constant 0 : i32
    %dma_start3A_101 = tpu.memref_slice %arg14[%dma_start3A, %dma_start3A_100] : memref<2x4096xi32, #tpu.memory_space<vmem>> -> memref<1x4096xi32, #tpu.memory_space<vmem>>
    %dma_start3A_102 = tpu.memref_squeeze %dma_start3A_101 : memref<1x4096xi32, #tpu.memory_space<vmem>> -> memref<4096xi32, #tpu.memory_space<vmem>>
    %dma_start3A_103 = tpu.memref_slice %arg3[%multiple_of3A] : memref<2684354xi32, #tpu.memory_space<hbm>> -> memref<4096xi32, #tpu.memory_space<hbm>>
    tpu.enqueue_dma source(%dma_start3A_103 : memref<4096xi32, #tpu.memory_space<hbm>>) target(%dma_start3A_102 : memref<4096xi32, #tpu.memory_space<vmem>>) target_semaphore(%dma_start3A_99 : memref<!tpu.dma_semaphore, #tpu.memory_space<semaphore_mem>>)
    %dma_start3A_104 = arith.constant 0 : i32
    %dma_start3A_105 = arith.constant 0 : i32
    %dma_start3A_106 = arith.constant 0 : i32
    %dma_start3A_107 = tpu.memref_slice %arg15[%dma_start3A_104, %dma_start3A_106] : memref<2x4096xf32, #tpu.memory_space<vmem>> -> memref<1x4096xf32, #tpu.memory_space<vmem>>
    %dma_start3A_108 = tpu.memref_squeeze %dma_start3A_107 : memref<1x4096xf32, #tpu.memory_space<vmem>> -> memref<4096xf32, #tpu.memory_space<vmem>>
    %dma_start3A_109 = tpu.memref_slice %arg4[%multiple_of3A] : memref<2684354xf32, #tpu.memory_space<hbm>> -> memref<4096xf32, #tpu.memory_space<hbm>>
    %dma_start3A_110 = tpu.memref_slice %arg17[%dma_start3A_105] : memref<2x!tpu.dma_semaphore, #tpu.memory_space<semaphore_mem>> -> memref<1x!tpu.dma_semaphore, #tpu.memory_space<semaphore_mem>>
    %dma_start3A_111 = tpu.memref_squeeze %dma_start3A_110 : memref<1x!tpu.dma_semaphore, #tpu.memory_space<semaphore_mem>> -> memref<!tpu.dma_semaphore, #tpu.memory_space<semaphore_mem>>
    %dma_start3A_112 = arith.constant 0 : i32
    %dma_start3A_113 = tpu.memref_slice %arg15[%dma_start3A_104, %dma_start3A_112] : memref<2x4096xf32, #tpu.memory_space<vmem>> -> memref<1x4096xf32, #tpu.memory_space<vmem>>
    %dma_start3A_114 = tpu.memref_squeeze %dma_start3A_113 : memref<1x4096xf32, #tpu.memory_space<vmem>> -> memref<4096xf32, #tpu.memory_space<vmem>>
    %dma_start3A_115 = tpu.memref_slice %arg4[%multiple_of3A] : memref<2684354xf32, #tpu.memory_space<hbm>> -> memref<4096xf32, #tpu.memory_space<hbm>>
    tpu.enqueue_dma source(%dma_start3A_115 : memref<4096xf32, #tpu.memory_space<hbm>>) target(%dma_start3A_114 : memref<4096xf32, #tpu.memory_space<vmem>>) target_semaphore(%dma_start3A_111 : memref<!tpu.dma_semaphore, #tpu.memory_space<semaphore_mem>>)
    "tpu.region"() ({
      %run_scoped3A = tpu.sem_alloc : memref<!tpu.dma_semaphore, #tpu.memory_space<semaphore_mem>>
      %dma_start3A_212 = arith.constant 0 : i32
      %dma_start3A_213 = tpu.memref_slice %arg2[%select_n3A_56, %dma_start3A_212] : memref<8x16384xi32, #tpu.memory_space<hbm>> -> memref<1x16384xi32, #tpu.memory_space<hbm>>
      %dma_start3A_214 = tpu.memref_squeeze %dma_start3A_213 : memref<1x16384xi32, #tpu.memory_space<hbm>> -> memref<16384xi32, #tpu.memory_space<hbm>>
      %dma_start3A_215 = arith.constant 0 : i32
      %dma_start3A_216 = tpu.memref_slice %arg2[%select_n3A_56, %dma_start3A_215] : memref<8x16384xi32, #tpu.memory_space<hbm>> -> memref<1x16384xi32, #tpu.memory_space<hbm>>
      %dma_start3A_217 = tpu.memref_squeeze %dma_start3A_216 : memref<1x16384xi32, #tpu.memory_space<hbm>> -> memref<16384xi32, #tpu.memory_space<hbm>>
      tpu.enqueue_dma source(%dma_start3A_217 : memref<16384xi32, #tpu.memory_space<hbm>>) target(%arg8 : memref<16384xi32, #tpu.memory_space<vmem>>) target_semaphore(%run_scoped3A : memref<!tpu.dma_semaphore, #tpu.memory_space<semaphore_mem>>)
      %dma_wait3A = arith.constant 0 : i32
      %dma_wait3A_218 = tpu.memref_slice %arg2[%select_n3A_56, %dma_wait3A] : memref<8x16384xi32, #tpu.memory_space<hbm>> -> memref<1x16384xi32, #tpu.memory_space<hbm>>
      %dma_wait3A_219 = tpu.memref_squeeze %dma_wait3A_218 : memref<1x16384xi32, #tpu.memory_space<hbm>> -> memref<16384xi32, #tpu.memory_space<hbm>>
      %dma_wait3A_220 = arith.constant 0 : i32
      %dma_wait3A_221 = tpu.memref_slice %arg2[%select_n3A_56, %dma_wait3A_220] : memref<8x16384xi32, #tpu.memory_space<hbm>> -> memref<1x16384xi32, #tpu.memory_space<hbm>>
      %dma_wait3A_222 = tpu.memref_squeeze %dma_wait3A_221 : memref<1x16384xi32, #tpu.memory_space<hbm>> -> memref<16384xi32, #tpu.memory_space<hbm>>
      tpu.wait_dma2 semaphore(%run_scoped3A : memref<!tpu.dma_semaphore, #tpu.memory_space<semaphore_mem>>) src(%dma_wait3A_222 : memref<16384xi32, #tpu.memory_space<hbm>>) dst(%arg8 : memref<16384xi32, #tpu.memory_space<vmem>>)
      tpu.yield
    }) : () -> ()
    %add3A_116 = arith.constant 1 : i32
    %add3A_117 = arith.addi %select_n3A_56, %add3A_116 : i32
    "tpu.region"() ({
      %run_scoped3A = tpu.sem_alloc : memref<!tpu.dma_semaphore, #tpu.memory_space<semaphore_mem>>
      %dma_start3A_212 = arith.constant 0 : i32
      %dma_start3A_213 = tpu.memref_slice %arg2[%add3A_117, %dma_start3A_212] : memref<8x16384xi32, #tpu.memory_space<hbm>> -> memref<1x16384xi32, #tpu.memory_space<hbm>>
      %dma_start3A_214 = tpu.memref_squeeze %dma_start3A_213 : memref<1x16384xi32, #tpu.memory_space<hbm>> -> memref<16384xi32, #tpu.memory_space<hbm>>
      %dma_start3A_215 = arith.constant 0 : i32
      %dma_start3A_216 = tpu.memref_slice %arg2[%add3A_117, %dma_start3A_215] : memref<8x16384xi32, #tpu.memory_space<hbm>> -> memref<1x16384xi32, #tpu.memory_space<hbm>>
      %dma_start3A_217 = tpu.memref_squeeze %dma_start3A_216 : memref<1x16384xi32, #tpu.memory_space<hbm>> -> memref<16384xi32, #tpu.memory_space<hbm>>
      tpu.enqueue_dma source(%dma_start3A_217 : memref<16384xi32, #tpu.memory_space<hbm>>) target(%arg9 : memref<16384xi32, #tpu.memory_space<vmem>>) target_semaphore(%run_scoped3A : memref<!tpu.dma_semaphore, #tpu.memory_space<semaphore_mem>>)
      %dma_wait3A = arith.constant 0 : i32
      %dma_wait3A_218 = tpu.memref_slice %arg2[%add3A_117, %dma_wait3A] : memref<8x16384xi32, #tpu.memory_space<hbm>> -> memref<1x16384xi32, #tpu.memory_space<hbm>>
      %dma_wait3A_219 = tpu.memref_squeeze %dma_wait3A_218 : memref<1x16384xi32, #tpu.memory_space<hbm>> -> memref<16384xi32, #tpu.memory_space<hbm>>
      %dma_wait3A_220 = arith.constant 0 : i32
      %dma_wait3A_221 = tpu.memref_slice %arg2[%add3A_117, %dma_wait3A_220] : memref<8x16384xi32, #tpu.memory_space<hbm>> -> memref<1x16384xi32, #tpu.memory_space<hbm>>
      %dma_wait3A_222 = tpu.memref_squeeze %dma_wait3A_221 : memref<1x16384xi32, #tpu.memory_space<hbm>> -> memref<16384xi32, #tpu.memory_space<hbm>>
      tpu.wait_dma2 semaphore(%run_scoped3A : memref<!tpu.dma_semaphore, #tpu.memory_space<semaphore_mem>>) src(%dma_wait3A_222 : memref<16384xi32, #tpu.memory_space<hbm>>) dst(%arg9 : memref<16384xi32, #tpu.memory_space<vmem>>)
      tpu.yield
    }) : () -> ()
    "tpu.region"() ({
      %run_scoped3A = tpu.sem_alloc : memref<!tpu.dma_semaphore, #tpu.memory_space<semaphore_mem>>
      tpu.enqueue_dma source(%arg6 : memref<32x128xi32, #tpu.memory_space<hbm>>) target(%arg16 : memref<32x128xi32, #tpu.memory_space<vmem>>) target_semaphore(%run_scoped3A : memref<!tpu.dma_semaphore, #tpu.memory_space<semaphore_mem>>)
      tpu.wait_dma2 semaphore(%run_scoped3A : memref<!tpu.dma_semaphore, #tpu.memory_space<semaphore_mem>>) src(%arg6 : memref<32x128xi32, #tpu.memory_space<hbm>>) dst(%arg16 : memref<32x128xi32, #tpu.memory_space<vmem>>)
      tpu.yield
    }) : () -> ()
    %eq3A_118 = arith.constant 0 : i32
    %eq3A_119 = arith.cmpi eq, %select_n3A, %eq3A_118 : i32
    %and3A_120 = arith.andi %eq3A_58, %eq3A_119 : i1
    %convert_element_type3A = arith.extui %and3A_120 : i1 to i32
    %cond3A = arith.constant 0 : i32
    %cond3A_121 = arith.cmpi ne, %convert_element_type3A, %cond3A : i32
    scf.if %cond3A_121 {
      "tpu.region"() ({
        %run_scoped3A = tpu.sem_alloc : memref<!tpu.dma_semaphore, #tpu.memory_space<semaphore_mem>>
        %dma_start3A_212 = arith.constant 0 : i32
        %dma_start3A_213 = arith.constant 0 : i32
        %dma_start3A_214 = tpu.memref_slice %arg19[%dma_start3A_212, %dma_start3A_213] : memref<4096x16xf32, #tpu.memory_space<vmem_shared>> -> memref<1024x16xf32, #tpu.memory_space<vmem_shared>>
        tpu.enqueue_dma source(%arg5 : memref<1024x16xf32, #tpu.memory_space<hbm>>) target(%dma_start3A_214 : memref<1024x16xf32, #tpu.memory_space<vmem_shared>>) target_semaphore(%run_scoped3A : memref<!tpu.dma_semaphore, #tpu.memory_space<semaphore_mem>>)
        %dma_wait3A = arith.constant 0 : i32
        %dma_wait3A_215 = arith.constant 0 : i32
        %dma_wait3A_216 = tpu.memref_slice %arg19[%dma_wait3A, %dma_wait3A_215] : memref<4096x16xf32, #tpu.memory_space<vmem_shared>> -> memref<1024x16xf32, #tpu.memory_space<vmem_shared>>
        tpu.wait_dma2 semaphore(%run_scoped3A : memref<!tpu.dma_semaphore, #tpu.memory_space<semaphore_mem>>) src(%arg5 : memref<1024x16xf32, #tpu.memory_space<hbm>>) dst(%dma_wait3A_216 : memref<1024x16xf32, #tpu.memory_space<vmem_shared>>)
        tpu.yield
      }) : () -> ()
      "tpu.region"() ({
        %run_scoped3A = tpu.sem_alloc : memref<!tpu.dma_semaphore, #tpu.memory_space<semaphore_mem>>
        %dma_start3A_212 = arith.constant 1024 : i32
        %dma_start3A_213 = arith.constant 0 : i32
        %dma_start3A_214 = tpu.memref_slice %arg19[%dma_start3A_212, %dma_start3A_213] : memref<4096x16xf32, #tpu.memory_space<vmem_shared>> -> memref<1024x16xf32, #tpu.memory_space<vmem_shared>>
        tpu.enqueue_dma source(%arg5 : memref<1024x16xf32, #tpu.memory_space<hbm>>) target(%dma_start3A_214 : memref<1024x16xf32, #tpu.memory_space<vmem_shared>>) target_semaphore(%run_scoped3A : memref<!tpu.dma_semaphore, #tpu.memory_space<semaphore_mem>>)
        %dma_wait3A = arith.constant 1024 : i32
        %dma_wait3A_215 = arith.constant 0 : i32
        %dma_wait3A_216 = tpu.memref_slice %arg19[%dma_wait3A, %dma_wait3A_215] : memref<4096x16xf32, #tpu.memory_space<vmem_shared>> -> memref<1024x16xf32, #tpu.memory_space<vmem_shared>>
        tpu.wait_dma2 semaphore(%run_scoped3A : memref<!tpu.dma_semaphore, #tpu.memory_space<semaphore_mem>>) src(%arg5 : memref<1024x16xf32, #tpu.memory_space<hbm>>) dst(%dma_wait3A_216 : memref<1024x16xf32, #tpu.memory_space<vmem_shared>>)
        tpu.yield
      }) : () -> ()
      "tpu.region"() ({
        %run_scoped3A = tpu.sem_alloc : memref<!tpu.dma_semaphore, #tpu.memory_space<semaphore_mem>>
        %dma_start3A_212 = arith.constant 2048 : i32
        %dma_start3A_213 = arith.constant 0 : i32
        %dma_start3A_214 = tpu.memref_slice %arg19[%dma_start3A_212, %dma_start3A_213] : memref<4096x16xf32, #tpu.memory_space<vmem_shared>> -> memref<1024x16xf32, #tpu.memory_space<vmem_shared>>
        tpu.enqueue_dma source(%arg5 : memref<1024x16xf32, #tpu.memory_space<hbm>>) target(%dma_start3A_214 : memref<1024x16xf32, #tpu.memory_space<vmem_shared>>) target_semaphore(%run_scoped3A : memref<!tpu.dma_semaphore, #tpu.memory_space<semaphore_mem>>)
        %dma_wait3A = arith.constant 2048 : i32
        %dma_wait3A_215 = arith.constant 0 : i32
        %dma_wait3A_216 = tpu.memref_slice %arg19[%dma_wait3A, %dma_wait3A_215] : memref<4096x16xf32, #tpu.memory_space<vmem_shared>> -> memref<1024x16xf32, #tpu.memory_space<vmem_shared>>
        tpu.wait_dma2 semaphore(%run_scoped3A : memref<!tpu.dma_semaphore, #tpu.memory_space<semaphore_mem>>) src(%arg5 : memref<1024x16xf32, #tpu.memory_space<hbm>>) dst(%dma_wait3A_216 : memref<1024x16xf32, #tpu.memory_space<vmem_shared>>)
        tpu.yield
      }) : () -> ()
      "tpu.region"() ({
        %run_scoped3A = tpu.sem_alloc : memref<!tpu.dma_semaphore, #tpu.memory_space<semaphore_mem>>
        %dma_start3A_212 = arith.constant 3072 : i32
        %dma_start3A_213 = arith.constant 0 : i32
        %dma_start3A_214 = tpu.memref_slice %arg19[%dma_start3A_212, %dma_start3A_213] : memref<4096x16xf32, #tpu.memory_space<vmem_shared>> -> memref<1024x16xf32, #tpu.memory_space<vmem_shared>>
        tpu.enqueue_dma source(%arg5 : memref<1024x16xf32, #tpu.memory_space<hbm>>) target(%dma_start3A_214 : memref<1024x16xf32, #tpu.memory_space<vmem_shared>>) target_semaphore(%run_scoped3A : memref<!tpu.dma_semaphore, #tpu.memory_space<semaphore_mem>>)
        %dma_wait3A = arith.constant 3072 : i32
        %dma_wait3A_215 = arith.constant 0 : i32
        %dma_wait3A_216 = tpu.memref_slice %arg19[%dma_wait3A, %dma_wait3A_215] : memref<4096x16xf32, #tpu.memory_space<vmem_shared>> -> memref<1024x16xf32, #tpu.memory_space<vmem_shared>>
        tpu.wait_dma2 semaphore(%run_scoped3A : memref<!tpu.dma_semaphore, #tpu.memory_space<semaphore_mem>>) src(%arg5 : memref<1024x16xf32, #tpu.memory_space<hbm>>) dst(%dma_wait3A_216 : memref<1024x16xf32, #tpu.memory_space<vmem_shared>>)
        tpu.yield
      }) : () -> ()
    } else {
    }
    %eq3A_122 = arith.constant 1 : i32
    %eq3A_123 = arith.cmpi eq, %select_n3A, %eq3A_122 : i32
    %and3A_124 = arith.andi %eq3A_58, %eq3A_123 : i1
    %convert_element_type3A_125 = arith.extui %and3A_124 : i1 to i32
    %cond3A_126 = arith.constant 0 : i32
    %cond3A_127 = arith.cmpi ne, %convert_element_type3A_125, %cond3A_126 : i32
    scf.if %cond3A_127 {
      "tpu.region"() ({
        %run_scoped3A = tpu.sem_alloc : memref<!tpu.dma_semaphore, #tpu.memory_space<semaphore_mem>>
        %dma_start3A_212 = arith.constant 0 : i32
        %dma_start3A_213 = arith.constant 0 : i32
        %dma_start3A_214 = tpu.memref_slice %arg20[%dma_start3A_212, %dma_start3A_213] : memref<4096x16xf32, #tpu.memory_space<vmem_shared>> -> memref<1024x16xf32, #tpu.memory_space<vmem_shared>>
        tpu.enqueue_dma source(%arg5 : memref<1024x16xf32, #tpu.memory_space<hbm>>) target(%dma_start3A_214 : memref<1024x16xf32, #tpu.memory_space<vmem_shared>>) target_semaphore(%run_scoped3A : memref<!tpu.dma_semaphore, #tpu.memory_space<semaphore_mem>>)
        %dma_wait3A = arith.constant 0 : i32
        %dma_wait3A_215 = arith.constant 0 : i32
        %dma_wait3A_216 = tpu.memref_slice %arg20[%dma_wait3A, %dma_wait3A_215] : memref<4096x16xf32, #tpu.memory_space<vmem_shared>> -> memref<1024x16xf32, #tpu.memory_space<vmem_shared>>
        tpu.wait_dma2 semaphore(%run_scoped3A : memref<!tpu.dma_semaphore, #tpu.memory_space<semaphore_mem>>) src(%arg5 : memref<1024x16xf32, #tpu.memory_space<hbm>>) dst(%dma_wait3A_216 : memref<1024x16xf32, #tpu.memory_space<vmem_shared>>)
        tpu.yield
      }) : () -> ()
      "tpu.region"() ({
        %run_scoped3A = tpu.sem_alloc : memref<!tpu.dma_semaphore, #tpu.memory_space<semaphore_mem>>
        %dma_start3A_212 = arith.constant 1024 : i32
        %dma_start3A_213 = arith.constant 0 : i32
        %dma_start3A_214 = tpu.memref_slice %arg20[%dma_start3A_212, %dma_start3A_213] : memref<4096x16xf32, #tpu.memory_space<vmem_shared>> -> memref<1024x16xf32, #tpu.memory_space<vmem_shared>>
        tpu.enqueue_dma source(%arg5 : memref<1024x16xf32, #tpu.memory_space<hbm>>) target(%dma_start3A_214 : memref<1024x16xf32, #tpu.memory_space<vmem_shared>>) target_semaphore(%run_scoped3A : memref<!tpu.dma_semaphore, #tpu.memory_space<semaphore_mem>>)
        %dma_wait3A = arith.constant 1024 : i32
        %dma_wait3A_215 = arith.constant 0 : i32
        %dma_wait3A_216 = tpu.memref_slice %arg20[%dma_wait3A, %dma_wait3A_215] : memref<4096x16xf32, #tpu.memory_space<vmem_shared>> -> memref<1024x16xf32, #tpu.memory_space<vmem_shared>>
        tpu.wait_dma2 semaphore(%run_scoped3A : memref<!tpu.dma_semaphore, #tpu.memory_space<semaphore_mem>>) src(%arg5 : memref<1024x16xf32, #tpu.memory_space<hbm>>) dst(%dma_wait3A_216 : memref<1024x16xf32, #tpu.memory_space<vmem_shared>>)
        tpu.yield
      }) : () -> ()
      "tpu.region"() ({
        %run_scoped3A = tpu.sem_alloc : memref<!tpu.dma_semaphore, #tpu.memory_space<semaphore_mem>>
        %dma_start3A_212 = arith.constant 2048 : i32
        %dma_start3A_213 = arith.constant 0 : i32
        %dma_start3A_214 = tpu.memref_slice %arg20[%dma_start3A_212, %dma_start3A_213] : memref<4096x16xf32, #tpu.memory_space<vmem_shared>> -> memref<1024x16xf32, #tpu.memory_space<vmem_shared>>
        tpu.enqueue_dma source(%arg5 : memref<1024x16xf32, #tpu.memory_space<hbm>>) target(%dma_start3A_214 : memref<1024x16xf32, #tpu.memory_space<vmem_shared>>) target_semaphore(%run_scoped3A : memref<!tpu.dma_semaphore, #tpu.memory_space<semaphore_mem>>)
        %dma_wait3A = arith.constant 2048 : i32
        %dma_wait3A_215 = arith.constant 0 : i32
        %dma_wait3A_216 = tpu.memref_slice %arg20[%dma_wait3A, %dma_wait3A_215] : memref<4096x16xf32, #tpu.memory_space<vmem_shared>> -> memref<1024x16xf32, #tpu.memory_space<vmem_shared>>
        tpu.wait_dma2 semaphore(%run_scoped3A : memref<!tpu.dma_semaphore, #tpu.memory_space<semaphore_mem>>) src(%arg5 : memref<1024x16xf32, #tpu.memory_space<hbm>>) dst(%dma_wait3A_216 : memref<1024x16xf32, #tpu.memory_space<vmem_shared>>)
        tpu.yield
      }) : () -> ()
      "tpu.region"() ({
        %run_scoped3A = tpu.sem_alloc : memref<!tpu.dma_semaphore, #tpu.memory_space<semaphore_mem>>
        %dma_start3A_212 = arith.constant 3072 : i32
        %dma_start3A_213 = arith.constant 0 : i32
        %dma_start3A_214 = tpu.memref_slice %arg20[%dma_start3A_212, %dma_start3A_213] : memref<4096x16xf32, #tpu.memory_space<vmem_shared>> -> memref<1024x16xf32, #tpu.memory_space<vmem_shared>>
        tpu.enqueue_dma source(%arg5 : memref<1024x16xf32, #tpu.memory_space<hbm>>) target(%dma_start3A_214 : memref<1024x16xf32, #tpu.memory_space<vmem_shared>>) target_semaphore(%run_scoped3A : memref<!tpu.dma_semaphore, #tpu.memory_space<semaphore_mem>>)
        %dma_wait3A = arith.constant 3072 : i32
        %dma_wait3A_215 = arith.constant 0 : i32
        %dma_wait3A_216 = tpu.memref_slice %arg20[%dma_wait3A, %dma_wait3A_215] : memref<4096x16xf32, #tpu.memory_space<vmem_shared>> -> memref<1024x16xf32, #tpu.memory_space<vmem_shared>>
        tpu.wait_dma2 semaphore(%run_scoped3A : memref<!tpu.dma_semaphore, #tpu.memory_space<semaphore_mem>>) src(%arg5 : memref<1024x16xf32, #tpu.memory_space<hbm>>) dst(%dma_wait3A_216 : memref<1024x16xf32, #tpu.memory_space<vmem_shared>>)
        tpu.yield
      }) : () -> ()
    } else {
    }
    %broadcast_in_dim3A = arith.constant 0.000000e+00 : f32
    %broadcast_in_dim3A_128 = vector.broadcast %broadcast_in_dim3A : f32 to vector<16xf32>
    %parallel_loop3A = arith.constant 0 : i32
    %parallel_loop3A_129 = arith.constant 1024 : i32
    %parallel_loop3A_130 = arith.constant 1 : i32
    scf.for %parallel_loop3A_212 = %parallel_loop3A to %parallel_loop3A_129 step %parallel_loop3A_130  : i32 {
      %parallel_loop3A_213 = arith.index_cast %parallel_loop3A_212 : i32 to index
      %parallel_loop3A_214 = arith.constant 0 : index
      %parallel_loop3A_215 = tpu.vector_load %arg10[%parallel_loop3A_213, %parallel_loop3A_214] {strides = array<i32>} : memref<1024x16xf32, #tpu.memory_space<vmem>>, vector<16xf32>,
      tpu.vector_store %arg10[%parallel_loop3A_213, %parallel_loop3A_214], %broadcast_in_dim3A_128 {strides = array<i32>} : memref<1024x16xf32, #tpu.memory_space<vmem>>, vector<16xf32>,
      %parallel_loop3A_216 = arith.index_cast %parallel_loop3A_212 : i32 to index
      %parallel_loop3A_217 = arith.constant 0 : index
      %parallel_loop3A_218 = tpu.vector_load %arg11[%parallel_loop3A_216, %parallel_loop3A_217] {strides = array<i32>} : memref<1024x16xf32, #tpu.memory_space<vmem>>, vector<16xf32>,
      tpu.vector_store %arg11[%parallel_loop3A_216, %parallel_loop3A_217], %broadcast_in_dim3A_128 {strides = array<i32>} : memref<1024x16xf32, #tpu.memory_space<vmem>>, vector<16xf32>,
      %parallel_loop3A_219 = arith.index_cast %parallel_loop3A_212 : i32 to index
      %parallel_loop3A_220 = arith.constant 0 : index
      %parallel_loop3A_221 = tpu.vector_load %arg12[%parallel_loop3A_219, %parallel_loop3A_220] {strides = array<i32>} : memref<1024x16xf32, #tpu.memory_space<vmem>>, vector<16xf32>,
      tpu.vector_store %arg12[%parallel_loop3A_219, %parallel_loop3A_220], %broadcast_in_dim3A_128 {strides = array<i32>} : memref<1024x16xf32, #tpu.memory_space<vmem>>, vector<16xf32>,
      %parallel_loop3A_222 = arith.index_cast %parallel_loop3A_212 : i32 to index
      %parallel_loop3A_223 = arith.constant 0 : index
      %parallel_loop3A_224 = tpu.vector_load %arg13[%parallel_loop3A_222, %parallel_loop3A_223] {strides = array<i32>} : memref<1024x16xf32, #tpu.memory_space<vmem>>, vector<16xf32>,
      tpu.vector_store %arg13[%parallel_loop3A_222, %parallel_loop3A_223], %broadcast_in_dim3A_128 {strides = array<i32>} : memref<1024x16xf32, #tpu.memory_space<vmem>>, vector<16xf32>,
    } {sc.loop_unroll_factor = 4 : i64, sc.parallel_access}
    %barrier3A = arith.constant 0 : index
    tpu.barrier barrier_id(%barrier3A)
    %jit3A_131 = arith.constant 2 : i32
    %div3A_132 = arith.divsi %select_n3A_88, %jit3A_131 : i32
    %sign3A_133 = arith.constant 0 : i32
    %sign3A_134 = arith.cmpi sgt, %select_n3A_88, %sign3A_133 : i32
    %sign3A_135 = arith.extui %sign3A_134 : i1 to i32
    %sign3A_136 = arith.constant 0 : i32
    %sign3A_137 = arith.cmpi slt, %select_n3A_88, %sign3A_136 : i32
    %sign3A_138 = arith.extui %sign3A_137 : i1 to i32
    %sign3A_139 = arith.subi %sign3A_135, %sign3A_138 : i32
    %sign3A_140 = arith.constant 0 : i32
    %sign3A_141 = arith.cmpi sgt, %jit3A_131, %sign3A_140 : i32
    %sign3A_142 = arith.extui %sign3A_141 : i1 to i32
    %sign3A_143 = arith.constant 0 : i32
    %sign3A_144 = arith.cmpi slt, %jit3A_131, %sign3A_143 : i32
    %sign3A_145 = arith.extui %sign3A_144 : i1 to i32
    %sign3A_146 = arith.subi %sign3A_142, %sign3A_145 : i32
    %ne3A_147 = arith.cmpi ne, %sign3A_139, %sign3A_146 : i32
    %rem3A_148 = arith.remsi %select_n3A_88, %jit3A_131 : i32
    %ne3A_149 = arith.constant 0 : i32
    %ne3A_150 = arith.cmpi ne, %rem3A_148, %ne3A_149 : i32
    %and3A_151 = arith.andi %ne3A_147, %ne3A_150 : i1
    %sub3A_152 = arith.constant 1 : i32
    %sub3A_153 = arith.subi %div3A_132, %sub3A_152 : i32
    %select_n3A_154 = arith.select %and3A_151, %sub3A_153, %div3A_132 : i32
    %while3A = arith.constant 0 : i32
    %while3A_155 = arith.constant 0 : i32
    %while3A_156 = arith.subi %select_n3A_154, %while3A_155 : i32
    %while3A_157 = arith.addi %while3A_155, %while3A_156 : i32
    %while3A_158 = arith.constant 1 : i32
    %while3A_159 = arith.divsi %while3A_156, %while3A_158 : i32
    %while3A_160 = arith.muli %while3A_159, %while3A_158 : i32
    %while3A_161 = arith.addi %while3A_155, %while3A_160 : i32
    %while3A_162 = arith.constant 1 : i32
    scf.for %while3A_212 = %while3A_155 to %while3A_161 step %while3A_162  : i32 {
      %mul3A_213 = arith.constant 2 : i32
      %mul3A_214 = arith.muli %mul3A_213, %while3A_212 : i32
      %add3A_215 = arith.constant 0 : i32
      %add3A_216 = arith.addi %mul3A_214, %add3A_215 : i32
      %add3A_217 = arith.constant 1 : i32
      %add3A_218 = arith.addi %add3A_216, %add3A_217 : i32
      %lt3A_219 = arith.cmpi slt, %add3A_218, %select_n3A_88 : i32
      %convert_element_type3A_220 = arith.extui %lt3A_219 : i1 to i32
      %cond3A_221 = arith.constant 0 : i32
      %cond3A_222 = arith.cmpi ne, %convert_element_type3A_220, %cond3A_221 : i32
      scf.if %cond3A_222 {
        %add3A_294 = arith.constant 1 : i32
        %add3A_295 = arith.addi %add3A_216, %add3A_294 : i32
        %mul3A_296 = arith.constant 4096 : i32
        %mul3A_297 = arith.muli %add3A_295, %mul3A_296 : i32
        %add3A_298 = arith.addi %mul3A_60, %mul3A_297 : i32
        %multiple_of3A_299 = tpu.assume_multiple %add3A_298, 8 : i32
        %dma_start3A_300 = arith.constant 1 : i32
        %dma_start3A_301 = arith.constant 1 : i32
        %dma_start3A_302 = arith.constant 0 : i32
        %dma_start3A_303 = tpu.memref_slice %arg14[%dma_start3A_300, %dma_start3A_302] : memref<2x4096xi32, #tpu.memory_space<vmem>> -> memref<1x4096xi32, #tpu.memory_space<vmem>>
        %dma_start3A_304 = tpu.memref_squeeze %dma_start3A_303 : memref<1x4096xi32, #tpu.memory_space<vmem>> -> memref<4096xi32, #tpu.memory_space<vmem>>
        %dma_start3A_305 = tpu.memref_slice %arg3[%multiple_of3A_299] : memref<2684354xi32, #tpu.memory_space<hbm>> -> memref<4096xi32, #tpu.memory_space<hbm>>
        %dma_start3A_306 = tpu.memref_slice %arg17[%dma_start3A_301] : memref<2x!tpu.dma_semaphore, #tpu.memory_space<semaphore_mem>> -> memref<1x!tpu.dma_semaphore, #tpu.memory_space<semaphore_mem>>
        %dma_start3A_307 = tpu.memref_squeeze %dma_start3A_306 : memref<1x!tpu.dma_semaphore, #tpu.memory_space<semaphore_mem>> -> memref<!tpu.dma_semaphore, #tpu.memory_space<semaphore_mem>>
        %dma_start3A_308 = arith.constant 0 : i32
        %dma_start3A_309 = tpu.memref_slice %arg14[%dma_start3A_300, %dma_start3A_308] : memref<2x4096xi32, #tpu.memory_space<vmem>> -> memref<1x4096xi32, #tpu.memory_space<vmem>>
        %dma_start3A_310 = tpu.memref_squeeze %dma_start3A_309 : memref<1x4096xi32, #tpu.memory_space<vmem>> -> memref<4096xi32, #tpu.memory_space<vmem>>
        %dma_start3A_311 = tpu.memref_slice %arg3[%multiple_of3A_299] : memref<2684354xi32, #tpu.memory_space<hbm>> -> memref<4096xi32, #tpu.memory_space<hbm>>
        tpu.enqueue_dma source(%dma_start3A_311 : memref<4096xi32, #tpu.memory_space<hbm>>) target(%dma_start3A_310 : memref<4096xi32, #tpu.memory_space<vmem>>) target_semaphore(%dma_start3A_307 : memref<!tpu.dma_semaphore, #tpu.memory_space<semaphore_mem>>)
        %dma_start3A_312 = arith.constant 1 : i32
        %dma_start3A_313 = arith.constant 1 : i32
        %dma_start3A_314 = arith.constant 0 : i32
        %dma_start3A_315 = tpu.memref_slice %arg15[%dma_start3A_312, %dma_start3A_314] : memref<2x4096xf32, #tpu.memory_space<vmem>> -> memref<1x4096xf32, #tpu.memory_space<vmem>>
        %dma_start3A_316 = tpu.memref_squeeze %dma_start3A_315 : memref<1x4096xf32, #tpu.memory_space<vmem>> -> memref<4096xf32, #tpu.memory_space<vmem>>
        %dma_start3A_317 = tpu.memref_slice %arg4[%multiple_of3A_299] : memref<2684354xf32, #tpu.memory_space<hbm>> -> memref<4096xf32, #tpu.memory_space<hbm>>
        %dma_start3A_318 = tpu.memref_slice %arg17[%dma_start3A_313] : memref<2x!tpu.dma_semaphore, #tpu.memory_space<semaphore_mem>> -> memref<1x!tpu.dma_semaphore, #tpu.memory_space<semaphore_mem>>
        %dma_start3A_319 = tpu.memref_squeeze %dma_start3A_318 : memref<1x!tpu.dma_semaphore, #tpu.memory_space<semaphore_mem>> -> memref<!tpu.dma_semaphore, #tpu.memory_space<semaphore_mem>>
        %dma_start3A_320 = arith.constant 0 : i32
        %dma_start3A_321 = tpu.memref_slice %arg15[%dma_start3A_312, %dma_start3A_320] : memref<2x4096xf32, #tpu.memory_space<vmem>> -> memref<1x4096xf32, #tpu.memory_space<vmem>>
        %dma_start3A_322 = tpu.memref_squeeze %dma_start3A_321 : memref<1x4096xf32, #tpu.memory_space<vmem>> -> memref<4096xf32, #tpu.memory_space<vmem>>
        %dma_start3A_323 = tpu.memref_slice %arg4[%multiple_of3A_299] : memref<2684354xf32, #tpu.memory_space<hbm>> -> memref<4096xf32, #tpu.memory_space<hbm>>
        tpu.enqueue_dma source(%dma_start3A_323 : memref<4096xf32, #tpu.memory_space<hbm>>) target(%dma_start3A_322 : memref<4096xf32, #tpu.memory_space<vmem>>) target_semaphore(%dma_start3A_319 : memref<!tpu.dma_semaphore, #tpu.memory_space<semaphore_mem>>)
      } else {
      }
      %dma_wait3A = arith.constant 0 : i32
      %dma_wait3A_223 = arith.constant 0 : i32
      %dma_wait3A_224 = arith.constant 0 : i32
      %dma_wait3A_225 = tpu.memref_slice %arg14[%dma_wait3A, %dma_wait3A_224] : memref<2x4096xi32, #tpu.memory_space<vmem>> -> memref<1x4096xi32, #tpu.memory_space<vmem>>
      %dma_wait3A_226 = tpu.memref_squeeze %dma_wait3A_225 : memref<1x4096xi32, #tpu.memory_space<vmem>> -> memref<4096xi32, #tpu.memory_space<vmem>>
      %dma_wait3A_227 = arith.constant 0 : i32
      %dma_wait3A_228 = tpu.memref_slice %arg3[%dma_wait3A_227] : memref<2684354xi32, #tpu.memory_space<hbm>> -> memref<4096xi32, #tpu.memory_space<hbm>>
      %dma_wait3A_229 = tpu.memref_slice %arg17[%dma_wait3A_223] : memref<2x!tpu.dma_semaphore, #tpu.memory_space<semaphore_mem>> -> memref<1x!tpu.dma_semaphore, #tpu.memory_space<semaphore_mem>>
      %dma_wait3A_230 = tpu.memref_squeeze %dma_wait3A_229 : memref<1x!tpu.dma_semaphore, #tpu.memory_space<semaphore_mem>> -> memref<!tpu.dma_semaphore, #tpu.memory_space<semaphore_mem>>
      %dma_wait3A_231 = arith.constant 0 : i32
      %dma_wait3A_232 = tpu.memref_slice %arg14[%dma_wait3A, %dma_wait3A_231] : memref<2x4096xi32, #tpu.memory_space<vmem>> -> memref<1x4096xi32, #tpu.memory_space<vmem>>
      %dma_wait3A_233 = tpu.memref_squeeze %dma_wait3A_232 : memref<1x4096xi32, #tpu.memory_space<vmem>> -> memref<4096xi32, #tpu.memory_space<vmem>>
      %dma_wait3A_234 = arith.constant 0 : i32
      %dma_wait3A_235 = tpu.memref_slice %arg3[%dma_wait3A_234] : memref<2684354xi32, #tpu.memory_space<hbm>> -> memref<4096xi32, #tpu.memory_space<hbm>>
      tpu.wait_dma2 semaphore(%dma_wait3A_230 : memref<!tpu.dma_semaphore, #tpu.memory_space<semaphore_mem>>) src(%dma_wait3A_235 : memref<4096xi32, #tpu.memory_space<hbm>>) dst(%dma_wait3A_233 : memref<4096xi32, #tpu.memory_space<vmem>>)
      %dma_wait3A_236 = arith.constant 0 : i32
      %dma_wait3A_237 = arith.constant 0 : i32
      %dma_wait3A_238 = arith.constant 0 : i32
      %dma_wait3A_239 = tpu.memref_slice %arg15[%dma_wait3A_236, %dma_wait3A_238] : memref<2x4096xf32, #tpu.memory_space<vmem>> -> memref<1x4096xf32, #tpu.memory_space<vmem>>
      %dma_wait3A_240 = tpu.memref_squeeze %dma_wait3A_239 : memref<1x4096xf32, #tpu.memory_space<vmem>> -> memref<4096xf32, #tpu.memory_space<vmem>>
      %dma_wait3A_241 = arith.constant 0 : i32
      %dma_wait3A_242 = tpu.memref_slice %arg4[%dma_wait3A_241] : memref<2684354xf32, #tpu.memory_space<hbm>> -> memref<4096xf32, #tpu.memory_space<hbm>>
      %dma_wait3A_243 = tpu.memref_slice %arg17[%dma_wait3A_237] : memref<2x!tpu.dma_semaphore, #tpu.memory_space<semaphore_mem>> -> memref<1x!tpu.dma_semaphore, #tpu.memory_space<semaphore_mem>>
      %dma_wait3A_244 = tpu.memref_squeeze %dma_wait3A_243 : memref<1x!tpu.dma_semaphore, #tpu.memory_space<semaphore_mem>> -> memref<!tpu.dma_semaphore, #tpu.memory_space<semaphore_mem>>
      %dma_wait3A_245 = arith.constant 0 : i32
      %dma_wait3A_246 = tpu.memref_slice %arg15[%dma_wait3A_236, %dma_wait3A_245] : memref<2x4096xf32, #tpu.memory_space<vmem>> -> memref<1x4096xf32, #tpu.memory_space<vmem>>
      %dma_wait3A_247 = tpu.memref_squeeze %dma_wait3A_246 : memref<1x4096xf32, #tpu.memory_space<vmem>> -> memref<4096xf32, #tpu.memory_space<vmem>>
      %dma_wait3A_248 = arith.constant 0 : i32
      %dma_wait3A_249 = tpu.memref_slice %arg4[%dma_wait3A_248] : memref<2684354xf32, #tpu.memory_space<hbm>> -> memref<4096xf32, #tpu.memory_space<hbm>>
      tpu.wait_dma2 semaphore(%dma_wait3A_244 : memref<!tpu.dma_semaphore, #tpu.memory_space<semaphore_mem>>) src(%dma_wait3A_249 : memref<4096xf32, #tpu.memory_space<hbm>>) dst(%dma_wait3A_247 : memref<4096xf32, #tpu.memory_space<vmem>>)
      %parallel_loop3A_250 = arith.constant 0 : i32
      %parallel_loop3A_251 = arith.constant 256 : i32
      %parallel_loop3A_252 = arith.constant 1 : i32
      scf.for %parallel_loop3A_294 = %parallel_loop3A_250 to %parallel_loop3A_251 step %parallel_loop3A_252  : i32 {
        %parallel_loop3A_295 = arith.constant 16 : i32
        %parallel_loop3A_296 = arith.muli %parallel_loop3A_294, %parallel_loop3A_295 : i32
        %parallel_loop3A_297 = arith.constant 0 : i32
        %parallel_loop3A_298 = arith.index_cast %parallel_loop3A_297 : i32 to index
        %parallel_loop3A_299 = arith.index_cast %parallel_loop3A_296 : i32 to index
        %parallel_loop3A_300 = tpu.vector_load %arg14[%parallel_loop3A_298, %parallel_loop3A_299] {strides = array<i32>} : memref<2x4096xi32, #tpu.memory_space<vmem>>, vector<16xi32>,
        %parallel_loop3A_301 = arith.constant 0 : i32
        %parallel_loop3A_302 = arith.index_cast %parallel_loop3A_301 : i32 to index
        %parallel_loop3A_303 = arith.index_cast %parallel_loop3A_296 : i32 to index
        %parallel_loop3A_304 = tpu.vector_load %arg15[%parallel_loop3A_302, %parallel_loop3A_303] {strides = array<i32>} : memref<2x4096xf32, #tpu.memory_space<vmem>>, vector<16xf32>,
        %parallel_loop3A_305 = arith.constant 16383 : i32
        %parallel_loop3A_306 = vector.broadcast %parallel_loop3A_305 : i32 to vector<16xi32>
        %parallel_loop3A_307 = arith.andi %parallel_loop3A_300, %parallel_loop3A_306 : vector<16xi32>
        %parallel_loop3A_308 = arith.constant 18 : i32
        %parallel_loop3A_309 = vector.broadcast %parallel_loop3A_308 : i32 to vector<16xi32>
        %parallel_loop3A_310 = arith.shrsi %parallel_loop3A_300, %parallel_loop3A_309 : vector<16xi32>
        %parallel_loop3A_311 = arith.constant 14 : i32
        %parallel_loop3A_312 = vector.broadcast %parallel_loop3A_311 : i32 to vector<16xi32>
        %parallel_loop3A_313 = arith.shrsi %parallel_loop3A_300, %parallel_loop3A_312 : vector<16xi32>
        %parallel_loop3A_314 = arith.constant 15 : i32
        %parallel_loop3A_315 = vector.broadcast %parallel_loop3A_314 : i32 to vector<16xi32>
        %parallel_loop3A_316 = arith.andi %parallel_loop3A_313, %parallel_loop3A_315 : vector<16xi32>
        %parallel_loop3A_317 = tpu.vector_load_idx %arg8[%parallel_loop3A_307] : memref<16384xi32, #tpu.memory_space<vmem>>[vector<16xi32>], vector<16xi32>,
        %parallel_loop3A_318 = tpu.vector_load_idx %arg9[%parallel_loop3A_307] : memref<16384xi32, #tpu.memory_space<vmem>>[vector<16xi32>], vector<16xi32>,
        %parallel_loop3A_319 = arith.constant 16 : i32
        %parallel_loop3A_320 = vector.broadcast %parallel_loop3A_319 : i32 to vector<16xi32>
        %parallel_loop3A_321 = arith.shli %parallel_loop3A_317, %parallel_loop3A_320 : vector<16xi32>
        %parallel_loop3A_322 = vector.bitcast %parallel_loop3A_321 : vector<16xi32> to vector<16xf32>
        %parallel_loop3A_323 = arith.constant -65536 : i32
        %parallel_loop3A_324 = vector.broadcast %parallel_loop3A_323 : i32 to vector<16xi32>
        %parallel_loop3A_325 = arith.andi %parallel_loop3A_317, %parallel_loop3A_324 : vector<16xi32>
        %parallel_loop3A_326 = vector.bitcast %parallel_loop3A_325 : vector<16xi32> to vector<16xf32>
        %parallel_loop3A_327 = arith.constant 16 : i32
        %parallel_loop3A_328 = vector.broadcast %parallel_loop3A_327 : i32 to vector<16xi32>
        %parallel_loop3A_329 = arith.shli %parallel_loop3A_318, %parallel_loop3A_328 : vector<16xi32>
        %parallel_loop3A_330 = vector.bitcast %parallel_loop3A_329 : vector<16xi32> to vector<16xf32>
        %parallel_loop3A_331 = arith.constant -65536 : i32
        %parallel_loop3A_332 = vector.broadcast %parallel_loop3A_331 : i32 to vector<16xi32>
        %parallel_loop3A_333 = arith.andi %parallel_loop3A_318, %parallel_loop3A_332 : vector<16xi32>
        %parallel_loop3A_334 = vector.bitcast %parallel_loop3A_333 : vector<16xi32> to vector<16xf32>
        %parallel_loop3A_335 = arith.mulf %parallel_loop3A_304, %parallel_loop3A_322 : vector<16xf32>
        tpu.vector_store_idx %arg10[%parallel_loop3A_310, %parallel_loop3A_316], %parallel_loop3A_335 {add = true} : memref<1024x16xf32, #tpu.memory_space<vmem>>[vector<16xi32>, vector<16xi32>], vector<16xf32>,
        %parallel_loop3A_336 = arith.mulf %parallel_loop3A_304, %parallel_loop3A_326 : vector<16xf32>
        tpu.vector_store_idx %arg11[%parallel_loop3A_310, %parallel_loop3A_316], %parallel_loop3A_336 {add = true} : memref<1024x16xf32, #tpu.memory_space<vmem>>[vector<16xi32>, vector<16xi32>], vector<16xf32>,
        %parallel_loop3A_337 = arith.mulf %parallel_loop3A_304, %parallel_loop3A_330 : vector<16xf32>
        tpu.vector_store_idx %arg12[%parallel_loop3A_310, %parallel_loop3A_316], %parallel_loop3A_337 {add = true} : memref<1024x16xf32, #tpu.memory_space<vmem>>[vector<16xi32>, vector<16xi32>], vector<16xf32>,
        %parallel_loop3A_338 = arith.mulf %parallel_loop3A_304, %parallel_loop3A_334 : vector<16xf32>
        tpu.vector_store_idx %arg13[%parallel_loop3A_310, %parallel_loop3A_316], %parallel_loop3A_338 {add = true} : memref<1024x16xf32, #tpu.memory_space<vmem>>[vector<16xi32>, vector<16xi32>], vector<16xf32>,
      } {sc.loop_unroll_factor = 1 : i64, sc.parallel_access}
      %mul3A_253 = arith.constant 2 : i32
      %mul3A_254 = arith.muli %mul3A_253, %while3A_212 : i32
      %add3A_255 = arith.constant 1 : i32
      %add3A_256 = arith.addi %mul3A_254, %add3A_255 : i32
      %add3A_257 = arith.constant 1 : i32
      %add3A_258 = arith.addi %add3A_256, %add3A_257 : i32
      %lt3A_259 = arith.cmpi slt, %add3A_258, %select_n3A_88 : i32
      %convert_element_type3A_260 = arith.extui %lt3A_259 : i1 to i32
      %cond3A_261 = arith.constant 0 : i32
      %cond3A_262 = arith.cmpi ne, %convert_element_type3A_260, %cond3A_261 : i32
      scf.if %cond3A_262 {
        %add3A_294 = arith.constant 1 : i32
        %add3A_295 = arith.addi %add3A_256, %add3A_294 : i32
        %mul3A_296 = arith.constant 4096 : i32
        %mul3A_297 = arith.muli %add3A_295, %mul3A_296 : i32
        %add3A_298 = arith.addi %mul3A_60, %mul3A_297 : i32
        %multiple_of3A_299 = tpu.assume_multiple %add3A_298, 8 : i32
        %dma_start3A_300 = arith.constant 0 : i32
        %dma_start3A_301 = arith.constant 0 : i32
        %dma_start3A_302 = arith.constant 0 : i32
        %dma_start3A_303 = tpu.memref_slice %arg14[%dma_start3A_300, %dma_start3A_302] : memref<2x4096xi32, #tpu.memory_space<vmem>> -> memref<1x4096xi32, #tpu.memory_space<vmem>>
        %dma_start3A_304 = tpu.memref_squeeze %dma_start3A_303 : memref<1x4096xi32, #tpu.memory_space<vmem>> -> memref<4096xi32, #tpu.memory_space<vmem>>
        %dma_start3A_305 = tpu.memref_slice %arg3[%multiple_of3A_299] : memref<2684354xi32, #tpu.memory_space<hbm>> -> memref<4096xi32, #tpu.memory_space<hbm>>
        %dma_start3A_306 = tpu.memref_slice %arg17[%dma_start3A_301] : memref<2x!tpu.dma_semaphore, #tpu.memory_space<semaphore_mem>> -> memref<1x!tpu.dma_semaphore, #tpu.memory_space<semaphore_mem>>
        %dma_start3A_307 = tpu.memref_squeeze %dma_start3A_306 : memref<1x!tpu.dma_semaphore, #tpu.memory_space<semaphore_mem>> -> memref<!tpu.dma_semaphore, #tpu.memory_space<semaphore_mem>>
        %dma_start3A_308 = arith.constant 0 : i32
        %dma_start3A_309 = tpu.memref_slice %arg14[%dma_start3A_300, %dma_start3A_308] : memref<2x4096xi32, #tpu.memory_space<vmem>> -> memref<1x4096xi32, #tpu.memory_space<vmem>>
        %dma_start3A_310 = tpu.memref_squeeze %dma_start3A_309 : memref<1x4096xi32, #tpu.memory_space<vmem>> -> memref<4096xi32, #tpu.memory_space<vmem>>
        %dma_start3A_311 = tpu.memref_slice %arg3[%multiple_of3A_299] : memref<2684354xi32, #tpu.memory_space<hbm>> -> memref<4096xi32, #tpu.memory_space<hbm>>
        tpu.enqueue_dma source(%dma_start3A_311 : memref<4096xi32, #tpu.memory_space<hbm>>) target(%dma_start3A_310 : memref<4096xi32, #tpu.memory_space<vmem>>) target_semaphore(%dma_start3A_307 : memref<!tpu.dma_semaphore, #tpu.memory_space<semaphore_mem>>)
        %dma_start3A_312 = arith.constant 0 : i32
        %dma_start3A_313 = arith.constant 0 : i32
        %dma_start3A_314 = arith.constant 0 : i32
        %dma_start3A_315 = tpu.memref_slice %arg15[%dma_start3A_312, %dma_start3A_314] : memref<2x4096xf32, #tpu.memory_space<vmem>> -> memref<1x4096xf32, #tpu.memory_space<vmem>>
        %dma_start3A_316 = tpu.memref_squeeze %dma_start3A_315 : memref<1x4096xf32, #tpu.memory_space<vmem>> -> memref<4096xf32, #tpu.memory_space<vmem>>
        %dma_start3A_317 = tpu.memref_slice %arg4[%multiple_of3A_299] : memref<2684354xf32, #tpu.memory_space<hbm>> -> memref<4096xf32, #tpu.memory_space<hbm>>
        %dma_start3A_318 = tpu.memref_slice %arg17[%dma_start3A_313] : memref<2x!tpu.dma_semaphore, #tpu.memory_space<semaphore_mem>> -> memref<1x!tpu.dma_semaphore, #tpu.memory_space<semaphore_mem>>
        %dma_start3A_319 = tpu.memref_squeeze %dma_start3A_318 : memref<1x!tpu.dma_semaphore, #tpu.memory_space<semaphore_mem>> -> memref<!tpu.dma_semaphore, #tpu.memory_space<semaphore_mem>>
        %dma_start3A_320 = arith.constant 0 : i32
        %dma_start3A_321 = tpu.memref_slice %arg15[%dma_start3A_312, %dma_start3A_320] : memref<2x4096xf32, #tpu.memory_space<vmem>> -> memref<1x4096xf32, #tpu.memory_space<vmem>>
        %dma_start3A_322 = tpu.memref_squeeze %dma_start3A_321 : memref<1x4096xf32, #tpu.memory_space<vmem>> -> memref<4096xf32, #tpu.memory_space<vmem>>
        %dma_start3A_323 = tpu.memref_slice %arg4[%multiple_of3A_299] : memref<2684354xf32, #tpu.memory_space<hbm>> -> memref<4096xf32, #tpu.memory_space<hbm>>
        tpu.enqueue_dma source(%dma_start3A_323 : memref<4096xf32, #tpu.memory_space<hbm>>) target(%dma_start3A_322 : memref<4096xf32, #tpu.memory_space<vmem>>) target_semaphore(%dma_start3A_319 : memref<!tpu.dma_semaphore, #tpu.memory_space<semaphore_mem>>)
      } else {
      }
      %dma_wait3A_263 = arith.constant 1 : i32
      %dma_wait3A_264 = arith.constant 1 : i32
      %dma_wait3A_265 = arith.constant 0 : i32
      %dma_wait3A_266 = tpu.memref_slice %arg14[%dma_wait3A_263, %dma_wait3A_265] : memref<2x4096xi32, #tpu.memory_space<vmem>> -> memref<1x4096xi32, #tpu.memory_space<vmem>>
      %dma_wait3A_267 = tpu.memref_squeeze %dma_wait3A_266 : memref<1x4096xi32, #tpu.memory_space<vmem>> -> memref<4096xi32, #tpu.memory_space<vmem>>
      %dma_wait3A_268 = arith.constant 0 : i32
      %dma_wait3A_269 = tpu.memref_slice %arg3[%dma_wait3A_268] : memref<2684354xi32, #tpu.memory_space<hbm>> -> memref<4096xi32, #tpu.memory_space<hbm>>
      %dma_wait3A_270 = tpu.memref_slice %arg17[%dma_wait3A_264] : memref<2x!tpu.dma_semaphore, #tpu.memory_space<semaphore_mem>> -> memref<1x!tpu.dma_semaphore, #tpu.memory_space<semaphore_mem>>
      %dma_wait3A_271 = tpu.memref_squeeze %dma_wait3A_270 : memref<1x!tpu.dma_semaphore, #tpu.memory_space<semaphore_mem>> -> memref<!tpu.dma_semaphore, #tpu.memory_space<semaphore_mem>>
      %dma_wait3A_272 = arith.constant 0 : i32
      %dma_wait3A_273 = tpu.memref_slice %arg14[%dma_wait3A_263, %dma_wait3A_272] : memref<2x4096xi32, #tpu.memory_space<vmem>> -> memref<1x4096xi32, #tpu.memory_space<vmem>>
      %dma_wait3A_274 = tpu.memref_squeeze %dma_wait3A_273 : memref<1x4096xi32, #tpu.memory_space<vmem>> -> memref<4096xi32, #tpu.memory_space<vmem>>
      %dma_wait3A_275 = arith.constant 0 : i32
      %dma_wait3A_276 = tpu.memref_slice %arg3[%dma_wait3A_275] : memref<2684354xi32, #tpu.memory_space<hbm>> -> memref<4096xi32, #tpu.memory_space<hbm>>
      tpu.wait_dma2 semaphore(%dma_wait3A_271 : memref<!tpu.dma_semaphore, #tpu.memory_space<semaphore_mem>>) src(%dma_wait3A_276 : memref<4096xi32, #tpu.memory_space<hbm>>) dst(%dma_wait3A_274 : memref<4096xi32, #tpu.memory_space<vmem>>)
      %dma_wait3A_277 = arith.constant 1 : i32
      %dma_wait3A_278 = arith.constant 1 : i32
      %dma_wait3A_279 = arith.constant 0 : i32
      %dma_wait3A_280 = tpu.memref_slice %arg15[%dma_wait3A_277, %dma_wait3A_279] : memref<2x4096xf32, #tpu.memory_space<vmem>> -> memref<1x4096xf32, #tpu.memory_space<vmem>>
      %dma_wait3A_281 = tpu.memref_squeeze %dma_wait3A_280 : memref<1x4096xf32, #tpu.memory_space<vmem>> -> memref<4096xf32, #tpu.memory_space<vmem>>
      %dma_wait3A_282 = arith.constant 0 : i32
      %dma_wait3A_283 = tpu.memref_slice %arg4[%dma_wait3A_282] : memref<2684354xf32, #tpu.memory_space<hbm>> -> memref<4096xf32, #tpu.memory_space<hbm>>
      %dma_wait3A_284 = tpu.memref_slice %arg17[%dma_wait3A_278] : memref<2x!tpu.dma_semaphore, #tpu.memory_space<semaphore_mem>> -> memref<1x!tpu.dma_semaphore, #tpu.memory_space<semaphore_mem>>
      %dma_wait3A_285 = tpu.memref_squeeze %dma_wait3A_284 : memref<1x!tpu.dma_semaphore, #tpu.memory_space<semaphore_mem>> -> memref<!tpu.dma_semaphore, #tpu.memory_space<semaphore_mem>>
      %dma_wait3A_286 = arith.constant 0 : i32
      %dma_wait3A_287 = tpu.memref_slice %arg15[%dma_wait3A_277, %dma_wait3A_286] : memref<2x4096xf32, #tpu.memory_space<vmem>> -> memref<1x4096xf32, #tpu.memory_space<vmem>>
      %dma_wait3A_288 = tpu.memref_squeeze %dma_wait3A_287 : memref<1x4096xf32, #tpu.memory_space<vmem>> -> memref<4096xf32, #tpu.memory_space<vmem>>
      %dma_wait3A_289 = arith.constant 0 : i32
      %dma_wait3A_290 = tpu.memref_slice %arg4[%dma_wait3A_289] : memref<2684354xf32, #tpu.memory_space<hbm>> -> memref<4096xf32, #tpu.memory_space<hbm>>
      tpu.wait_dma2 semaphore(%dma_wait3A_285 : memref<!tpu.dma_semaphore, #tpu.memory_space<semaphore_mem>>) src(%dma_wait3A_290 : memref<4096xf32, #tpu.memory_space<hbm>>) dst(%dma_wait3A_288 : memref<4096xf32, #tpu.memory_space<vmem>>)
      %parallel_loop3A_291 = arith.constant 0 : i32
      %parallel_loop3A_292 = arith.constant 256 : i32
      %parallel_loop3A_293 = arith.constant 1 : i32
      scf.for %parallel_loop3A_294 = %parallel_loop3A_291 to %parallel_loop3A_292 step %parallel_loop3A_293  : i32 {
        %parallel_loop3A_295 = arith.constant 16 : i32
        %parallel_loop3A_296 = arith.muli %parallel_loop3A_294, %parallel_loop3A_295 : i32
        %parallel_loop3A_297 = arith.constant 1 : i32
        %parallel_loop3A_298 = arith.index_cast %parallel_loop3A_297 : i32 to index
        %parallel_loop3A_299 = arith.index_cast %parallel_loop3A_296 : i32 to index
        %parallel_loop3A_300 = tpu.vector_load %arg14[%parallel_loop3A_298, %parallel_loop3A_299] {strides = array<i32>} : memref<2x4096xi32, #tpu.memory_space<vmem>>, vector<16xi32>,
        %parallel_loop3A_301 = arith.constant 1 : i32
        %parallel_loop3A_302 = arith.index_cast %parallel_loop3A_301 : i32 to index
        %parallel_loop3A_303 = arith.index_cast %parallel_loop3A_296 : i32 to index
        %parallel_loop3A_304 = tpu.vector_load %arg15[%parallel_loop3A_302, %parallel_loop3A_303] {strides = array<i32>} : memref<2x4096xf32, #tpu.memory_space<vmem>>, vector<16xf32>,
        %parallel_loop3A_305 = arith.constant 16383 : i32
        %parallel_loop3A_306 = vector.broadcast %parallel_loop3A_305 : i32 to vector<16xi32>
        %parallel_loop3A_307 = arith.andi %parallel_loop3A_300, %parallel_loop3A_306 : vector<16xi32>
        %parallel_loop3A_308 = arith.constant 18 : i32
        %parallel_loop3A_309 = vector.broadcast %parallel_loop3A_308 : i32 to vector<16xi32>
        %parallel_loop3A_310 = arith.shrsi %parallel_loop3A_300, %parallel_loop3A_309 : vector<16xi32>
        %parallel_loop3A_311 = arith.constant 14 : i32
        %parallel_loop3A_312 = vector.broadcast %parallel_loop3A_311 : i32 to vector<16xi32>
        %parallel_loop3A_313 = arith.shrsi %parallel_loop3A_300, %parallel_loop3A_312 : vector<16xi32>
        %parallel_loop3A_314 = arith.constant 15 : i32
        %parallel_loop3A_315 = vector.broadcast %parallel_loop3A_314 : i32 to vector<16xi32>
        %parallel_loop3A_316 = arith.andi %parallel_loop3A_313, %parallel_loop3A_315 : vector<16xi32>
        %parallel_loop3A_317 = tpu.vector_load_idx %arg8[%parallel_loop3A_307] : memref<16384xi32, #tpu.memory_space<vmem>>[vector<16xi32>], vector<16xi32>,
        %parallel_loop3A_318 = tpu.vector_load_idx %arg9[%parallel_loop3A_307] : memref<16384xi32, #tpu.memory_space<vmem>>[vector<16xi32>], vector<16xi32>,
        %parallel_loop3A_319 = arith.constant 16 : i32
        %parallel_loop3A_320 = vector.broadcast %parallel_loop3A_319 : i32 to vector<16xi32>
        %parallel_loop3A_321 = arith.shli %parallel_loop3A_317, %parallel_loop3A_320 : vector<16xi32>
        %parallel_loop3A_322 = vector.bitcast %parallel_loop3A_321 : vector<16xi32> to vector<16xf32>
        %parallel_loop3A_323 = arith.constant -65536 : i32
        %parallel_loop3A_324 = vector.broadcast %parallel_loop3A_323 : i32 to vector<16xi32>
        %parallel_loop3A_325 = arith.andi %parallel_loop3A_317, %parallel_loop3A_324 : vector<16xi32>
        %parallel_loop3A_326 = vector.bitcast %parallel_loop3A_325 : vector<16xi32> to vector<16xf32>
        %parallel_loop3A_327 = arith.constant 16 : i32
        %parallel_loop3A_328 = vector.broadcast %parallel_loop3A_327 : i32 to vector<16xi32>
        %parallel_loop3A_329 = arith.shli %parallel_loop3A_318, %parallel_loop3A_328 : vector<16xi32>
        %parallel_loop3A_330 = vector.bitcast %parallel_loop3A_329 : vector<16xi32> to vector<16xf32>
        %parallel_loop3A_331 = arith.constant -65536 : i32
        %parallel_loop3A_332 = vector.broadcast %parallel_loop3A_331 : i32 to vector<16xi32>
        %parallel_loop3A_333 = arith.andi %parallel_loop3A_318, %parallel_loop3A_332 : vector<16xi32>
        %parallel_loop3A_334 = vector.bitcast %parallel_loop3A_333 : vector<16xi32> to vector<16xf32>
        %parallel_loop3A_335 = arith.mulf %parallel_loop3A_304, %parallel_loop3A_322 : vector<16xf32>
        tpu.vector_store_idx %arg10[%parallel_loop3A_310, %parallel_loop3A_316], %parallel_loop3A_335 {add = true} : memref<1024x16xf32, #tpu.memory_space<vmem>>[vector<16xi32>, vector<16xi32>], vector<16xf32>,
        %parallel_loop3A_336 = arith.mulf %parallel_loop3A_304, %parallel_loop3A_326 : vector<16xf32>
        tpu.vector_store_idx %arg11[%parallel_loop3A_310, %parallel_loop3A_316], %parallel_loop3A_336 {add = true} : memref<1024x16xf32, #tpu.memory_space<vmem>>[vector<16xi32>, vector<16xi32>], vector<16xf32>,
        %parallel_loop3A_337 = arith.mulf %parallel_loop3A_304, %parallel_loop3A_330 : vector<16xf32>
        tpu.vector_store_idx %arg12[%parallel_loop3A_310, %parallel_loop3A_316], %parallel_loop3A_337 {add = true} : memref<1024x16xf32, #tpu.memory_space<vmem>>[vector<16xi32>, vector<16xi32>], vector<16xf32>,
        %parallel_loop3A_338 = arith.mulf %parallel_loop3A_304, %parallel_loop3A_334 : vector<16xf32>
        tpu.vector_store_idx %arg13[%parallel_loop3A_310, %parallel_loop3A_316], %parallel_loop3A_338 {add = true} : memref<1024x16xf32, #tpu.memory_space<vmem>>[vector<16xi32>, vector<16xi32>], vector<16xf32>,
      } {sc.loop_unroll_factor = 1 : i64, sc.parallel_access}
    }
    %while3A_163 = arith.constant 1 : i32
    scf.for %while3A_212 = %while3A_161 to %while3A_157 step %while3A_163  : i32 {
      %mul3A_213 = arith.constant 2 : i32
      %mul3A_214 = arith.muli %mul3A_213, %while3A_212 : i32
      %add3A_215 = arith.constant 0 : i32
      %add3A_216 = arith.addi %mul3A_214, %add3A_215 : i32
      %add3A_217 = arith.constant 1 : i32
      %add3A_218 = arith.addi %add3A_216, %add3A_217 : i32
      %lt3A_219 = arith.cmpi slt, %add3A_218, %select_n3A_88 : i32
      %convert_element_type3A_220 = arith.extui %lt3A_219 : i1 to i32
      %cond3A_221 = arith.constant 0 : i32
      %cond3A_222 = arith.cmpi ne, %convert_element_type3A_220, %cond3A_221 : i32
      scf.if %cond3A_222 {
        %add3A_294 = arith.constant 1 : i32
        %add3A_295 = arith.addi %add3A_216, %add3A_294 : i32
        %mul3A_296 = arith.constant 4096 : i32
        %mul3A_297 = arith.muli %add3A_295, %mul3A_296 : i32
        %add3A_298 = arith.addi %mul3A_60, %mul3A_297 : i32
        %multiple_of3A_299 = tpu.assume_multiple %add3A_298, 8 : i32
        %dma_start3A_300 = arith.constant 1 : i32
        %dma_start3A_301 = arith.constant 1 : i32
        %dma_start3A_302 = arith.constant 0 : i32
        %dma_start3A_303 = tpu.memref_slice %arg14[%dma_start3A_300, %dma_start3A_302] : memref<2x4096xi32, #tpu.memory_space<vmem>> -> memref<1x4096xi32, #tpu.memory_space<vmem>>
        %dma_start3A_304 = tpu.memref_squeeze %dma_start3A_303 : memref<1x4096xi32, #tpu.memory_space<vmem>> -> memref<4096xi32, #tpu.memory_space<vmem>>
        %dma_start3A_305 = tpu.memref_slice %arg3[%multiple_of3A_299] : memref<2684354xi32, #tpu.memory_space<hbm>> -> memref<4096xi32, #tpu.memory_space<hbm>>
        %dma_start3A_306 = tpu.memref_slice %arg17[%dma_start3A_301] : memref<2x!tpu.dma_semaphore, #tpu.memory_space<semaphore_mem>> -> memref<1x!tpu.dma_semaphore, #tpu.memory_space<semaphore_mem>>
        %dma_start3A_307 = tpu.memref_squeeze %dma_start3A_306 : memref<1x!tpu.dma_semaphore, #tpu.memory_space<semaphore_mem>> -> memref<!tpu.dma_semaphore, #tpu.memory_space<semaphore_mem>>
        %dma_start3A_308 = arith.constant 0 : i32
        %dma_start3A_309 = tpu.memref_slice %arg14[%dma_start3A_300, %dma_start3A_308] : memref<2x4096xi32, #tpu.memory_space<vmem>> -> memref<1x4096xi32, #tpu.memory_space<vmem>>
        %dma_start3A_310 = tpu.memref_squeeze %dma_start3A_309 : memref<1x4096xi32, #tpu.memory_space<vmem>> -> memref<4096xi32, #tpu.memory_space<vmem>>
        %dma_start3A_311 = tpu.memref_slice %arg3[%multiple_of3A_299] : memref<2684354xi32, #tpu.memory_space<hbm>> -> memref<4096xi32, #tpu.memory_space<hbm>>
        tpu.enqueue_dma source(%dma_start3A_311 : memref<4096xi32, #tpu.memory_space<hbm>>) target(%dma_start3A_310 : memref<4096xi32, #tpu.memory_space<vmem>>) target_semaphore(%dma_start3A_307 : memref<!tpu.dma_semaphore, #tpu.memory_space<semaphore_mem>>)
        %dma_start3A_312 = arith.constant 1 : i32
        %dma_start3A_313 = arith.constant 1 : i32
        %dma_start3A_314 = arith.constant 0 : i32
        %dma_start3A_315 = tpu.memref_slice %arg15[%dma_start3A_312, %dma_start3A_314] : memref<2x4096xf32, #tpu.memory_space<vmem>> -> memref<1x4096xf32, #tpu.memory_space<vmem>>
        %dma_start3A_316 = tpu.memref_squeeze %dma_start3A_315 : memref<1x4096xf32, #tpu.memory_space<vmem>> -> memref<4096xf32, #tpu.memory_space<vmem>>
        %dma_start3A_317 = tpu.memref_slice %arg4[%multiple_of3A_299] : memref<2684354xf32, #tpu.memory_space<hbm>> -> memref<4096xf32, #tpu.memory_space<hbm>>
        %dma_start3A_318 = tpu.memref_slice %arg17[%dma_start3A_313] : memref<2x!tpu.dma_semaphore, #tpu.memory_space<semaphore_mem>> -> memref<1x!tpu.dma_semaphore, #tpu.memory_space<semaphore_mem>>
        %dma_start3A_319 = tpu.memref_squeeze %dma_start3A_318 : memref<1x!tpu.dma_semaphore, #tpu.memory_space<semaphore_mem>> -> memref<!tpu.dma_semaphore, #tpu.memory_space<semaphore_mem>>
        %dma_start3A_320 = arith.constant 0 : i32
        %dma_start3A_321 = tpu.memref_slice %arg15[%dma_start3A_312, %dma_start3A_320] : memref<2x4096xf32, #tpu.memory_space<vmem>> -> memref<1x4096xf32, #tpu.memory_space<vmem>>
        %dma_start3A_322 = tpu.memref_squeeze %dma_start3A_321 : memref<1x4096xf32, #tpu.memory_space<vmem>> -> memref<4096xf32, #tpu.memory_space<vmem>>
        %dma_start3A_323 = tpu.memref_slice %arg4[%multiple_of3A_299] : memref<2684354xf32, #tpu.memory_space<hbm>> -> memref<4096xf32, #tpu.memory_space<hbm>>
        tpu.enqueue_dma source(%dma_start3A_323 : memref<4096xf32, #tpu.memory_space<hbm>>) target(%dma_start3A_322 : memref<4096xf32, #tpu.memory_space<vmem>>) target_semaphore(%dma_start3A_319 : memref<!tpu.dma_semaphore, #tpu.memory_space<semaphore_mem>>)
      } else {
      }
      %dma_wait3A = arith.constant 0 : i32
      %dma_wait3A_223 = arith.constant 0 : i32
      %dma_wait3A_224 = arith.constant 0 : i32
      %dma_wait3A_225 = tpu.memref_slice %arg14[%dma_wait3A, %dma_wait3A_224] : memref<2x4096xi32, #tpu.memory_space<vmem>> -> memref<1x4096xi32, #tpu.memory_space<vmem>>
      %dma_wait3A_226 = tpu.memref_squeeze %dma_wait3A_225 : memref<1x4096xi32, #tpu.memory_space<vmem>> -> memref<4096xi32, #tpu.memory_space<vmem>>
      %dma_wait3A_227 = arith.constant 0 : i32
      %dma_wait3A_228 = tpu.memref_slice %arg3[%dma_wait3A_227] : memref<2684354xi32, #tpu.memory_space<hbm>> -> memref<4096xi32, #tpu.memory_space<hbm>>
      %dma_wait3A_229 = tpu.memref_slice %arg17[%dma_wait3A_223] : memref<2x!tpu.dma_semaphore, #tpu.memory_space<semaphore_mem>> -> memref<1x!tpu.dma_semaphore, #tpu.memory_space<semaphore_mem>>
      %dma_wait3A_230 = tpu.memref_squeeze %dma_wait3A_229 : memref<1x!tpu.dma_semaphore, #tpu.memory_space<semaphore_mem>> -> memref<!tpu.dma_semaphore, #tpu.memory_space<semaphore_mem>>
      %dma_wait3A_231 = arith.constant 0 : i32
      %dma_wait3A_232 = tpu.memref_slice %arg14[%dma_wait3A, %dma_wait3A_231] : memref<2x4096xi32, #tpu.memory_space<vmem>> -> memref<1x4096xi32, #tpu.memory_space<vmem>>
      %dma_wait3A_233 = tpu.memref_squeeze %dma_wait3A_232 : memref<1x4096xi32, #tpu.memory_space<vmem>> -> memref<4096xi32, #tpu.memory_space<vmem>>
      %dma_wait3A_234 = arith.constant 0 : i32
      %dma_wait3A_235 = tpu.memref_slice %arg3[%dma_wait3A_234] : memref<2684354xi32, #tpu.memory_space<hbm>> -> memref<4096xi32, #tpu.memory_space<hbm>>
      tpu.wait_dma2 semaphore(%dma_wait3A_230 : memref<!tpu.dma_semaphore, #tpu.memory_space<semaphore_mem>>) src(%dma_wait3A_235 : memref<4096xi32, #tpu.memory_space<hbm>>) dst(%dma_wait3A_233 : memref<4096xi32, #tpu.memory_space<vmem>>)
      %dma_wait3A_236 = arith.constant 0 : i32
      %dma_wait3A_237 = arith.constant 0 : i32
      %dma_wait3A_238 = arith.constant 0 : i32
      %dma_wait3A_239 = tpu.memref_slice %arg15[%dma_wait3A_236, %dma_wait3A_238] : memref<2x4096xf32, #tpu.memory_space<vmem>> -> memref<1x4096xf32, #tpu.memory_space<vmem>>
      %dma_wait3A_240 = tpu.memref_squeeze %dma_wait3A_239 : memref<1x4096xf32, #tpu.memory_space<vmem>> -> memref<4096xf32, #tpu.memory_space<vmem>>
      %dma_wait3A_241 = arith.constant 0 : i32
      %dma_wait3A_242 = tpu.memref_slice %arg4[%dma_wait3A_241] : memref<2684354xf32, #tpu.memory_space<hbm>> -> memref<4096xf32, #tpu.memory_space<hbm>>
      %dma_wait3A_243 = tpu.memref_slice %arg17[%dma_wait3A_237] : memref<2x!tpu.dma_semaphore, #tpu.memory_space<semaphore_mem>> -> memref<1x!tpu.dma_semaphore, #tpu.memory_space<semaphore_mem>>
      %dma_wait3A_244 = tpu.memref_squeeze %dma_wait3A_243 : memref<1x!tpu.dma_semaphore, #tpu.memory_space<semaphore_mem>> -> memref<!tpu.dma_semaphore, #tpu.memory_space<semaphore_mem>>
      %dma_wait3A_245 = arith.constant 0 : i32
      %dma_wait3A_246 = tpu.memref_slice %arg15[%dma_wait3A_236, %dma_wait3A_245] : memref<2x4096xf32, #tpu.memory_space<vmem>> -> memref<1x4096xf32, #tpu.memory_space<vmem>>
      %dma_wait3A_247 = tpu.memref_squeeze %dma_wait3A_246 : memref<1x4096xf32, #tpu.memory_space<vmem>> -> memref<4096xf32, #tpu.memory_space<vmem>>
      %dma_wait3A_248 = arith.constant 0 : i32
      %dma_wait3A_249 = tpu.memref_slice %arg4[%dma_wait3A_248] : memref<2684354xf32, #tpu.memory_space<hbm>> -> memref<4096xf32, #tpu.memory_space<hbm>>
      tpu.wait_dma2 semaphore(%dma_wait3A_244 : memref<!tpu.dma_semaphore, #tpu.memory_space<semaphore_mem>>) src(%dma_wait3A_249 : memref<4096xf32, #tpu.memory_space<hbm>>) dst(%dma_wait3A_247 : memref<4096xf32, #tpu.memory_space<vmem>>)
      %parallel_loop3A_250 = arith.constant 0 : i32
      %parallel_loop3A_251 = arith.constant 256 : i32
      %parallel_loop3A_252 = arith.constant 1 : i32
      scf.for %parallel_loop3A_294 = %parallel_loop3A_250 to %parallel_loop3A_251 step %parallel_loop3A_252  : i32 {
        %parallel_loop3A_295 = arith.constant 16 : i32
        %parallel_loop3A_296 = arith.muli %parallel_loop3A_294, %parallel_loop3A_295 : i32
        %parallel_loop3A_297 = arith.constant 0 : i32
        %parallel_loop3A_298 = arith.index_cast %parallel_loop3A_297 : i32 to index
        %parallel_loop3A_299 = arith.index_cast %parallel_loop3A_296 : i32 to index
        %parallel_loop3A_300 = tpu.vector_load %arg14[%parallel_loop3A_298, %parallel_loop3A_299] {strides = array<i32>} : memref<2x4096xi32, #tpu.memory_space<vmem>>, vector<16xi32>,
        %parallel_loop3A_301 = arith.constant 0 : i32
        %parallel_loop3A_302 = arith.index_cast %parallel_loop3A_301 : i32 to index
        %parallel_loop3A_303 = arith.index_cast %parallel_loop3A_296 : i32 to index
        %parallel_loop3A_304 = tpu.vector_load %arg15[%parallel_loop3A_302, %parallel_loop3A_303] {strides = array<i32>} : memref<2x4096xf32, #tpu.memory_space<vmem>>, vector<16xf32>,
        %parallel_loop3A_305 = arith.constant 16383 : i32
        %parallel_loop3A_306 = vector.broadcast %parallel_loop3A_305 : i32 to vector<16xi32>
        %parallel_loop3A_307 = arith.andi %parallel_loop3A_300, %parallel_loop3A_306 : vector<16xi32>
        %parallel_loop3A_308 = arith.constant 18 : i32
        %parallel_loop3A_309 = vector.broadcast %parallel_loop3A_308 : i32 to vector<16xi32>
        %parallel_loop3A_310 = arith.shrsi %parallel_loop3A_300, %parallel_loop3A_309 : vector<16xi32>
        %parallel_loop3A_311 = arith.constant 14 : i32
        %parallel_loop3A_312 = vector.broadcast %parallel_loop3A_311 : i32 to vector<16xi32>
        %parallel_loop3A_313 = arith.shrsi %parallel_loop3A_300, %parallel_loop3A_312 : vector<16xi32>
        %parallel_loop3A_314 = arith.constant 15 : i32
        %parallel_loop3A_315 = vector.broadcast %parallel_loop3A_314 : i32 to vector<16xi32>
        %parallel_loop3A_316 = arith.andi %parallel_loop3A_313, %parallel_loop3A_315 : vector<16xi32>
        %parallel_loop3A_317 = tpu.vector_load_idx %arg8[%parallel_loop3A_307] : memref<16384xi32, #tpu.memory_space<vmem>>[vector<16xi32>], vector<16xi32>,
        %parallel_loop3A_318 = tpu.vector_load_idx %arg9[%parallel_loop3A_307] : memref<16384xi32, #tpu.memory_space<vmem>>[vector<16xi32>], vector<16xi32>,
        %parallel_loop3A_319 = arith.constant 16 : i32
        %parallel_loop3A_320 = vector.broadcast %parallel_loop3A_319 : i32 to vector<16xi32>
        %parallel_loop3A_321 = arith.shli %parallel_loop3A_317, %parallel_loop3A_320 : vector<16xi32>
        %parallel_loop3A_322 = vector.bitcast %parallel_loop3A_321 : vector<16xi32> to vector<16xf32>
        %parallel_loop3A_323 = arith.constant -65536 : i32
        %parallel_loop3A_324 = vector.broadcast %parallel_loop3A_323 : i32 to vector<16xi32>
        %parallel_loop3A_325 = arith.andi %parallel_loop3A_317, %parallel_loop3A_324 : vector<16xi32>
        %parallel_loop3A_326 = vector.bitcast %parallel_loop3A_325 : vector<16xi32> to vector<16xf32>
        %parallel_loop3A_327 = arith.constant 16 : i32
        %parallel_loop3A_328 = vector.broadcast %parallel_loop3A_327 : i32 to vector<16xi32>
        %parallel_loop3A_329 = arith.shli %parallel_loop3A_318, %parallel_loop3A_328 : vector<16xi32>
        %parallel_loop3A_330 = vector.bitcast %parallel_loop3A_329 : vector<16xi32> to vector<16xf32>
        %parallel_loop3A_331 = arith.constant -65536 : i32
        %parallel_loop3A_332 = vector.broadcast %parallel_loop3A_331 : i32 to vector<16xi32>
        %parallel_loop3A_333 = arith.andi %parallel_loop3A_318, %parallel_loop3A_332 : vector<16xi32>
        %parallel_loop3A_334 = vector.bitcast %parallel_loop3A_333 : vector<16xi32> to vector<16xf32>
        %parallel_loop3A_335 = arith.mulf %parallel_loop3A_304, %parallel_loop3A_322 : vector<16xf32>
        tpu.vector_store_idx %arg10[%parallel_loop3A_310, %parallel_loop3A_316], %parallel_loop3A_335 {add = true} : memref<1024x16xf32, #tpu.memory_space<vmem>>[vector<16xi32>, vector<16xi32>], vector<16xf32>,
        %parallel_loop3A_336 = arith.mulf %parallel_loop3A_304, %parallel_loop3A_326 : vector<16xf32>
        tpu.vector_store_idx %arg11[%parallel_loop3A_310, %parallel_loop3A_316], %parallel_loop3A_336 {add = true} : memref<1024x16xf32, #tpu.memory_space<vmem>>[vector<16xi32>, vector<16xi32>], vector<16xf32>,
        %parallel_loop3A_337 = arith.mulf %parallel_loop3A_304, %parallel_loop3A_330 : vector<16xf32>
        tpu.vector_store_idx %arg12[%parallel_loop3A_310, %parallel_loop3A_316], %parallel_loop3A_337 {add = true} : memref<1024x16xf32, #tpu.memory_space<vmem>>[vector<16xi32>, vector<16xi32>], vector<16xf32>,
        %parallel_loop3A_338 = arith.mulf %parallel_loop3A_304, %parallel_loop3A_334 : vector<16xf32>
        tpu.vector_store_idx %arg13[%parallel_loop3A_310, %parallel_loop3A_316], %parallel_loop3A_338 {add = true} : memref<1024x16xf32, #tpu.memory_space<vmem>>[vector<16xi32>, vector<16xi32>], vector<16xf32>,
      } {sc.loop_unroll_factor = 1 : i64, sc.parallel_access}
      %mul3A_253 = arith.constant 2 : i32
      %mul3A_254 = arith.muli %mul3A_253, %while3A_212 : i32
      %add3A_255 = arith.constant 1 : i32
      %add3A_256 = arith.addi %mul3A_254, %add3A_255 : i32
      %add3A_257 = arith.constant 1 : i32
      %add3A_258 = arith.addi %add3A_256, %add3A_257 : i32
      %lt3A_259 = arith.cmpi slt, %add3A_258, %select_n3A_88 : i32
      %convert_element_type3A_260 = arith.extui %lt3A_259 : i1 to i32
      %cond3A_261 = arith.constant 0 : i32
      %cond3A_262 = arith.cmpi ne, %convert_element_type3A_260, %cond3A_261 : i32
      scf.if %cond3A_262 {
        %add3A_294 = arith.constant 1 : i32
        %add3A_295 = arith.addi %add3A_256, %add3A_294 : i32
        %mul3A_296 = arith.constant 4096 : i32
        %mul3A_297 = arith.muli %add3A_295, %mul3A_296 : i32
        %add3A_298 = arith.addi %mul3A_60, %mul3A_297 : i32
        %multiple_of3A_299 = tpu.assume_multiple %add3A_298, 8 : i32
        %dma_start3A_300 = arith.constant 0 : i32
        %dma_start3A_301 = arith.constant 0 : i32
        %dma_start3A_302 = arith.constant 0 : i32
        %dma_start3A_303 = tpu.memref_slice %arg14[%dma_start3A_300, %dma_start3A_302] : memref<2x4096xi32, #tpu.memory_space<vmem>> -> memref<1x4096xi32, #tpu.memory_space<vmem>>
        %dma_start3A_304 = tpu.memref_squeeze %dma_start3A_303 : memref<1x4096xi32, #tpu.memory_space<vmem>> -> memref<4096xi32, #tpu.memory_space<vmem>>
        %dma_start3A_305 = tpu.memref_slice %arg3[%multiple_of3A_299] : memref<2684354xi32, #tpu.memory_space<hbm>> -> memref<4096xi32, #tpu.memory_space<hbm>>
        %dma_start3A_306 = tpu.memref_slice %arg17[%dma_start3A_301] : memref<2x!tpu.dma_semaphore, #tpu.memory_space<semaphore_mem>> -> memref<1x!tpu.dma_semaphore, #tpu.memory_space<semaphore_mem>>
        %dma_start3A_307 = tpu.memref_squeeze %dma_start3A_306 : memref<1x!tpu.dma_semaphore, #tpu.memory_space<semaphore_mem>> -> memref<!tpu.dma_semaphore, #tpu.memory_space<semaphore_mem>>
        %dma_start3A_308 = arith.constant 0 : i32
        %dma_start3A_309 = tpu.memref_slice %arg14[%dma_start3A_300, %dma_start3A_308] : memref<2x4096xi32, #tpu.memory_space<vmem>> -> memref<1x4096xi32, #tpu.memory_space<vmem>>
        %dma_start3A_310 = tpu.memref_squeeze %dma_start3A_309 : memref<1x4096xi32, #tpu.memory_space<vmem>> -> memref<4096xi32, #tpu.memory_space<vmem>>
        %dma_start3A_311 = tpu.memref_slice %arg3[%multiple_of3A_299] : memref<2684354xi32, #tpu.memory_space<hbm>> -> memref<4096xi32, #tpu.memory_space<hbm>>
        tpu.enqueue_dma source(%dma_start3A_311 : memref<4096xi32, #tpu.memory_space<hbm>>) target(%dma_start3A_310 : memref<4096xi32, #tpu.memory_space<vmem>>) target_semaphore(%dma_start3A_307 : memref<!tpu.dma_semaphore, #tpu.memory_space<semaphore_mem>>)
        %dma_start3A_312 = arith.constant 0 : i32
        %dma_start3A_313 = arith.constant 0 : i32
        %dma_start3A_314 = arith.constant 0 : i32
        %dma_start3A_315 = tpu.memref_slice %arg15[%dma_start3A_312, %dma_start3A_314] : memref<2x4096xf32, #tpu.memory_space<vmem>> -> memref<1x4096xf32, #tpu.memory_space<vmem>>
        %dma_start3A_316 = tpu.memref_squeeze %dma_start3A_315 : memref<1x4096xf32, #tpu.memory_space<vmem>> -> memref<4096xf32, #tpu.memory_space<vmem>>
        %dma_start3A_317 = tpu.memref_slice %arg4[%multiple_of3A_299] : memref<2684354xf32, #tpu.memory_space<hbm>> -> memref<4096xf32, #tpu.memory_space<hbm>>
        %dma_start3A_318 = tpu.memref_slice %arg17[%dma_start3A_313] : memref<2x!tpu.dma_semaphore, #tpu.memory_space<semaphore_mem>> -> memref<1x!tpu.dma_semaphore, #tpu.memory_space<semaphore_mem>>
        %dma_start3A_319 = tpu.memref_squeeze %dma_start3A_318 : memref<1x!tpu.dma_semaphore, #tpu.memory_space<semaphore_mem>> -> memref<!tpu.dma_semaphore, #tpu.memory_space<semaphore_mem>>
        %dma_start3A_320 = arith.constant 0 : i32
        %dma_start3A_321 = tpu.memref_slice %arg15[%dma_start3A_312, %dma_start3A_320] : memref<2x4096xf32, #tpu.memory_space<vmem>> -> memref<1x4096xf32, #tpu.memory_space<vmem>>
        %dma_start3A_322 = tpu.memref_squeeze %dma_start3A_321 : memref<1x4096xf32, #tpu.memory_space<vmem>> -> memref<4096xf32, #tpu.memory_space<vmem>>
        %dma_start3A_323 = tpu.memref_slice %arg4[%multiple_of3A_299] : memref<2684354xf32, #tpu.memory_space<hbm>> -> memref<4096xf32, #tpu.memory_space<hbm>>
        tpu.enqueue_dma source(%dma_start3A_323 : memref<4096xf32, #tpu.memory_space<hbm>>) target(%dma_start3A_322 : memref<4096xf32, #tpu.memory_space<vmem>>) target_semaphore(%dma_start3A_319 : memref<!tpu.dma_semaphore, #tpu.memory_space<semaphore_mem>>)
      } else {
      }
      %dma_wait3A_263 = arith.constant 1 : i32
      %dma_wait3A_264 = arith.constant 1 : i32
      %dma_wait3A_265 = arith.constant 0 : i32
      %dma_wait3A_266 = tpu.memref_slice %arg14[%dma_wait3A_263, %dma_wait3A_265] : memref<2x4096xi32, #tpu.memory_space<vmem>> -> memref<1x4096xi32, #tpu.memory_space<vmem>>
      %dma_wait3A_267 = tpu.memref_squeeze %dma_wait3A_266 : memref<1x4096xi32, #tpu.memory_space<vmem>> -> memref<4096xi32, #tpu.memory_space<vmem>>
      %dma_wait3A_268 = arith.constant 0 : i32
      %dma_wait3A_269 = tpu.memref_slice %arg3[%dma_wait3A_268] : memref<2684354xi32, #tpu.memory_space<hbm>> -> memref<4096xi32, #tpu.memory_space<hbm>>
      %dma_wait3A_270 = tpu.memref_slice %arg17[%dma_wait3A_264] : memref<2x!tpu.dma_semaphore, #tpu.memory_space<semaphore_mem>> -> memref<1x!tpu.dma_semaphore, #tpu.memory_space<semaphore_mem>>
      %dma_wait3A_271 = tpu.memref_squeeze %dma_wait3A_270 : memref<1x!tpu.dma_semaphore, #tpu.memory_space<semaphore_mem>> -> memref<!tpu.dma_semaphore, #tpu.memory_space<semaphore_mem>>
      %dma_wait3A_272 = arith.constant 0 : i32
      %dma_wait3A_273 = tpu.memref_slice %arg14[%dma_wait3A_263, %dma_wait3A_272] : memref<2x4096xi32, #tpu.memory_space<vmem>> -> memref<1x4096xi32, #tpu.memory_space<vmem>>
      %dma_wait3A_274 = tpu.memref_squeeze %dma_wait3A_273 : memref<1x4096xi32, #tpu.memory_space<vmem>> -> memref<4096xi32, #tpu.memory_space<vmem>>
      %dma_wait3A_275 = arith.constant 0 : i32
      %dma_wait3A_276 = tpu.memref_slice %arg3[%dma_wait3A_275] : memref<2684354xi32, #tpu.memory_space<hbm>> -> memref<4096xi32, #tpu.memory_space<hbm>>
      tpu.wait_dma2 semaphore(%dma_wait3A_271 : memref<!tpu.dma_semaphore, #tpu.memory_space<semaphore_mem>>) src(%dma_wait3A_276 : memref<4096xi32, #tpu.memory_space<hbm>>) dst(%dma_wait3A_274 : memref<4096xi32, #tpu.memory_space<vmem>>)
      %dma_wait3A_277 = arith.constant 1 : i32
      %dma_wait3A_278 = arith.constant 1 : i32
      %dma_wait3A_279 = arith.constant 0 : i32
      %dma_wait3A_280 = tpu.memref_slice %arg15[%dma_wait3A_277, %dma_wait3A_279] : memref<2x4096xf32, #tpu.memory_space<vmem>> -> memref<1x4096xf32, #tpu.memory_space<vmem>>
      %dma_wait3A_281 = tpu.memref_squeeze %dma_wait3A_280 : memref<1x4096xf32, #tpu.memory_space<vmem>> -> memref<4096xf32, #tpu.memory_space<vmem>>
      %dma_wait3A_282 = arith.constant 0 : i32
      %dma_wait3A_283 = tpu.memref_slice %arg4[%dma_wait3A_282] : memref<2684354xf32, #tpu.memory_space<hbm>> -> memref<4096xf32, #tpu.memory_space<hbm>>
      %dma_wait3A_284 = tpu.memref_slice %arg17[%dma_wait3A_278] : memref<2x!tpu.dma_semaphore, #tpu.memory_space<semaphore_mem>> -> memref<1x!tpu.dma_semaphore, #tpu.memory_space<semaphore_mem>>
      %dma_wait3A_285 = tpu.memref_squeeze %dma_wait3A_284 : memref<1x!tpu.dma_semaphore, #tpu.memory_space<semaphore_mem>> -> memref<!tpu.dma_semaphore, #tpu.memory_space<semaphore_mem>>
      %dma_wait3A_286 = arith.constant 0 : i32
      %dma_wait3A_287 = tpu.memref_slice %arg15[%dma_wait3A_277, %dma_wait3A_286] : memref<2x4096xf32, #tpu.memory_space<vmem>> -> memref<1x4096xf32, #tpu.memory_space<vmem>>
      %dma_wait3A_288 = tpu.memref_squeeze %dma_wait3A_287 : memref<1x4096xf32, #tpu.memory_space<vmem>> -> memref<4096xf32, #tpu.memory_space<vmem>>
      %dma_wait3A_289 = arith.constant 0 : i32
      %dma_wait3A_290 = tpu.memref_slice %arg4[%dma_wait3A_289] : memref<2684354xf32, #tpu.memory_space<hbm>> -> memref<4096xf32, #tpu.memory_space<hbm>>
      tpu.wait_dma2 semaphore(%dma_wait3A_285 : memref<!tpu.dma_semaphore, #tpu.memory_space<semaphore_mem>>) src(%dma_wait3A_290 : memref<4096xf32, #tpu.memory_space<hbm>>) dst(%dma_wait3A_288 : memref<4096xf32, #tpu.memory_space<vmem>>)
      %parallel_loop3A_291 = arith.constant 0 : i32
      %parallel_loop3A_292 = arith.constant 256 : i32
      %parallel_loop3A_293 = arith.constant 1 : i32
      scf.for %parallel_loop3A_294 = %parallel_loop3A_291 to %parallel_loop3A_292 step %parallel_loop3A_293  : i32 {
        %parallel_loop3A_295 = arith.constant 16 : i32
        %parallel_loop3A_296 = arith.muli %parallel_loop3A_294, %parallel_loop3A_295 : i32
        %parallel_loop3A_297 = arith.constant 1 : i32
        %parallel_loop3A_298 = arith.index_cast %parallel_loop3A_297 : i32 to index
        %parallel_loop3A_299 = arith.index_cast %parallel_loop3A_296 : i32 to index
        %parallel_loop3A_300 = tpu.vector_load %arg14[%parallel_loop3A_298, %parallel_loop3A_299] {strides = array<i32>} : memref<2x4096xi32, #tpu.memory_space<vmem>>, vector<16xi32>,
        %parallel_loop3A_301 = arith.constant 1 : i32
        %parallel_loop3A_302 = arith.index_cast %parallel_loop3A_301 : i32 to index
        %parallel_loop3A_303 = arith.index_cast %parallel_loop3A_296 : i32 to index
        %parallel_loop3A_304 = tpu.vector_load %arg15[%parallel_loop3A_302, %parallel_loop3A_303] {strides = array<i32>} : memref<2x4096xf32, #tpu.memory_space<vmem>>, vector<16xf32>,
        %parallel_loop3A_305 = arith.constant 16383 : i32
        %parallel_loop3A_306 = vector.broadcast %parallel_loop3A_305 : i32 to vector<16xi32>
        %parallel_loop3A_307 = arith.andi %parallel_loop3A_300, %parallel_loop3A_306 : vector<16xi32>
        %parallel_loop3A_308 = arith.constant 18 : i32
        %parallel_loop3A_309 = vector.broadcast %parallel_loop3A_308 : i32 to vector<16xi32>
        %parallel_loop3A_310 = arith.shrsi %parallel_loop3A_300, %parallel_loop3A_309 : vector<16xi32>
        %parallel_loop3A_311 = arith.constant 14 : i32
        %parallel_loop3A_312 = vector.broadcast %parallel_loop3A_311 : i32 to vector<16xi32>
        %parallel_loop3A_313 = arith.shrsi %parallel_loop3A_300, %parallel_loop3A_312 : vector<16xi32>
        %parallel_loop3A_314 = arith.constant 15 : i32
        %parallel_loop3A_315 = vector.broadcast %parallel_loop3A_314 : i32 to vector<16xi32>
        %parallel_loop3A_316 = arith.andi %parallel_loop3A_313, %parallel_loop3A_315 : vector<16xi32>
        %parallel_loop3A_317 = tpu.vector_load_idx %arg8[%parallel_loop3A_307] : memref<16384xi32, #tpu.memory_space<vmem>>[vector<16xi32>], vector<16xi32>,
        %parallel_loop3A_318 = tpu.vector_load_idx %arg9[%parallel_loop3A_307] : memref<16384xi32, #tpu.memory_space<vmem>>[vector<16xi32>], vector<16xi32>,
        %parallel_loop3A_319 = arith.constant 16 : i32
        %parallel_loop3A_320 = vector.broadcast %parallel_loop3A_319 : i32 to vector<16xi32>
        %parallel_loop3A_321 = arith.shli %parallel_loop3A_317, %parallel_loop3A_320 : vector<16xi32>
        %parallel_loop3A_322 = vector.bitcast %parallel_loop3A_321 : vector<16xi32> to vector<16xf32>
        %parallel_loop3A_323 = arith.constant -65536 : i32
        %parallel_loop3A_324 = vector.broadcast %parallel_loop3A_323 : i32 to vector<16xi32>
        %parallel_loop3A_325 = arith.andi %parallel_loop3A_317, %parallel_loop3A_324 : vector<16xi32>
        %parallel_loop3A_326 = vector.bitcast %parallel_loop3A_325 : vector<16xi32> to vector<16xf32>
        %parallel_loop3A_327 = arith.constant 16 : i32
        %parallel_loop3A_328 = vector.broadcast %parallel_loop3A_327 : i32 to vector<16xi32>
        %parallel_loop3A_329 = arith.shli %parallel_loop3A_318, %parallel_loop3A_328 : vector<16xi32>
        %parallel_loop3A_330 = vector.bitcast %parallel_loop3A_329 : vector<16xi32> to vector<16xf32>
        %parallel_loop3A_331 = arith.constant -65536 : i32
        %parallel_loop3A_332 = vector.broadcast %parallel_loop3A_331 : i32 to vector<16xi32>
        %parallel_loop3A_333 = arith.andi %parallel_loop3A_318, %parallel_loop3A_332 : vector<16xi32>
        %parallel_loop3A_334 = vector.bitcast %parallel_loop3A_333 : vector<16xi32> to vector<16xf32>
        %parallel_loop3A_335 = arith.mulf %parallel_loop3A_304, %parallel_loop3A_322 : vector<16xf32>
        tpu.vector_store_idx %arg10[%parallel_loop3A_310, %parallel_loop3A_316], %parallel_loop3A_335 {add = true} : memref<1024x16xf32, #tpu.memory_space<vmem>>[vector<16xi32>, vector<16xi32>], vector<16xf32>,
        %parallel_loop3A_336 = arith.mulf %parallel_loop3A_304, %parallel_loop3A_326 : vector<16xf32>
        tpu.vector_store_idx %arg11[%parallel_loop3A_310, %parallel_loop3A_316], %parallel_loop3A_336 {add = true} : memref<1024x16xf32, #tpu.memory_space<vmem>>[vector<16xi32>, vector<16xi32>], vector<16xf32>,
        %parallel_loop3A_337 = arith.mulf %parallel_loop3A_304, %parallel_loop3A_330 : vector<16xf32>
        tpu.vector_store_idx %arg12[%parallel_loop3A_310, %parallel_loop3A_316], %parallel_loop3A_337 {add = true} : memref<1024x16xf32, #tpu.memory_space<vmem>>[vector<16xi32>, vector<16xi32>], vector<16xf32>,
        %parallel_loop3A_338 = arith.mulf %parallel_loop3A_304, %parallel_loop3A_334 : vector<16xf32>
        tpu.vector_store_idx %arg13[%parallel_loop3A_310, %parallel_loop3A_316], %parallel_loop3A_338 {add = true} : memref<1024x16xf32, #tpu.memory_space<vmem>>[vector<16xi32>, vector<16xi32>], vector<16xf32>,
      } {sc.loop_unroll_factor = 1 : i64, sc.parallel_access}
    }
    %jit3A_164 = arith.constant 2 : i32
    %eq3A_165 = arith.constant 0 : i32
    %eq3A_166 = arith.cmpi eq, %jit3A_164, %eq3A_165 : i32
    %jit3A_167 = arith.constant 1 : i32
    %select_n3A_168 = arith.select %eq3A_166, %jit3A_167, %jit3A_164 : i32
    %rem3A_169 = arith.remsi %select_n3A_88, %select_n3A_168 : i32
    %ne3A_170 = arith.constant 0 : i32
    %ne3A_171 = arith.cmpi ne, %rem3A_169, %ne3A_170 : i32
    %lt3A_172 = arith.constant 0 : i32
    %lt3A_173 = arith.cmpi slt, %rem3A_169, %lt3A_172 : i32
    %lt3A_174 = arith.constant 0 : i32
    %lt3A_175 = arith.cmpi slt, %select_n3A_168, %lt3A_174 : i32
    %ne3A_176 = arith.xori %lt3A_173, %lt3A_175 : i1
    %and3A_177 = arith.andi %ne3A_176, %ne3A_171 : i1
    %add3A_178 = arith.addi %rem3A_169, %select_n3A_168 : i32
    %select_n3A_179 = arith.select %and3A_177, %add3A_178, %rem3A_169 : i32
    %eq3A_180 = arith.constant 1 : i32
    %eq3A_181 = arith.cmpi eq, %select_n3A_179, %eq3A_180 : i32
    %convert_element_type3A_182 = arith.extui %eq3A_181 : i1 to i32
    %cond3A_183 = arith.constant 0 : i32
    %cond3A_184 = arith.cmpi ne, %convert_element_type3A_182, %cond3A_183 : i32
    scf.if %cond3A_184 {
      %dma_wait3A = arith.constant 0 : i32
      %dma_wait3A_212 = arith.constant 0 : i32
      %dma_wait3A_213 = arith.constant 0 : i32
      %dma_wait3A_214 = tpu.memref_slice %arg14[%dma_wait3A, %dma_wait3A_213] : memref<2x4096xi32, #tpu.memory_space<vmem>> -> memref<1x4096xi32, #tpu.memory_space<vmem>>
      %dma_wait3A_215 = tpu.memref_squeeze %dma_wait3A_214 : memref<1x4096xi32, #tpu.memory_space<vmem>> -> memref<4096xi32, #tpu.memory_space<vmem>>
      %dma_wait3A_216 = arith.constant 0 : i32
      %dma_wait3A_217 = tpu.memref_slice %arg3[%dma_wait3A_216] : memref<2684354xi32, #tpu.memory_space<hbm>> -> memref<4096xi32, #tpu.memory_space<hbm>>
      %dma_wait3A_218 = tpu.memref_slice %arg17[%dma_wait3A_212] : memref<2x!tpu.dma_semaphore, #tpu.memory_space<semaphore_mem>> -> memref<1x!tpu.dma_semaphore, #tpu.memory_space<semaphore_mem>>
      %dma_wait3A_219 = tpu.memref_squeeze %dma_wait3A_218 : memref<1x!tpu.dma_semaphore, #tpu.memory_space<semaphore_mem>> -> memref<!tpu.dma_semaphore, #tpu.memory_space<semaphore_mem>>
      %dma_wait3A_220 = arith.constant 0 : i32
      %dma_wait3A_221 = tpu.memref_slice %arg14[%dma_wait3A, %dma_wait3A_220] : memref<2x4096xi32, #tpu.memory_space<vmem>> -> memref<1x4096xi32, #tpu.memory_space<vmem>>
      %dma_wait3A_222 = tpu.memref_squeeze %dma_wait3A_221 : memref<1x4096xi32, #tpu.memory_space<vmem>> -> memref<4096xi32, #tpu.memory_space<vmem>>
      %dma_wait3A_223 = arith.constant 0 : i32
      %dma_wait3A_224 = tpu.memref_slice %arg3[%dma_wait3A_223] : memref<2684354xi32, #tpu.memory_space<hbm>> -> memref<4096xi32, #tpu.memory_space<hbm>>
      tpu.wait_dma2 semaphore(%dma_wait3A_219 : memref<!tpu.dma_semaphore, #tpu.memory_space<semaphore_mem>>) src(%dma_wait3A_224 : memref<4096xi32, #tpu.memory_space<hbm>>) dst(%dma_wait3A_222 : memref<4096xi32, #tpu.memory_space<vmem>>)
      %dma_wait3A_225 = arith.constant 0 : i32
      %dma_wait3A_226 = arith.constant 0 : i32
      %dma_wait3A_227 = arith.constant 0 : i32
      %dma_wait3A_228 = tpu.memref_slice %arg15[%dma_wait3A_225, %dma_wait3A_227] : memref<2x4096xf32, #tpu.memory_space<vmem>> -> memref<1x4096xf32, #tpu.memory_space<vmem>>
      %dma_wait3A_229 = tpu.memref_squeeze %dma_wait3A_228 : memref<1x4096xf32, #tpu.memory_space<vmem>> -> memref<4096xf32, #tpu.memory_space<vmem>>
      %dma_wait3A_230 = arith.constant 0 : i32
      %dma_wait3A_231 = tpu.memref_slice %arg4[%dma_wait3A_230] : memref<2684354xf32, #tpu.memory_space<hbm>> -> memref<4096xf32, #tpu.memory_space<hbm>>
      %dma_wait3A_232 = tpu.memref_slice %arg17[%dma_wait3A_226] : memref<2x!tpu.dma_semaphore, #tpu.memory_space<semaphore_mem>> -> memref<1x!tpu.dma_semaphore, #tpu.memory_space<semaphore_mem>>
      %dma_wait3A_233 = tpu.memref_squeeze %dma_wait3A_232 : memref<1x!tpu.dma_semaphore, #tpu.memory_space<semaphore_mem>> -> memref<!tpu.dma_semaphore, #tpu.memory_space<semaphore_mem>>
      %dma_wait3A_234 = arith.constant 0 : i32
      %dma_wait3A_235 = tpu.memref_slice %arg15[%dma_wait3A_225, %dma_wait3A_234] : memref<2x4096xf32, #tpu.memory_space<vmem>> -> memref<1x4096xf32, #tpu.memory_space<vmem>>
      %dma_wait3A_236 = tpu.memref_squeeze %dma_wait3A_235 : memref<1x4096xf32, #tpu.memory_space<vmem>> -> memref<4096xf32, #tpu.memory_space<vmem>>
      %dma_wait3A_237 = arith.constant 0 : i32
      %dma_wait3A_238 = tpu.memref_slice %arg4[%dma_wait3A_237] : memref<2684354xf32, #tpu.memory_space<hbm>> -> memref<4096xf32, #tpu.memory_space<hbm>>
      tpu.wait_dma2 semaphore(%dma_wait3A_233 : memref<!tpu.dma_semaphore, #tpu.memory_space<semaphore_mem>>) src(%dma_wait3A_238 : memref<4096xf32, #tpu.memory_space<hbm>>) dst(%dma_wait3A_236 : memref<4096xf32, #tpu.memory_space<vmem>>)
      %parallel_loop3A_239 = arith.constant 0 : i32
      %parallel_loop3A_240 = arith.constant 256 : i32
      %parallel_loop3A_241 = arith.constant 1 : i32
      scf.for %parallel_loop3A_242 = %parallel_loop3A_239 to %parallel_loop3A_240 step %parallel_loop3A_241  : i32 {
        %parallel_loop3A_243 = arith.constant 16 : i32
        %parallel_loop3A_244 = arith.muli %parallel_loop3A_242, %parallel_loop3A_243 : i32
        %parallel_loop3A_245 = arith.constant 0 : i32
        %parallel_loop3A_246 = arith.index_cast %parallel_loop3A_245 : i32 to index
        %parallel_loop3A_247 = arith.index_cast %parallel_loop3A_244 : i32 to index
        %parallel_loop3A_248 = tpu.vector_load %arg14[%parallel_loop3A_246, %parallel_loop3A_247] {strides = array<i32>} : memref<2x4096xi32, #tpu.memory_space<vmem>>, vector<16xi32>,
        %parallel_loop3A_249 = arith.constant 0 : i32
        %parallel_loop3A_250 = arith.index_cast %parallel_loop3A_249 : i32 to index
        %parallel_loop3A_251 = arith.index_cast %parallel_loop3A_244 : i32 to index
        %parallel_loop3A_252 = tpu.vector_load %arg15[%parallel_loop3A_250, %parallel_loop3A_251] {strides = array<i32>} : memref<2x4096xf32, #tpu.memory_space<vmem>>, vector<16xf32>,
        %parallel_loop3A_253 = arith.constant 16383 : i32
        %parallel_loop3A_254 = vector.broadcast %parallel_loop3A_253 : i32 to vector<16xi32>
        %parallel_loop3A_255 = arith.andi %parallel_loop3A_248, %parallel_loop3A_254 : vector<16xi32>
        %parallel_loop3A_256 = arith.constant 18 : i32
        %parallel_loop3A_257 = vector.broadcast %parallel_loop3A_256 : i32 to vector<16xi32>
        %parallel_loop3A_258 = arith.shrsi %parallel_loop3A_248, %parallel_loop3A_257 : vector<16xi32>
        %parallel_loop3A_259 = arith.constant 14 : i32
        %parallel_loop3A_260 = vector.broadcast %parallel_loop3A_259 : i32 to vector<16xi32>
        %parallel_loop3A_261 = arith.shrsi %parallel_loop3A_248, %parallel_loop3A_260 : vector<16xi32>
        %parallel_loop3A_262 = arith.constant 15 : i32
        %parallel_loop3A_263 = vector.broadcast %parallel_loop3A_262 : i32 to vector<16xi32>
        %parallel_loop3A_264 = arith.andi %parallel_loop3A_261, %parallel_loop3A_263 : vector<16xi32>
        %parallel_loop3A_265 = tpu.vector_load_idx %arg8[%parallel_loop3A_255] : memref<16384xi32, #tpu.memory_space<vmem>>[vector<16xi32>], vector<16xi32>,
        %parallel_loop3A_266 = tpu.vector_load_idx %arg9[%parallel_loop3A_255] : memref<16384xi32, #tpu.memory_space<vmem>>[vector<16xi32>], vector<16xi32>,
        %parallel_loop3A_267 = arith.constant 16 : i32
        %parallel_loop3A_268 = vector.broadcast %parallel_loop3A_267 : i32 to vector<16xi32>
        %parallel_loop3A_269 = arith.shli %parallel_loop3A_265, %parallel_loop3A_268 : vector<16xi32>
        %parallel_loop3A_270 = vector.bitcast %parallel_loop3A_269 : vector<16xi32> to vector<16xf32>
        %parallel_loop3A_271 = arith.constant -65536 : i32
        %parallel_loop3A_272 = vector.broadcast %parallel_loop3A_271 : i32 to vector<16xi32>
        %parallel_loop3A_273 = arith.andi %parallel_loop3A_265, %parallel_loop3A_272 : vector<16xi32>
        %parallel_loop3A_274 = vector.bitcast %parallel_loop3A_273 : vector<16xi32> to vector<16xf32>
        %parallel_loop3A_275 = arith.constant 16 : i32
        %parallel_loop3A_276 = vector.broadcast %parallel_loop3A_275 : i32 to vector<16xi32>
        %parallel_loop3A_277 = arith.shli %parallel_loop3A_266, %parallel_loop3A_276 : vector<16xi32>
        %parallel_loop3A_278 = vector.bitcast %parallel_loop3A_277 : vector<16xi32> to vector<16xf32>
        %parallel_loop3A_279 = arith.constant -65536 : i32
        %parallel_loop3A_280 = vector.broadcast %parallel_loop3A_279 : i32 to vector<16xi32>
        %parallel_loop3A_281 = arith.andi %parallel_loop3A_266, %parallel_loop3A_280 : vector<16xi32>
        %parallel_loop3A_282 = vector.bitcast %parallel_loop3A_281 : vector<16xi32> to vector<16xf32>
        %parallel_loop3A_283 = arith.mulf %parallel_loop3A_252, %parallel_loop3A_270 : vector<16xf32>
        tpu.vector_store_idx %arg10[%parallel_loop3A_258, %parallel_loop3A_264], %parallel_loop3A_283 {add = true} : memref<1024x16xf32, #tpu.memory_space<vmem>>[vector<16xi32>, vector<16xi32>], vector<16xf32>,
        %parallel_loop3A_284 = arith.mulf %parallel_loop3A_252, %parallel_loop3A_274 : vector<16xf32>
        tpu.vector_store_idx %arg11[%parallel_loop3A_258, %parallel_loop3A_264], %parallel_loop3A_284 {add = true} : memref<1024x16xf32, #tpu.memory_space<vmem>>[vector<16xi32>, vector<16xi32>], vector<16xf32>,
        %parallel_loop3A_285 = arith.mulf %parallel_loop3A_252, %parallel_loop3A_278 : vector<16xf32>
        tpu.vector_store_idx %arg12[%parallel_loop3A_258, %parallel_loop3A_264], %parallel_loop3A_285 {add = true} : memref<1024x16xf32, #tpu.memory_space<vmem>>[vector<16xi32>, vector<16xi32>], vector<16xf32>,
        %parallel_loop3A_286 = arith.mulf %parallel_loop3A_252, %parallel_loop3A_282 : vector<16xf32>
        tpu.vector_store_idx %arg13[%parallel_loop3A_258, %parallel_loop3A_264], %parallel_loop3A_286 {add = true} : memref<1024x16xf32, #tpu.memory_space<vmem>>[vector<16xi32>, vector<16xi32>], vector<16xf32>,
      } {sc.loop_unroll_factor = 1 : i64, sc.parallel_access}
    } else {
    }
    %gt3A = arith.constant 0 : i32
    %gt3A_185 = arith.cmpi sgt, %sub3A_92, %gt3A : i32
    %convert_element_type3A_186 = arith.extui %gt3A_185 : i1 to i32
    %cond3A_187 = arith.constant 0 : i32
    %cond3A_188 = arith.cmpi ne, %convert_element_type3A_186, %cond3A_187 : i32
    scf.if %cond3A_188 {
      %sub3A_212 = arith.constant 4096 : i32
      %sub3A_213 = arith.subi %min3A_63, %sub3A_212 : i32
      %add3A_214 = arith.constant 7 : i32
      %add3A_215 = arith.addi %sub3A_213, %add3A_214 : i32
      %and3A_216 = arith.constant -8 : i32
      %and3A_217 = arith.andi %add3A_215, %and3A_216 : i32
      %multiple_of3A_218 = tpu.assume_multiple %and3A_217, 8 : i32
      %run_scoped3A = arith.constant 1 : i32
      "tpu.region"() ({
        %run_scoped3A_226 = tpu.sem_alloc : memref<!tpu.dma_semaphore, #tpu.memory_space<semaphore_mem>>
        %dma_start3A_227 = arith.constant 0 : i32
        %dma_start3A_228 = tpu.memref_slice %arg14[%run_scoped3A, %dma_start3A_227] : memref<2x4096xi32, #tpu.memory_space<vmem>> -> memref<1x4096xi32, #tpu.memory_space<vmem>>
        %dma_start3A_229 = tpu.memref_squeeze %dma_start3A_228 : memref<1x4096xi32, #tpu.memory_space<vmem>> -> memref<4096xi32, #tpu.memory_space<vmem>>
        %dma_start3A_230 = tpu.memref_slice %arg3[%multiple_of3A_218] : memref<2684354xi32, #tpu.memory_space<hbm>> -> memref<4096xi32, #tpu.memory_space<hbm>>
        %dma_start3A_231 = arith.constant 0 : i32
        %dma_start3A_232 = tpu.memref_slice %arg14[%run_scoped3A, %dma_start3A_231] : memref<2x4096xi32, #tpu.memory_space<vmem>> -> memref<1x4096xi32, #tpu.memory_space<vmem>>
        %dma_start3A_233 = tpu.memref_squeeze %dma_start3A_232 : memref<1x4096xi32, #tpu.memory_space<vmem>> -> memref<4096xi32, #tpu.memory_space<vmem>>
        %dma_start3A_234 = tpu.memref_slice %arg3[%multiple_of3A_218] : memref<2684354xi32, #tpu.memory_space<hbm>> -> memref<4096xi32, #tpu.memory_space<hbm>>
        tpu.enqueue_dma source(%dma_start3A_234 : memref<4096xi32, #tpu.memory_space<hbm>>) target(%dma_start3A_233 : memref<4096xi32, #tpu.memory_space<vmem>>) target_semaphore(%run_scoped3A_226 : memref<!tpu.dma_semaphore, #tpu.memory_space<semaphore_mem>>)
        %dma_wait3A = arith.constant 0 : i32
        %dma_wait3A_235 = tpu.memref_slice %arg14[%run_scoped3A, %dma_wait3A] : memref<2x4096xi32, #tpu.memory_space<vmem>> -> memref<1x4096xi32, #tpu.memory_space<vmem>>
        %dma_wait3A_236 = tpu.memref_squeeze %dma_wait3A_235 : memref<1x4096xi32, #tpu.memory_space<vmem>> -> memref<4096xi32, #tpu.memory_space<vmem>>
        %dma_wait3A_237 = tpu.memref_slice %arg3[%multiple_of3A_218] : memref<2684354xi32, #tpu.memory_space<hbm>> -> memref<4096xi32, #tpu.memory_space<hbm>>
        %dma_wait3A_238 = arith.constant 0 : i32
        %dma_wait3A_239 = tpu.memref_slice %arg14[%run_scoped3A, %dma_wait3A_238] : memref<2x4096xi32, #tpu.memory_space<vmem>> -> memref<1x4096xi32, #tpu.memory_space<vmem>>
        %dma_wait3A_240 = tpu.memref_squeeze %dma_wait3A_239 : memref<1x4096xi32, #tpu.memory_space<vmem>> -> memref<4096xi32, #tpu.memory_space<vmem>>
        %dma_wait3A_241 = tpu.memref_slice %arg3[%multiple_of3A_218] : memref<2684354xi32, #tpu.memory_space<hbm>> -> memref<4096xi32, #tpu.memory_space<hbm>>
        tpu.wait_dma2 semaphore(%run_scoped3A_226 : memref<!tpu.dma_semaphore, #tpu.memory_space<semaphore_mem>>) src(%dma_wait3A_241 : memref<4096xi32, #tpu.memory_space<hbm>>) dst(%dma_wait3A_240 : memref<4096xi32, #tpu.memory_space<vmem>>)
        tpu.yield
      }) : () -> ()
      %run_scoped3A_219 = arith.constant 1 : i32
      "tpu.region"() ({
        %run_scoped3A_226 = tpu.sem_alloc : memref<!tpu.dma_semaphore, #tpu.memory_space<semaphore_mem>>
        %dma_start3A_227 = arith.constant 0 : i32
        %dma_start3A_228 = tpu.memref_slice %arg15[%run_scoped3A_219, %dma_start3A_227] : memref<2x4096xf32, #tpu.memory_space<vmem>> -> memref<1x4096xf32, #tpu.memory_space<vmem>>
        %dma_start3A_229 = tpu.memref_squeeze %dma_start3A_228 : memref<1x4096xf32, #tpu.memory_space<vmem>> -> memref<4096xf32, #tpu.memory_space<vmem>>
        %dma_start3A_230 = tpu.memref_slice %arg4[%multiple_of3A_218] : memref<2684354xf32, #tpu.memory_space<hbm>> -> memref<4096xf32, #tpu.memory_space<hbm>>
        %dma_start3A_231 = arith.constant 0 : i32
        %dma_start3A_232 = tpu.memref_slice %arg15[%run_scoped3A_219, %dma_start3A_231] : memref<2x4096xf32, #tpu.memory_space<vmem>> -> memref<1x4096xf32, #tpu.memory_space<vmem>>
        %dma_start3A_233 = tpu.memref_squeeze %dma_start3A_232 : memref<1x4096xf32, #tpu.memory_space<vmem>> -> memref<4096xf32, #tpu.memory_space<vmem>>
        %dma_start3A_234 = tpu.memref_slice %arg4[%multiple_of3A_218] : memref<2684354xf32, #tpu.memory_space<hbm>> -> memref<4096xf32, #tpu.memory_space<hbm>>
        tpu.enqueue_dma source(%dma_start3A_234 : memref<4096xf32, #tpu.memory_space<hbm>>) target(%dma_start3A_233 : memref<4096xf32, #tpu.memory_space<vmem>>) target_semaphore(%run_scoped3A_226 : memref<!tpu.dma_semaphore, #tpu.memory_space<semaphore_mem>>)
        %dma_wait3A = arith.constant 0 : i32
        %dma_wait3A_235 = tpu.memref_slice %arg15[%run_scoped3A_219, %dma_wait3A] : memref<2x4096xf32, #tpu.memory_space<vmem>> -> memref<1x4096xf32, #tpu.memory_space<vmem>>
        %dma_wait3A_236 = tpu.memref_squeeze %dma_wait3A_235 : memref<1x4096xf32, #tpu.memory_space<vmem>> -> memref<4096xf32, #tpu.memory_space<vmem>>
        %dma_wait3A_237 = tpu.memref_slice %arg4[%multiple_of3A_218] : memref<2684354xf32, #tpu.memory_space<hbm>> -> memref<4096xf32, #tpu.memory_space<hbm>>
        %dma_wait3A_238 = arith.constant 0 : i32
        %dma_wait3A_239 = tpu.memref_slice %arg15[%run_scoped3A_219, %dma_wait3A_238] : memref<2x4096xf32, #tpu.memory_space<vmem>> -> memref<1x4096xf32, #tpu.memory_space<vmem>>
        %dma_wait3A_240 = tpu.memref_squeeze %dma_wait3A_239 : memref<1x4096xf32, #tpu.memory_space<vmem>> -> memref<4096xf32, #tpu.memory_space<vmem>>
        %dma_wait3A_241 = tpu.memref_slice %arg4[%multiple_of3A_218] : memref<2684354xf32, #tpu.memory_space<hbm>> -> memref<4096xf32, #tpu.memory_space<hbm>>
        tpu.wait_dma2 semaphore(%run_scoped3A_226 : memref<!tpu.dma_semaphore, #tpu.memory_space<semaphore_mem>>) src(%dma_wait3A_241 : memref<4096xf32, #tpu.memory_space<hbm>>) dst(%dma_wait3A_240 : memref<4096xf32, #tpu.memory_space<vmem>>)
        tpu.yield
      }) : () -> ()
      %mul3A_220 = arith.constant 4096 : i32
      %mul3A_221 = arith.muli %select_n3A_88, %mul3A_220 : i32
      %add3A_222 = arith.addi %mul3A_60, %mul3A_221 : i32
      %iota3A = tpu.iota {dimensions = array<i32: 0>} : vector<16xi32>
      %parallel_loop3A_223 = arith.constant 0 : i32
      %parallel_loop3A_224 = arith.constant 256 : i32
      %parallel_loop3A_225 = arith.constant 1 : i32
      scf.for %parallel_loop3A_226 = %parallel_loop3A_223 to %parallel_loop3A_224 step %parallel_loop3A_225  : i32 {
        %parallel_loop3A_227 = arith.constant 16 : i32
        %parallel_loop3A_228 = arith.muli %parallel_loop3A_226, %parallel_loop3A_227 : i32
        %parallel_loop3A_229 = arith.addi %multiple_of3A_218, %parallel_loop3A_228 : i32
        %parallel_loop3A_230 = vector.broadcast %parallel_loop3A_229 : i32 to vector<16xi32>
        %parallel_loop3A_231 = arith.addi %parallel_loop3A_230, %iota3A : vector<16xi32>
        %parallel_loop3A_232 = vector.broadcast %add3A_222 : i32 to vector<16xi32>
        %parallel_loop3A_233 = arith.cmpi sge, %parallel_loop3A_231, %parallel_loop3A_232 : vector<16xi32>
        %parallel_loop3A_234 = vector.broadcast %parallel_loop3A_229 : i32 to vector<16xi32>
        %parallel_loop3A_235 = arith.addi %parallel_loop3A_234, %iota3A : vector<16xi32>
        %parallel_loop3A_236 = vector.broadcast %min3A_63 : i32 to vector<16xi32>
        %parallel_loop3A_237 = arith.cmpi slt, %parallel_loop3A_235, %parallel_loop3A_236 : vector<16xi32>
        %parallel_loop3A_238 = arith.andi %parallel_loop3A_233, %parallel_loop3A_237 : vector<16xi1>
        %parallel_loop3A_239 = arith.constant 16 : i32
        %parallel_loop3A_240 = arith.muli %parallel_loop3A_226, %parallel_loop3A_239 : i32
        %parallel_loop3A_241 = arith.constant 1 : i32
        %parallel_loop3A_242 = arith.index_cast %parallel_loop3A_241 : i32 to index
        %parallel_loop3A_243 = arith.index_cast %parallel_loop3A_240 : i32 to index
        %parallel_loop3A_244 = tpu.vector_load %arg14[%parallel_loop3A_242, %parallel_loop3A_243] {strides = array<i32>} : memref<2x4096xi32, #tpu.memory_space<vmem>>, vector<16xi32>,
        %parallel_loop3A_245 = arith.constant 1 : i32
        %parallel_loop3A_246 = arith.index_cast %parallel_loop3A_245 : i32 to index
        %parallel_loop3A_247 = arith.index_cast %parallel_loop3A_240 : i32 to index
        %parallel_loop3A_248 = tpu.vector_load %arg15[%parallel_loop3A_246, %parallel_loop3A_247] {strides = array<i32>} : memref<2x4096xf32, #tpu.memory_space<vmem>>, vector<16xf32>,
        %parallel_loop3A_249 = arith.constant 16383 : i32
        %parallel_loop3A_250 = vector.broadcast %parallel_loop3A_249 : i32 to vector<16xi32>
        %parallel_loop3A_251 = arith.andi %parallel_loop3A_244, %parallel_loop3A_250 : vector<16xi32>
        %parallel_loop3A_252 = arith.constant 18 : i32
        %parallel_loop3A_253 = vector.broadcast %parallel_loop3A_252 : i32 to vector<16xi32>
        %parallel_loop3A_254 = arith.shrsi %parallel_loop3A_244, %parallel_loop3A_253 : vector<16xi32>
        %parallel_loop3A_255 = arith.constant 14 : i32
        %parallel_loop3A_256 = vector.broadcast %parallel_loop3A_255 : i32 to vector<16xi32>
        %parallel_loop3A_257 = arith.shrsi %parallel_loop3A_244, %parallel_loop3A_256 : vector<16xi32>
        %parallel_loop3A_258 = arith.constant 15 : i32
        %parallel_loop3A_259 = vector.broadcast %parallel_loop3A_258 : i32 to vector<16xi32>
        %parallel_loop3A_260 = arith.andi %parallel_loop3A_257, %parallel_loop3A_259 : vector<16xi32>
        %parallel_loop3A_261 = tpu.vector_load_idx %arg8[%parallel_loop3A_251] masked %parallel_loop3A_238 : memref<16384xi32, #tpu.memory_space<vmem>>[vector<16xi32>], vector<16xi32>, vector<16xi1>
        %parallel_loop3A_262 = tpu.vector_load_idx %arg9[%parallel_loop3A_251] masked %parallel_loop3A_238 : memref<16384xi32, #tpu.memory_space<vmem>>[vector<16xi32>], vector<16xi32>, vector<16xi1>
        %parallel_loop3A_263 = arith.constant 16 : i32
        %parallel_loop3A_264 = vector.broadcast %parallel_loop3A_263 : i32 to vector<16xi32>
        %parallel_loop3A_265 = arith.shli %parallel_loop3A_261, %parallel_loop3A_264 : vector<16xi32>
        %parallel_loop3A_266 = vector.bitcast %parallel_loop3A_265 : vector<16xi32> to vector<16xf32>
        %parallel_loop3A_267 = arith.constant -65536 : i32
        %parallel_loop3A_268 = vector.broadcast %parallel_loop3A_267 : i32 to vector<16xi32>
        %parallel_loop3A_269 = arith.andi %parallel_loop3A_261, %parallel_loop3A_268 : vector<16xi32>
        %parallel_loop3A_270 = vector.bitcast %parallel_loop3A_269 : vector<16xi32> to vector<16xf32>
        %parallel_loop3A_271 = arith.constant 16 : i32
        %parallel_loop3A_272 = vector.broadcast %parallel_loop3A_271 : i32 to vector<16xi32>
        %parallel_loop3A_273 = arith.shli %parallel_loop3A_262, %parallel_loop3A_272 : vector<16xi32>
        %parallel_loop3A_274 = vector.bitcast %parallel_loop3A_273 : vector<16xi32> to vector<16xf32>
        %parallel_loop3A_275 = arith.constant -65536 : i32
        %parallel_loop3A_276 = vector.broadcast %parallel_loop3A_275 : i32 to vector<16xi32>
        %parallel_loop3A_277 = arith.andi %parallel_loop3A_262, %parallel_loop3A_276 : vector<16xi32>
        %parallel_loop3A_278 = vector.bitcast %parallel_loop3A_277 : vector<16xi32> to vector<16xf32>
        %parallel_loop3A_279 = arith.mulf %parallel_loop3A_248, %parallel_loop3A_266 : vector<16xf32>
        tpu.vector_store_idx %arg10[%parallel_loop3A_254, %parallel_loop3A_260], %parallel_loop3A_279 masked %parallel_loop3A_238 {add = true} : memref<1024x16xf32, #tpu.memory_space<vmem>>[vector<16xi32>, vector<16xi32>], vector<16xf32>, vector<16xi1>
        %parallel_loop3A_280 = arith.mulf %parallel_loop3A_248, %parallel_loop3A_270 : vector<16xf32>
        tpu.vector_store_idx %arg11[%parallel_loop3A_254, %parallel_loop3A_260], %parallel_loop3A_280 masked %parallel_loop3A_238 {add = true} : memref<1024x16xf32, #tpu.memory_space<vmem>>[vector<16xi32>, vector<16xi32>], vector<16xf32>, vector<16xi1>
        %parallel_loop3A_281 = arith.mulf %parallel_loop3A_248, %parallel_loop3A_274 : vector<16xf32>
        tpu.vector_store_idx %arg12[%parallel_loop3A_254, %parallel_loop3A_260], %parallel_loop3A_281 masked %parallel_loop3A_238 {add = true} : memref<1024x16xf32, #tpu.memory_space<vmem>>[vector<16xi32>, vector<16xi32>], vector<16xf32>, vector<16xi1>
        %parallel_loop3A_282 = arith.mulf %parallel_loop3A_248, %parallel_loop3A_278 : vector<16xf32>
        tpu.vector_store_idx %arg13[%parallel_loop3A_254, %parallel_loop3A_260], %parallel_loop3A_282 masked %parallel_loop3A_238 {add = true} : memref<1024x16xf32, #tpu.memory_space<vmem>>[vector<16xi32>, vector<16xi32>], vector<16xf32>, vector<16xi1>
      } {sc.loop_unroll_factor = 1 : i64, sc.parallel_access}
    } else {
    }
    %eq3A_189 = arith.constant 0 : i32
    %eq3A_190 = arith.cmpi eq, %select_n3A, %eq3A_189 : i32
    %convert_element_type3A_191 = arith.extui %eq3A_190 : i1 to i32
    %cond3A_192 = arith.constant 0 : i32
    %cond3A_193 = arith.cmpi ne, %convert_element_type3A_191, %cond3A_192 : i32
    scf.if %cond3A_193 {
      %dma_start3A_212 = arith.constant 0 : i32
      %dma_start3A_213 = arith.constant 0 : i32
      %dma_start3A_214 = arith.constant 0 : i32
      %dma_start3A_215 = tpu.memref_slice %arg10[%dma_start3A_213, %dma_start3A_214] : memref<1024x16xf32, #tpu.memory_space<vmem>> -> memref<128x16xf32, #tpu.memory_space<vmem>>
      %dma_start3A_216 = arith.constant 0 : i32
      %dma_start3A_217 = tpu.memref_slice %arg16[%dma_start3A_212, %dma_start3A_216] : memref<32x128xi32, #tpu.memory_space<vmem>> -> memref<1x128xi32, #tpu.memory_space<vmem>>
      %dma_start3A_218 = tpu.memref_squeeze %dma_start3A_217 : memref<1x128xi32, #tpu.memory_space<vmem>> -> memref<128xi32, #tpu.memory_space<vmem>>
      %dma_start3A_219 = arith.constant 0 : i32
      %dma_start3A_220 = arith.constant 0 : i32
      %dma_start3A_221 = tpu.memref_slice %arg19[%dma_start3A_219, %dma_start3A_220] : memref<4096x16xf32, #tpu.memory_space<vmem_shared>> -> memref<4096x16xf32, #tpu.memory_space<vmem_shared>>
      tpu.enqueue_indirect_dma source(%dma_start3A_215 : memref<128x16xf32, #tpu.memory_space<vmem>>) target(%dma_start3A_221 : memref<4096x16xf32, #tpu.memory_space<vmem_shared>>) offsets(%dma_start3A_218 : memref<128xi32, #tpu.memory_space<vmem>>) semaphore(%arg18 : memref<!tpu.dma_semaphore, #tpu.memory_space<semaphore_mem>>) {add = true}
      %dma_start3A_222 = arith.constant 1 : i32
      %dma_start3A_223 = arith.constant 128 : i32
      %dma_start3A_224 = arith.constant 0 : i32
      %dma_start3A_225 = tpu.memref_slice %arg10[%dma_start3A_223, %dma_start3A_224] : memref<1024x16xf32, #tpu.memory_space<vmem>> -> memref<128x16xf32, #tpu.memory_space<vmem>>
      %dma_start3A_226 = arith.constant 0 : i32
      %dma_start3A_227 = tpu.memref_slice %arg16[%dma_start3A_222, %dma_start3A_226] : memref<32x128xi32, #tpu.memory_space<vmem>> -> memref<1x128xi32, #tpu.memory_space<vmem>>
      %dma_start3A_228 = tpu.memref_squeeze %dma_start3A_227 : memref<1x128xi32, #tpu.memory_space<vmem>> -> memref<128xi32, #tpu.memory_space<vmem>>
      %dma_start3A_229 = arith.constant 0 : i32
      %dma_start3A_230 = arith.constant 0 : i32
      %dma_start3A_231 = tpu.memref_slice %arg19[%dma_start3A_229, %dma_start3A_230] : memref<4096x16xf32, #tpu.memory_space<vmem_shared>> -> memref<4096x16xf32, #tpu.memory_space<vmem_shared>>
      tpu.enqueue_indirect_dma source(%dma_start3A_225 : memref<128x16xf32, #tpu.memory_space<vmem>>) target(%dma_start3A_231 : memref<4096x16xf32, #tpu.memory_space<vmem_shared>>) offsets(%dma_start3A_228 : memref<128xi32, #tpu.memory_space<vmem>>) semaphore(%arg18 : memref<!tpu.dma_semaphore, #tpu.memory_space<semaphore_mem>>) {add = true}
      %dma_start3A_232 = arith.constant 2 : i32
      %dma_start3A_233 = arith.constant 256 : i32
      %dma_start3A_234 = arith.constant 0 : i32
      %dma_start3A_235 = tpu.memref_slice %arg10[%dma_start3A_233, %dma_start3A_234] : memref<1024x16xf32, #tpu.memory_space<vmem>> -> memref<128x16xf32, #tpu.memory_space<vmem>>
      %dma_start3A_236 = arith.constant 0 : i32
      %dma_start3A_237 = tpu.memref_slice %arg16[%dma_start3A_232, %dma_start3A_236] : memref<32x128xi32, #tpu.memory_space<vmem>> -> memref<1x128xi32, #tpu.memory_space<vmem>>
      %dma_start3A_238 = tpu.memref_squeeze %dma_start3A_237 : memref<1x128xi32, #tpu.memory_space<vmem>> -> memref<128xi32, #tpu.memory_space<vmem>>
      %dma_start3A_239 = arith.constant 0 : i32
      %dma_start3A_240 = arith.constant 0 : i32
      %dma_start3A_241 = tpu.memref_slice %arg19[%dma_start3A_239, %dma_start3A_240] : memref<4096x16xf32, #tpu.memory_space<vmem_shared>> -> memref<4096x16xf32, #tpu.memory_space<vmem_shared>>
      tpu.enqueue_indirect_dma source(%dma_start3A_235 : memref<128x16xf32, #tpu.memory_space<vmem>>) target(%dma_start3A_241 : memref<4096x16xf32, #tpu.memory_space<vmem_shared>>) offsets(%dma_start3A_238 : memref<128xi32, #tpu.memory_space<vmem>>) semaphore(%arg18 : memref<!tpu.dma_semaphore, #tpu.memory_space<semaphore_mem>>) {add = true}
      %dma_start3A_242 = arith.constant 3 : i32
      %dma_start3A_243 = arith.constant 384 : i32
      %dma_start3A_244 = arith.constant 0 : i32
      %dma_start3A_245 = tpu.memref_slice %arg10[%dma_start3A_243, %dma_start3A_244] : memref<1024x16xf32, #tpu.memory_space<vmem>> -> memref<128x16xf32, #tpu.memory_space<vmem>>
      %dma_start3A_246 = arith.constant 0 : i32
      %dma_start3A_247 = tpu.memref_slice %arg16[%dma_start3A_242, %dma_start3A_246] : memref<32x128xi32, #tpu.memory_space<vmem>> -> memref<1x128xi32, #tpu.memory_space<vmem>>
      %dma_start3A_248 = tpu.memref_squeeze %dma_start3A_247 : memref<1x128xi32, #tpu.memory_space<vmem>> -> memref<128xi32, #tpu.memory_space<vmem>>
      %dma_start3A_249 = arith.constant 0 : i32
      %dma_start3A_250 = arith.constant 0 : i32
      %dma_start3A_251 = tpu.memref_slice %arg19[%dma_start3A_249, %dma_start3A_250] : memref<4096x16xf32, #tpu.memory_space<vmem_shared>> -> memref<4096x16xf32, #tpu.memory_space<vmem_shared>>
      tpu.enqueue_indirect_dma source(%dma_start3A_245 : memref<128x16xf32, #tpu.memory_space<vmem>>) target(%dma_start3A_251 : memref<4096x16xf32, #tpu.memory_space<vmem_shared>>) offsets(%dma_start3A_248 : memref<128xi32, #tpu.memory_space<vmem>>) semaphore(%arg18 : memref<!tpu.dma_semaphore, #tpu.memory_space<semaphore_mem>>) {add = true}
      %dma_start3A_252 = arith.constant 4 : i32
      %dma_start3A_253 = arith.constant 512 : i32
      %dma_start3A_254 = arith.constant 0 : i32
      %dma_start3A_255 = tpu.memref_slice %arg10[%dma_start3A_253, %dma_start3A_254] : memref<1024x16xf32, #tpu.memory_space<vmem>> -> memref<128x16xf32, #tpu.memory_space<vmem>>
      %dma_start3A_256 = arith.constant 0 : i32
      %dma_start3A_257 = tpu.memref_slice %arg16[%dma_start3A_252, %dma_start3A_256] : memref<32x128xi32, #tpu.memory_space<vmem>> -> memref<1x128xi32, #tpu.memory_space<vmem>>
      %dma_start3A_258 = tpu.memref_squeeze %dma_start3A_257 : memref<1x128xi32, #tpu.memory_space<vmem>> -> memref<128xi32, #tpu.memory_space<vmem>>
      %dma_start3A_259 = arith.constant 0 : i32
      %dma_start3A_260 = arith.constant 0 : i32
      %dma_start3A_261 = tpu.memref_slice %arg19[%dma_start3A_259, %dma_start3A_260] : memref<4096x16xf32, #tpu.memory_space<vmem_shared>> -> memref<4096x16xf32, #tpu.memory_space<vmem_shared>>
      tpu.enqueue_indirect_dma source(%dma_start3A_255 : memref<128x16xf32, #tpu.memory_space<vmem>>) target(%dma_start3A_261 : memref<4096x16xf32, #tpu.memory_space<vmem_shared>>) offsets(%dma_start3A_258 : memref<128xi32, #tpu.memory_space<vmem>>) semaphore(%arg18 : memref<!tpu.dma_semaphore, #tpu.memory_space<semaphore_mem>>) {add = true}
      %dma_start3A_262 = arith.constant 5 : i32
      %dma_start3A_263 = arith.constant 640 : i32
      %dma_start3A_264 = arith.constant 0 : i32
      %dma_start3A_265 = tpu.memref_slice %arg10[%dma_start3A_263, %dma_start3A_264] : memref<1024x16xf32, #tpu.memory_space<vmem>> -> memref<128x16xf32, #tpu.memory_space<vmem>>
      %dma_start3A_266 = arith.constant 0 : i32
      %dma_start3A_267 = tpu.memref_slice %arg16[%dma_start3A_262, %dma_start3A_266] : memref<32x128xi32, #tpu.memory_space<vmem>> -> memref<1x128xi32, #tpu.memory_space<vmem>>
      %dma_start3A_268 = tpu.memref_squeeze %dma_start3A_267 : memref<1x128xi32, #tpu.memory_space<vmem>> -> memref<128xi32, #tpu.memory_space<vmem>>
      %dma_start3A_269 = arith.constant 0 : i32
      %dma_start3A_270 = arith.constant 0 : i32
      %dma_start3A_271 = tpu.memref_slice %arg19[%dma_start3A_269, %dma_start3A_270] : memref<4096x16xf32, #tpu.memory_space<vmem_shared>> -> memref<4096x16xf32, #tpu.memory_space<vmem_shared>>
      tpu.enqueue_indirect_dma source(%dma_start3A_265 : memref<128x16xf32, #tpu.memory_space<vmem>>) target(%dma_start3A_271 : memref<4096x16xf32, #tpu.memory_space<vmem_shared>>) offsets(%dma_start3A_268 : memref<128xi32, #tpu.memory_space<vmem>>) semaphore(%arg18 : memref<!tpu.dma_semaphore, #tpu.memory_space<semaphore_mem>>) {add = true}
      %dma_start3A_272 = arith.constant 6 : i32
      %dma_start3A_273 = arith.constant 768 : i32
      %dma_start3A_274 = arith.constant 0 : i32
      %dma_start3A_275 = tpu.memref_slice %arg10[%dma_start3A_273, %dma_start3A_274] : memref<1024x16xf32, #tpu.memory_space<vmem>> -> memref<128x16xf32, #tpu.memory_space<vmem>>
      %dma_start3A_276 = arith.constant 0 : i32
      %dma_start3A_277 = tpu.memref_slice %arg16[%dma_start3A_272, %dma_start3A_276] : memref<32x128xi32, #tpu.memory_space<vmem>> -> memref<1x128xi32, #tpu.memory_space<vmem>>
      %dma_start3A_278 = tpu.memref_squeeze %dma_start3A_277 : memref<1x128xi32, #tpu.memory_space<vmem>> -> memref<128xi32, #tpu.memory_space<vmem>>
      %dma_start3A_279 = arith.constant 0 : i32
      %dma_start3A_280 = arith.constant 0 : i32
      %dma_start3A_281 = tpu.memref_slice %arg19[%dma_start3A_279, %dma_start3A_280] : memref<4096x16xf32, #tpu.memory_space<vmem_shared>> -> memref<4096x16xf32, #tpu.memory_space<vmem_shared>>
      tpu.enqueue_indirect_dma source(%dma_start3A_275 : memref<128x16xf32, #tpu.memory_space<vmem>>) target(%dma_start3A_281 : memref<4096x16xf32, #tpu.memory_space<vmem_shared>>) offsets(%dma_start3A_278 : memref<128xi32, #tpu.memory_space<vmem>>) semaphore(%arg18 : memref<!tpu.dma_semaphore, #tpu.memory_space<semaphore_mem>>) {add = true}
      %dma_start3A_282 = arith.constant 7 : i32
      %dma_start3A_283 = arith.constant 896 : i32
      %dma_start3A_284 = arith.constant 0 : i32
      %dma_start3A_285 = tpu.memref_slice %arg10[%dma_start3A_283, %dma_start3A_284] : memref<1024x16xf32, #tpu.memory_space<vmem>> -> memref<128x16xf32, #tpu.memory_space<vmem>>
      %dma_start3A_286 = arith.constant 0 : i32
      %dma_start3A_287 = tpu.memref_slice %arg16[%dma_start3A_282, %dma_start3A_286] : memref<32x128xi32, #tpu.memory_space<vmem>> -> memref<1x128xi32, #tpu.memory_space<vmem>>
      %dma_start3A_288 = tpu.memref_squeeze %dma_start3A_287 : memref<1x128xi32, #tpu.memory_space<vmem>> -> memref<128xi32, #tpu.memory_space<vmem>>
      %dma_start3A_289 = arith.constant 0 : i32
      %dma_start3A_290 = arith.constant 0 : i32
      %dma_start3A_291 = tpu.memref_slice %arg19[%dma_start3A_289, %dma_start3A_290] : memref<4096x16xf32, #tpu.memory_space<vmem_shared>> -> memref<4096x16xf32, #tpu.memory_space<vmem_shared>>
      tpu.enqueue_indirect_dma source(%dma_start3A_285 : memref<128x16xf32, #tpu.memory_space<vmem>>) target(%dma_start3A_291 : memref<4096x16xf32, #tpu.memory_space<vmem_shared>>) offsets(%dma_start3A_288 : memref<128xi32, #tpu.memory_space<vmem>>) semaphore(%arg18 : memref<!tpu.dma_semaphore, #tpu.memory_space<semaphore_mem>>) {add = true}
      %dma_start3A_292 = arith.constant 8 : i32
      %dma_start3A_293 = arith.constant 0 : i32
      %dma_start3A_294 = arith.constant 0 : i32
      %dma_start3A_295 = tpu.memref_slice %arg11[%dma_start3A_293, %dma_start3A_294] : memref<1024x16xf32, #tpu.memory_space<vmem>> -> memref<128x16xf32, #tpu.memory_space<vmem>>
      %dma_start3A_296 = arith.constant 0 : i32
      %dma_start3A_297 = tpu.memref_slice %arg16[%dma_start3A_292, %dma_start3A_296] : memref<32x128xi32, #tpu.memory_space<vmem>> -> memref<1x128xi32, #tpu.memory_space<vmem>>
      %dma_start3A_298 = tpu.memref_squeeze %dma_start3A_297 : memref<1x128xi32, #tpu.memory_space<vmem>> -> memref<128xi32, #tpu.memory_space<vmem>>
      %dma_start3A_299 = arith.constant 0 : i32
      %dma_start3A_300 = arith.constant 0 : i32
      %dma_start3A_301 = tpu.memref_slice %arg19[%dma_start3A_299, %dma_start3A_300] : memref<4096x16xf32, #tpu.memory_space<vmem_shared>> -> memref<4096x16xf32, #tpu.memory_space<vmem_shared>>
      tpu.enqueue_indirect_dma source(%dma_start3A_295 : memref<128x16xf32, #tpu.memory_space<vmem>>) target(%dma_start3A_301 : memref<4096x16xf32, #tpu.memory_space<vmem_shared>>) offsets(%dma_start3A_298 : memref<128xi32, #tpu.memory_space<vmem>>) semaphore(%arg18 : memref<!tpu.dma_semaphore, #tpu.memory_space<semaphore_mem>>) {add = true}
      %dma_start3A_302 = arith.constant 9 : i32
      %dma_start3A_303 = arith.constant 128 : i32
      %dma_start3A_304 = arith.constant 0 : i32
      %dma_start3A_305 = tpu.memref_slice %arg11[%dma_start3A_303, %dma_start3A_304] : memref<1024x16xf32, #tpu.memory_space<vmem>> -> memref<128x16xf32, #tpu.memory_space<vmem>>
      %dma_start3A_306 = arith.constant 0 : i32
      %dma_start3A_307 = tpu.memref_slice %arg16[%dma_start3A_302, %dma_start3A_306] : memref<32x128xi32, #tpu.memory_space<vmem>> -> memref<1x128xi32, #tpu.memory_space<vmem>>
      %dma_start3A_308 = tpu.memref_squeeze %dma_start3A_307 : memref<1x128xi32, #tpu.memory_space<vmem>> -> memref<128xi32, #tpu.memory_space<vmem>>
      %dma_start3A_309 = arith.constant 0 : i32
      %dma_start3A_310 = arith.constant 0 : i32
      %dma_start3A_311 = tpu.memref_slice %arg19[%dma_start3A_309, %dma_start3A_310] : memref<4096x16xf32, #tpu.memory_space<vmem_shared>> -> memref<4096x16xf32, #tpu.memory_space<vmem_shared>>
      tpu.enqueue_indirect_dma source(%dma_start3A_305 : memref<128x16xf32, #tpu.memory_space<vmem>>) target(%dma_start3A_311 : memref<4096x16xf32, #tpu.memory_space<vmem_shared>>) offsets(%dma_start3A_308 : memref<128xi32, #tpu.memory_space<vmem>>) semaphore(%arg18 : memref<!tpu.dma_semaphore, #tpu.memory_space<semaphore_mem>>) {add = true}
      %dma_start3A_312 = arith.constant 10 : i32
      %dma_start3A_313 = arith.constant 256 : i32
      %dma_start3A_314 = arith.constant 0 : i32
      %dma_start3A_315 = tpu.memref_slice %arg11[%dma_start3A_313, %dma_start3A_314] : memref<1024x16xf32, #tpu.memory_space<vmem>> -> memref<128x16xf32, #tpu.memory_space<vmem>>
      %dma_start3A_316 = arith.constant 0 : i32
      %dma_start3A_317 = tpu.memref_slice %arg16[%dma_start3A_312, %dma_start3A_316] : memref<32x128xi32, #tpu.memory_space<vmem>> -> memref<1x128xi32, #tpu.memory_space<vmem>>
      %dma_start3A_318 = tpu.memref_squeeze %dma_start3A_317 : memref<1x128xi32, #tpu.memory_space<vmem>> -> memref<128xi32, #tpu.memory_space<vmem>>
      %dma_start3A_319 = arith.constant 0 : i32
      %dma_start3A_320 = arith.constant 0 : i32
      %dma_start3A_321 = tpu.memref_slice %arg19[%dma_start3A_319, %dma_start3A_320] : memref<4096x16xf32, #tpu.memory_space<vmem_shared>> -> memref<4096x16xf32, #tpu.memory_space<vmem_shared>>
      tpu.enqueue_indirect_dma source(%dma_start3A_315 : memref<128x16xf32, #tpu.memory_space<vmem>>) target(%dma_start3A_321 : memref<4096x16xf32, #tpu.memory_space<vmem_shared>>) offsets(%dma_start3A_318 : memref<128xi32, #tpu.memory_space<vmem>>) semaphore(%arg18 : memref<!tpu.dma_semaphore, #tpu.memory_space<semaphore_mem>>) {add = true}
      %dma_start3A_322 = arith.constant 11 : i32
      %dma_start3A_323 = arith.constant 384 : i32
      %dma_start3A_324 = arith.constant 0 : i32
      %dma_start3A_325 = tpu.memref_slice %arg11[%dma_start3A_323, %dma_start3A_324] : memref<1024x16xf32, #tpu.memory_space<vmem>> -> memref<128x16xf32, #tpu.memory_space<vmem>>
      %dma_start3A_326 = arith.constant 0 : i32
      %dma_start3A_327 = tpu.memref_slice %arg16[%dma_start3A_322, %dma_start3A_326] : memref<32x128xi32, #tpu.memory_space<vmem>> -> memref<1x128xi32, #tpu.memory_space<vmem>>
      %dma_start3A_328 = tpu.memref_squeeze %dma_start3A_327 : memref<1x128xi32, #tpu.memory_space<vmem>> -> memref<128xi32, #tpu.memory_space<vmem>>
      %dma_start3A_329 = arith.constant 0 : i32
      %dma_start3A_330 = arith.constant 0 : i32
      %dma_start3A_331 = tpu.memref_slice %arg19[%dma_start3A_329, %dma_start3A_330] : memref<4096x16xf32, #tpu.memory_space<vmem_shared>> -> memref<4096x16xf32, #tpu.memory_space<vmem_shared>>
      tpu.enqueue_indirect_dma source(%dma_start3A_325 : memref<128x16xf32, #tpu.memory_space<vmem>>) target(%dma_start3A_331 : memref<4096x16xf32, #tpu.memory_space<vmem_shared>>) offsets(%dma_start3A_328 : memref<128xi32, #tpu.memory_space<vmem>>) semaphore(%arg18 : memref<!tpu.dma_semaphore, #tpu.memory_space<semaphore_mem>>) {add = true}
      %dma_start3A_332 = arith.constant 12 : i32
      %dma_start3A_333 = arith.constant 512 : i32
      %dma_start3A_334 = arith.constant 0 : i32
      %dma_start3A_335 = tpu.memref_slice %arg11[%dma_start3A_333, %dma_start3A_334] : memref<1024x16xf32, #tpu.memory_space<vmem>> -> memref<128x16xf32, #tpu.memory_space<vmem>>
      %dma_start3A_336 = arith.constant 0 : i32
      %dma_start3A_337 = tpu.memref_slice %arg16[%dma_start3A_332, %dma_start3A_336] : memref<32x128xi32, #tpu.memory_space<vmem>> -> memref<1x128xi32, #tpu.memory_space<vmem>>
      %dma_start3A_338 = tpu.memref_squeeze %dma_start3A_337 : memref<1x128xi32, #tpu.memory_space<vmem>> -> memref<128xi32, #tpu.memory_space<vmem>>
      %dma_start3A_339 = arith.constant 0 : i32
      %dma_start3A_340 = arith.constant 0 : i32
      %dma_start3A_341 = tpu.memref_slice %arg19[%dma_start3A_339, %dma_start3A_340] : memref<4096x16xf32, #tpu.memory_space<vmem_shared>> -> memref<4096x16xf32, #tpu.memory_space<vmem_shared>>
      tpu.enqueue_indirect_dma source(%dma_start3A_335 : memref<128x16xf32, #tpu.memory_space<vmem>>) target(%dma_start3A_341 : memref<4096x16xf32, #tpu.memory_space<vmem_shared>>) offsets(%dma_start3A_338 : memref<128xi32, #tpu.memory_space<vmem>>) semaphore(%arg18 : memref<!tpu.dma_semaphore, #tpu.memory_space<semaphore_mem>>) {add = true}
      %dma_start3A_342 = arith.constant 13 : i32
      %dma_start3A_343 = arith.constant 640 : i32
      %dma_start3A_344 = arith.constant 0 : i32
      %dma_start3A_345 = tpu.memref_slice %arg11[%dma_start3A_343, %dma_start3A_344] : memref<1024x16xf32, #tpu.memory_space<vmem>> -> memref<128x16xf32, #tpu.memory_space<vmem>>
      %dma_start3A_346 = arith.constant 0 : i32
      %dma_start3A_347 = tpu.memref_slice %arg16[%dma_start3A_342, %dma_start3A_346] : memref<32x128xi32, #tpu.memory_space<vmem>> -> memref<1x128xi32, #tpu.memory_space<vmem>>
      %dma_start3A_348 = tpu.memref_squeeze %dma_start3A_347 : memref<1x128xi32, #tpu.memory_space<vmem>> -> memref<128xi32, #tpu.memory_space<vmem>>
      %dma_start3A_349 = arith.constant 0 : i32
      %dma_start3A_350 = arith.constant 0 : i32
      %dma_start3A_351 = tpu.memref_slice %arg19[%dma_start3A_349, %dma_start3A_350] : memref<4096x16xf32, #tpu.memory_space<vmem_shared>> -> memref<4096x16xf32, #tpu.memory_space<vmem_shared>>
      tpu.enqueue_indirect_dma source(%dma_start3A_345 : memref<128x16xf32, #tpu.memory_space<vmem>>) target(%dma_start3A_351 : memref<4096x16xf32, #tpu.memory_space<vmem_shared>>) offsets(%dma_start3A_348 : memref<128xi32, #tpu.memory_space<vmem>>) semaphore(%arg18 : memref<!tpu.dma_semaphore, #tpu.memory_space<semaphore_mem>>) {add = true}
      %dma_start3A_352 = arith.constant 14 : i32
      %dma_start3A_353 = arith.constant 768 : i32
      %dma_start3A_354 = arith.constant 0 : i32
      %dma_start3A_355 = tpu.memref_slice %arg11[%dma_start3A_353, %dma_start3A_354] : memref<1024x16xf32, #tpu.memory_space<vmem>> -> memref<128x16xf32, #tpu.memory_space<vmem>>
      %dma_start3A_356 = arith.constant 0 : i32
      %dma_start3A_357 = tpu.memref_slice %arg16[%dma_start3A_352, %dma_start3A_356] : memref<32x128xi32, #tpu.memory_space<vmem>> -> memref<1x128xi32, #tpu.memory_space<vmem>>
      %dma_start3A_358 = tpu.memref_squeeze %dma_start3A_357 : memref<1x128xi32, #tpu.memory_space<vmem>> -> memref<128xi32, #tpu.memory_space<vmem>>
      %dma_start3A_359 = arith.constant 0 : i32
      %dma_start3A_360 = arith.constant 0 : i32
      %dma_start3A_361 = tpu.memref_slice %arg19[%dma_start3A_359, %dma_start3A_360] : memref<4096x16xf32, #tpu.memory_space<vmem_shared>> -> memref<4096x16xf32, #tpu.memory_space<vmem_shared>>
      tpu.enqueue_indirect_dma source(%dma_start3A_355 : memref<128x16xf32, #tpu.memory_space<vmem>>) target(%dma_start3A_361 : memref<4096x16xf32, #tpu.memory_space<vmem_shared>>) offsets(%dma_start3A_358 : memref<128xi32, #tpu.memory_space<vmem>>) semaphore(%arg18 : memref<!tpu.dma_semaphore, #tpu.memory_space<semaphore_mem>>) {add = true}
      %dma_start3A_362 = arith.constant 15 : i32
      %dma_start3A_363 = arith.constant 896 : i32
      %dma_start3A_364 = arith.constant 0 : i32
      %dma_start3A_365 = tpu.memref_slice %arg11[%dma_start3A_363, %dma_start3A_364] : memref<1024x16xf32, #tpu.memory_space<vmem>> -> memref<128x16xf32, #tpu.memory_space<vmem>>
      %dma_start3A_366 = arith.constant 0 : i32
      %dma_start3A_367 = tpu.memref_slice %arg16[%dma_start3A_362, %dma_start3A_366] : memref<32x128xi32, #tpu.memory_space<vmem>> -> memref<1x128xi32, #tpu.memory_space<vmem>>
      %dma_start3A_368 = tpu.memref_squeeze %dma_start3A_367 : memref<1x128xi32, #tpu.memory_space<vmem>> -> memref<128xi32, #tpu.memory_space<vmem>>
      %dma_start3A_369 = arith.constant 0 : i32
      %dma_start3A_370 = arith.constant 0 : i32
      %dma_start3A_371 = tpu.memref_slice %arg19[%dma_start3A_369, %dma_start3A_370] : memref<4096x16xf32, #tpu.memory_space<vmem_shared>> -> memref<4096x16xf32, #tpu.memory_space<vmem_shared>>
      tpu.enqueue_indirect_dma source(%dma_start3A_365 : memref<128x16xf32, #tpu.memory_space<vmem>>) target(%dma_start3A_371 : memref<4096x16xf32, #tpu.memory_space<vmem_shared>>) offsets(%dma_start3A_368 : memref<128xi32, #tpu.memory_space<vmem>>) semaphore(%arg18 : memref<!tpu.dma_semaphore, #tpu.memory_space<semaphore_mem>>) {add = true}
      %dma_start3A_372 = arith.constant 16 : i32
      %dma_start3A_373 = arith.constant 0 : i32
      %dma_start3A_374 = arith.constant 0 : i32
      %dma_start3A_375 = tpu.memref_slice %arg12[%dma_start3A_373, %dma_start3A_374] : memref<1024x16xf32, #tpu.memory_space<vmem>> -> memref<128x16xf32, #tpu.memory_space<vmem>>
      %dma_start3A_376 = arith.constant 0 : i32
      %dma_start3A_377 = tpu.memref_slice %arg16[%dma_start3A_372, %dma_start3A_376] : memref<32x128xi32, #tpu.memory_space<vmem>> -> memref<1x128xi32, #tpu.memory_space<vmem>>
      %dma_start3A_378 = tpu.memref_squeeze %dma_start3A_377 : memref<1x128xi32, #tpu.memory_space<vmem>> -> memref<128xi32, #tpu.memory_space<vmem>>
      %dma_start3A_379 = arith.constant 0 : i32
      %dma_start3A_380 = arith.constant 0 : i32
      %dma_start3A_381 = tpu.memref_slice %arg19[%dma_start3A_379, %dma_start3A_380] : memref<4096x16xf32, #tpu.memory_space<vmem_shared>> -> memref<4096x16xf32, #tpu.memory_space<vmem_shared>>
      tpu.enqueue_indirect_dma source(%dma_start3A_375 : memref<128x16xf32, #tpu.memory_space<vmem>>) target(%dma_start3A_381 : memref<4096x16xf32, #tpu.memory_space<vmem_shared>>) offsets(%dma_start3A_378 : memref<128xi32, #tpu.memory_space<vmem>>) semaphore(%arg18 : memref<!tpu.dma_semaphore, #tpu.memory_space<semaphore_mem>>) {add = true}
      %dma_start3A_382 = arith.constant 17 : i32
      %dma_start3A_383 = arith.constant 128 : i32
      %dma_start3A_384 = arith.constant 0 : i32
      %dma_start3A_385 = tpu.memref_slice %arg12[%dma_start3A_383, %dma_start3A_384] : memref<1024x16xf32, #tpu.memory_space<vmem>> -> memref<128x16xf32, #tpu.memory_space<vmem>>
      %dma_start3A_386 = arith.constant 0 : i32
      %dma_start3A_387 = tpu.memref_slice %arg16[%dma_start3A_382, %dma_start3A_386] : memref<32x128xi32, #tpu.memory_space<vmem>> -> memref<1x128xi32, #tpu.memory_space<vmem>>
      %dma_start3A_388 = tpu.memref_squeeze %dma_start3A_387 : memref<1x128xi32, #tpu.memory_space<vmem>> -> memref<128xi32, #tpu.memory_space<vmem>>
      %dma_start3A_389 = arith.constant 0 : i32
      %dma_start3A_390 = arith.constant 0 : i32
      %dma_start3A_391 = tpu.memref_slice %arg19[%dma_start3A_389, %dma_start3A_390] : memref<4096x16xf32, #tpu.memory_space<vmem_shared>> -> memref<4096x16xf32, #tpu.memory_space<vmem_shared>>
      tpu.enqueue_indirect_dma source(%dma_start3A_385 : memref<128x16xf32, #tpu.memory_space<vmem>>) target(%dma_start3A_391 : memref<4096x16xf32, #tpu.memory_space<vmem_shared>>) offsets(%dma_start3A_388 : memref<128xi32, #tpu.memory_space<vmem>>) semaphore(%arg18 : memref<!tpu.dma_semaphore, #tpu.memory_space<semaphore_mem>>) {add = true}
      %dma_start3A_392 = arith.constant 18 : i32
      %dma_start3A_393 = arith.constant 256 : i32
      %dma_start3A_394 = arith.constant 0 : i32
      %dma_start3A_395 = tpu.memref_slice %arg12[%dma_start3A_393, %dma_start3A_394] : memref<1024x16xf32, #tpu.memory_space<vmem>> -> memref<128x16xf32, #tpu.memory_space<vmem>>
      %dma_start3A_396 = arith.constant 0 : i32
      %dma_start3A_397 = tpu.memref_slice %arg16[%dma_start3A_392, %dma_start3A_396] : memref<32x128xi32, #tpu.memory_space<vmem>> -> memref<1x128xi32, #tpu.memory_space<vmem>>
      %dma_start3A_398 = tpu.memref_squeeze %dma_start3A_397 : memref<1x128xi32, #tpu.memory_space<vmem>> -> memref<128xi32, #tpu.memory_space<vmem>>
      %dma_start3A_399 = arith.constant 0 : i32
      %dma_start3A_400 = arith.constant 0 : i32
      %dma_start3A_401 = tpu.memref_slice %arg19[%dma_start3A_399, %dma_start3A_400] : memref<4096x16xf32, #tpu.memory_space<vmem_shared>> -> memref<4096x16xf32, #tpu.memory_space<vmem_shared>>
      tpu.enqueue_indirect_dma source(%dma_start3A_395 : memref<128x16xf32, #tpu.memory_space<vmem>>) target(%dma_start3A_401 : memref<4096x16xf32, #tpu.memory_space<vmem_shared>>) offsets(%dma_start3A_398 : memref<128xi32, #tpu.memory_space<vmem>>) semaphore(%arg18 : memref<!tpu.dma_semaphore, #tpu.memory_space<semaphore_mem>>) {add = true}
      %dma_start3A_402 = arith.constant 19 : i32
      %dma_start3A_403 = arith.constant 384 : i32
      %dma_start3A_404 = arith.constant 0 : i32
      %dma_start3A_405 = tpu.memref_slice %arg12[%dma_start3A_403, %dma_start3A_404] : memref<1024x16xf32, #tpu.memory_space<vmem>> -> memref<128x16xf32, #tpu.memory_space<vmem>>
      %dma_start3A_406 = arith.constant 0 : i32
      %dma_start3A_407 = tpu.memref_slice %arg16[%dma_start3A_402, %dma_start3A_406] : memref<32x128xi32, #tpu.memory_space<vmem>> -> memref<1x128xi32, #tpu.memory_space<vmem>>
      %dma_start3A_408 = tpu.memref_squeeze %dma_start3A_407 : memref<1x128xi32, #tpu.memory_space<vmem>> -> memref<128xi32, #tpu.memory_space<vmem>>
      %dma_start3A_409 = arith.constant 0 : i32
      %dma_start3A_410 = arith.constant 0 : i32
      %dma_start3A_411 = tpu.memref_slice %arg19[%dma_start3A_409, %dma_start3A_410] : memref<4096x16xf32, #tpu.memory_space<vmem_shared>> -> memref<4096x16xf32, #tpu.memory_space<vmem_shared>>
      tpu.enqueue_indirect_dma source(%dma_start3A_405 : memref<128x16xf32, #tpu.memory_space<vmem>>) target(%dma_start3A_411 : memref<4096x16xf32, #tpu.memory_space<vmem_shared>>) offsets(%dma_start3A_408 : memref<128xi32, #tpu.memory_space<vmem>>) semaphore(%arg18 : memref<!tpu.dma_semaphore, #tpu.memory_space<semaphore_mem>>) {add = true}
      %dma_start3A_412 = arith.constant 20 : i32
      %dma_start3A_413 = arith.constant 512 : i32
      %dma_start3A_414 = arith.constant 0 : i32
      %dma_start3A_415 = tpu.memref_slice %arg12[%dma_start3A_413, %dma_start3A_414] : memref<1024x16xf32, #tpu.memory_space<vmem>> -> memref<128x16xf32, #tpu.memory_space<vmem>>
      %dma_start3A_416 = arith.constant 0 : i32
      %dma_start3A_417 = tpu.memref_slice %arg16[%dma_start3A_412, %dma_start3A_416] : memref<32x128xi32, #tpu.memory_space<vmem>> -> memref<1x128xi32, #tpu.memory_space<vmem>>
      %dma_start3A_418 = tpu.memref_squeeze %dma_start3A_417 : memref<1x128xi32, #tpu.memory_space<vmem>> -> memref<128xi32, #tpu.memory_space<vmem>>
      %dma_start3A_419 = arith.constant 0 : i32
      %dma_start3A_420 = arith.constant 0 : i32
      %dma_start3A_421 = tpu.memref_slice %arg19[%dma_start3A_419, %dma_start3A_420] : memref<4096x16xf32, #tpu.memory_space<vmem_shared>> -> memref<4096x16xf32, #tpu.memory_space<vmem_shared>>
      tpu.enqueue_indirect_dma source(%dma_start3A_415 : memref<128x16xf32, #tpu.memory_space<vmem>>) target(%dma_start3A_421 : memref<4096x16xf32, #tpu.memory_space<vmem_shared>>) offsets(%dma_start3A_418 : memref<128xi32, #tpu.memory_space<vmem>>) semaphore(%arg18 : memref<!tpu.dma_semaphore, #tpu.memory_space<semaphore_mem>>) {add = true}
      %dma_start3A_422 = arith.constant 21 : i32
      %dma_start3A_423 = arith.constant 640 : i32
      %dma_start3A_424 = arith.constant 0 : i32
      %dma_start3A_425 = tpu.memref_slice %arg12[%dma_start3A_423, %dma_start3A_424] : memref<1024x16xf32, #tpu.memory_space<vmem>> -> memref<128x16xf32, #tpu.memory_space<vmem>>
      %dma_start3A_426 = arith.constant 0 : i32
      %dma_start3A_427 = tpu.memref_slice %arg16[%dma_start3A_422, %dma_start3A_426] : memref<32x128xi32, #tpu.memory_space<vmem>> -> memref<1x128xi32, #tpu.memory_space<vmem>>
      %dma_start3A_428 = tpu.memref_squeeze %dma_start3A_427 : memref<1x128xi32, #tpu.memory_space<vmem>> -> memref<128xi32, #tpu.memory_space<vmem>>
      %dma_start3A_429 = arith.constant 0 : i32
      %dma_start3A_430 = arith.constant 0 : i32
      %dma_start3A_431 = tpu.memref_slice %arg19[%dma_start3A_429, %dma_start3A_430] : memref<4096x16xf32, #tpu.memory_space<vmem_shared>> -> memref<4096x16xf32, #tpu.memory_space<vmem_shared>>
      tpu.enqueue_indirect_dma source(%dma_start3A_425 : memref<128x16xf32, #tpu.memory_space<vmem>>) target(%dma_start3A_431 : memref<4096x16xf32, #tpu.memory_space<vmem_shared>>) offsets(%dma_start3A_428 : memref<128xi32, #tpu.memory_space<vmem>>) semaphore(%arg18 : memref<!tpu.dma_semaphore, #tpu.memory_space<semaphore_mem>>) {add = true}
      %dma_start3A_432 = arith.constant 22 : i32
      %dma_start3A_433 = arith.constant 768 : i32
      %dma_start3A_434 = arith.constant 0 : i32
      %dma_start3A_435 = tpu.memref_slice %arg12[%dma_start3A_433, %dma_start3A_434] : memref<1024x16xf32, #tpu.memory_space<vmem>> -> memref<128x16xf32, #tpu.memory_space<vmem>>
      %dma_start3A_436 = arith.constant 0 : i32
      %dma_start3A_437 = tpu.memref_slice %arg16[%dma_start3A_432, %dma_start3A_436] : memref<32x128xi32, #tpu.memory_space<vmem>> -> memref<1x128xi32, #tpu.memory_space<vmem>>
      %dma_start3A_438 = tpu.memref_squeeze %dma_start3A_437 : memref<1x128xi32, #tpu.memory_space<vmem>> -> memref<128xi32, #tpu.memory_space<vmem>>
      %dma_start3A_439 = arith.constant 0 : i32
      %dma_start3A_440 = arith.constant 0 : i32
      %dma_start3A_441 = tpu.memref_slice %arg19[%dma_start3A_439, %dma_start3A_440] : memref<4096x16xf32, #tpu.memory_space<vmem_shared>> -> memref<4096x16xf32, #tpu.memory_space<vmem_shared>>
      tpu.enqueue_indirect_dma source(%dma_start3A_435 : memref<128x16xf32, #tpu.memory_space<vmem>>) target(%dma_start3A_441 : memref<4096x16xf32, #tpu.memory_space<vmem_shared>>) offsets(%dma_start3A_438 : memref<128xi32, #tpu.memory_space<vmem>>) semaphore(%arg18 : memref<!tpu.dma_semaphore, #tpu.memory_space<semaphore_mem>>) {add = true}
      %dma_start3A_442 = arith.constant 23 : i32
      %dma_start3A_443 = arith.constant 896 : i32
      %dma_start3A_444 = arith.constant 0 : i32
      %dma_start3A_445 = tpu.memref_slice %arg12[%dma_start3A_443, %dma_start3A_444] : memref<1024x16xf32, #tpu.memory_space<vmem>> -> memref<128x16xf32, #tpu.memory_space<vmem>>
      %dma_start3A_446 = arith.constant 0 : i32
      %dma_start3A_447 = tpu.memref_slice %arg16[%dma_start3A_442, %dma_start3A_446] : memref<32x128xi32, #tpu.memory_space<vmem>> -> memref<1x128xi32, #tpu.memory_space<vmem>>
      %dma_start3A_448 = tpu.memref_squeeze %dma_start3A_447 : memref<1x128xi32, #tpu.memory_space<vmem>> -> memref<128xi32, #tpu.memory_space<vmem>>
      %dma_start3A_449 = arith.constant 0 : i32
      %dma_start3A_450 = arith.constant 0 : i32
      %dma_start3A_451 = tpu.memref_slice %arg19[%dma_start3A_449, %dma_start3A_450] : memref<4096x16xf32, #tpu.memory_space<vmem_shared>> -> memref<4096x16xf32, #tpu.memory_space<vmem_shared>>
      tpu.enqueue_indirect_dma source(%dma_start3A_445 : memref<128x16xf32, #tpu.memory_space<vmem>>) target(%dma_start3A_451 : memref<4096x16xf32, #tpu.memory_space<vmem_shared>>) offsets(%dma_start3A_448 : memref<128xi32, #tpu.memory_space<vmem>>) semaphore(%arg18 : memref<!tpu.dma_semaphore, #tpu.memory_space<semaphore_mem>>) {add = true}
      %dma_start3A_452 = arith.constant 24 : i32
      %dma_start3A_453 = arith.constant 0 : i32
      %dma_start3A_454 = arith.constant 0 : i32
      %dma_start3A_455 = tpu.memref_slice %arg13[%dma_start3A_453, %dma_start3A_454] : memref<1024x16xf32, #tpu.memory_space<vmem>> -> memref<128x16xf32, #tpu.memory_space<vmem>>
      %dma_start3A_456 = arith.constant 0 : i32
      %dma_start3A_457 = tpu.memref_slice %arg16[%dma_start3A_452, %dma_start3A_456] : memref<32x128xi32, #tpu.memory_space<vmem>> -> memref<1x128xi32, #tpu.memory_space<vmem>>
      %dma_start3A_458 = tpu.memref_squeeze %dma_start3A_457 : memref<1x128xi32, #tpu.memory_space<vmem>> -> memref<128xi32, #tpu.memory_space<vmem>>
      %dma_start3A_459 = arith.constant 0 : i32
      %dma_start3A_460 = arith.constant 0 : i32
      %dma_start3A_461 = tpu.memref_slice %arg19[%dma_start3A_459, %dma_start3A_460] : memref<4096x16xf32, #tpu.memory_space<vmem_shared>> -> memref<4096x16xf32, #tpu.memory_space<vmem_shared>>
      tpu.enqueue_indirect_dma source(%dma_start3A_455 : memref<128x16xf32, #tpu.memory_space<vmem>>) target(%dma_start3A_461 : memref<4096x16xf32, #tpu.memory_space<vmem_shared>>) offsets(%dma_start3A_458 : memref<128xi32, #tpu.memory_space<vmem>>) semaphore(%arg18 : memref<!tpu.dma_semaphore, #tpu.memory_space<semaphore_mem>>) {add = true}
      %dma_start3A_462 = arith.constant 25 : i32
      %dma_start3A_463 = arith.constant 128 : i32
      %dma_start3A_464 = arith.constant 0 : i32
      %dma_start3A_465 = tpu.memref_slice %arg13[%dma_start3A_463, %dma_start3A_464] : memref<1024x16xf32, #tpu.memory_space<vmem>> -> memref<128x16xf32, #tpu.memory_space<vmem>>
      %dma_start3A_466 = arith.constant 0 : i32
      %dma_start3A_467 = tpu.memref_slice %arg16[%dma_start3A_462, %dma_start3A_466] : memref<32x128xi32, #tpu.memory_space<vmem>> -> memref<1x128xi32, #tpu.memory_space<vmem>>
      %dma_start3A_468 = tpu.memref_squeeze %dma_start3A_467 : memref<1x128xi32, #tpu.memory_space<vmem>> -> memref<128xi32, #tpu.memory_space<vmem>>
      %dma_start3A_469 = arith.constant 0 : i32
      %dma_start3A_470 = arith.constant 0 : i32
      %dma_start3A_471 = tpu.memref_slice %arg19[%dma_start3A_469, %dma_start3A_470] : memref<4096x16xf32, #tpu.memory_space<vmem_shared>> -> memref<4096x16xf32, #tpu.memory_space<vmem_shared>>
      tpu.enqueue_indirect_dma source(%dma_start3A_465 : memref<128x16xf32, #tpu.memory_space<vmem>>) target(%dma_start3A_471 : memref<4096x16xf32, #tpu.memory_space<vmem_shared>>) offsets(%dma_start3A_468 : memref<128xi32, #tpu.memory_space<vmem>>) semaphore(%arg18 : memref<!tpu.dma_semaphore, #tpu.memory_space<semaphore_mem>>) {add = true}
      %dma_start3A_472 = arith.constant 26 : i32
      %dma_start3A_473 = arith.constant 256 : i32
      %dma_start3A_474 = arith.constant 0 : i32
      %dma_start3A_475 = tpu.memref_slice %arg13[%dma_start3A_473, %dma_start3A_474] : memref<1024x16xf32, #tpu.memory_space<vmem>> -> memref<128x16xf32, #tpu.memory_space<vmem>>
      %dma_start3A_476 = arith.constant 0 : i32
      %dma_start3A_477 = tpu.memref_slice %arg16[%dma_start3A_472, %dma_start3A_476] : memref<32x128xi32, #tpu.memory_space<vmem>> -> memref<1x128xi32, #tpu.memory_space<vmem>>
      %dma_start3A_478 = tpu.memref_squeeze %dma_start3A_477 : memref<1x128xi32, #tpu.memory_space<vmem>> -> memref<128xi32, #tpu.memory_space<vmem>>
      %dma_start3A_479 = arith.constant 0 : i32
      %dma_start3A_480 = arith.constant 0 : i32
      %dma_start3A_481 = tpu.memref_slice %arg19[%dma_start3A_479, %dma_start3A_480] : memref<4096x16xf32, #tpu.memory_space<vmem_shared>> -> memref<4096x16xf32, #tpu.memory_space<vmem_shared>>
      tpu.enqueue_indirect_dma source(%dma_start3A_475 : memref<128x16xf32, #tpu.memory_space<vmem>>) target(%dma_start3A_481 : memref<4096x16xf32, #tpu.memory_space<vmem_shared>>) offsets(%dma_start3A_478 : memref<128xi32, #tpu.memory_space<vmem>>) semaphore(%arg18 : memref<!tpu.dma_semaphore, #tpu.memory_space<semaphore_mem>>) {add = true}
      %dma_start3A_482 = arith.constant 27 : i32
      %dma_start3A_483 = arith.constant 384 : i32
      %dma_start3A_484 = arith.constant 0 : i32
      %dma_start3A_485 = tpu.memref_slice %arg13[%dma_start3A_483, %dma_start3A_484] : memref<1024x16xf32, #tpu.memory_space<vmem>> -> memref<128x16xf32, #tpu.memory_space<vmem>>
      %dma_start3A_486 = arith.constant 0 : i32
      %dma_start3A_487 = tpu.memref_slice %arg16[%dma_start3A_482, %dma_start3A_486] : memref<32x128xi32, #tpu.memory_space<vmem>> -> memref<1x128xi32, #tpu.memory_space<vmem>>
      %dma_start3A_488 = tpu.memref_squeeze %dma_start3A_487 : memref<1x128xi32, #tpu.memory_space<vmem>> -> memref<128xi32, #tpu.memory_space<vmem>>
      %dma_start3A_489 = arith.constant 0 : i32
      %dma_start3A_490 = arith.constant 0 : i32
      %dma_start3A_491 = tpu.memref_slice %arg19[%dma_start3A_489, %dma_start3A_490] : memref<4096x16xf32, #tpu.memory_space<vmem_shared>> -> memref<4096x16xf32, #tpu.memory_space<vmem_shared>>
      tpu.enqueue_indirect_dma source(%dma_start3A_485 : memref<128x16xf32, #tpu.memory_space<vmem>>) target(%dma_start3A_491 : memref<4096x16xf32, #tpu.memory_space<vmem_shared>>) offsets(%dma_start3A_488 : memref<128xi32, #tpu.memory_space<vmem>>) semaphore(%arg18 : memref<!tpu.dma_semaphore, #tpu.memory_space<semaphore_mem>>) {add = true}
      %dma_start3A_492 = arith.constant 28 : i32
      %dma_start3A_493 = arith.constant 512 : i32
      %dma_start3A_494 = arith.constant 0 : i32
      %dma_start3A_495 = tpu.memref_slice %arg13[%dma_start3A_493, %dma_start3A_494] : memref<1024x16xf32, #tpu.memory_space<vmem>> -> memref<128x16xf32, #tpu.memory_space<vmem>>
      %dma_start3A_496 = arith.constant 0 : i32
      %dma_start3A_497 = tpu.memref_slice %arg16[%dma_start3A_492, %dma_start3A_496] : memref<32x128xi32, #tpu.memory_space<vmem>> -> memref<1x128xi32, #tpu.memory_space<vmem>>
      %dma_start3A_498 = tpu.memref_squeeze %dma_start3A_497 : memref<1x128xi32, #tpu.memory_space<vmem>> -> memref<128xi32, #tpu.memory_space<vmem>>
      %dma_start3A_499 = arith.constant 0 : i32
      %dma_start3A_500 = arith.constant 0 : i32
      %dma_start3A_501 = tpu.memref_slice %arg19[%dma_start3A_499, %dma_start3A_500] : memref<4096x16xf32, #tpu.memory_space<vmem_shared>> -> memref<4096x16xf32, #tpu.memory_space<vmem_shared>>
      tpu.enqueue_indirect_dma source(%dma_start3A_495 : memref<128x16xf32, #tpu.memory_space<vmem>>) target(%dma_start3A_501 : memref<4096x16xf32, #tpu.memory_space<vmem_shared>>) offsets(%dma_start3A_498 : memref<128xi32, #tpu.memory_space<vmem>>) semaphore(%arg18 : memref<!tpu.dma_semaphore, #tpu.memory_space<semaphore_mem>>) {add = true}
      %dma_start3A_502 = arith.constant 29 : i32
      %dma_start3A_503 = arith.constant 640 : i32
      %dma_start3A_504 = arith.constant 0 : i32
      %dma_start3A_505 = tpu.memref_slice %arg13[%dma_start3A_503, %dma_start3A_504] : memref<1024x16xf32, #tpu.memory_space<vmem>> -> memref<128x16xf32, #tpu.memory_space<vmem>>
      %dma_start3A_506 = arith.constant 0 : i32
      %dma_start3A_507 = tpu.memref_slice %arg16[%dma_start3A_502, %dma_start3A_506] : memref<32x128xi32, #tpu.memory_space<vmem>> -> memref<1x128xi32, #tpu.memory_space<vmem>>
      %dma_start3A_508 = tpu.memref_squeeze %dma_start3A_507 : memref<1x128xi32, #tpu.memory_space<vmem>> -> memref<128xi32, #tpu.memory_space<vmem>>
      %dma_start3A_509 = arith.constant 0 : i32
      %dma_start3A_510 = arith.constant 0 : i32
      %dma_start3A_511 = tpu.memref_slice %arg19[%dma_start3A_509, %dma_start3A_510] : memref<4096x16xf32, #tpu.memory_space<vmem_shared>> -> memref<4096x16xf32, #tpu.memory_space<vmem_shared>>
      tpu.enqueue_indirect_dma source(%dma_start3A_505 : memref<128x16xf32, #tpu.memory_space<vmem>>) target(%dma_start3A_511 : memref<4096x16xf32, #tpu.memory_space<vmem_shared>>) offsets(%dma_start3A_508 : memref<128xi32, #tpu.memory_space<vmem>>) semaphore(%arg18 : memref<!tpu.dma_semaphore, #tpu.memory_space<semaphore_mem>>) {add = true}
      %dma_start3A_512 = arith.constant 30 : i32
      %dma_start3A_513 = arith.constant 768 : i32
      %dma_start3A_514 = arith.constant 0 : i32
      %dma_start3A_515 = tpu.memref_slice %arg13[%dma_start3A_513, %dma_start3A_514] : memref<1024x16xf32, #tpu.memory_space<vmem>> -> memref<128x16xf32, #tpu.memory_space<vmem>>
      %dma_start3A_516 = arith.constant 0 : i32
      %dma_start3A_517 = tpu.memref_slice %arg16[%dma_start3A_512, %dma_start3A_516] : memref<32x128xi32, #tpu.memory_space<vmem>> -> memref<1x128xi32, #tpu.memory_space<vmem>>
      %dma_start3A_518 = tpu.memref_squeeze %dma_start3A_517 : memref<1x128xi32, #tpu.memory_space<vmem>> -> memref<128xi32, #tpu.memory_space<vmem>>
      %dma_start3A_519 = arith.constant 0 : i32
      %dma_start3A_520 = arith.constant 0 : i32
      %dma_start3A_521 = tpu.memref_slice %arg19[%dma_start3A_519, %dma_start3A_520] : memref<4096x16xf32, #tpu.memory_space<vmem_shared>> -> memref<4096x16xf32, #tpu.memory_space<vmem_shared>>
      tpu.enqueue_indirect_dma source(%dma_start3A_515 : memref<128x16xf32, #tpu.memory_space<vmem>>) target(%dma_start3A_521 : memref<4096x16xf32, #tpu.memory_space<vmem_shared>>) offsets(%dma_start3A_518 : memref<128xi32, #tpu.memory_space<vmem>>) semaphore(%arg18 : memref<!tpu.dma_semaphore, #tpu.memory_space<semaphore_mem>>) {add = true}
      %dma_start3A_522 = arith.constant 31 : i32
      %dma_start3A_523 = arith.constant 896 : i32
      %dma_start3A_524 = arith.constant 0 : i32
      %dma_start3A_525 = tpu.memref_slice %arg13[%dma_start3A_523, %dma_start3A_524] : memref<1024x16xf32, #tpu.memory_space<vmem>> -> memref<128x16xf32, #tpu.memory_space<vmem>>
      %dma_start3A_526 = arith.constant 0 : i32
      %dma_start3A_527 = tpu.memref_slice %arg16[%dma_start3A_522, %dma_start3A_526] : memref<32x128xi32, #tpu.memory_space<vmem>> -> memref<1x128xi32, #tpu.memory_space<vmem>>
      %dma_start3A_528 = tpu.memref_squeeze %dma_start3A_527 : memref<1x128xi32, #tpu.memory_space<vmem>> -> memref<128xi32, #tpu.memory_space<vmem>>
      %dma_start3A_529 = arith.constant 0 : i32
      %dma_start3A_530 = arith.constant 0 : i32
      %dma_start3A_531 = tpu.memref_slice %arg19[%dma_start3A_529, %dma_start3A_530] : memref<4096x16xf32, #tpu.memory_space<vmem_shared>> -> memref<4096x16xf32, #tpu.memory_space<vmem_shared>>
      tpu.enqueue_indirect_dma source(%dma_start3A_525 : memref<128x16xf32, #tpu.memory_space<vmem>>) target(%dma_start3A_531 : memref<4096x16xf32, #tpu.memory_space<vmem_shared>>) offsets(%dma_start3A_528 : memref<128xi32, #tpu.memory_space<vmem>>) semaphore(%arg18 : memref<!tpu.dma_semaphore, #tpu.memory_space<semaphore_mem>>) {add = true}
      %dma_wait3A = arith.constant 0 : i32
      %dma_wait3A_532 = arith.constant 0 : i32
      %dma_wait3A_533 = arith.constant 0 : i32
      %dma_wait3A_534 = tpu.memref_slice %arg10[%dma_wait3A_532, %dma_wait3A_533] : memref<1024x16xf32, #tpu.memory_space<vmem>> -> memref<128x16xf32, #tpu.memory_space<vmem>>
      %dma_wait3A_535 = arith.constant 0 : i32
      %dma_wait3A_536 = tpu.memref_slice %arg16[%dma_wait3A, %dma_wait3A_535] : memref<32x128xi32, #tpu.memory_space<vmem>> -> memref<1x128xi32, #tpu.memory_space<vmem>>
      %dma_wait3A_537 = tpu.memref_squeeze %dma_wait3A_536 : memref<1x128xi32, #tpu.memory_space<vmem>> -> memref<128xi32, #tpu.memory_space<vmem>>
      %dma_wait3A_538 = arith.constant 0 : i32
      %dma_wait3A_539 = arith.constant 0 : i32
      %dma_wait3A_540 = tpu.memref_slice %arg19[%dma_wait3A_538, %dma_wait3A_539] : memref<4096x16xf32, #tpu.memory_space<vmem_shared>> -> memref<4096x16xf32, #tpu.memory_space<vmem_shared>>
      tpu.wait_indirect_dma semaphore(%arg18 : memref<!tpu.dma_semaphore, #tpu.memory_space<semaphore_mem>>) src(%dma_wait3A_534 : memref<128x16xf32, #tpu.memory_space<vmem>>) dst(%dma_wait3A_540 : memref<4096x16xf32, #tpu.memory_space<vmem_shared>>)
      %dma_wait3A_541 = arith.constant 1 : i32
      %dma_wait3A_542 = arith.constant 128 : i32
      %dma_wait3A_543 = arith.constant 0 : i32
      %dma_wait3A_544 = tpu.memref_slice %arg10[%dma_wait3A_542, %dma_wait3A_543] : memref<1024x16xf32, #tpu.memory_space<vmem>> -> memref<128x16xf32, #tpu.memory_space<vmem>>
      %dma_wait3A_545 = arith.constant 0 : i32
      %dma_wait3A_546 = tpu.memref_slice %arg16[%dma_wait3A_541, %dma_wait3A_545] : memref<32x128xi32, #tpu.memory_space<vmem>> -> memref<1x128xi32, #tpu.memory_space<vmem>>
      %dma_wait3A_547 = tpu.memref_squeeze %dma_wait3A_546 : memref<1x128xi32, #tpu.memory_space<vmem>> -> memref<128xi32, #tpu.memory_space<vmem>>
      %dma_wait3A_548 = arith.constant 0 : i32
      %dma_wait3A_549 = arith.constant 0 : i32
      %dma_wait3A_550 = tpu.memref_slice %arg19[%dma_wait3A_548, %dma_wait3A_549] : memref<4096x16xf32, #tpu.memory_space<vmem_shared>> -> memref<4096x16xf32, #tpu.memory_space<vmem_shared>>
      tpu.wait_indirect_dma semaphore(%arg18 : memref<!tpu.dma_semaphore, #tpu.memory_space<semaphore_mem>>) src(%dma_wait3A_544 : memref<128x16xf32, #tpu.memory_space<vmem>>) dst(%dma_wait3A_550 : memref<4096x16xf32, #tpu.memory_space<vmem_shared>>)
      %dma_wait3A_551 = arith.constant 2 : i32
      %dma_wait3A_552 = arith.constant 256 : i32
      %dma_wait3A_553 = arith.constant 0 : i32
      %dma_wait3A_554 = tpu.memref_slice %arg10[%dma_wait3A_552, %dma_wait3A_553] : memref<1024x16xf32, #tpu.memory_space<vmem>> -> memref<128x16xf32, #tpu.memory_space<vmem>>
      %dma_wait3A_555 = arith.constant 0 : i32
      %dma_wait3A_556 = tpu.memref_slice %arg16[%dma_wait3A_551, %dma_wait3A_555] : memref<32x128xi32, #tpu.memory_space<vmem>> -> memref<1x128xi32, #tpu.memory_space<vmem>>
      %dma_wait3A_557 = tpu.memref_squeeze %dma_wait3A_556 : memref<1x128xi32, #tpu.memory_space<vmem>> -> memref<128xi32, #tpu.memory_space<vmem>>
      %dma_wait3A_558 = arith.constant 0 : i32
      %dma_wait3A_559 = arith.constant 0 : i32
      %dma_wait3A_560 = tpu.memref_slice %arg19[%dma_wait3A_558, %dma_wait3A_559] : memref<4096x16xf32, #tpu.memory_space<vmem_shared>> -> memref<4096x16xf32, #tpu.memory_space<vmem_shared>>
      tpu.wait_indirect_dma semaphore(%arg18 : memref<!tpu.dma_semaphore, #tpu.memory_space<semaphore_mem>>) src(%dma_wait3A_554 : memref<128x16xf32, #tpu.memory_space<vmem>>) dst(%dma_wait3A_560 : memref<4096x16xf32, #tpu.memory_space<vmem_shared>>)
      %dma_wait3A_561 = arith.constant 3 : i32
      %dma_wait3A_562 = arith.constant 384 : i32
      %dma_wait3A_563 = arith.constant 0 : i32
      %dma_wait3A_564 = tpu.memref_slice %arg10[%dma_wait3A_562, %dma_wait3A_563] : memref<1024x16xf32, #tpu.memory_space<vmem>> -> memref<128x16xf32, #tpu.memory_space<vmem>>
      %dma_wait3A_565 = arith.constant 0 : i32
      %dma_wait3A_566 = tpu.memref_slice %arg16[%dma_wait3A_561, %dma_wait3A_565] : memref<32x128xi32, #tpu.memory_space<vmem>> -> memref<1x128xi32, #tpu.memory_space<vmem>>
      %dma_wait3A_567 = tpu.memref_squeeze %dma_wait3A_566 : memref<1x128xi32, #tpu.memory_space<vmem>> -> memref<128xi32, #tpu.memory_space<vmem>>
      %dma_wait3A_568 = arith.constant 0 : i32
      %dma_wait3A_569 = arith.constant 0 : i32
      %dma_wait3A_570 = tpu.memref_slice %arg19[%dma_wait3A_568, %dma_wait3A_569] : memref<4096x16xf32, #tpu.memory_space<vmem_shared>> -> memref<4096x16xf32, #tpu.memory_space<vmem_shared>>
      tpu.wait_indirect_dma semaphore(%arg18 : memref<!tpu.dma_semaphore, #tpu.memory_space<semaphore_mem>>) src(%dma_wait3A_564 : memref<128x16xf32, #tpu.memory_space<vmem>>) dst(%dma_wait3A_570 : memref<4096x16xf32, #tpu.memory_space<vmem_shared>>)
      %dma_wait3A_571 = arith.constant 4 : i32
      %dma_wait3A_572 = arith.constant 512 : i32
      %dma_wait3A_573 = arith.constant 0 : i32
      %dma_wait3A_574 = tpu.memref_slice %arg10[%dma_wait3A_572, %dma_wait3A_573] : memref<1024x16xf32, #tpu.memory_space<vmem>> -> memref<128x16xf32, #tpu.memory_space<vmem>>
      %dma_wait3A_575 = arith.constant 0 : i32
      %dma_wait3A_576 = tpu.memref_slice %arg16[%dma_wait3A_571, %dma_wait3A_575] : memref<32x128xi32, #tpu.memory_space<vmem>> -> memref<1x128xi32, #tpu.memory_space<vmem>>
      %dma_wait3A_577 = tpu.memref_squeeze %dma_wait3A_576 : memref<1x128xi32, #tpu.memory_space<vmem>> -> memref<128xi32, #tpu.memory_space<vmem>>
      %dma_wait3A_578 = arith.constant 0 : i32
      %dma_wait3A_579 = arith.constant 0 : i32
      %dma_wait3A_580 = tpu.memref_slice %arg19[%dma_wait3A_578, %dma_wait3A_579] : memref<4096x16xf32, #tpu.memory_space<vmem_shared>> -> memref<4096x16xf32, #tpu.memory_space<vmem_shared>>
      tpu.wait_indirect_dma semaphore(%arg18 : memref<!tpu.dma_semaphore, #tpu.memory_space<semaphore_mem>>) src(%dma_wait3A_574 : memref<128x16xf32, #tpu.memory_space<vmem>>) dst(%dma_wait3A_580 : memref<4096x16xf32, #tpu.memory_space<vmem_shared>>)
      %dma_wait3A_581 = arith.constant 5 : i32
      %dma_wait3A_582 = arith.constant 640 : i32
      %dma_wait3A_583 = arith.constant 0 : i32
      %dma_wait3A_584 = tpu.memref_slice %arg10[%dma_wait3A_582, %dma_wait3A_583] : memref<1024x16xf32, #tpu.memory_space<vmem>> -> memref<128x16xf32, #tpu.memory_space<vmem>>
      %dma_wait3A_585 = arith.constant 0 : i32
      %dma_wait3A_586 = tpu.memref_slice %arg16[%dma_wait3A_581, %dma_wait3A_585] : memref<32x128xi32, #tpu.memory_space<vmem>> -> memref<1x128xi32, #tpu.memory_space<vmem>>
      %dma_wait3A_587 = tpu.memref_squeeze %dma_wait3A_586 : memref<1x128xi32, #tpu.memory_space<vmem>> -> memref<128xi32, #tpu.memory_space<vmem>>
      %dma_wait3A_588 = arith.constant 0 : i32
      %dma_wait3A_589 = arith.constant 0 : i32
      %dma_wait3A_590 = tpu.memref_slice %arg19[%dma_wait3A_588, %dma_wait3A_589] : memref<4096x16xf32, #tpu.memory_space<vmem_shared>> -> memref<4096x16xf32, #tpu.memory_space<vmem_shared>>
      tpu.wait_indirect_dma semaphore(%arg18 : memref<!tpu.dma_semaphore, #tpu.memory_space<semaphore_mem>>) src(%dma_wait3A_584 : memref<128x16xf32, #tpu.memory_space<vmem>>) dst(%dma_wait3A_590 : memref<4096x16xf32, #tpu.memory_space<vmem_shared>>)
      %dma_wait3A_591 = arith.constant 6 : i32
      %dma_wait3A_592 = arith.constant 768 : i32
      %dma_wait3A_593 = arith.constant 0 : i32
      %dma_wait3A_594 = tpu.memref_slice %arg10[%dma_wait3A_592, %dma_wait3A_593] : memref<1024x16xf32, #tpu.memory_space<vmem>> -> memref<128x16xf32, #tpu.memory_space<vmem>>
      %dma_wait3A_595 = arith.constant 0 : i32
      %dma_wait3A_596 = tpu.memref_slice %arg16[%dma_wait3A_591, %dma_wait3A_595] : memref<32x128xi32, #tpu.memory_space<vmem>> -> memref<1x128xi32, #tpu.memory_space<vmem>>
      %dma_wait3A_597 = tpu.memref_squeeze %dma_wait3A_596 : memref<1x128xi32, #tpu.memory_space<vmem>> -> memref<128xi32, #tpu.memory_space<vmem>>
      %dma_wait3A_598 = arith.constant 0 : i32
      %dma_wait3A_599 = arith.constant 0 : i32
      %dma_wait3A_600 = tpu.memref_slice %arg19[%dma_wait3A_598, %dma_wait3A_599] : memref<4096x16xf32, #tpu.memory_space<vmem_shared>> -> memref<4096x16xf32, #tpu.memory_space<vmem_shared>>
      tpu.wait_indirect_dma semaphore(%arg18 : memref<!tpu.dma_semaphore, #tpu.memory_space<semaphore_mem>>) src(%dma_wait3A_594 : memref<128x16xf32, #tpu.memory_space<vmem>>) dst(%dma_wait3A_600 : memref<4096x16xf32, #tpu.memory_space<vmem_shared>>)
      %dma_wait3A_601 = arith.constant 7 : i32
      %dma_wait3A_602 = arith.constant 896 : i32
      %dma_wait3A_603 = arith.constant 0 : i32
      %dma_wait3A_604 = tpu.memref_slice %arg10[%dma_wait3A_602, %dma_wait3A_603] : memref<1024x16xf32, #tpu.memory_space<vmem>> -> memref<128x16xf32, #tpu.memory_space<vmem>>
      %dma_wait3A_605 = arith.constant 0 : i32
      %dma_wait3A_606 = tpu.memref_slice %arg16[%dma_wait3A_601, %dma_wait3A_605] : memref<32x128xi32, #tpu.memory_space<vmem>> -> memref<1x128xi32, #tpu.memory_space<vmem>>
      %dma_wait3A_607 = tpu.memref_squeeze %dma_wait3A_606 : memref<1x128xi32, #tpu.memory_space<vmem>> -> memref<128xi32, #tpu.memory_space<vmem>>
      %dma_wait3A_608 = arith.constant 0 : i32
      %dma_wait3A_609 = arith.constant 0 : i32
      %dma_wait3A_610 = tpu.memref_slice %arg19[%dma_wait3A_608, %dma_wait3A_609] : memref<4096x16xf32, #tpu.memory_space<vmem_shared>> -> memref<4096x16xf32, #tpu.memory_space<vmem_shared>>
      tpu.wait_indirect_dma semaphore(%arg18 : memref<!tpu.dma_semaphore, #tpu.memory_space<semaphore_mem>>) src(%dma_wait3A_604 : memref<128x16xf32, #tpu.memory_space<vmem>>) dst(%dma_wait3A_610 : memref<4096x16xf32, #tpu.memory_space<vmem_shared>>)
      %dma_wait3A_611 = arith.constant 8 : i32
      %dma_wait3A_612 = arith.constant 0 : i32
      %dma_wait3A_613 = arith.constant 0 : i32
      %dma_wait3A_614 = tpu.memref_slice %arg11[%dma_wait3A_612, %dma_wait3A_613] : memref<1024x16xf32, #tpu.memory_space<vmem>> -> memref<128x16xf32, #tpu.memory_space<vmem>>
      %dma_wait3A_615 = arith.constant 0 : i32
      %dma_wait3A_616 = tpu.memref_slice %arg16[%dma_wait3A_611, %dma_wait3A_615] : memref<32x128xi32, #tpu.memory_space<vmem>> -> memref<1x128xi32, #tpu.memory_space<vmem>>
      %dma_wait3A_617 = tpu.memref_squeeze %dma_wait3A_616 : memref<1x128xi32, #tpu.memory_space<vmem>> -> memref<128xi32, #tpu.memory_space<vmem>>
      %dma_wait3A_618 = arith.constant 0 : i32
      %dma_wait3A_619 = arith.constant 0 : i32
      %dma_wait3A_620 = tpu.memref_slice %arg19[%dma_wait3A_618, %dma_wait3A_619] : memref<4096x16xf32, #tpu.memory_space<vmem_shared>> -> memref<4096x16xf32, #tpu.memory_space<vmem_shared>>
      tpu.wait_indirect_dma semaphore(%arg18 : memref<!tpu.dma_semaphore, #tpu.memory_space<semaphore_mem>>) src(%dma_wait3A_614 : memref<128x16xf32, #tpu.memory_space<vmem>>) dst(%dma_wait3A_620 : memref<4096x16xf32, #tpu.memory_space<vmem_shared>>)
      %dma_wait3A_621 = arith.constant 9 : i32
      %dma_wait3A_622 = arith.constant 128 : i32
      %dma_wait3A_623 = arith.constant 0 : i32
      %dma_wait3A_624 = tpu.memref_slice %arg11[%dma_wait3A_622, %dma_wait3A_623] : memref<1024x16xf32, #tpu.memory_space<vmem>> -> memref<128x16xf32, #tpu.memory_space<vmem>>
      %dma_wait3A_625 = arith.constant 0 : i32
      %dma_wait3A_626 = tpu.memref_slice %arg16[%dma_wait3A_621, %dma_wait3A_625] : memref<32x128xi32, #tpu.memory_space<vmem>> -> memref<1x128xi32, #tpu.memory_space<vmem>>
      %dma_wait3A_627 = tpu.memref_squeeze %dma_wait3A_626 : memref<1x128xi32, #tpu.memory_space<vmem>> -> memref<128xi32, #tpu.memory_space<vmem>>
      %dma_wait3A_628 = arith.constant 0 : i32
      %dma_wait3A_629 = arith.constant 0 : i32
      %dma_wait3A_630 = tpu.memref_slice %arg19[%dma_wait3A_628, %dma_wait3A_629] : memref<4096x16xf32, #tpu.memory_space<vmem_shared>> -> memref<4096x16xf32, #tpu.memory_space<vmem_shared>>
      tpu.wait_indirect_dma semaphore(%arg18 : memref<!tpu.dma_semaphore, #tpu.memory_space<semaphore_mem>>) src(%dma_wait3A_624 : memref<128x16xf32, #tpu.memory_space<vmem>>) dst(%dma_wait3A_630 : memref<4096x16xf32, #tpu.memory_space<vmem_shared>>)
      %dma_wait3A_631 = arith.constant 10 : i32
      %dma_wait3A_632 = arith.constant 256 : i32
      %dma_wait3A_633 = arith.constant 0 : i32
      %dma_wait3A_634 = tpu.memref_slice %arg11[%dma_wait3A_632, %dma_wait3A_633] : memref<1024x16xf32, #tpu.memory_space<vmem>> -> memref<128x16xf32, #tpu.memory_space<vmem>>
      %dma_wait3A_635 = arith.constant 0 : i32
      %dma_wait3A_636 = tpu.memref_slice %arg16[%dma_wait3A_631, %dma_wait3A_635] : memref<32x128xi32, #tpu.memory_space<vmem>> -> memref<1x128xi32, #tpu.memory_space<vmem>>
      %dma_wait3A_637 = tpu.memref_squeeze %dma_wait3A_636 : memref<1x128xi32, #tpu.memory_space<vmem>> -> memref<128xi32, #tpu.memory_space<vmem>>
      %dma_wait3A_638 = arith.constant 0 : i32
      %dma_wait3A_639 = arith.constant 0 : i32
      %dma_wait3A_640 = tpu.memref_slice %arg19[%dma_wait3A_638, %dma_wait3A_639] : memref<4096x16xf32, #tpu.memory_space<vmem_shared>> -> memref<4096x16xf32, #tpu.memory_space<vmem_shared>>
      tpu.wait_indirect_dma semaphore(%arg18 : memref<!tpu.dma_semaphore, #tpu.memory_space<semaphore_mem>>) src(%dma_wait3A_634 : memref<128x16xf32, #tpu.memory_space<vmem>>) dst(%dma_wait3A_640 : memref<4096x16xf32, #tpu.memory_space<vmem_shared>>)
      %dma_wait3A_641 = arith.constant 11 : i32
      %dma_wait3A_642 = arith.constant 384 : i32
      %dma_wait3A_643 = arith.constant 0 : i32
      %dma_wait3A_644 = tpu.memref_slice %arg11[%dma_wait3A_642, %dma_wait3A_643] : memref<1024x16xf32, #tpu.memory_space<vmem>> -> memref<128x16xf32, #tpu.memory_space<vmem>>
      %dma_wait3A_645 = arith.constant 0 : i32
      %dma_wait3A_646 = tpu.memref_slice %arg16[%dma_wait3A_641, %dma_wait3A_645] : memref<32x128xi32, #tpu.memory_space<vmem>> -> memref<1x128xi32, #tpu.memory_space<vmem>>
      %dma_wait3A_647 = tpu.memref_squeeze %dma_wait3A_646 : memref<1x128xi32, #tpu.memory_space<vmem>> -> memref<128xi32, #tpu.memory_space<vmem>>
      %dma_wait3A_648 = arith.constant 0 : i32
      %dma_wait3A_649 = arith.constant 0 : i32
      %dma_wait3A_650 = tpu.memref_slice %arg19[%dma_wait3A_648, %dma_wait3A_649] : memref<4096x16xf32, #tpu.memory_space<vmem_shared>> -> memref<4096x16xf32, #tpu.memory_space<vmem_shared>>
      tpu.wait_indirect_dma semaphore(%arg18 : memref<!tpu.dma_semaphore, #tpu.memory_space<semaphore_mem>>) src(%dma_wait3A_644 : memref<128x16xf32, #tpu.memory_space<vmem>>) dst(%dma_wait3A_650 : memref<4096x16xf32, #tpu.memory_space<vmem_shared>>)
      %dma_wait3A_651 = arith.constant 12 : i32
      %dma_wait3A_652 = arith.constant 512 : i32
      %dma_wait3A_653 = arith.constant 0 : i32
      %dma_wait3A_654 = tpu.memref_slice %arg11[%dma_wait3A_652, %dma_wait3A_653] : memref<1024x16xf32, #tpu.memory_space<vmem>> -> memref<128x16xf32, #tpu.memory_space<vmem>>
      %dma_wait3A_655 = arith.constant 0 : i32
      %dma_wait3A_656 = tpu.memref_slice %arg16[%dma_wait3A_651, %dma_wait3A_655] : memref<32x128xi32, #tpu.memory_space<vmem>> -> memref<1x128xi32, #tpu.memory_space<vmem>>
      %dma_wait3A_657 = tpu.memref_squeeze %dma_wait3A_656 : memref<1x128xi32, #tpu.memory_space<vmem>> -> memref<128xi32, #tpu.memory_space<vmem>>
      %dma_wait3A_658 = arith.constant 0 : i32
      %dma_wait3A_659 = arith.constant 0 : i32
      %dma_wait3A_660 = tpu.memref_slice %arg19[%dma_wait3A_658, %dma_wait3A_659] : memref<4096x16xf32, #tpu.memory_space<vmem_shared>> -> memref<4096x16xf32, #tpu.memory_space<vmem_shared>>
      tpu.wait_indirect_dma semaphore(%arg18 : memref<!tpu.dma_semaphore, #tpu.memory_space<semaphore_mem>>) src(%dma_wait3A_654 : memref<128x16xf32, #tpu.memory_space<vmem>>) dst(%dma_wait3A_660 : memref<4096x16xf32, #tpu.memory_space<vmem_shared>>)
      %dma_wait3A_661 = arith.constant 13 : i32
      %dma_wait3A_662 = arith.constant 640 : i32
      %dma_wait3A_663 = arith.constant 0 : i32
      %dma_wait3A_664 = tpu.memref_slice %arg11[%dma_wait3A_662, %dma_wait3A_663] : memref<1024x16xf32, #tpu.memory_space<vmem>> -> memref<128x16xf32, #tpu.memory_space<vmem>>
      %dma_wait3A_665 = arith.constant 0 : i32
      %dma_wait3A_666 = tpu.memref_slice %arg16[%dma_wait3A_661, %dma_wait3A_665] : memref<32x128xi32, #tpu.memory_space<vmem>> -> memref<1x128xi32, #tpu.memory_space<vmem>>
      %dma_wait3A_667 = tpu.memref_squeeze %dma_wait3A_666 : memref<1x128xi32, #tpu.memory_space<vmem>> -> memref<128xi32, #tpu.memory_space<vmem>>
      %dma_wait3A_668 = arith.constant 0 : i32
      %dma_wait3A_669 = arith.constant 0 : i32
      %dma_wait3A_670 = tpu.memref_slice %arg19[%dma_wait3A_668, %dma_wait3A_669] : memref<4096x16xf32, #tpu.memory_space<vmem_shared>> -> memref<4096x16xf32, #tpu.memory_space<vmem_shared>>
      tpu.wait_indirect_dma semaphore(%arg18 : memref<!tpu.dma_semaphore, #tpu.memory_space<semaphore_mem>>) src(%dma_wait3A_664 : memref<128x16xf32, #tpu.memory_space<vmem>>) dst(%dma_wait3A_670 : memref<4096x16xf32, #tpu.memory_space<vmem_shared>>)
      %dma_wait3A_671 = arith.constant 14 : i32
      %dma_wait3A_672 = arith.constant 768 : i32
      %dma_wait3A_673 = arith.constant 0 : i32
      %dma_wait3A_674 = tpu.memref_slice %arg11[%dma_wait3A_672, %dma_wait3A_673] : memref<1024x16xf32, #tpu.memory_space<vmem>> -> memref<128x16xf32, #tpu.memory_space<vmem>>
      %dma_wait3A_675 = arith.constant 0 : i32
      %dma_wait3A_676 = tpu.memref_slice %arg16[%dma_wait3A_671, %dma_wait3A_675] : memref<32x128xi32, #tpu.memory_space<vmem>> -> memref<1x128xi32, #tpu.memory_space<vmem>>
      %dma_wait3A_677 = tpu.memref_squeeze %dma_wait3A_676 : memref<1x128xi32, #tpu.memory_space<vmem>> -> memref<128xi32, #tpu.memory_space<vmem>>
      %dma_wait3A_678 = arith.constant 0 : i32
      %dma_wait3A_679 = arith.constant 0 : i32
      %dma_wait3A_680 = tpu.memref_slice %arg19[%dma_wait3A_678, %dma_wait3A_679] : memref<4096x16xf32, #tpu.memory_space<vmem_shared>> -> memref<4096x16xf32, #tpu.memory_space<vmem_shared>>
      tpu.wait_indirect_dma semaphore(%arg18 : memref<!tpu.dma_semaphore, #tpu.memory_space<semaphore_mem>>) src(%dma_wait3A_674 : memref<128x16xf32, #tpu.memory_space<vmem>>) dst(%dma_wait3A_680 : memref<4096x16xf32, #tpu.memory_space<vmem_shared>>)
      %dma_wait3A_681 = arith.constant 15 : i32
      %dma_wait3A_682 = arith.constant 896 : i32
      %dma_wait3A_683 = arith.constant 0 : i32
      %dma_wait3A_684 = tpu.memref_slice %arg11[%dma_wait3A_682, %dma_wait3A_683] : memref<1024x16xf32, #tpu.memory_space<vmem>> -> memref<128x16xf32, #tpu.memory_space<vmem>>
      %dma_wait3A_685 = arith.constant 0 : i32
      %dma_wait3A_686 = tpu.memref_slice %arg16[%dma_wait3A_681, %dma_wait3A_685] : memref<32x128xi32, #tpu.memory_space<vmem>> -> memref<1x128xi32, #tpu.memory_space<vmem>>
      %dma_wait3A_687 = tpu.memref_squeeze %dma_wait3A_686 : memref<1x128xi32, #tpu.memory_space<vmem>> -> memref<128xi32, #tpu.memory_space<vmem>>
      %dma_wait3A_688 = arith.constant 0 : i32
      %dma_wait3A_689 = arith.constant 0 : i32
      %dma_wait3A_690 = tpu.memref_slice %arg19[%dma_wait3A_688, %dma_wait3A_689] : memref<4096x16xf32, #tpu.memory_space<vmem_shared>> -> memref<4096x16xf32, #tpu.memory_space<vmem_shared>>
      tpu.wait_indirect_dma semaphore(%arg18 : memref<!tpu.dma_semaphore, #tpu.memory_space<semaphore_mem>>) src(%dma_wait3A_684 : memref<128x16xf32, #tpu.memory_space<vmem>>) dst(%dma_wait3A_690 : memref<4096x16xf32, #tpu.memory_space<vmem_shared>>)
      %dma_wait3A_691 = arith.constant 16 : i32
      %dma_wait3A_692 = arith.constant 0 : i32
      %dma_wait3A_693 = arith.constant 0 : i32
      %dma_wait3A_694 = tpu.memref_slice %arg12[%dma_wait3A_692, %dma_wait3A_693] : memref<1024x16xf32, #tpu.memory_space<vmem>> -> memref<128x16xf32, #tpu.memory_space<vmem>>
      %dma_wait3A_695 = arith.constant 0 : i32
      %dma_wait3A_696 = tpu.memref_slice %arg16[%dma_wait3A_691, %dma_wait3A_695] : memref<32x128xi32, #tpu.memory_space<vmem>> -> memref<1x128xi32, #tpu.memory_space<vmem>>
      %dma_wait3A_697 = tpu.memref_squeeze %dma_wait3A_696 : memref<1x128xi32, #tpu.memory_space<vmem>> -> memref<128xi32, #tpu.memory_space<vmem>>
      %dma_wait3A_698 = arith.constant 0 : i32
      %dma_wait3A_699 = arith.constant 0 : i32
      %dma_wait3A_700 = tpu.memref_slice %arg19[%dma_wait3A_698, %dma_wait3A_699] : memref<4096x16xf32, #tpu.memory_space<vmem_shared>> -> memref<4096x16xf32, #tpu.memory_space<vmem_shared>>
      tpu.wait_indirect_dma semaphore(%arg18 : memref<!tpu.dma_semaphore, #tpu.memory_space<semaphore_mem>>) src(%dma_wait3A_694 : memref<128x16xf32, #tpu.memory_space<vmem>>) dst(%dma_wait3A_700 : memref<4096x16xf32, #tpu.memory_space<vmem_shared>>)
      %dma_wait3A_701 = arith.constant 17 : i32
      %dma_wait3A_702 = arith.constant 128 : i32
      %dma_wait3A_703 = arith.constant 0 : i32
      %dma_wait3A_704 = tpu.memref_slice %arg12[%dma_wait3A_702, %dma_wait3A_703] : memref<1024x16xf32, #tpu.memory_space<vmem>> -> memref<128x16xf32, #tpu.memory_space<vmem>>
      %dma_wait3A_705 = arith.constant 0 : i32
      %dma_wait3A_706 = tpu.memref_slice %arg16[%dma_wait3A_701, %dma_wait3A_705] : memref<32x128xi32, #tpu.memory_space<vmem>> -> memref<1x128xi32, #tpu.memory_space<vmem>>
      %dma_wait3A_707 = tpu.memref_squeeze %dma_wait3A_706 : memref<1x128xi32, #tpu.memory_space<vmem>> -> memref<128xi32, #tpu.memory_space<vmem>>
      %dma_wait3A_708 = arith.constant 0 : i32
      %dma_wait3A_709 = arith.constant 0 : i32
      %dma_wait3A_710 = tpu.memref_slice %arg19[%dma_wait3A_708, %dma_wait3A_709] : memref<4096x16xf32, #tpu.memory_space<vmem_shared>> -> memref<4096x16xf32, #tpu.memory_space<vmem_shared>>
      tpu.wait_indirect_dma semaphore(%arg18 : memref<!tpu.dma_semaphore, #tpu.memory_space<semaphore_mem>>) src(%dma_wait3A_704 : memref<128x16xf32, #tpu.memory_space<vmem>>) dst(%dma_wait3A_710 : memref<4096x16xf32, #tpu.memory_space<vmem_shared>>)
      %dma_wait3A_711 = arith.constant 18 : i32
      %dma_wait3A_712 = arith.constant 256 : i32
      %dma_wait3A_713 = arith.constant 0 : i32
      %dma_wait3A_714 = tpu.memref_slice %arg12[%dma_wait3A_712, %dma_wait3A_713] : memref<1024x16xf32, #tpu.memory_space<vmem>> -> memref<128x16xf32, #tpu.memory_space<vmem>>
      %dma_wait3A_715 = arith.constant 0 : i32
      %dma_wait3A_716 = tpu.memref_slice %arg16[%dma_wait3A_711, %dma_wait3A_715] : memref<32x128xi32, #tpu.memory_space<vmem>> -> memref<1x128xi32, #tpu.memory_space<vmem>>
      %dma_wait3A_717 = tpu.memref_squeeze %dma_wait3A_716 : memref<1x128xi32, #tpu.memory_space<vmem>> -> memref<128xi32, #tpu.memory_space<vmem>>
      %dma_wait3A_718 = arith.constant 0 : i32
      %dma_wait3A_719 = arith.constant 0 : i32
      %dma_wait3A_720 = tpu.memref_slice %arg19[%dma_wait3A_718, %dma_wait3A_719] : memref<4096x16xf32, #tpu.memory_space<vmem_shared>> -> memref<4096x16xf32, #tpu.memory_space<vmem_shared>>
      tpu.wait_indirect_dma semaphore(%arg18 : memref<!tpu.dma_semaphore, #tpu.memory_space<semaphore_mem>>) src(%dma_wait3A_714 : memref<128x16xf32, #tpu.memory_space<vmem>>) dst(%dma_wait3A_720 : memref<4096x16xf32, #tpu.memory_space<vmem_shared>>)
      %dma_wait3A_721 = arith.constant 19 : i32
      %dma_wait3A_722 = arith.constant 384 : i32
      %dma_wait3A_723 = arith.constant 0 : i32
      %dma_wait3A_724 = tpu.memref_slice %arg12[%dma_wait3A_722, %dma_wait3A_723] : memref<1024x16xf32, #tpu.memory_space<vmem>> -> memref<128x16xf32, #tpu.memory_space<vmem>>
      %dma_wait3A_725 = arith.constant 0 : i32
      %dma_wait3A_726 = tpu.memref_slice %arg16[%dma_wait3A_721, %dma_wait3A_725] : memref<32x128xi32, #tpu.memory_space<vmem>> -> memref<1x128xi32, #tpu.memory_space<vmem>>
      %dma_wait3A_727 = tpu.memref_squeeze %dma_wait3A_726 : memref<1x128xi32, #tpu.memory_space<vmem>> -> memref<128xi32, #tpu.memory_space<vmem>>
      %dma_wait3A_728 = arith.constant 0 : i32
      %dma_wait3A_729 = arith.constant 0 : i32
      %dma_wait3A_730 = tpu.memref_slice %arg19[%dma_wait3A_728, %dma_wait3A_729] : memref<4096x16xf32, #tpu.memory_space<vmem_shared>> -> memref<4096x16xf32, #tpu.memory_space<vmem_shared>>
      tpu.wait_indirect_dma semaphore(%arg18 : memref<!tpu.dma_semaphore, #tpu.memory_space<semaphore_mem>>) src(%dma_wait3A_724 : memref<128x16xf32, #tpu.memory_space<vmem>>) dst(%dma_wait3A_730 : memref<4096x16xf32, #tpu.memory_space<vmem_shared>>)
      %dma_wait3A_731 = arith.constant 20 : i32
      %dma_wait3A_732 = arith.constant 512 : i32
      %dma_wait3A_733 = arith.constant 0 : i32
      %dma_wait3A_734 = tpu.memref_slice %arg12[%dma_wait3A_732, %dma_wait3A_733] : memref<1024x16xf32, #tpu.memory_space<vmem>> -> memref<128x16xf32, #tpu.memory_space<vmem>>
      %dma_wait3A_735 = arith.constant 0 : i32
      %dma_wait3A_736 = tpu.memref_slice %arg16[%dma_wait3A_731, %dma_wait3A_735] : memref<32x128xi32, #tpu.memory_space<vmem>> -> memref<1x128xi32, #tpu.memory_space<vmem>>
      %dma_wait3A_737 = tpu.memref_squeeze %dma_wait3A_736 : memref<1x128xi32, #tpu.memory_space<vmem>> -> memref<128xi32, #tpu.memory_space<vmem>>
      %dma_wait3A_738 = arith.constant 0 : i32
      %dma_wait3A_739 = arith.constant 0 : i32
      %dma_wait3A_740 = tpu.memref_slice %arg19[%dma_wait3A_738, %dma_wait3A_739] : memref<4096x16xf32, #tpu.memory_space<vmem_shared>> -> memref<4096x16xf32, #tpu.memory_space<vmem_shared>>
      tpu.wait_indirect_dma semaphore(%arg18 : memref<!tpu.dma_semaphore, #tpu.memory_space<semaphore_mem>>) src(%dma_wait3A_734 : memref<128x16xf32, #tpu.memory_space<vmem>>) dst(%dma_wait3A_740 : memref<4096x16xf32, #tpu.memory_space<vmem_shared>>)
      %dma_wait3A_741 = arith.constant 21 : i32
      %dma_wait3A_742 = arith.constant 640 : i32
      %dma_wait3A_743 = arith.constant 0 : i32
      %dma_wait3A_744 = tpu.memref_slice %arg12[%dma_wait3A_742, %dma_wait3A_743] : memref<1024x16xf32, #tpu.memory_space<vmem>> -> memref<128x16xf32, #tpu.memory_space<vmem>>
      %dma_wait3A_745 = arith.constant 0 : i32
      %dma_wait3A_746 = tpu.memref_slice %arg16[%dma_wait3A_741, %dma_wait3A_745] : memref<32x128xi32, #tpu.memory_space<vmem>> -> memref<1x128xi32, #tpu.memory_space<vmem>>
      %dma_wait3A_747 = tpu.memref_squeeze %dma_wait3A_746 : memref<1x128xi32, #tpu.memory_space<vmem>> -> memref<128xi32, #tpu.memory_space<vmem>>
      %dma_wait3A_748 = arith.constant 0 : i32
      %dma_wait3A_749 = arith.constant 0 : i32
      %dma_wait3A_750 = tpu.memref_slice %arg19[%dma_wait3A_748, %dma_wait3A_749] : memref<4096x16xf32, #tpu.memory_space<vmem_shared>> -> memref<4096x16xf32, #tpu.memory_space<vmem_shared>>
      tpu.wait_indirect_dma semaphore(%arg18 : memref<!tpu.dma_semaphore, #tpu.memory_space<semaphore_mem>>) src(%dma_wait3A_744 : memref<128x16xf32, #tpu.memory_space<vmem>>) dst(%dma_wait3A_750 : memref<4096x16xf32, #tpu.memory_space<vmem_shared>>)
      %dma_wait3A_751 = arith.constant 22 : i32
      %dma_wait3A_752 = arith.constant 768 : i32
      %dma_wait3A_753 = arith.constant 0 : i32
      %dma_wait3A_754 = tpu.memref_slice %arg12[%dma_wait3A_752, %dma_wait3A_753] : memref<1024x16xf32, #tpu.memory_space<vmem>> -> memref<128x16xf32, #tpu.memory_space<vmem>>
      %dma_wait3A_755 = arith.constant 0 : i32
      %dma_wait3A_756 = tpu.memref_slice %arg16[%dma_wait3A_751, %dma_wait3A_755] : memref<32x128xi32, #tpu.memory_space<vmem>> -> memref<1x128xi32, #tpu.memory_space<vmem>>
      %dma_wait3A_757 = tpu.memref_squeeze %dma_wait3A_756 : memref<1x128xi32, #tpu.memory_space<vmem>> -> memref<128xi32, #tpu.memory_space<vmem>>
      %dma_wait3A_758 = arith.constant 0 : i32
      %dma_wait3A_759 = arith.constant 0 : i32
      %dma_wait3A_760 = tpu.memref_slice %arg19[%dma_wait3A_758, %dma_wait3A_759] : memref<4096x16xf32, #tpu.memory_space<vmem_shared>> -> memref<4096x16xf32, #tpu.memory_space<vmem_shared>>
      tpu.wait_indirect_dma semaphore(%arg18 : memref<!tpu.dma_semaphore, #tpu.memory_space<semaphore_mem>>) src(%dma_wait3A_754 : memref<128x16xf32, #tpu.memory_space<vmem>>) dst(%dma_wait3A_760 : memref<4096x16xf32, #tpu.memory_space<vmem_shared>>)
      %dma_wait3A_761 = arith.constant 23 : i32
      %dma_wait3A_762 = arith.constant 896 : i32
      %dma_wait3A_763 = arith.constant 0 : i32
      %dma_wait3A_764 = tpu.memref_slice %arg12[%dma_wait3A_762, %dma_wait3A_763] : memref<1024x16xf32, #tpu.memory_space<vmem>> -> memref<128x16xf32, #tpu.memory_space<vmem>>
      %dma_wait3A_765 = arith.constant 0 : i32
      %dma_wait3A_766 = tpu.memref_slice %arg16[%dma_wait3A_761, %dma_wait3A_765] : memref<32x128xi32, #tpu.memory_space<vmem>> -> memref<1x128xi32, #tpu.memory_space<vmem>>
      %dma_wait3A_767 = tpu.memref_squeeze %dma_wait3A_766 : memref<1x128xi32, #tpu.memory_space<vmem>> -> memref<128xi32, #tpu.memory_space<vmem>>
      %dma_wait3A_768 = arith.constant 0 : i32
      %dma_wait3A_769 = arith.constant 0 : i32
      %dma_wait3A_770 = tpu.memref_slice %arg19[%dma_wait3A_768, %dma_wait3A_769] : memref<4096x16xf32, #tpu.memory_space<vmem_shared>> -> memref<4096x16xf32, #tpu.memory_space<vmem_shared>>
      tpu.wait_indirect_dma semaphore(%arg18 : memref<!tpu.dma_semaphore, #tpu.memory_space<semaphore_mem>>) src(%dma_wait3A_764 : memref<128x16xf32, #tpu.memory_space<vmem>>) dst(%dma_wait3A_770 : memref<4096x16xf32, #tpu.memory_space<vmem_shared>>)
      %dma_wait3A_771 = arith.constant 24 : i32
      %dma_wait3A_772 = arith.constant 0 : i32
      %dma_wait3A_773 = arith.constant 0 : i32
      %dma_wait3A_774 = tpu.memref_slice %arg13[%dma_wait3A_772, %dma_wait3A_773] : memref<1024x16xf32, #tpu.memory_space<vmem>> -> memref<128x16xf32, #tpu.memory_space<vmem>>
      %dma_wait3A_775 = arith.constant 0 : i32
      %dma_wait3A_776 = tpu.memref_slice %arg16[%dma_wait3A_771, %dma_wait3A_775] : memref<32x128xi32, #tpu.memory_space<vmem>> -> memref<1x128xi32, #tpu.memory_space<vmem>>
      %dma_wait3A_777 = tpu.memref_squeeze %dma_wait3A_776 : memref<1x128xi32, #tpu.memory_space<vmem>> -> memref<128xi32, #tpu.memory_space<vmem>>
      %dma_wait3A_778 = arith.constant 0 : i32
      %dma_wait3A_779 = arith.constant 0 : i32
      %dma_wait3A_780 = tpu.memref_slice %arg19[%dma_wait3A_778, %dma_wait3A_779] : memref<4096x16xf32, #tpu.memory_space<vmem_shared>> -> memref<4096x16xf32, #tpu.memory_space<vmem_shared>>
      tpu.wait_indirect_dma semaphore(%arg18 : memref<!tpu.dma_semaphore, #tpu.memory_space<semaphore_mem>>) src(%dma_wait3A_774 : memref<128x16xf32, #tpu.memory_space<vmem>>) dst(%dma_wait3A_780 : memref<4096x16xf32, #tpu.memory_space<vmem_shared>>)
      %dma_wait3A_781 = arith.constant 25 : i32
      %dma_wait3A_782 = arith.constant 128 : i32
      %dma_wait3A_783 = arith.constant 0 : i32
      %dma_wait3A_784 = tpu.memref_slice %arg13[%dma_wait3A_782, %dma_wait3A_783] : memref<1024x16xf32, #tpu.memory_space<vmem>> -> memref<128x16xf32, #tpu.memory_space<vmem>>
      %dma_wait3A_785 = arith.constant 0 : i32
      %dma_wait3A_786 = tpu.memref_slice %arg16[%dma_wait3A_781, %dma_wait3A_785] : memref<32x128xi32, #tpu.memory_space<vmem>> -> memref<1x128xi32, #tpu.memory_space<vmem>>
      %dma_wait3A_787 = tpu.memref_squeeze %dma_wait3A_786 : memref<1x128xi32, #tpu.memory_space<vmem>> -> memref<128xi32, #tpu.memory_space<vmem>>
      %dma_wait3A_788 = arith.constant 0 : i32
      %dma_wait3A_789 = arith.constant 0 : i32
      %dma_wait3A_790 = tpu.memref_slice %arg19[%dma_wait3A_788, %dma_wait3A_789] : memref<4096x16xf32, #tpu.memory_space<vmem_shared>> -> memref<4096x16xf32, #tpu.memory_space<vmem_shared>>
      tpu.wait_indirect_dma semaphore(%arg18 : memref<!tpu.dma_semaphore, #tpu.memory_space<semaphore_mem>>) src(%dma_wait3A_784 : memref<128x16xf32, #tpu.memory_space<vmem>>) dst(%dma_wait3A_790 : memref<4096x16xf32, #tpu.memory_space<vmem_shared>>)
      %dma_wait3A_791 = arith.constant 26 : i32
      %dma_wait3A_792 = arith.constant 256 : i32
      %dma_wait3A_793 = arith.constant 0 : i32
      %dma_wait3A_794 = tpu.memref_slice %arg13[%dma_wait3A_792, %dma_wait3A_793] : memref<1024x16xf32, #tpu.memory_space<vmem>> -> memref<128x16xf32, #tpu.memory_space<vmem>>
      %dma_wait3A_795 = arith.constant 0 : i32
      %dma_wait3A_796 = tpu.memref_slice %arg16[%dma_wait3A_791, %dma_wait3A_795] : memref<32x128xi32, #tpu.memory_space<vmem>> -> memref<1x128xi32, #tpu.memory_space<vmem>>
      %dma_wait3A_797 = tpu.memref_squeeze %dma_wait3A_796 : memref<1x128xi32, #tpu.memory_space<vmem>> -> memref<128xi32, #tpu.memory_space<vmem>>
      %dma_wait3A_798 = arith.constant 0 : i32
      %dma_wait3A_799 = arith.constant 0 : i32
      %dma_wait3A_800 = tpu.memref_slice %arg19[%dma_wait3A_798, %dma_wait3A_799] : memref<4096x16xf32, #tpu.memory_space<vmem_shared>> -> memref<4096x16xf32, #tpu.memory_space<vmem_shared>>
      tpu.wait_indirect_dma semaphore(%arg18 : memref<!tpu.dma_semaphore, #tpu.memory_space<semaphore_mem>>) src(%dma_wait3A_794 : memref<128x16xf32, #tpu.memory_space<vmem>>) dst(%dma_wait3A_800 : memref<4096x16xf32, #tpu.memory_space<vmem_shared>>)
      %dma_wait3A_801 = arith.constant 27 : i32
      %dma_wait3A_802 = arith.constant 384 : i32
      %dma_wait3A_803 = arith.constant 0 : i32
      %dma_wait3A_804 = tpu.memref_slice %arg13[%dma_wait3A_802, %dma_wait3A_803] : memref<1024x16xf32, #tpu.memory_space<vmem>> -> memref<128x16xf32, #tpu.memory_space<vmem>>
      %dma_wait3A_805 = arith.constant 0 : i32
      %dma_wait3A_806 = tpu.memref_slice %arg16[%dma_wait3A_801, %dma_wait3A_805] : memref<32x128xi32, #tpu.memory_space<vmem>> -> memref<1x128xi32, #tpu.memory_space<vmem>>
      %dma_wait3A_807 = tpu.memref_squeeze %dma_wait3A_806 : memref<1x128xi32, #tpu.memory_space<vmem>> -> memref<128xi32, #tpu.memory_space<vmem>>
      %dma_wait3A_808 = arith.constant 0 : i32
      %dma_wait3A_809 = arith.constant 0 : i32
      %dma_wait3A_810 = tpu.memref_slice %arg19[%dma_wait3A_808, %dma_wait3A_809] : memref<4096x16xf32, #tpu.memory_space<vmem_shared>> -> memref<4096x16xf32, #tpu.memory_space<vmem_shared>>
      tpu.wait_indirect_dma semaphore(%arg18 : memref<!tpu.dma_semaphore, #tpu.memory_space<semaphore_mem>>) src(%dma_wait3A_804 : memref<128x16xf32, #tpu.memory_space<vmem>>) dst(%dma_wait3A_810 : memref<4096x16xf32, #tpu.memory_space<vmem_shared>>)
      %dma_wait3A_811 = arith.constant 28 : i32
      %dma_wait3A_812 = arith.constant 512 : i32
      %dma_wait3A_813 = arith.constant 0 : i32
      %dma_wait3A_814 = tpu.memref_slice %arg13[%dma_wait3A_812, %dma_wait3A_813] : memref<1024x16xf32, #tpu.memory_space<vmem>> -> memref<128x16xf32, #tpu.memory_space<vmem>>
      %dma_wait3A_815 = arith.constant 0 : i32
      %dma_wait3A_816 = tpu.memref_slice %arg16[%dma_wait3A_811, %dma_wait3A_815] : memref<32x128xi32, #tpu.memory_space<vmem>> -> memref<1x128xi32, #tpu.memory_space<vmem>>
      %dma_wait3A_817 = tpu.memref_squeeze %dma_wait3A_816 : memref<1x128xi32, #tpu.memory_space<vmem>> -> memref<128xi32, #tpu.memory_space<vmem>>
      %dma_wait3A_818 = arith.constant 0 : i32
      %dma_wait3A_819 = arith.constant 0 : i32
      %dma_wait3A_820 = tpu.memref_slice %arg19[%dma_wait3A_818, %dma_wait3A_819] : memref<4096x16xf32, #tpu.memory_space<vmem_shared>> -> memref<4096x16xf32, #tpu.memory_space<vmem_shared>>
      tpu.wait_indirect_dma semaphore(%arg18 : memref<!tpu.dma_semaphore, #tpu.memory_space<semaphore_mem>>) src(%dma_wait3A_814 : memref<128x16xf32, #tpu.memory_space<vmem>>) dst(%dma_wait3A_820 : memref<4096x16xf32, #tpu.memory_space<vmem_shared>>)
      %dma_wait3A_821 = arith.constant 29 : i32
      %dma_wait3A_822 = arith.constant 640 : i32
      %dma_wait3A_823 = arith.constant 0 : i32
      %dma_wait3A_824 = tpu.memref_slice %arg13[%dma_wait3A_822, %dma_wait3A_823] : memref<1024x16xf32, #tpu.memory_space<vmem>> -> memref<128x16xf32, #tpu.memory_space<vmem>>
      %dma_wait3A_825 = arith.constant 0 : i32
      %dma_wait3A_826 = tpu.memref_slice %arg16[%dma_wait3A_821, %dma_wait3A_825] : memref<32x128xi32, #tpu.memory_space<vmem>> -> memref<1x128xi32, #tpu.memory_space<vmem>>
      %dma_wait3A_827 = tpu.memref_squeeze %dma_wait3A_826 : memref<1x128xi32, #tpu.memory_space<vmem>> -> memref<128xi32, #tpu.memory_space<vmem>>
      %dma_wait3A_828 = arith.constant 0 : i32
      %dma_wait3A_829 = arith.constant 0 : i32
      %dma_wait3A_830 = tpu.memref_slice %arg19[%dma_wait3A_828, %dma_wait3A_829] : memref<4096x16xf32, #tpu.memory_space<vmem_shared>> -> memref<4096x16xf32, #tpu.memory_space<vmem_shared>>
      tpu.wait_indirect_dma semaphore(%arg18 : memref<!tpu.dma_semaphore, #tpu.memory_space<semaphore_mem>>) src(%dma_wait3A_824 : memref<128x16xf32, #tpu.memory_space<vmem>>) dst(%dma_wait3A_830 : memref<4096x16xf32, #tpu.memory_space<vmem_shared>>)
      %dma_wait3A_831 = arith.constant 30 : i32
      %dma_wait3A_832 = arith.constant 768 : i32
      %dma_wait3A_833 = arith.constant 0 : i32
      %dma_wait3A_834 = tpu.memref_slice %arg13[%dma_wait3A_832, %dma_wait3A_833] : memref<1024x16xf32, #tpu.memory_space<vmem>> -> memref<128x16xf32, #tpu.memory_space<vmem>>
      %dma_wait3A_835 = arith.constant 0 : i32
      %dma_wait3A_836 = tpu.memref_slice %arg16[%dma_wait3A_831, %dma_wait3A_835] : memref<32x128xi32, #tpu.memory_space<vmem>> -> memref<1x128xi32, #tpu.memory_space<vmem>>
      %dma_wait3A_837 = tpu.memref_squeeze %dma_wait3A_836 : memref<1x128xi32, #tpu.memory_space<vmem>> -> memref<128xi32, #tpu.memory_space<vmem>>
      %dma_wait3A_838 = arith.constant 0 : i32
      %dma_wait3A_839 = arith.constant 0 : i32
      %dma_wait3A_840 = tpu.memref_slice %arg19[%dma_wait3A_838, %dma_wait3A_839] : memref<4096x16xf32, #tpu.memory_space<vmem_shared>> -> memref<4096x16xf32, #tpu.memory_space<vmem_shared>>
      tpu.wait_indirect_dma semaphore(%arg18 : memref<!tpu.dma_semaphore, #tpu.memory_space<semaphore_mem>>) src(%dma_wait3A_834 : memref<128x16xf32, #tpu.memory_space<vmem>>) dst(%dma_wait3A_840 : memref<4096x16xf32, #tpu.memory_space<vmem_shared>>)
      %dma_wait3A_841 = arith.constant 31 : i32
      %dma_wait3A_842 = arith.constant 896 : i32
      %dma_wait3A_843 = arith.constant 0 : i32
      %dma_wait3A_844 = tpu.memref_slice %arg13[%dma_wait3A_842, %dma_wait3A_843] : memref<1024x16xf32, #tpu.memory_space<vmem>> -> memref<128x16xf32, #tpu.memory_space<vmem>>
      %dma_wait3A_845 = arith.constant 0 : i32
      %dma_wait3A_846 = tpu.memref_slice %arg16[%dma_wait3A_841, %dma_wait3A_845] : memref<32x128xi32, #tpu.memory_space<vmem>> -> memref<1x128xi32, #tpu.memory_space<vmem>>
      %dma_wait3A_847 = tpu.memref_squeeze %dma_wait3A_846 : memref<1x128xi32, #tpu.memory_space<vmem>> -> memref<128xi32, #tpu.memory_space<vmem>>
      %dma_wait3A_848 = arith.constant 0 : i32
      %dma_wait3A_849 = arith.constant 0 : i32
      %dma_wait3A_850 = tpu.memref_slice %arg19[%dma_wait3A_848, %dma_wait3A_849] : memref<4096x16xf32, #tpu.memory_space<vmem_shared>> -> memref<4096x16xf32, #tpu.memory_space<vmem_shared>>
      tpu.wait_indirect_dma semaphore(%arg18 : memref<!tpu.dma_semaphore, #tpu.memory_space<semaphore_mem>>) src(%dma_wait3A_844 : memref<128x16xf32, #tpu.memory_space<vmem>>) dst(%dma_wait3A_850 : memref<4096x16xf32, #tpu.memory_space<vmem_shared>>)
    } else {
    }
    %eq3A_194 = arith.constant 1 : i32
    %eq3A_195 = arith.cmpi eq, %select_n3A, %eq3A_194 : i32
    %convert_element_type3A_196 = arith.extui %eq3A_195 : i1 to i32
    %cond3A_197 = arith.constant 0 : i32
    %cond3A_198 = arith.cmpi ne, %convert_element_type3A_196, %cond3A_197 : i32
    scf.if %cond3A_198 {
      %dma_start3A_212 = arith.constant 0 : i32
      %dma_start3A_213 = arith.constant 0 : i32
      %dma_start3A_214 = arith.constant 0 : i32
      %dma_start3A_215 = tpu.memref_slice %arg10[%dma_start3A_213, %dma_start3A_214] : memref<1024x16xf32, #tpu.memory_space<vmem>> -> memref<128x16xf32, #tpu.memory_space<vmem>>
      %dma_start3A_216 = arith.constant 0 : i32
      %dma_start3A_217 = tpu.memref_slice %arg16[%dma_start3A_212, %dma_start3A_216] : memref<32x128xi32, #tpu.memory_space<vmem>> -> memref<1x128xi32, #tpu.memory_space<vmem>>
      %dma_start3A_218 = tpu.memref_squeeze %dma_start3A_217 : memref<1x128xi32, #tpu.memory_space<vmem>> -> memref<128xi32, #tpu.memory_space<vmem>>
      %dma_start3A_219 = arith.constant 0 : i32
      %dma_start3A_220 = arith.constant 0 : i32
      %dma_start3A_221 = tpu.memref_slice %arg20[%dma_start3A_219, %dma_start3A_220] : memref<4096x16xf32, #tpu.memory_space<vmem_shared>> -> memref<4096x16xf32, #tpu.memory_space<vmem_shared>>
      tpu.enqueue_indirect_dma source(%dma_start3A_215 : memref<128x16xf32, #tpu.memory_space<vmem>>) target(%dma_start3A_221 : memref<4096x16xf32, #tpu.memory_space<vmem_shared>>) offsets(%dma_start3A_218 : memref<128xi32, #tpu.memory_space<vmem>>) semaphore(%arg18 : memref<!tpu.dma_semaphore, #tpu.memory_space<semaphore_mem>>) {add = true}
      %dma_start3A_222 = arith.constant 1 : i32
      %dma_start3A_223 = arith.constant 128 : i32
      %dma_start3A_224 = arith.constant 0 : i32
      %dma_start3A_225 = tpu.memref_slice %arg10[%dma_start3A_223, %dma_start3A_224] : memref<1024x16xf32, #tpu.memory_space<vmem>> -> memref<128x16xf32, #tpu.memory_space<vmem>>
      %dma_start3A_226 = arith.constant 0 : i32
      %dma_start3A_227 = tpu.memref_slice %arg16[%dma_start3A_222, %dma_start3A_226] : memref<32x128xi32, #tpu.memory_space<vmem>> -> memref<1x128xi32, #tpu.memory_space<vmem>>
      %dma_start3A_228 = tpu.memref_squeeze %dma_start3A_227 : memref<1x128xi32, #tpu.memory_space<vmem>> -> memref<128xi32, #tpu.memory_space<vmem>>
      %dma_start3A_229 = arith.constant 0 : i32
      %dma_start3A_230 = arith.constant 0 : i32
      %dma_start3A_231 = tpu.memref_slice %arg20[%dma_start3A_229, %dma_start3A_230] : memref<4096x16xf32, #tpu.memory_space<vmem_shared>> -> memref<4096x16xf32, #tpu.memory_space<vmem_shared>>
      tpu.enqueue_indirect_dma source(%dma_start3A_225 : memref<128x16xf32, #tpu.memory_space<vmem>>) target(%dma_start3A_231 : memref<4096x16xf32, #tpu.memory_space<vmem_shared>>) offsets(%dma_start3A_228 : memref<128xi32, #tpu.memory_space<vmem>>) semaphore(%arg18 : memref<!tpu.dma_semaphore, #tpu.memory_space<semaphore_mem>>) {add = true}
      %dma_start3A_232 = arith.constant 2 : i32
      %dma_start3A_233 = arith.constant 256 : i32
      %dma_start3A_234 = arith.constant 0 : i32
      %dma_start3A_235 = tpu.memref_slice %arg10[%dma_start3A_233, %dma_start3A_234] : memref<1024x16xf32, #tpu.memory_space<vmem>> -> memref<128x16xf32, #tpu.memory_space<vmem>>
      %dma_start3A_236 = arith.constant 0 : i32
      %dma_start3A_237 = tpu.memref_slice %arg16[%dma_start3A_232, %dma_start3A_236] : memref<32x128xi32, #tpu.memory_space<vmem>> -> memref<1x128xi32, #tpu.memory_space<vmem>>
      %dma_start3A_238 = tpu.memref_squeeze %dma_start3A_237 : memref<1x128xi32, #tpu.memory_space<vmem>> -> memref<128xi32, #tpu.memory_space<vmem>>
      %dma_start3A_239 = arith.constant 0 : i32
      %dma_start3A_240 = arith.constant 0 : i32
      %dma_start3A_241 = tpu.memref_slice %arg20[%dma_start3A_239, %dma_start3A_240] : memref<4096x16xf32, #tpu.memory_space<vmem_shared>> -> memref<4096x16xf32, #tpu.memory_space<vmem_shared>>
      tpu.enqueue_indirect_dma source(%dma_start3A_235 : memref<128x16xf32, #tpu.memory_space<vmem>>) target(%dma_start3A_241 : memref<4096x16xf32, #tpu.memory_space<vmem_shared>>) offsets(%dma_start3A_238 : memref<128xi32, #tpu.memory_space<vmem>>) semaphore(%arg18 : memref<!tpu.dma_semaphore, #tpu.memory_space<semaphore_mem>>) {add = true}
      %dma_start3A_242 = arith.constant 3 : i32
      %dma_start3A_243 = arith.constant 384 : i32
      %dma_start3A_244 = arith.constant 0 : i32
      %dma_start3A_245 = tpu.memref_slice %arg10[%dma_start3A_243, %dma_start3A_244] : memref<1024x16xf32, #tpu.memory_space<vmem>> -> memref<128x16xf32, #tpu.memory_space<vmem>>
      %dma_start3A_246 = arith.constant 0 : i32
      %dma_start3A_247 = tpu.memref_slice %arg16[%dma_start3A_242, %dma_start3A_246] : memref<32x128xi32, #tpu.memory_space<vmem>> -> memref<1x128xi32, #tpu.memory_space<vmem>>
      %dma_start3A_248 = tpu.memref_squeeze %dma_start3A_247 : memref<1x128xi32, #tpu.memory_space<vmem>> -> memref<128xi32, #tpu.memory_space<vmem>>
      %dma_start3A_249 = arith.constant 0 : i32
      %dma_start3A_250 = arith.constant 0 : i32
      %dma_start3A_251 = tpu.memref_slice %arg20[%dma_start3A_249, %dma_start3A_250] : memref<4096x16xf32, #tpu.memory_space<vmem_shared>> -> memref<4096x16xf32, #tpu.memory_space<vmem_shared>>
      tpu.enqueue_indirect_dma source(%dma_start3A_245 : memref<128x16xf32, #tpu.memory_space<vmem>>) target(%dma_start3A_251 : memref<4096x16xf32, #tpu.memory_space<vmem_shared>>) offsets(%dma_start3A_248 : memref<128xi32, #tpu.memory_space<vmem>>) semaphore(%arg18 : memref<!tpu.dma_semaphore, #tpu.memory_space<semaphore_mem>>) {add = true}
      %dma_start3A_252 = arith.constant 4 : i32
      %dma_start3A_253 = arith.constant 512 : i32
      %dma_start3A_254 = arith.constant 0 : i32
      %dma_start3A_255 = tpu.memref_slice %arg10[%dma_start3A_253, %dma_start3A_254] : memref<1024x16xf32, #tpu.memory_space<vmem>> -> memref<128x16xf32, #tpu.memory_space<vmem>>
      %dma_start3A_256 = arith.constant 0 : i32
      %dma_start3A_257 = tpu.memref_slice %arg16[%dma_start3A_252, %dma_start3A_256] : memref<32x128xi32, #tpu.memory_space<vmem>> -> memref<1x128xi32, #tpu.memory_space<vmem>>
      %dma_start3A_258 = tpu.memref_squeeze %dma_start3A_257 : memref<1x128xi32, #tpu.memory_space<vmem>> -> memref<128xi32, #tpu.memory_space<vmem>>
      %dma_start3A_259 = arith.constant 0 : i32
      %dma_start3A_260 = arith.constant 0 : i32
      %dma_start3A_261 = tpu.memref_slice %arg20[%dma_start3A_259, %dma_start3A_260] : memref<4096x16xf32, #tpu.memory_space<vmem_shared>> -> memref<4096x16xf32, #tpu.memory_space<vmem_shared>>
      tpu.enqueue_indirect_dma source(%dma_start3A_255 : memref<128x16xf32, #tpu.memory_space<vmem>>) target(%dma_start3A_261 : memref<4096x16xf32, #tpu.memory_space<vmem_shared>>) offsets(%dma_start3A_258 : memref<128xi32, #tpu.memory_space<vmem>>) semaphore(%arg18 : memref<!tpu.dma_semaphore, #tpu.memory_space<semaphore_mem>>) {add = true}
      %dma_start3A_262 = arith.constant 5 : i32
      %dma_start3A_263 = arith.constant 640 : i32
      %dma_start3A_264 = arith.constant 0 : i32
      %dma_start3A_265 = tpu.memref_slice %arg10[%dma_start3A_263, %dma_start3A_264] : memref<1024x16xf32, #tpu.memory_space<vmem>> -> memref<128x16xf32, #tpu.memory_space<vmem>>
      %dma_start3A_266 = arith.constant 0 : i32
      %dma_start3A_267 = tpu.memref_slice %arg16[%dma_start3A_262, %dma_start3A_266] : memref<32x128xi32, #tpu.memory_space<vmem>> -> memref<1x128xi32, #tpu.memory_space<vmem>>
      %dma_start3A_268 = tpu.memref_squeeze %dma_start3A_267 : memref<1x128xi32, #tpu.memory_space<vmem>> -> memref<128xi32, #tpu.memory_space<vmem>>
      %dma_start3A_269 = arith.constant 0 : i32
      %dma_start3A_270 = arith.constant 0 : i32
      %dma_start3A_271 = tpu.memref_slice %arg20[%dma_start3A_269, %dma_start3A_270] : memref<4096x16xf32, #tpu.memory_space<vmem_shared>> -> memref<4096x16xf32, #tpu.memory_space<vmem_shared>>
      tpu.enqueue_indirect_dma source(%dma_start3A_265 : memref<128x16xf32, #tpu.memory_space<vmem>>) target(%dma_start3A_271 : memref<4096x16xf32, #tpu.memory_space<vmem_shared>>) offsets(%dma_start3A_268 : memref<128xi32, #tpu.memory_space<vmem>>) semaphore(%arg18 : memref<!tpu.dma_semaphore, #tpu.memory_space<semaphore_mem>>) {add = true}
      %dma_start3A_272 = arith.constant 6 : i32
      %dma_start3A_273 = arith.constant 768 : i32
      %dma_start3A_274 = arith.constant 0 : i32
      %dma_start3A_275 = tpu.memref_slice %arg10[%dma_start3A_273, %dma_start3A_274] : memref<1024x16xf32, #tpu.memory_space<vmem>> -> memref<128x16xf32, #tpu.memory_space<vmem>>
      %dma_start3A_276 = arith.constant 0 : i32
      %dma_start3A_277 = tpu.memref_slice %arg16[%dma_start3A_272, %dma_start3A_276] : memref<32x128xi32, #tpu.memory_space<vmem>> -> memref<1x128xi32, #tpu.memory_space<vmem>>
      %dma_start3A_278 = tpu.memref_squeeze %dma_start3A_277 : memref<1x128xi32, #tpu.memory_space<vmem>> -> memref<128xi32, #tpu.memory_space<vmem>>
      %dma_start3A_279 = arith.constant 0 : i32
      %dma_start3A_280 = arith.constant 0 : i32
      %dma_start3A_281 = tpu.memref_slice %arg20[%dma_start3A_279, %dma_start3A_280] : memref<4096x16xf32, #tpu.memory_space<vmem_shared>> -> memref<4096x16xf32, #tpu.memory_space<vmem_shared>>
      tpu.enqueue_indirect_dma source(%dma_start3A_275 : memref<128x16xf32, #tpu.memory_space<vmem>>) target(%dma_start3A_281 : memref<4096x16xf32, #tpu.memory_space<vmem_shared>>) offsets(%dma_start3A_278 : memref<128xi32, #tpu.memory_space<vmem>>) semaphore(%arg18 : memref<!tpu.dma_semaphore, #tpu.memory_space<semaphore_mem>>) {add = true}
      %dma_start3A_282 = arith.constant 7 : i32
      %dma_start3A_283 = arith.constant 896 : i32
      %dma_start3A_284 = arith.constant 0 : i32
      %dma_start3A_285 = tpu.memref_slice %arg10[%dma_start3A_283, %dma_start3A_284] : memref<1024x16xf32, #tpu.memory_space<vmem>> -> memref<128x16xf32, #tpu.memory_space<vmem>>
      %dma_start3A_286 = arith.constant 0 : i32
      %dma_start3A_287 = tpu.memref_slice %arg16[%dma_start3A_282, %dma_start3A_286] : memref<32x128xi32, #tpu.memory_space<vmem>> -> memref<1x128xi32, #tpu.memory_space<vmem>>
      %dma_start3A_288 = tpu.memref_squeeze %dma_start3A_287 : memref<1x128xi32, #tpu.memory_space<vmem>> -> memref<128xi32, #tpu.memory_space<vmem>>
      %dma_start3A_289 = arith.constant 0 : i32
      %dma_start3A_290 = arith.constant 0 : i32
      %dma_start3A_291 = tpu.memref_slice %arg20[%dma_start3A_289, %dma_start3A_290] : memref<4096x16xf32, #tpu.memory_space<vmem_shared>> -> memref<4096x16xf32, #tpu.memory_space<vmem_shared>>
      tpu.enqueue_indirect_dma source(%dma_start3A_285 : memref<128x16xf32, #tpu.memory_space<vmem>>) target(%dma_start3A_291 : memref<4096x16xf32, #tpu.memory_space<vmem_shared>>) offsets(%dma_start3A_288 : memref<128xi32, #tpu.memory_space<vmem>>) semaphore(%arg18 : memref<!tpu.dma_semaphore, #tpu.memory_space<semaphore_mem>>) {add = true}
      %dma_start3A_292 = arith.constant 8 : i32
      %dma_start3A_293 = arith.constant 0 : i32
      %dma_start3A_294 = arith.constant 0 : i32
      %dma_start3A_295 = tpu.memref_slice %arg11[%dma_start3A_293, %dma_start3A_294] : memref<1024x16xf32, #tpu.memory_space<vmem>> -> memref<128x16xf32, #tpu.memory_space<vmem>>
      %dma_start3A_296 = arith.constant 0 : i32
      %dma_start3A_297 = tpu.memref_slice %arg16[%dma_start3A_292, %dma_start3A_296] : memref<32x128xi32, #tpu.memory_space<vmem>> -> memref<1x128xi32, #tpu.memory_space<vmem>>
      %dma_start3A_298 = tpu.memref_squeeze %dma_start3A_297 : memref<1x128xi32, #tpu.memory_space<vmem>> -> memref<128xi32, #tpu.memory_space<vmem>>
      %dma_start3A_299 = arith.constant 0 : i32
      %dma_start3A_300 = arith.constant 0 : i32
      %dma_start3A_301 = tpu.memref_slice %arg20[%dma_start3A_299, %dma_start3A_300] : memref<4096x16xf32, #tpu.memory_space<vmem_shared>> -> memref<4096x16xf32, #tpu.memory_space<vmem_shared>>
      tpu.enqueue_indirect_dma source(%dma_start3A_295 : memref<128x16xf32, #tpu.memory_space<vmem>>) target(%dma_start3A_301 : memref<4096x16xf32, #tpu.memory_space<vmem_shared>>) offsets(%dma_start3A_298 : memref<128xi32, #tpu.memory_space<vmem>>) semaphore(%arg18 : memref<!tpu.dma_semaphore, #tpu.memory_space<semaphore_mem>>) {add = true}
      %dma_start3A_302 = arith.constant 9 : i32
      %dma_start3A_303 = arith.constant 128 : i32
      %dma_start3A_304 = arith.constant 0 : i32
      %dma_start3A_305 = tpu.memref_slice %arg11[%dma_start3A_303, %dma_start3A_304] : memref<1024x16xf32, #tpu.memory_space<vmem>> -> memref<128x16xf32, #tpu.memory_space<vmem>>
      %dma_start3A_306 = arith.constant 0 : i32
      %dma_start3A_307 = tpu.memref_slice %arg16[%dma_start3A_302, %dma_start3A_306] : memref<32x128xi32, #tpu.memory_space<vmem>> -> memref<1x128xi32, #tpu.memory_space<vmem>>
      %dma_start3A_308 = tpu.memref_squeeze %dma_start3A_307 : memref<1x128xi32, #tpu.memory_space<vmem>> -> memref<128xi32, #tpu.memory_space<vmem>>
      %dma_start3A_309 = arith.constant 0 : i32
      %dma_start3A_310 = arith.constant 0 : i32
      %dma_start3A_311 = tpu.memref_slice %arg20[%dma_start3A_309, %dma_start3A_310] : memref<4096x16xf32, #tpu.memory_space<vmem_shared>> -> memref<4096x16xf32, #tpu.memory_space<vmem_shared>>
      tpu.enqueue_indirect_dma source(%dma_start3A_305 : memref<128x16xf32, #tpu.memory_space<vmem>>) target(%dma_start3A_311 : memref<4096x16xf32, #tpu.memory_space<vmem_shared>>) offsets(%dma_start3A_308 : memref<128xi32, #tpu.memory_space<vmem>>) semaphore(%arg18 : memref<!tpu.dma_semaphore, #tpu.memory_space<semaphore_mem>>) {add = true}
      %dma_start3A_312 = arith.constant 10 : i32
      %dma_start3A_313 = arith.constant 256 : i32
      %dma_start3A_314 = arith.constant 0 : i32
      %dma_start3A_315 = tpu.memref_slice %arg11[%dma_start3A_313, %dma_start3A_314] : memref<1024x16xf32, #tpu.memory_space<vmem>> -> memref<128x16xf32, #tpu.memory_space<vmem>>
      %dma_start3A_316 = arith.constant 0 : i32
      %dma_start3A_317 = tpu.memref_slice %arg16[%dma_start3A_312, %dma_start3A_316] : memref<32x128xi32, #tpu.memory_space<vmem>> -> memref<1x128xi32, #tpu.memory_space<vmem>>
      %dma_start3A_318 = tpu.memref_squeeze %dma_start3A_317 : memref<1x128xi32, #tpu.memory_space<vmem>> -> memref<128xi32, #tpu.memory_space<vmem>>
      %dma_start3A_319 = arith.constant 0 : i32
      %dma_start3A_320 = arith.constant 0 : i32
      %dma_start3A_321 = tpu.memref_slice %arg20[%dma_start3A_319, %dma_start3A_320] : memref<4096x16xf32, #tpu.memory_space<vmem_shared>> -> memref<4096x16xf32, #tpu.memory_space<vmem_shared>>
      tpu.enqueue_indirect_dma source(%dma_start3A_315 : memref<128x16xf32, #tpu.memory_space<vmem>>) target(%dma_start3A_321 : memref<4096x16xf32, #tpu.memory_space<vmem_shared>>) offsets(%dma_start3A_318 : memref<128xi32, #tpu.memory_space<vmem>>) semaphore(%arg18 : memref<!tpu.dma_semaphore, #tpu.memory_space<semaphore_mem>>) {add = true}
      %dma_start3A_322 = arith.constant 11 : i32
      %dma_start3A_323 = arith.constant 384 : i32
      %dma_start3A_324 = arith.constant 0 : i32
      %dma_start3A_325 = tpu.memref_slice %arg11[%dma_start3A_323, %dma_start3A_324] : memref<1024x16xf32, #tpu.memory_space<vmem>> -> memref<128x16xf32, #tpu.memory_space<vmem>>
      %dma_start3A_326 = arith.constant 0 : i32
      %dma_start3A_327 = tpu.memref_slice %arg16[%dma_start3A_322, %dma_start3A_326] : memref<32x128xi32, #tpu.memory_space<vmem>> -> memref<1x128xi32, #tpu.memory_space<vmem>>
      %dma_start3A_328 = tpu.memref_squeeze %dma_start3A_327 : memref<1x128xi32, #tpu.memory_space<vmem>> -> memref<128xi32, #tpu.memory_space<vmem>>
      %dma_start3A_329 = arith.constant 0 : i32
      %dma_start3A_330 = arith.constant 0 : i32
      %dma_start3A_331 = tpu.memref_slice %arg20[%dma_start3A_329, %dma_start3A_330] : memref<4096x16xf32, #tpu.memory_space<vmem_shared>> -> memref<4096x16xf32, #tpu.memory_space<vmem_shared>>
      tpu.enqueue_indirect_dma source(%dma_start3A_325 : memref<128x16xf32, #tpu.memory_space<vmem>>) target(%dma_start3A_331 : memref<4096x16xf32, #tpu.memory_space<vmem_shared>>) offsets(%dma_start3A_328 : memref<128xi32, #tpu.memory_space<vmem>>) semaphore(%arg18 : memref<!tpu.dma_semaphore, #tpu.memory_space<semaphore_mem>>) {add = true}
      %dma_start3A_332 = arith.constant 12 : i32
      %dma_start3A_333 = arith.constant 512 : i32
      %dma_start3A_334 = arith.constant 0 : i32
      %dma_start3A_335 = tpu.memref_slice %arg11[%dma_start3A_333, %dma_start3A_334] : memref<1024x16xf32, #tpu.memory_space<vmem>> -> memref<128x16xf32, #tpu.memory_space<vmem>>
      %dma_start3A_336 = arith.constant 0 : i32
      %dma_start3A_337 = tpu.memref_slice %arg16[%dma_start3A_332, %dma_start3A_336] : memref<32x128xi32, #tpu.memory_space<vmem>> -> memref<1x128xi32, #tpu.memory_space<vmem>>
      %dma_start3A_338 = tpu.memref_squeeze %dma_start3A_337 : memref<1x128xi32, #tpu.memory_space<vmem>> -> memref<128xi32, #tpu.memory_space<vmem>>
      %dma_start3A_339 = arith.constant 0 : i32
      %dma_start3A_340 = arith.constant 0 : i32
      %dma_start3A_341 = tpu.memref_slice %arg20[%dma_start3A_339, %dma_start3A_340] : memref<4096x16xf32, #tpu.memory_space<vmem_shared>> -> memref<4096x16xf32, #tpu.memory_space<vmem_shared>>
      tpu.enqueue_indirect_dma source(%dma_start3A_335 : memref<128x16xf32, #tpu.memory_space<vmem>>) target(%dma_start3A_341 : memref<4096x16xf32, #tpu.memory_space<vmem_shared>>) offsets(%dma_start3A_338 : memref<128xi32, #tpu.memory_space<vmem>>) semaphore(%arg18 : memref<!tpu.dma_semaphore, #tpu.memory_space<semaphore_mem>>) {add = true}
      %dma_start3A_342 = arith.constant 13 : i32
      %dma_start3A_343 = arith.constant 640 : i32
      %dma_start3A_344 = arith.constant 0 : i32
      %dma_start3A_345 = tpu.memref_slice %arg11[%dma_start3A_343, %dma_start3A_344] : memref<1024x16xf32, #tpu.memory_space<vmem>> -> memref<128x16xf32, #tpu.memory_space<vmem>>
      %dma_start3A_346 = arith.constant 0 : i32
      %dma_start3A_347 = tpu.memref_slice %arg16[%dma_start3A_342, %dma_start3A_346] : memref<32x128xi32, #tpu.memory_space<vmem>> -> memref<1x128xi32, #tpu.memory_space<vmem>>
      %dma_start3A_348 = tpu.memref_squeeze %dma_start3A_347 : memref<1x128xi32, #tpu.memory_space<vmem>> -> memref<128xi32, #tpu.memory_space<vmem>>
      %dma_start3A_349 = arith.constant 0 : i32
      %dma_start3A_350 = arith.constant 0 : i32
      %dma_start3A_351 = tpu.memref_slice %arg20[%dma_start3A_349, %dma_start3A_350] : memref<4096x16xf32, #tpu.memory_space<vmem_shared>> -> memref<4096x16xf32, #tpu.memory_space<vmem_shared>>
      tpu.enqueue_indirect_dma source(%dma_start3A_345 : memref<128x16xf32, #tpu.memory_space<vmem>>) target(%dma_start3A_351 : memref<4096x16xf32, #tpu.memory_space<vmem_shared>>) offsets(%dma_start3A_348 : memref<128xi32, #tpu.memory_space<vmem>>) semaphore(%arg18 : memref<!tpu.dma_semaphore, #tpu.memory_space<semaphore_mem>>) {add = true}
      %dma_start3A_352 = arith.constant 14 : i32
      %dma_start3A_353 = arith.constant 768 : i32
      %dma_start3A_354 = arith.constant 0 : i32
      %dma_start3A_355 = tpu.memref_slice %arg11[%dma_start3A_353, %dma_start3A_354] : memref<1024x16xf32, #tpu.memory_space<vmem>> -> memref<128x16xf32, #tpu.memory_space<vmem>>
      %dma_start3A_356 = arith.constant 0 : i32
      %dma_start3A_357 = tpu.memref_slice %arg16[%dma_start3A_352, %dma_start3A_356] : memref<32x128xi32, #tpu.memory_space<vmem>> -> memref<1x128xi32, #tpu.memory_space<vmem>>
      %dma_start3A_358 = tpu.memref_squeeze %dma_start3A_357 : memref<1x128xi32, #tpu.memory_space<vmem>> -> memref<128xi32, #tpu.memory_space<vmem>>
      %dma_start3A_359 = arith.constant 0 : i32
      %dma_start3A_360 = arith.constant 0 : i32
      %dma_start3A_361 = tpu.memref_slice %arg20[%dma_start3A_359, %dma_start3A_360] : memref<4096x16xf32, #tpu.memory_space<vmem_shared>> -> memref<4096x16xf32, #tpu.memory_space<vmem_shared>>
      tpu.enqueue_indirect_dma source(%dma_start3A_355 : memref<128x16xf32, #tpu.memory_space<vmem>>) target(%dma_start3A_361 : memref<4096x16xf32, #tpu.memory_space<vmem_shared>>) offsets(%dma_start3A_358 : memref<128xi32, #tpu.memory_space<vmem>>) semaphore(%arg18 : memref<!tpu.dma_semaphore, #tpu.memory_space<semaphore_mem>>) {add = true}
      %dma_start3A_362 = arith.constant 15 : i32
      %dma_start3A_363 = arith.constant 896 : i32
      %dma_start3A_364 = arith.constant 0 : i32
      %dma_start3A_365 = tpu.memref_slice %arg11[%dma_start3A_363, %dma_start3A_364] : memref<1024x16xf32, #tpu.memory_space<vmem>> -> memref<128x16xf32, #tpu.memory_space<vmem>>
      %dma_start3A_366 = arith.constant 0 : i32
      %dma_start3A_367 = tpu.memref_slice %arg16[%dma_start3A_362, %dma_start3A_366] : memref<32x128xi32, #tpu.memory_space<vmem>> -> memref<1x128xi32, #tpu.memory_space<vmem>>
      %dma_start3A_368 = tpu.memref_squeeze %dma_start3A_367 : memref<1x128xi32, #tpu.memory_space<vmem>> -> memref<128xi32, #tpu.memory_space<vmem>>
      %dma_start3A_369 = arith.constant 0 : i32
      %dma_start3A_370 = arith.constant 0 : i32
      %dma_start3A_371 = tpu.memref_slice %arg20[%dma_start3A_369, %dma_start3A_370] : memref<4096x16xf32, #tpu.memory_space<vmem_shared>> -> memref<4096x16xf32, #tpu.memory_space<vmem_shared>>
      tpu.enqueue_indirect_dma source(%dma_start3A_365 : memref<128x16xf32, #tpu.memory_space<vmem>>) target(%dma_start3A_371 : memref<4096x16xf32, #tpu.memory_space<vmem_shared>>) offsets(%dma_start3A_368 : memref<128xi32, #tpu.memory_space<vmem>>) semaphore(%arg18 : memref<!tpu.dma_semaphore, #tpu.memory_space<semaphore_mem>>) {add = true}
      %dma_start3A_372 = arith.constant 16 : i32
      %dma_start3A_373 = arith.constant 0 : i32
      %dma_start3A_374 = arith.constant 0 : i32
      %dma_start3A_375 = tpu.memref_slice %arg12[%dma_start3A_373, %dma_start3A_374] : memref<1024x16xf32, #tpu.memory_space<vmem>> -> memref<128x16xf32, #tpu.memory_space<vmem>>
      %dma_start3A_376 = arith.constant 0 : i32
      %dma_start3A_377 = tpu.memref_slice %arg16[%dma_start3A_372, %dma_start3A_376] : memref<32x128xi32, #tpu.memory_space<vmem>> -> memref<1x128xi32, #tpu.memory_space<vmem>>
      %dma_start3A_378 = tpu.memref_squeeze %dma_start3A_377 : memref<1x128xi32, #tpu.memory_space<vmem>> -> memref<128xi32, #tpu.memory_space<vmem>>
      %dma_start3A_379 = arith.constant 0 : i32
      %dma_start3A_380 = arith.constant 0 : i32
      %dma_start3A_381 = tpu.memref_slice %arg20[%dma_start3A_379, %dma_start3A_380] : memref<4096x16xf32, #tpu.memory_space<vmem_shared>> -> memref<4096x16xf32, #tpu.memory_space<vmem_shared>>
      tpu.enqueue_indirect_dma source(%dma_start3A_375 : memref<128x16xf32, #tpu.memory_space<vmem>>) target(%dma_start3A_381 : memref<4096x16xf32, #tpu.memory_space<vmem_shared>>) offsets(%dma_start3A_378 : memref<128xi32, #tpu.memory_space<vmem>>) semaphore(%arg18 : memref<!tpu.dma_semaphore, #tpu.memory_space<semaphore_mem>>) {add = true}
      %dma_start3A_382 = arith.constant 17 : i32
      %dma_start3A_383 = arith.constant 128 : i32
      %dma_start3A_384 = arith.constant 0 : i32
      %dma_start3A_385 = tpu.memref_slice %arg12[%dma_start3A_383, %dma_start3A_384] : memref<1024x16xf32, #tpu.memory_space<vmem>> -> memref<128x16xf32, #tpu.memory_space<vmem>>
      %dma_start3A_386 = arith.constant 0 : i32
      %dma_start3A_387 = tpu.memref_slice %arg16[%dma_start3A_382, %dma_start3A_386] : memref<32x128xi32, #tpu.memory_space<vmem>> -> memref<1x128xi32, #tpu.memory_space<vmem>>
      %dma_start3A_388 = tpu.memref_squeeze %dma_start3A_387 : memref<1x128xi32, #tpu.memory_space<vmem>> -> memref<128xi32, #tpu.memory_space<vmem>>
      %dma_start3A_389 = arith.constant 0 : i32
      %dma_start3A_390 = arith.constant 0 : i32
      %dma_start3A_391 = tpu.memref_slice %arg20[%dma_start3A_389, %dma_start3A_390] : memref<4096x16xf32, #tpu.memory_space<vmem_shared>> -> memref<4096x16xf32, #tpu.memory_space<vmem_shared>>
      tpu.enqueue_indirect_dma source(%dma_start3A_385 : memref<128x16xf32, #tpu.memory_space<vmem>>) target(%dma_start3A_391 : memref<4096x16xf32, #tpu.memory_space<vmem_shared>>) offsets(%dma_start3A_388 : memref<128xi32, #tpu.memory_space<vmem>>) semaphore(%arg18 : memref<!tpu.dma_semaphore, #tpu.memory_space<semaphore_mem>>) {add = true}
      %dma_start3A_392 = arith.constant 18 : i32
      %dma_start3A_393 = arith.constant 256 : i32
      %dma_start3A_394 = arith.constant 0 : i32
      %dma_start3A_395 = tpu.memref_slice %arg12[%dma_start3A_393, %dma_start3A_394] : memref<1024x16xf32, #tpu.memory_space<vmem>> -> memref<128x16xf32, #tpu.memory_space<vmem>>
      %dma_start3A_396 = arith.constant 0 : i32
      %dma_start3A_397 = tpu.memref_slice %arg16[%dma_start3A_392, %dma_start3A_396] : memref<32x128xi32, #tpu.memory_space<vmem>> -> memref<1x128xi32, #tpu.memory_space<vmem>>
      %dma_start3A_398 = tpu.memref_squeeze %dma_start3A_397 : memref<1x128xi32, #tpu.memory_space<vmem>> -> memref<128xi32, #tpu.memory_space<vmem>>
      %dma_start3A_399 = arith.constant 0 : i32
      %dma_start3A_400 = arith.constant 0 : i32
      %dma_start3A_401 = tpu.memref_slice %arg20[%dma_start3A_399, %dma_start3A_400] : memref<4096x16xf32, #tpu.memory_space<vmem_shared>> -> memref<4096x16xf32, #tpu.memory_space<vmem_shared>>
      tpu.enqueue_indirect_dma source(%dma_start3A_395 : memref<128x16xf32, #tpu.memory_space<vmem>>) target(%dma_start3A_401 : memref<4096x16xf32, #tpu.memory_space<vmem_shared>>) offsets(%dma_start3A_398 : memref<128xi32, #tpu.memory_space<vmem>>) semaphore(%arg18 : memref<!tpu.dma_semaphore, #tpu.memory_space<semaphore_mem>>) {add = true}
      %dma_start3A_402 = arith.constant 19 : i32
      %dma_start3A_403 = arith.constant 384 : i32
      %dma_start3A_404 = arith.constant 0 : i32
      %dma_start3A_405 = tpu.memref_slice %arg12[%dma_start3A_403, %dma_start3A_404] : memref<1024x16xf32, #tpu.memory_space<vmem>> -> memref<128x16xf32, #tpu.memory_space<vmem>>
      %dma_start3A_406 = arith.constant 0 : i32
      %dma_start3A_407 = tpu.memref_slice %arg16[%dma_start3A_402, %dma_start3A_406] : memref<32x128xi32, #tpu.memory_space<vmem>> -> memref<1x128xi32, #tpu.memory_space<vmem>>
      %dma_start3A_408 = tpu.memref_squeeze %dma_start3A_407 : memref<1x128xi32, #tpu.memory_space<vmem>> -> memref<128xi32, #tpu.memory_space<vmem>>
      %dma_start3A_409 = arith.constant 0 : i32
      %dma_start3A_410 = arith.constant 0 : i32
      %dma_start3A_411 = tpu.memref_slice %arg20[%dma_start3A_409, %dma_start3A_410] : memref<4096x16xf32, #tpu.memory_space<vmem_shared>> -> memref<4096x16xf32, #tpu.memory_space<vmem_shared>>
      tpu.enqueue_indirect_dma source(%dma_start3A_405 : memref<128x16xf32, #tpu.memory_space<vmem>>) target(%dma_start3A_411 : memref<4096x16xf32, #tpu.memory_space<vmem_shared>>) offsets(%dma_start3A_408 : memref<128xi32, #tpu.memory_space<vmem>>) semaphore(%arg18 : memref<!tpu.dma_semaphore, #tpu.memory_space<semaphore_mem>>) {add = true}
      %dma_start3A_412 = arith.constant 20 : i32
      %dma_start3A_413 = arith.constant 512 : i32
      %dma_start3A_414 = arith.constant 0 : i32
      %dma_start3A_415 = tpu.memref_slice %arg12[%dma_start3A_413, %dma_start3A_414] : memref<1024x16xf32, #tpu.memory_space<vmem>> -> memref<128x16xf32, #tpu.memory_space<vmem>>
      %dma_start3A_416 = arith.constant 0 : i32
      %dma_start3A_417 = tpu.memref_slice %arg16[%dma_start3A_412, %dma_start3A_416] : memref<32x128xi32, #tpu.memory_space<vmem>> -> memref<1x128xi32, #tpu.memory_space<vmem>>
      %dma_start3A_418 = tpu.memref_squeeze %dma_start3A_417 : memref<1x128xi32, #tpu.memory_space<vmem>> -> memref<128xi32, #tpu.memory_space<vmem>>
      %dma_start3A_419 = arith.constant 0 : i32
      %dma_start3A_420 = arith.constant 0 : i32
      %dma_start3A_421 = tpu.memref_slice %arg20[%dma_start3A_419, %dma_start3A_420] : memref<4096x16xf32, #tpu.memory_space<vmem_shared>> -> memref<4096x16xf32, #tpu.memory_space<vmem_shared>>
      tpu.enqueue_indirect_dma source(%dma_start3A_415 : memref<128x16xf32, #tpu.memory_space<vmem>>) target(%dma_start3A_421 : memref<4096x16xf32, #tpu.memory_space<vmem_shared>>) offsets(%dma_start3A_418 : memref<128xi32, #tpu.memory_space<vmem>>) semaphore(%arg18 : memref<!tpu.dma_semaphore, #tpu.memory_space<semaphore_mem>>) {add = true}
      %dma_start3A_422 = arith.constant 21 : i32
      %dma_start3A_423 = arith.constant 640 : i32
      %dma_start3A_424 = arith.constant 0 : i32
      %dma_start3A_425 = tpu.memref_slice %arg12[%dma_start3A_423, %dma_start3A_424] : memref<1024x16xf32, #tpu.memory_space<vmem>> -> memref<128x16xf32, #tpu.memory_space<vmem>>
      %dma_start3A_426 = arith.constant 0 : i32
      %dma_start3A_427 = tpu.memref_slice %arg16[%dma_start3A_422, %dma_start3A_426] : memref<32x128xi32, #tpu.memory_space<vmem>> -> memref<1x128xi32, #tpu.memory_space<vmem>>
      %dma_start3A_428 = tpu.memref_squeeze %dma_start3A_427 : memref<1x128xi32, #tpu.memory_space<vmem>> -> memref<128xi32, #tpu.memory_space<vmem>>
      %dma_start3A_429 = arith.constant 0 : i32
      %dma_start3A_430 = arith.constant 0 : i32
      %dma_start3A_431 = tpu.memref_slice %arg20[%dma_start3A_429, %dma_start3A_430] : memref<4096x16xf32, #tpu.memory_space<vmem_shared>> -> memref<4096x16xf32, #tpu.memory_space<vmem_shared>>
      tpu.enqueue_indirect_dma source(%dma_start3A_425 : memref<128x16xf32, #tpu.memory_space<vmem>>) target(%dma_start3A_431 : memref<4096x16xf32, #tpu.memory_space<vmem_shared>>) offsets(%dma_start3A_428 : memref<128xi32, #tpu.memory_space<vmem>>) semaphore(%arg18 : memref<!tpu.dma_semaphore, #tpu.memory_space<semaphore_mem>>) {add = true}
      %dma_start3A_432 = arith.constant 22 : i32
      %dma_start3A_433 = arith.constant 768 : i32
      %dma_start3A_434 = arith.constant 0 : i32
      %dma_start3A_435 = tpu.memref_slice %arg12[%dma_start3A_433, %dma_start3A_434] : memref<1024x16xf32, #tpu.memory_space<vmem>> -> memref<128x16xf32, #tpu.memory_space<vmem>>
      %dma_start3A_436 = arith.constant 0 : i32
      %dma_start3A_437 = tpu.memref_slice %arg16[%dma_start3A_432, %dma_start3A_436] : memref<32x128xi32, #tpu.memory_space<vmem>> -> memref<1x128xi32, #tpu.memory_space<vmem>>
      %dma_start3A_438 = tpu.memref_squeeze %dma_start3A_437 : memref<1x128xi32, #tpu.memory_space<vmem>> -> memref<128xi32, #tpu.memory_space<vmem>>
      %dma_start3A_439 = arith.constant 0 : i32
      %dma_start3A_440 = arith.constant 0 : i32
      %dma_start3A_441 = tpu.memref_slice %arg20[%dma_start3A_439, %dma_start3A_440] : memref<4096x16xf32, #tpu.memory_space<vmem_shared>> -> memref<4096x16xf32, #tpu.memory_space<vmem_shared>>
      tpu.enqueue_indirect_dma source(%dma_start3A_435 : memref<128x16xf32, #tpu.memory_space<vmem>>) target(%dma_start3A_441 : memref<4096x16xf32, #tpu.memory_space<vmem_shared>>) offsets(%dma_start3A_438 : memref<128xi32, #tpu.memory_space<vmem>>) semaphore(%arg18 : memref<!tpu.dma_semaphore, #tpu.memory_space<semaphore_mem>>) {add = true}
      %dma_start3A_442 = arith.constant 23 : i32
      %dma_start3A_443 = arith.constant 896 : i32
      %dma_start3A_444 = arith.constant 0 : i32
      %dma_start3A_445 = tpu.memref_slice %arg12[%dma_start3A_443, %dma_start3A_444] : memref<1024x16xf32, #tpu.memory_space<vmem>> -> memref<128x16xf32, #tpu.memory_space<vmem>>
      %dma_start3A_446 = arith.constant 0 : i32
      %dma_start3A_447 = tpu.memref_slice %arg16[%dma_start3A_442, %dma_start3A_446] : memref<32x128xi32, #tpu.memory_space<vmem>> -> memref<1x128xi32, #tpu.memory_space<vmem>>
      %dma_start3A_448 = tpu.memref_squeeze %dma_start3A_447 : memref<1x128xi32, #tpu.memory_space<vmem>> -> memref<128xi32, #tpu.memory_space<vmem>>
      %dma_start3A_449 = arith.constant 0 : i32
      %dma_start3A_450 = arith.constant 0 : i32
      %dma_start3A_451 = tpu.memref_slice %arg20[%dma_start3A_449, %dma_start3A_450] : memref<4096x16xf32, #tpu.memory_space<vmem_shared>> -> memref<4096x16xf32, #tpu.memory_space<vmem_shared>>
      tpu.enqueue_indirect_dma source(%dma_start3A_445 : memref<128x16xf32, #tpu.memory_space<vmem>>) target(%dma_start3A_451 : memref<4096x16xf32, #tpu.memory_space<vmem_shared>>) offsets(%dma_start3A_448 : memref<128xi32, #tpu.memory_space<vmem>>) semaphore(%arg18 : memref<!tpu.dma_semaphore, #tpu.memory_space<semaphore_mem>>) {add = true}
      %dma_start3A_452 = arith.constant 24 : i32
      %dma_start3A_453 = arith.constant 0 : i32
      %dma_start3A_454 = arith.constant 0 : i32
      %dma_start3A_455 = tpu.memref_slice %arg13[%dma_start3A_453, %dma_start3A_454] : memref<1024x16xf32, #tpu.memory_space<vmem>> -> memref<128x16xf32, #tpu.memory_space<vmem>>
      %dma_start3A_456 = arith.constant 0 : i32
      %dma_start3A_457 = tpu.memref_slice %arg16[%dma_start3A_452, %dma_start3A_456] : memref<32x128xi32, #tpu.memory_space<vmem>> -> memref<1x128xi32, #tpu.memory_space<vmem>>
      %dma_start3A_458 = tpu.memref_squeeze %dma_start3A_457 : memref<1x128xi32, #tpu.memory_space<vmem>> -> memref<128xi32, #tpu.memory_space<vmem>>
      %dma_start3A_459 = arith.constant 0 : i32
      %dma_start3A_460 = arith.constant 0 : i32
      %dma_start3A_461 = tpu.memref_slice %arg20[%dma_start3A_459, %dma_start3A_460] : memref<4096x16xf32, #tpu.memory_space<vmem_shared>> -> memref<4096x16xf32, #tpu.memory_space<vmem_shared>>
      tpu.enqueue_indirect_dma source(%dma_start3A_455 : memref<128x16xf32, #tpu.memory_space<vmem>>) target(%dma_start3A_461 : memref<4096x16xf32, #tpu.memory_space<vmem_shared>>) offsets(%dma_start3A_458 : memref<128xi32, #tpu.memory_space<vmem>>) semaphore(%arg18 : memref<!tpu.dma_semaphore, #tpu.memory_space<semaphore_mem>>) {add = true}
      %dma_start3A_462 = arith.constant 25 : i32
      %dma_start3A_463 = arith.constant 128 : i32
      %dma_start3A_464 = arith.constant 0 : i32
      %dma_start3A_465 = tpu.memref_slice %arg13[%dma_start3A_463, %dma_start3A_464] : memref<1024x16xf32, #tpu.memory_space<vmem>> -> memref<128x16xf32, #tpu.memory_space<vmem>>
      %dma_start3A_466 = arith.constant 0 : i32
      %dma_start3A_467 = tpu.memref_slice %arg16[%dma_start3A_462, %dma_start3A_466] : memref<32x128xi32, #tpu.memory_space<vmem>> -> memref<1x128xi32, #tpu.memory_space<vmem>>
      %dma_start3A_468 = tpu.memref_squeeze %dma_start3A_467 : memref<1x128xi32, #tpu.memory_space<vmem>> -> memref<128xi32, #tpu.memory_space<vmem>>
      %dma_start3A_469 = arith.constant 0 : i32
      %dma_start3A_470 = arith.constant 0 : i32
      %dma_start3A_471 = tpu.memref_slice %arg20[%dma_start3A_469, %dma_start3A_470] : memref<4096x16xf32, #tpu.memory_space<vmem_shared>> -> memref<4096x16xf32, #tpu.memory_space<vmem_shared>>
      tpu.enqueue_indirect_dma source(%dma_start3A_465 : memref<128x16xf32, #tpu.memory_space<vmem>>) target(%dma_start3A_471 : memref<4096x16xf32, #tpu.memory_space<vmem_shared>>) offsets(%dma_start3A_468 : memref<128xi32, #tpu.memory_space<vmem>>) semaphore(%arg18 : memref<!tpu.dma_semaphore, #tpu.memory_space<semaphore_mem>>) {add = true}
      %dma_start3A_472 = arith.constant 26 : i32
      %dma_start3A_473 = arith.constant 256 : i32
      %dma_start3A_474 = arith.constant 0 : i32
      %dma_start3A_475 = tpu.memref_slice %arg13[%dma_start3A_473, %dma_start3A_474] : memref<1024x16xf32, #tpu.memory_space<vmem>> -> memref<128x16xf32, #tpu.memory_space<vmem>>
      %dma_start3A_476 = arith.constant 0 : i32
      %dma_start3A_477 = tpu.memref_slice %arg16[%dma_start3A_472, %dma_start3A_476] : memref<32x128xi32, #tpu.memory_space<vmem>> -> memref<1x128xi32, #tpu.memory_space<vmem>>
      %dma_start3A_478 = tpu.memref_squeeze %dma_start3A_477 : memref<1x128xi32, #tpu.memory_space<vmem>> -> memref<128xi32, #tpu.memory_space<vmem>>
      %dma_start3A_479 = arith.constant 0 : i32
      %dma_start3A_480 = arith.constant 0 : i32
      %dma_start3A_481 = tpu.memref_slice %arg20[%dma_start3A_479, %dma_start3A_480] : memref<4096x16xf32, #tpu.memory_space<vmem_shared>> -> memref<4096x16xf32, #tpu.memory_space<vmem_shared>>
      tpu.enqueue_indirect_dma source(%dma_start3A_475 : memref<128x16xf32, #tpu.memory_space<vmem>>) target(%dma_start3A_481 : memref<4096x16xf32, #tpu.memory_space<vmem_shared>>) offsets(%dma_start3A_478 : memref<128xi32, #tpu.memory_space<vmem>>) semaphore(%arg18 : memref<!tpu.dma_semaphore, #tpu.memory_space<semaphore_mem>>) {add = true}
      %dma_start3A_482 = arith.constant 27 : i32
      %dma_start3A_483 = arith.constant 384 : i32
      %dma_start3A_484 = arith.constant 0 : i32
      %dma_start3A_485 = tpu.memref_slice %arg13[%dma_start3A_483, %dma_start3A_484] : memref<1024x16xf32, #tpu.memory_space<vmem>> -> memref<128x16xf32, #tpu.memory_space<vmem>>
      %dma_start3A_486 = arith.constant 0 : i32
      %dma_start3A_487 = tpu.memref_slice %arg16[%dma_start3A_482, %dma_start3A_486] : memref<32x128xi32, #tpu.memory_space<vmem>> -> memref<1x128xi32, #tpu.memory_space<vmem>>
      %dma_start3A_488 = tpu.memref_squeeze %dma_start3A_487 : memref<1x128xi32, #tpu.memory_space<vmem>> -> memref<128xi32, #tpu.memory_space<vmem>>
      %dma_start3A_489 = arith.constant 0 : i32
      %dma_start3A_490 = arith.constant 0 : i32
      %dma_start3A_491 = tpu.memref_slice %arg20[%dma_start3A_489, %dma_start3A_490] : memref<4096x16xf32, #tpu.memory_space<vmem_shared>> -> memref<4096x16xf32, #tpu.memory_space<vmem_shared>>
      tpu.enqueue_indirect_dma source(%dma_start3A_485 : memref<128x16xf32, #tpu.memory_space<vmem>>) target(%dma_start3A_491 : memref<4096x16xf32, #tpu.memory_space<vmem_shared>>) offsets(%dma_start3A_488 : memref<128xi32, #tpu.memory_space<vmem>>) semaphore(%arg18 : memref<!tpu.dma_semaphore, #tpu.memory_space<semaphore_mem>>) {add = true}
      %dma_start3A_492 = arith.constant 28 : i32
      %dma_start3A_493 = arith.constant 512 : i32
      %dma_start3A_494 = arith.constant 0 : i32
      %dma_start3A_495 = tpu.memref_slice %arg13[%dma_start3A_493, %dma_start3A_494] : memref<1024x16xf32, #tpu.memory_space<vmem>> -> memref<128x16xf32, #tpu.memory_space<vmem>>
      %dma_start3A_496 = arith.constant 0 : i32
      %dma_start3A_497 = tpu.memref_slice %arg16[%dma_start3A_492, %dma_start3A_496] : memref<32x128xi32, #tpu.memory_space<vmem>> -> memref<1x128xi32, #tpu.memory_space<vmem>>
      %dma_start3A_498 = tpu.memref_squeeze %dma_start3A_497 : memref<1x128xi32, #tpu.memory_space<vmem>> -> memref<128xi32, #tpu.memory_space<vmem>>
      %dma_start3A_499 = arith.constant 0 : i32
      %dma_start3A_500 = arith.constant 0 : i32
      %dma_start3A_501 = tpu.memref_slice %arg20[%dma_start3A_499, %dma_start3A_500] : memref<4096x16xf32, #tpu.memory_space<vmem_shared>> -> memref<4096x16xf32, #tpu.memory_space<vmem_shared>>
      tpu.enqueue_indirect_dma source(%dma_start3A_495 : memref<128x16xf32, #tpu.memory_space<vmem>>) target(%dma_start3A_501 : memref<4096x16xf32, #tpu.memory_space<vmem_shared>>) offsets(%dma_start3A_498 : memref<128xi32, #tpu.memory_space<vmem>>) semaphore(%arg18 : memref<!tpu.dma_semaphore, #tpu.memory_space<semaphore_mem>>) {add = true}
      %dma_start3A_502 = arith.constant 29 : i32
      %dma_start3A_503 = arith.constant 640 : i32
      %dma_start3A_504 = arith.constant 0 : i32
      %dma_start3A_505 = tpu.memref_slice %arg13[%dma_start3A_503, %dma_start3A_504] : memref<1024x16xf32, #tpu.memory_space<vmem>> -> memref<128x16xf32, #tpu.memory_space<vmem>>
      %dma_start3A_506 = arith.constant 0 : i32
      %dma_start3A_507 = tpu.memref_slice %arg16[%dma_start3A_502, %dma_start3A_506] : memref<32x128xi32, #tpu.memory_space<vmem>> -> memref<1x128xi32, #tpu.memory_space<vmem>>
      %dma_start3A_508 = tpu.memref_squeeze %dma_start3A_507 : memref<1x128xi32, #tpu.memory_space<vmem>> -> memref<128xi32, #tpu.memory_space<vmem>>
      %dma_start3A_509 = arith.constant 0 : i32
      %dma_start3A_510 = arith.constant 0 : i32
      %dma_start3A_511 = tpu.memref_slice %arg20[%dma_start3A_509, %dma_start3A_510] : memref<4096x16xf32, #tpu.memory_space<vmem_shared>> -> memref<4096x16xf32, #tpu.memory_space<vmem_shared>>
      tpu.enqueue_indirect_dma source(%dma_start3A_505 : memref<128x16xf32, #tpu.memory_space<vmem>>) target(%dma_start3A_511 : memref<4096x16xf32, #tpu.memory_space<vmem_shared>>) offsets(%dma_start3A_508 : memref<128xi32, #tpu.memory_space<vmem>>) semaphore(%arg18 : memref<!tpu.dma_semaphore, #tpu.memory_space<semaphore_mem>>) {add = true}
      %dma_start3A_512 = arith.constant 30 : i32
      %dma_start3A_513 = arith.constant 768 : i32
      %dma_start3A_514 = arith.constant 0 : i32
      %dma_start3A_515 = tpu.memref_slice %arg13[%dma_start3A_513, %dma_start3A_514] : memref<1024x16xf32, #tpu.memory_space<vmem>> -> memref<128x16xf32, #tpu.memory_space<vmem>>
      %dma_start3A_516 = arith.constant 0 : i32
      %dma_start3A_517 = tpu.memref_slice %arg16[%dma_start3A_512, %dma_start3A_516] : memref<32x128xi32, #tpu.memory_space<vmem>> -> memref<1x128xi32, #tpu.memory_space<vmem>>
      %dma_start3A_518 = tpu.memref_squeeze %dma_start3A_517 : memref<1x128xi32, #tpu.memory_space<vmem>> -> memref<128xi32, #tpu.memory_space<vmem>>
      %dma_start3A_519 = arith.constant 0 : i32
      %dma_start3A_520 = arith.constant 0 : i32
      %dma_start3A_521 = tpu.memref_slice %arg20[%dma_start3A_519, %dma_start3A_520] : memref<4096x16xf32, #tpu.memory_space<vmem_shared>> -> memref<4096x16xf32, #tpu.memory_space<vmem_shared>>
      tpu.enqueue_indirect_dma source(%dma_start3A_515 : memref<128x16xf32, #tpu.memory_space<vmem>>) target(%dma_start3A_521 : memref<4096x16xf32, #tpu.memory_space<vmem_shared>>) offsets(%dma_start3A_518 : memref<128xi32, #tpu.memory_space<vmem>>) semaphore(%arg18 : memref<!tpu.dma_semaphore, #tpu.memory_space<semaphore_mem>>) {add = true}
      %dma_start3A_522 = arith.constant 31 : i32
      %dma_start3A_523 = arith.constant 896 : i32
      %dma_start3A_524 = arith.constant 0 : i32
      %dma_start3A_525 = tpu.memref_slice %arg13[%dma_start3A_523, %dma_start3A_524] : memref<1024x16xf32, #tpu.memory_space<vmem>> -> memref<128x16xf32, #tpu.memory_space<vmem>>
      %dma_start3A_526 = arith.constant 0 : i32
      %dma_start3A_527 = tpu.memref_slice %arg16[%dma_start3A_522, %dma_start3A_526] : memref<32x128xi32, #tpu.memory_space<vmem>> -> memref<1x128xi32, #tpu.memory_space<vmem>>
      %dma_start3A_528 = tpu.memref_squeeze %dma_start3A_527 : memref<1x128xi32, #tpu.memory_space<vmem>> -> memref<128xi32, #tpu.memory_space<vmem>>
      %dma_start3A_529 = arith.constant 0 : i32
      %dma_start3A_530 = arith.constant 0 : i32
      %dma_start3A_531 = tpu.memref_slice %arg20[%dma_start3A_529, %dma_start3A_530] : memref<4096x16xf32, #tpu.memory_space<vmem_shared>> -> memref<4096x16xf32, #tpu.memory_space<vmem_shared>>
      tpu.enqueue_indirect_dma source(%dma_start3A_525 : memref<128x16xf32, #tpu.memory_space<vmem>>) target(%dma_start3A_531 : memref<4096x16xf32, #tpu.memory_space<vmem_shared>>) offsets(%dma_start3A_528 : memref<128xi32, #tpu.memory_space<vmem>>) semaphore(%arg18 : memref<!tpu.dma_semaphore, #tpu.memory_space<semaphore_mem>>) {add = true}
      %dma_wait3A = arith.constant 0 : i32
      %dma_wait3A_532 = arith.constant 0 : i32
      %dma_wait3A_533 = arith.constant 0 : i32
      %dma_wait3A_534 = tpu.memref_slice %arg10[%dma_wait3A_532, %dma_wait3A_533] : memref<1024x16xf32, #tpu.memory_space<vmem>> -> memref<128x16xf32, #tpu.memory_space<vmem>>
      %dma_wait3A_535 = arith.constant 0 : i32
      %dma_wait3A_536 = tpu.memref_slice %arg16[%dma_wait3A, %dma_wait3A_535] : memref<32x128xi32, #tpu.memory_space<vmem>> -> memref<1x128xi32, #tpu.memory_space<vmem>>
      %dma_wait3A_537 = tpu.memref_squeeze %dma_wait3A_536 : memref<1x128xi32, #tpu.memory_space<vmem>> -> memref<128xi32, #tpu.memory_space<vmem>>
      %dma_wait3A_538 = arith.constant 0 : i32
      %dma_wait3A_539 = arith.constant 0 : i32
      %dma_wait3A_540 = tpu.memref_slice %arg20[%dma_wait3A_538, %dma_wait3A_539] : memref<4096x16xf32, #tpu.memory_space<vmem_shared>> -> memref<4096x16xf32, #tpu.memory_space<vmem_shared>>
      tpu.wait_indirect_dma semaphore(%arg18 : memref<!tpu.dma_semaphore, #tpu.memory_space<semaphore_mem>>) src(%dma_wait3A_534 : memref<128x16xf32, #tpu.memory_space<vmem>>) dst(%dma_wait3A_540 : memref<4096x16xf32, #tpu.memory_space<vmem_shared>>)
      %dma_wait3A_541 = arith.constant 1 : i32
      %dma_wait3A_542 = arith.constant 128 : i32
      %dma_wait3A_543 = arith.constant 0 : i32
      %dma_wait3A_544 = tpu.memref_slice %arg10[%dma_wait3A_542, %dma_wait3A_543] : memref<1024x16xf32, #tpu.memory_space<vmem>> -> memref<128x16xf32, #tpu.memory_space<vmem>>
      %dma_wait3A_545 = arith.constant 0 : i32
      %dma_wait3A_546 = tpu.memref_slice %arg16[%dma_wait3A_541, %dma_wait3A_545] : memref<32x128xi32, #tpu.memory_space<vmem>> -> memref<1x128xi32, #tpu.memory_space<vmem>>
      %dma_wait3A_547 = tpu.memref_squeeze %dma_wait3A_546 : memref<1x128xi32, #tpu.memory_space<vmem>> -> memref<128xi32, #tpu.memory_space<vmem>>
      %dma_wait3A_548 = arith.constant 0 : i32
      %dma_wait3A_549 = arith.constant 0 : i32
      %dma_wait3A_550 = tpu.memref_slice %arg20[%dma_wait3A_548, %dma_wait3A_549] : memref<4096x16xf32, #tpu.memory_space<vmem_shared>> -> memref<4096x16xf32, #tpu.memory_space<vmem_shared>>
      tpu.wait_indirect_dma semaphore(%arg18 : memref<!tpu.dma_semaphore, #tpu.memory_space<semaphore_mem>>) src(%dma_wait3A_544 : memref<128x16xf32, #tpu.memory_space<vmem>>) dst(%dma_wait3A_550 : memref<4096x16xf32, #tpu.memory_space<vmem_shared>>)
      %dma_wait3A_551 = arith.constant 2 : i32
      %dma_wait3A_552 = arith.constant 256 : i32
      %dma_wait3A_553 = arith.constant 0 : i32
      %dma_wait3A_554 = tpu.memref_slice %arg10[%dma_wait3A_552, %dma_wait3A_553] : memref<1024x16xf32, #tpu.memory_space<vmem>> -> memref<128x16xf32, #tpu.memory_space<vmem>>
      %dma_wait3A_555 = arith.constant 0 : i32
      %dma_wait3A_556 = tpu.memref_slice %arg16[%dma_wait3A_551, %dma_wait3A_555] : memref<32x128xi32, #tpu.memory_space<vmem>> -> memref<1x128xi32, #tpu.memory_space<vmem>>
      %dma_wait3A_557 = tpu.memref_squeeze %dma_wait3A_556 : memref<1x128xi32, #tpu.memory_space<vmem>> -> memref<128xi32, #tpu.memory_space<vmem>>
      %dma_wait3A_558 = arith.constant 0 : i32
      %dma_wait3A_559 = arith.constant 0 : i32
      %dma_wait3A_560 = tpu.memref_slice %arg20[%dma_wait3A_558, %dma_wait3A_559] : memref<4096x16xf32, #tpu.memory_space<vmem_shared>> -> memref<4096x16xf32, #tpu.memory_space<vmem_shared>>
      tpu.wait_indirect_dma semaphore(%arg18 : memref<!tpu.dma_semaphore, #tpu.memory_space<semaphore_mem>>) src(%dma_wait3A_554 : memref<128x16xf32, #tpu.memory_space<vmem>>) dst(%dma_wait3A_560 : memref<4096x16xf32, #tpu.memory_space<vmem_shared>>)
      %dma_wait3A_561 = arith.constant 3 : i32
      %dma_wait3A_562 = arith.constant 384 : i32
      %dma_wait3A_563 = arith.constant 0 : i32
      %dma_wait3A_564 = tpu.memref_slice %arg10[%dma_wait3A_562, %dma_wait3A_563] : memref<1024x16xf32, #tpu.memory_space<vmem>> -> memref<128x16xf32, #tpu.memory_space<vmem>>
      %dma_wait3A_565 = arith.constant 0 : i32
      %dma_wait3A_566 = tpu.memref_slice %arg16[%dma_wait3A_561, %dma_wait3A_565] : memref<32x128xi32, #tpu.memory_space<vmem>> -> memref<1x128xi32, #tpu.memory_space<vmem>>
      %dma_wait3A_567 = tpu.memref_squeeze %dma_wait3A_566 : memref<1x128xi32, #tpu.memory_space<vmem>> -> memref<128xi32, #tpu.memory_space<vmem>>
      %dma_wait3A_568 = arith.constant 0 : i32
      %dma_wait3A_569 = arith.constant 0 : i32
      %dma_wait3A_570 = tpu.memref_slice %arg20[%dma_wait3A_568, %dma_wait3A_569] : memref<4096x16xf32, #tpu.memory_space<vmem_shared>> -> memref<4096x16xf32, #tpu.memory_space<vmem_shared>>
      tpu.wait_indirect_dma semaphore(%arg18 : memref<!tpu.dma_semaphore, #tpu.memory_space<semaphore_mem>>) src(%dma_wait3A_564 : memref<128x16xf32, #tpu.memory_space<vmem>>) dst(%dma_wait3A_570 : memref<4096x16xf32, #tpu.memory_space<vmem_shared>>)
      %dma_wait3A_571 = arith.constant 4 : i32
      %dma_wait3A_572 = arith.constant 512 : i32
      %dma_wait3A_573 = arith.constant 0 : i32
      %dma_wait3A_574 = tpu.memref_slice %arg10[%dma_wait3A_572, %dma_wait3A_573] : memref<1024x16xf32, #tpu.memory_space<vmem>> -> memref<128x16xf32, #tpu.memory_space<vmem>>
      %dma_wait3A_575 = arith.constant 0 : i32
      %dma_wait3A_576 = tpu.memref_slice %arg16[%dma_wait3A_571, %dma_wait3A_575] : memref<32x128xi32, #tpu.memory_space<vmem>> -> memref<1x128xi32, #tpu.memory_space<vmem>>
      %dma_wait3A_577 = tpu.memref_squeeze %dma_wait3A_576 : memref<1x128xi32, #tpu.memory_space<vmem>> -> memref<128xi32, #tpu.memory_space<vmem>>
      %dma_wait3A_578 = arith.constant 0 : i32
      %dma_wait3A_579 = arith.constant 0 : i32
      %dma_wait3A_580 = tpu.memref_slice %arg20[%dma_wait3A_578, %dma_wait3A_579] : memref<4096x16xf32, #tpu.memory_space<vmem_shared>> -> memref<4096x16xf32, #tpu.memory_space<vmem_shared>>
      tpu.wait_indirect_dma semaphore(%arg18 : memref<!tpu.dma_semaphore, #tpu.memory_space<semaphore_mem>>) src(%dma_wait3A_574 : memref<128x16xf32, #tpu.memory_space<vmem>>) dst(%dma_wait3A_580 : memref<4096x16xf32, #tpu.memory_space<vmem_shared>>)
      %dma_wait3A_581 = arith.constant 5 : i32
      %dma_wait3A_582 = arith.constant 640 : i32
      %dma_wait3A_583 = arith.constant 0 : i32
      %dma_wait3A_584 = tpu.memref_slice %arg10[%dma_wait3A_582, %dma_wait3A_583] : memref<1024x16xf32, #tpu.memory_space<vmem>> -> memref<128x16xf32, #tpu.memory_space<vmem>>
      %dma_wait3A_585 = arith.constant 0 : i32
      %dma_wait3A_586 = tpu.memref_slice %arg16[%dma_wait3A_581, %dma_wait3A_585] : memref<32x128xi32, #tpu.memory_space<vmem>> -> memref<1x128xi32, #tpu.memory_space<vmem>>
      %dma_wait3A_587 = tpu.memref_squeeze %dma_wait3A_586 : memref<1x128xi32, #tpu.memory_space<vmem>> -> memref<128xi32, #tpu.memory_space<vmem>>
      %dma_wait3A_588 = arith.constant 0 : i32
      %dma_wait3A_589 = arith.constant 0 : i32
      %dma_wait3A_590 = tpu.memref_slice %arg20[%dma_wait3A_588, %dma_wait3A_589] : memref<4096x16xf32, #tpu.memory_space<vmem_shared>> -> memref<4096x16xf32, #tpu.memory_space<vmem_shared>>
      tpu.wait_indirect_dma semaphore(%arg18 : memref<!tpu.dma_semaphore, #tpu.memory_space<semaphore_mem>>) src(%dma_wait3A_584 : memref<128x16xf32, #tpu.memory_space<vmem>>) dst(%dma_wait3A_590 : memref<4096x16xf32, #tpu.memory_space<vmem_shared>>)
      %dma_wait3A_591 = arith.constant 6 : i32
      %dma_wait3A_592 = arith.constant 768 : i32
      %dma_wait3A_593 = arith.constant 0 : i32
      %dma_wait3A_594 = tpu.memref_slice %arg10[%dma_wait3A_592, %dma_wait3A_593] : memref<1024x16xf32, #tpu.memory_space<vmem>> -> memref<128x16xf32, #tpu.memory_space<vmem>>
      %dma_wait3A_595 = arith.constant 0 : i32
      %dma_wait3A_596 = tpu.memref_slice %arg16[%dma_wait3A_591, %dma_wait3A_595] : memref<32x128xi32, #tpu.memory_space<vmem>> -> memref<1x128xi32, #tpu.memory_space<vmem>>
      %dma_wait3A_597 = tpu.memref_squeeze %dma_wait3A_596 : memref<1x128xi32, #tpu.memory_space<vmem>> -> memref<128xi32, #tpu.memory_space<vmem>>
      %dma_wait3A_598 = arith.constant 0 : i32
      %dma_wait3A_599 = arith.constant 0 : i32
      %dma_wait3A_600 = tpu.memref_slice %arg20[%dma_wait3A_598, %dma_wait3A_599] : memref<4096x16xf32, #tpu.memory_space<vmem_shared>> -> memref<4096x16xf32, #tpu.memory_space<vmem_shared>>
      tpu.wait_indirect_dma semaphore(%arg18 : memref<!tpu.dma_semaphore, #tpu.memory_space<semaphore_mem>>) src(%dma_wait3A_594 : memref<128x16xf32, #tpu.memory_space<vmem>>) dst(%dma_wait3A_600 : memref<4096x16xf32, #tpu.memory_space<vmem_shared>>)
      %dma_wait3A_601 = arith.constant 7 : i32
      %dma_wait3A_602 = arith.constant 896 : i32
      %dma_wait3A_603 = arith.constant 0 : i32
      %dma_wait3A_604 = tpu.memref_slice %arg10[%dma_wait3A_602, %dma_wait3A_603] : memref<1024x16xf32, #tpu.memory_space<vmem>> -> memref<128x16xf32, #tpu.memory_space<vmem>>
      %dma_wait3A_605 = arith.constant 0 : i32
      %dma_wait3A_606 = tpu.memref_slice %arg16[%dma_wait3A_601, %dma_wait3A_605] : memref<32x128xi32, #tpu.memory_space<vmem>> -> memref<1x128xi32, #tpu.memory_space<vmem>>
      %dma_wait3A_607 = tpu.memref_squeeze %dma_wait3A_606 : memref<1x128xi32, #tpu.memory_space<vmem>> -> memref<128xi32, #tpu.memory_space<vmem>>
      %dma_wait3A_608 = arith.constant 0 : i32
      %dma_wait3A_609 = arith.constant 0 : i32
      %dma_wait3A_610 = tpu.memref_slice %arg20[%dma_wait3A_608, %dma_wait3A_609] : memref<4096x16xf32, #tpu.memory_space<vmem_shared>> -> memref<4096x16xf32, #tpu.memory_space<vmem_shared>>
      tpu.wait_indirect_dma semaphore(%arg18 : memref<!tpu.dma_semaphore, #tpu.memory_space<semaphore_mem>>) src(%dma_wait3A_604 : memref<128x16xf32, #tpu.memory_space<vmem>>) dst(%dma_wait3A_610 : memref<4096x16xf32, #tpu.memory_space<vmem_shared>>)
      %dma_wait3A_611 = arith.constant 8 : i32
      %dma_wait3A_612 = arith.constant 0 : i32
      %dma_wait3A_613 = arith.constant 0 : i32
      %dma_wait3A_614 = tpu.memref_slice %arg11[%dma_wait3A_612, %dma_wait3A_613] : memref<1024x16xf32, #tpu.memory_space<vmem>> -> memref<128x16xf32, #tpu.memory_space<vmem>>
      %dma_wait3A_615 = arith.constant 0 : i32
      %dma_wait3A_616 = tpu.memref_slice %arg16[%dma_wait3A_611, %dma_wait3A_615] : memref<32x128xi32, #tpu.memory_space<vmem>> -> memref<1x128xi32, #tpu.memory_space<vmem>>
      %dma_wait3A_617 = tpu.memref_squeeze %dma_wait3A_616 : memref<1x128xi32, #tpu.memory_space<vmem>> -> memref<128xi32, #tpu.memory_space<vmem>>
      %dma_wait3A_618 = arith.constant 0 : i32
      %dma_wait3A_619 = arith.constant 0 : i32
      %dma_wait3A_620 = tpu.memref_slice %arg20[%dma_wait3A_618, %dma_wait3A_619] : memref<4096x16xf32, #tpu.memory_space<vmem_shared>> -> memref<4096x16xf32, #tpu.memory_space<vmem_shared>>
      tpu.wait_indirect_dma semaphore(%arg18 : memref<!tpu.dma_semaphore, #tpu.memory_space<semaphore_mem>>) src(%dma_wait3A_614 : memref<128x16xf32, #tpu.memory_space<vmem>>) dst(%dma_wait3A_620 : memref<4096x16xf32, #tpu.memory_space<vmem_shared>>)
      %dma_wait3A_621 = arith.constant 9 : i32
      %dma_wait3A_622 = arith.constant 128 : i32
      %dma_wait3A_623 = arith.constant 0 : i32
      %dma_wait3A_624 = tpu.memref_slice %arg11[%dma_wait3A_622, %dma_wait3A_623] : memref<1024x16xf32, #tpu.memory_space<vmem>> -> memref<128x16xf32, #tpu.memory_space<vmem>>
      %dma_wait3A_625 = arith.constant 0 : i32
      %dma_wait3A_626 = tpu.memref_slice %arg16[%dma_wait3A_621, %dma_wait3A_625] : memref<32x128xi32, #tpu.memory_space<vmem>> -> memref<1x128xi32, #tpu.memory_space<vmem>>
      %dma_wait3A_627 = tpu.memref_squeeze %dma_wait3A_626 : memref<1x128xi32, #tpu.memory_space<vmem>> -> memref<128xi32, #tpu.memory_space<vmem>>
      %dma_wait3A_628 = arith.constant 0 : i32
      %dma_wait3A_629 = arith.constant 0 : i32
      %dma_wait3A_630 = tpu.memref_slice %arg20[%dma_wait3A_628, %dma_wait3A_629] : memref<4096x16xf32, #tpu.memory_space<vmem_shared>> -> memref<4096x16xf32, #tpu.memory_space<vmem_shared>>
      tpu.wait_indirect_dma semaphore(%arg18 : memref<!tpu.dma_semaphore, #tpu.memory_space<semaphore_mem>>) src(%dma_wait3A_624 : memref<128x16xf32, #tpu.memory_space<vmem>>) dst(%dma_wait3A_630 : memref<4096x16xf32, #tpu.memory_space<vmem_shared>>)
      %dma_wait3A_631 = arith.constant 10 : i32
      %dma_wait3A_632 = arith.constant 256 : i32
      %dma_wait3A_633 = arith.constant 0 : i32
      %dma_wait3A_634 = tpu.memref_slice %arg11[%dma_wait3A_632, %dma_wait3A_633] : memref<1024x16xf32, #tpu.memory_space<vmem>> -> memref<128x16xf32, #tpu.memory_space<vmem>>
      %dma_wait3A_635 = arith.constant 0 : i32
      %dma_wait3A_636 = tpu.memref_slice %arg16[%dma_wait3A_631, %dma_wait3A_635] : memref<32x128xi32, #tpu.memory_space<vmem>> -> memref<1x128xi32, #tpu.memory_space<vmem>>
      %dma_wait3A_637 = tpu.memref_squeeze %dma_wait3A_636 : memref<1x128xi32, #tpu.memory_space<vmem>> -> memref<128xi32, #tpu.memory_space<vmem>>
      %dma_wait3A_638 = arith.constant 0 : i32
      %dma_wait3A_639 = arith.constant 0 : i32
      %dma_wait3A_640 = tpu.memref_slice %arg20[%dma_wait3A_638, %dma_wait3A_639] : memref<4096x16xf32, #tpu.memory_space<vmem_shared>> -> memref<4096x16xf32, #tpu.memory_space<vmem_shared>>
      tpu.wait_indirect_dma semaphore(%arg18 : memref<!tpu.dma_semaphore, #tpu.memory_space<semaphore_mem>>) src(%dma_wait3A_634 : memref<128x16xf32, #tpu.memory_space<vmem>>) dst(%dma_wait3A_640 : memref<4096x16xf32, #tpu.memory_space<vmem_shared>>)
      %dma_wait3A_641 = arith.constant 11 : i32
      %dma_wait3A_642 = arith.constant 384 : i32
      %dma_wait3A_643 = arith.constant 0 : i32
      %dma_wait3A_644 = tpu.memref_slice %arg11[%dma_wait3A_642, %dma_wait3A_643] : memref<1024x16xf32, #tpu.memory_space<vmem>> -> memref<128x16xf32, #tpu.memory_space<vmem>>
      %dma_wait3A_645 = arith.constant 0 : i32
      %dma_wait3A_646 = tpu.memref_slice %arg16[%dma_wait3A_641, %dma_wait3A_645] : memref<32x128xi32, #tpu.memory_space<vmem>> -> memref<1x128xi32, #tpu.memory_space<vmem>>
      %dma_wait3A_647 = tpu.memref_squeeze %dma_wait3A_646 : memref<1x128xi32, #tpu.memory_space<vmem>> -> memref<128xi32, #tpu.memory_space<vmem>>
      %dma_wait3A_648 = arith.constant 0 : i32
      %dma_wait3A_649 = arith.constant 0 : i32
      %dma_wait3A_650 = tpu.memref_slice %arg20[%dma_wait3A_648, %dma_wait3A_649] : memref<4096x16xf32, #tpu.memory_space<vmem_shared>> -> memref<4096x16xf32, #tpu.memory_space<vmem_shared>>
      tpu.wait_indirect_dma semaphore(%arg18 : memref<!tpu.dma_semaphore, #tpu.memory_space<semaphore_mem>>) src(%dma_wait3A_644 : memref<128x16xf32, #tpu.memory_space<vmem>>) dst(%dma_wait3A_650 : memref<4096x16xf32, #tpu.memory_space<vmem_shared>>)
      %dma_wait3A_651 = arith.constant 12 : i32
      %dma_wait3A_652 = arith.constant 512 : i32
      %dma_wait3A_653 = arith.constant 0 : i32
      %dma_wait3A_654 = tpu.memref_slice %arg11[%dma_wait3A_652, %dma_wait3A_653] : memref<1024x16xf32, #tpu.memory_space<vmem>> -> memref<128x16xf32, #tpu.memory_space<vmem>>
      %dma_wait3A_655 = arith.constant 0 : i32
      %dma_wait3A_656 = tpu.memref_slice %arg16[%dma_wait3A_651, %dma_wait3A_655] : memref<32x128xi32, #tpu.memory_space<vmem>> -> memref<1x128xi32, #tpu.memory_space<vmem>>
      %dma_wait3A_657 = tpu.memref_squeeze %dma_wait3A_656 : memref<1x128xi32, #tpu.memory_space<vmem>> -> memref<128xi32, #tpu.memory_space<vmem>>
      %dma_wait3A_658 = arith.constant 0 : i32
      %dma_wait3A_659 = arith.constant 0 : i32
      %dma_wait3A_660 = tpu.memref_slice %arg20[%dma_wait3A_658, %dma_wait3A_659] : memref<4096x16xf32, #tpu.memory_space<vmem_shared>> -> memref<4096x16xf32, #tpu.memory_space<vmem_shared>>
      tpu.wait_indirect_dma semaphore(%arg18 : memref<!tpu.dma_semaphore, #tpu.memory_space<semaphore_mem>>) src(%dma_wait3A_654 : memref<128x16xf32, #tpu.memory_space<vmem>>) dst(%dma_wait3A_660 : memref<4096x16xf32, #tpu.memory_space<vmem_shared>>)
      %dma_wait3A_661 = arith.constant 13 : i32
      %dma_wait3A_662 = arith.constant 640 : i32
      %dma_wait3A_663 = arith.constant 0 : i32
      %dma_wait3A_664 = tpu.memref_slice %arg11[%dma_wait3A_662, %dma_wait3A_663] : memref<1024x16xf32, #tpu.memory_space<vmem>> -> memref<128x16xf32, #tpu.memory_space<vmem>>
      %dma_wait3A_665 = arith.constant 0 : i32
      %dma_wait3A_666 = tpu.memref_slice %arg16[%dma_wait3A_661, %dma_wait3A_665] : memref<32x128xi32, #tpu.memory_space<vmem>> -> memref<1x128xi32, #tpu.memory_space<vmem>>
      %dma_wait3A_667 = tpu.memref_squeeze %dma_wait3A_666 : memref<1x128xi32, #tpu.memory_space<vmem>> -> memref<128xi32, #tpu.memory_space<vmem>>
      %dma_wait3A_668 = arith.constant 0 : i32
      %dma_wait3A_669 = arith.constant 0 : i32
      %dma_wait3A_670 = tpu.memref_slice %arg20[%dma_wait3A_668, %dma_wait3A_669] : memref<4096x16xf32, #tpu.memory_space<vmem_shared>> -> memref<4096x16xf32, #tpu.memory_space<vmem_shared>>
      tpu.wait_indirect_dma semaphore(%arg18 : memref<!tpu.dma_semaphore, #tpu.memory_space<semaphore_mem>>) src(%dma_wait3A_664 : memref<128x16xf32, #tpu.memory_space<vmem>>) dst(%dma_wait3A_670 : memref<4096x16xf32, #tpu.memory_space<vmem_shared>>)
      %dma_wait3A_671 = arith.constant 14 : i32
      %dma_wait3A_672 = arith.constant 768 : i32
      %dma_wait3A_673 = arith.constant 0 : i32
      %dma_wait3A_674 = tpu.memref_slice %arg11[%dma_wait3A_672, %dma_wait3A_673] : memref<1024x16xf32, #tpu.memory_space<vmem>> -> memref<128x16xf32, #tpu.memory_space<vmem>>
      %dma_wait3A_675 = arith.constant 0 : i32
      %dma_wait3A_676 = tpu.memref_slice %arg16[%dma_wait3A_671, %dma_wait3A_675] : memref<32x128xi32, #tpu.memory_space<vmem>> -> memref<1x128xi32, #tpu.memory_space<vmem>>
      %dma_wait3A_677 = tpu.memref_squeeze %dma_wait3A_676 : memref<1x128xi32, #tpu.memory_space<vmem>> -> memref<128xi32, #tpu.memory_space<vmem>>
      %dma_wait3A_678 = arith.constant 0 : i32
      %dma_wait3A_679 = arith.constant 0 : i32
      %dma_wait3A_680 = tpu.memref_slice %arg20[%dma_wait3A_678, %dma_wait3A_679] : memref<4096x16xf32, #tpu.memory_space<vmem_shared>> -> memref<4096x16xf32, #tpu.memory_space<vmem_shared>>
      tpu.wait_indirect_dma semaphore(%arg18 : memref<!tpu.dma_semaphore, #tpu.memory_space<semaphore_mem>>) src(%dma_wait3A_674 : memref<128x16xf32, #tpu.memory_space<vmem>>) dst(%dma_wait3A_680 : memref<4096x16xf32, #tpu.memory_space<vmem_shared>>)
      %dma_wait3A_681 = arith.constant 15 : i32
      %dma_wait3A_682 = arith.constant 896 : i32
      %dma_wait3A_683 = arith.constant 0 : i32
      %dma_wait3A_684 = tpu.memref_slice %arg11[%dma_wait3A_682, %dma_wait3A_683] : memref<1024x16xf32, #tpu.memory_space<vmem>> -> memref<128x16xf32, #tpu.memory_space<vmem>>
      %dma_wait3A_685 = arith.constant 0 : i32
      %dma_wait3A_686 = tpu.memref_slice %arg16[%dma_wait3A_681, %dma_wait3A_685] : memref<32x128xi32, #tpu.memory_space<vmem>> -> memref<1x128xi32, #tpu.memory_space<vmem>>
      %dma_wait3A_687 = tpu.memref_squeeze %dma_wait3A_686 : memref<1x128xi32, #tpu.memory_space<vmem>> -> memref<128xi32, #tpu.memory_space<vmem>>
      %dma_wait3A_688 = arith.constant 0 : i32
      %dma_wait3A_689 = arith.constant 0 : i32
      %dma_wait3A_690 = tpu.memref_slice %arg20[%dma_wait3A_688, %dma_wait3A_689] : memref<4096x16xf32, #tpu.memory_space<vmem_shared>> -> memref<4096x16xf32, #tpu.memory_space<vmem_shared>>
      tpu.wait_indirect_dma semaphore(%arg18 : memref<!tpu.dma_semaphore, #tpu.memory_space<semaphore_mem>>) src(%dma_wait3A_684 : memref<128x16xf32, #tpu.memory_space<vmem>>) dst(%dma_wait3A_690 : memref<4096x16xf32, #tpu.memory_space<vmem_shared>>)
      %dma_wait3A_691 = arith.constant 16 : i32
      %dma_wait3A_692 = arith.constant 0 : i32
      %dma_wait3A_693 = arith.constant 0 : i32
      %dma_wait3A_694 = tpu.memref_slice %arg12[%dma_wait3A_692, %dma_wait3A_693] : memref<1024x16xf32, #tpu.memory_space<vmem>> -> memref<128x16xf32, #tpu.memory_space<vmem>>
      %dma_wait3A_695 = arith.constant 0 : i32
      %dma_wait3A_696 = tpu.memref_slice %arg16[%dma_wait3A_691, %dma_wait3A_695] : memref<32x128xi32, #tpu.memory_space<vmem>> -> memref<1x128xi32, #tpu.memory_space<vmem>>
      %dma_wait3A_697 = tpu.memref_squeeze %dma_wait3A_696 : memref<1x128xi32, #tpu.memory_space<vmem>> -> memref<128xi32, #tpu.memory_space<vmem>>
      %dma_wait3A_698 = arith.constant 0 : i32
      %dma_wait3A_699 = arith.constant 0 : i32
      %dma_wait3A_700 = tpu.memref_slice %arg20[%dma_wait3A_698, %dma_wait3A_699] : memref<4096x16xf32, #tpu.memory_space<vmem_shared>> -> memref<4096x16xf32, #tpu.memory_space<vmem_shared>>
      tpu.wait_indirect_dma semaphore(%arg18 : memref<!tpu.dma_semaphore, #tpu.memory_space<semaphore_mem>>) src(%dma_wait3A_694 : memref<128x16xf32, #tpu.memory_space<vmem>>) dst(%dma_wait3A_700 : memref<4096x16xf32, #tpu.memory_space<vmem_shared>>)
      %dma_wait3A_701 = arith.constant 17 : i32
      %dma_wait3A_702 = arith.constant 128 : i32
      %dma_wait3A_703 = arith.constant 0 : i32
      %dma_wait3A_704 = tpu.memref_slice %arg12[%dma_wait3A_702, %dma_wait3A_703] : memref<1024x16xf32, #tpu.memory_space<vmem>> -> memref<128x16xf32, #tpu.memory_space<vmem>>
      %dma_wait3A_705 = arith.constant 0 : i32
      %dma_wait3A_706 = tpu.memref_slice %arg16[%dma_wait3A_701, %dma_wait3A_705] : memref<32x128xi32, #tpu.memory_space<vmem>> -> memref<1x128xi32, #tpu.memory_space<vmem>>
      %dma_wait3A_707 = tpu.memref_squeeze %dma_wait3A_706 : memref<1x128xi32, #tpu.memory_space<vmem>> -> memref<128xi32, #tpu.memory_space<vmem>>
      %dma_wait3A_708 = arith.constant 0 : i32
      %dma_wait3A_709 = arith.constant 0 : i32
      %dma_wait3A_710 = tpu.memref_slice %arg20[%dma_wait3A_708, %dma_wait3A_709] : memref<4096x16xf32, #tpu.memory_space<vmem_shared>> -> memref<4096x16xf32, #tpu.memory_space<vmem_shared>>
      tpu.wait_indirect_dma semaphore(%arg18 : memref<!tpu.dma_semaphore, #tpu.memory_space<semaphore_mem>>) src(%dma_wait3A_704 : memref<128x16xf32, #tpu.memory_space<vmem>>) dst(%dma_wait3A_710 : memref<4096x16xf32, #tpu.memory_space<vmem_shared>>)
      %dma_wait3A_711 = arith.constant 18 : i32
      %dma_wait3A_712 = arith.constant 256 : i32
      %dma_wait3A_713 = arith.constant 0 : i32
      %dma_wait3A_714 = tpu.memref_slice %arg12[%dma_wait3A_712, %dma_wait3A_713] : memref<1024x16xf32, #tpu.memory_space<vmem>> -> memref<128x16xf32, #tpu.memory_space<vmem>>
      %dma_wait3A_715 = arith.constant 0 : i32
      %dma_wait3A_716 = tpu.memref_slice %arg16[%dma_wait3A_711, %dma_wait3A_715] : memref<32x128xi32, #tpu.memory_space<vmem>> -> memref<1x128xi32, #tpu.memory_space<vmem>>
      %dma_wait3A_717 = tpu.memref_squeeze %dma_wait3A_716 : memref<1x128xi32, #tpu.memory_space<vmem>> -> memref<128xi32, #tpu.memory_space<vmem>>
      %dma_wait3A_718 = arith.constant 0 : i32
      %dma_wait3A_719 = arith.constant 0 : i32
      %dma_wait3A_720 = tpu.memref_slice %arg20[%dma_wait3A_718, %dma_wait3A_719] : memref<4096x16xf32, #tpu.memory_space<vmem_shared>> -> memref<4096x16xf32, #tpu.memory_space<vmem_shared>>
      tpu.wait_indirect_dma semaphore(%arg18 : memref<!tpu.dma_semaphore, #tpu.memory_space<semaphore_mem>>) src(%dma_wait3A_714 : memref<128x16xf32, #tpu.memory_space<vmem>>) dst(%dma_wait3A_720 : memref<4096x16xf32, #tpu.memory_space<vmem_shared>>)
      %dma_wait3A_721 = arith.constant 19 : i32
      %dma_wait3A_722 = arith.constant 384 : i32
      %dma_wait3A_723 = arith.constant 0 : i32
      %dma_wait3A_724 = tpu.memref_slice %arg12[%dma_wait3A_722, %dma_wait3A_723] : memref<1024x16xf32, #tpu.memory_space<vmem>> -> memref<128x16xf32, #tpu.memory_space<vmem>>
      %dma_wait3A_725 = arith.constant 0 : i32
      %dma_wait3A_726 = tpu.memref_slice %arg16[%dma_wait3A_721, %dma_wait3A_725] : memref<32x128xi32, #tpu.memory_space<vmem>> -> memref<1x128xi32, #tpu.memory_space<vmem>>
      %dma_wait3A_727 = tpu.memref_squeeze %dma_wait3A_726 : memref<1x128xi32, #tpu.memory_space<vmem>> -> memref<128xi32, #tpu.memory_space<vmem>>
      %dma_wait3A_728 = arith.constant 0 : i32
      %dma_wait3A_729 = arith.constant 0 : i32
      %dma_wait3A_730 = tpu.memref_slice %arg20[%dma_wait3A_728, %dma_wait3A_729] : memref<4096x16xf32, #tpu.memory_space<vmem_shared>> -> memref<4096x16xf32, #tpu.memory_space<vmem_shared>>
      tpu.wait_indirect_dma semaphore(%arg18 : memref<!tpu.dma_semaphore, #tpu.memory_space<semaphore_mem>>) src(%dma_wait3A_724 : memref<128x16xf32, #tpu.memory_space<vmem>>) dst(%dma_wait3A_730 : memref<4096x16xf32, #tpu.memory_space<vmem_shared>>)
      %dma_wait3A_731 = arith.constant 20 : i32
      %dma_wait3A_732 = arith.constant 512 : i32
      %dma_wait3A_733 = arith.constant 0 : i32
      %dma_wait3A_734 = tpu.memref_slice %arg12[%dma_wait3A_732, %dma_wait3A_733] : memref<1024x16xf32, #tpu.memory_space<vmem>> -> memref<128x16xf32, #tpu.memory_space<vmem>>
      %dma_wait3A_735 = arith.constant 0 : i32
      %dma_wait3A_736 = tpu.memref_slice %arg16[%dma_wait3A_731, %dma_wait3A_735] : memref<32x128xi32, #tpu.memory_space<vmem>> -> memref<1x128xi32, #tpu.memory_space<vmem>>
      %dma_wait3A_737 = tpu.memref_squeeze %dma_wait3A_736 : memref<1x128xi32, #tpu.memory_space<vmem>> -> memref<128xi32, #tpu.memory_space<vmem>>
      %dma_wait3A_738 = arith.constant 0 : i32
      %dma_wait3A_739 = arith.constant 0 : i32
      %dma_wait3A_740 = tpu.memref_slice %arg20[%dma_wait3A_738, %dma_wait3A_739] : memref<4096x16xf32, #tpu.memory_space<vmem_shared>> -> memref<4096x16xf32, #tpu.memory_space<vmem_shared>>
      tpu.wait_indirect_dma semaphore(%arg18 : memref<!tpu.dma_semaphore, #tpu.memory_space<semaphore_mem>>) src(%dma_wait3A_734 : memref<128x16xf32, #tpu.memory_space<vmem>>) dst(%dma_wait3A_740 : memref<4096x16xf32, #tpu.memory_space<vmem_shared>>)
      %dma_wait3A_741 = arith.constant 21 : i32
      %dma_wait3A_742 = arith.constant 640 : i32
      %dma_wait3A_743 = arith.constant 0 : i32
      %dma_wait3A_744 = tpu.memref_slice %arg12[%dma_wait3A_742, %dma_wait3A_743] : memref<1024x16xf32, #tpu.memory_space<vmem>> -> memref<128x16xf32, #tpu.memory_space<vmem>>
      %dma_wait3A_745 = arith.constant 0 : i32
      %dma_wait3A_746 = tpu.memref_slice %arg16[%dma_wait3A_741, %dma_wait3A_745] : memref<32x128xi32, #tpu.memory_space<vmem>> -> memref<1x128xi32, #tpu.memory_space<vmem>>
      %dma_wait3A_747 = tpu.memref_squeeze %dma_wait3A_746 : memref<1x128xi32, #tpu.memory_space<vmem>> -> memref<128xi32, #tpu.memory_space<vmem>>
      %dma_wait3A_748 = arith.constant 0 : i32
      %dma_wait3A_749 = arith.constant 0 : i32
      %dma_wait3A_750 = tpu.memref_slice %arg20[%dma_wait3A_748, %dma_wait3A_749] : memref<4096x16xf32, #tpu.memory_space<vmem_shared>> -> memref<4096x16xf32, #tpu.memory_space<vmem_shared>>
      tpu.wait_indirect_dma semaphore(%arg18 : memref<!tpu.dma_semaphore, #tpu.memory_space<semaphore_mem>>) src(%dma_wait3A_744 : memref<128x16xf32, #tpu.memory_space<vmem>>) dst(%dma_wait3A_750 : memref<4096x16xf32, #tpu.memory_space<vmem_shared>>)
      %dma_wait3A_751 = arith.constant 22 : i32
      %dma_wait3A_752 = arith.constant 768 : i32
      %dma_wait3A_753 = arith.constant 0 : i32
      %dma_wait3A_754 = tpu.memref_slice %arg12[%dma_wait3A_752, %dma_wait3A_753] : memref<1024x16xf32, #tpu.memory_space<vmem>> -> memref<128x16xf32, #tpu.memory_space<vmem>>
      %dma_wait3A_755 = arith.constant 0 : i32
      %dma_wait3A_756 = tpu.memref_slice %arg16[%dma_wait3A_751, %dma_wait3A_755] : memref<32x128xi32, #tpu.memory_space<vmem>> -> memref<1x128xi32, #tpu.memory_space<vmem>>
      %dma_wait3A_757 = tpu.memref_squeeze %dma_wait3A_756 : memref<1x128xi32, #tpu.memory_space<vmem>> -> memref<128xi32, #tpu.memory_space<vmem>>
      %dma_wait3A_758 = arith.constant 0 : i32
      %dma_wait3A_759 = arith.constant 0 : i32
      %dma_wait3A_760 = tpu.memref_slice %arg20[%dma_wait3A_758, %dma_wait3A_759] : memref<4096x16xf32, #tpu.memory_space<vmem_shared>> -> memref<4096x16xf32, #tpu.memory_space<vmem_shared>>
      tpu.wait_indirect_dma semaphore(%arg18 : memref<!tpu.dma_semaphore, #tpu.memory_space<semaphore_mem>>) src(%dma_wait3A_754 : memref<128x16xf32, #tpu.memory_space<vmem>>) dst(%dma_wait3A_760 : memref<4096x16xf32, #tpu.memory_space<vmem_shared>>)
      %dma_wait3A_761 = arith.constant 23 : i32
      %dma_wait3A_762 = arith.constant 896 : i32
      %dma_wait3A_763 = arith.constant 0 : i32
      %dma_wait3A_764 = tpu.memref_slice %arg12[%dma_wait3A_762, %dma_wait3A_763] : memref<1024x16xf32, #tpu.memory_space<vmem>> -> memref<128x16xf32, #tpu.memory_space<vmem>>
      %dma_wait3A_765 = arith.constant 0 : i32
      %dma_wait3A_766 = tpu.memref_slice %arg16[%dma_wait3A_761, %dma_wait3A_765] : memref<32x128xi32, #tpu.memory_space<vmem>> -> memref<1x128xi32, #tpu.memory_space<vmem>>
      %dma_wait3A_767 = tpu.memref_squeeze %dma_wait3A_766 : memref<1x128xi32, #tpu.memory_space<vmem>> -> memref<128xi32, #tpu.memory_space<vmem>>
      %dma_wait3A_768 = arith.constant 0 : i32
      %dma_wait3A_769 = arith.constant 0 : i32
      %dma_wait3A_770 = tpu.memref_slice %arg20[%dma_wait3A_768, %dma_wait3A_769] : memref<4096x16xf32, #tpu.memory_space<vmem_shared>> -> memref<4096x16xf32, #tpu.memory_space<vmem_shared>>
      tpu.wait_indirect_dma semaphore(%arg18 : memref<!tpu.dma_semaphore, #tpu.memory_space<semaphore_mem>>) src(%dma_wait3A_764 : memref<128x16xf32, #tpu.memory_space<vmem>>) dst(%dma_wait3A_770 : memref<4096x16xf32, #tpu.memory_space<vmem_shared>>)
      %dma_wait3A_771 = arith.constant 24 : i32
      %dma_wait3A_772 = arith.constant 0 : i32
      %dma_wait3A_773 = arith.constant 0 : i32
      %dma_wait3A_774 = tpu.memref_slice %arg13[%dma_wait3A_772, %dma_wait3A_773] : memref<1024x16xf32, #tpu.memory_space<vmem>> -> memref<128x16xf32, #tpu.memory_space<vmem>>
      %dma_wait3A_775 = arith.constant 0 : i32
      %dma_wait3A_776 = tpu.memref_slice %arg16[%dma_wait3A_771, %dma_wait3A_775] : memref<32x128xi32, #tpu.memory_space<vmem>> -> memref<1x128xi32, #tpu.memory_space<vmem>>
      %dma_wait3A_777 = tpu.memref_squeeze %dma_wait3A_776 : memref<1x128xi32, #tpu.memory_space<vmem>> -> memref<128xi32, #tpu.memory_space<vmem>>
      %dma_wait3A_778 = arith.constant 0 : i32
      %dma_wait3A_779 = arith.constant 0 : i32
      %dma_wait3A_780 = tpu.memref_slice %arg20[%dma_wait3A_778, %dma_wait3A_779] : memref<4096x16xf32, #tpu.memory_space<vmem_shared>> -> memref<4096x16xf32, #tpu.memory_space<vmem_shared>>
      tpu.wait_indirect_dma semaphore(%arg18 : memref<!tpu.dma_semaphore, #tpu.memory_space<semaphore_mem>>) src(%dma_wait3A_774 : memref<128x16xf32, #tpu.memory_space<vmem>>) dst(%dma_wait3A_780 : memref<4096x16xf32, #tpu.memory_space<vmem_shared>>)
      %dma_wait3A_781 = arith.constant 25 : i32
      %dma_wait3A_782 = arith.constant 128 : i32
      %dma_wait3A_783 = arith.constant 0 : i32
      %dma_wait3A_784 = tpu.memref_slice %arg13[%dma_wait3A_782, %dma_wait3A_783] : memref<1024x16xf32, #tpu.memory_space<vmem>> -> memref<128x16xf32, #tpu.memory_space<vmem>>
      %dma_wait3A_785 = arith.constant 0 : i32
      %dma_wait3A_786 = tpu.memref_slice %arg16[%dma_wait3A_781, %dma_wait3A_785] : memref<32x128xi32, #tpu.memory_space<vmem>> -> memref<1x128xi32, #tpu.memory_space<vmem>>
      %dma_wait3A_787 = tpu.memref_squeeze %dma_wait3A_786 : memref<1x128xi32, #tpu.memory_space<vmem>> -> memref<128xi32, #tpu.memory_space<vmem>>
      %dma_wait3A_788 = arith.constant 0 : i32
      %dma_wait3A_789 = arith.constant 0 : i32
      %dma_wait3A_790 = tpu.memref_slice %arg20[%dma_wait3A_788, %dma_wait3A_789] : memref<4096x16xf32, #tpu.memory_space<vmem_shared>> -> memref<4096x16xf32, #tpu.memory_space<vmem_shared>>
      tpu.wait_indirect_dma semaphore(%arg18 : memref<!tpu.dma_semaphore, #tpu.memory_space<semaphore_mem>>) src(%dma_wait3A_784 : memref<128x16xf32, #tpu.memory_space<vmem>>) dst(%dma_wait3A_790 : memref<4096x16xf32, #tpu.memory_space<vmem_shared>>)
      %dma_wait3A_791 = arith.constant 26 : i32
      %dma_wait3A_792 = arith.constant 256 : i32
      %dma_wait3A_793 = arith.constant 0 : i32
      %dma_wait3A_794 = tpu.memref_slice %arg13[%dma_wait3A_792, %dma_wait3A_793] : memref<1024x16xf32, #tpu.memory_space<vmem>> -> memref<128x16xf32, #tpu.memory_space<vmem>>
      %dma_wait3A_795 = arith.constant 0 : i32
      %dma_wait3A_796 = tpu.memref_slice %arg16[%dma_wait3A_791, %dma_wait3A_795] : memref<32x128xi32, #tpu.memory_space<vmem>> -> memref<1x128xi32, #tpu.memory_space<vmem>>
      %dma_wait3A_797 = tpu.memref_squeeze %dma_wait3A_796 : memref<1x128xi32, #tpu.memory_space<vmem>> -> memref<128xi32, #tpu.memory_space<vmem>>
      %dma_wait3A_798 = arith.constant 0 : i32
      %dma_wait3A_799 = arith.constant 0 : i32
      %dma_wait3A_800 = tpu.memref_slice %arg20[%dma_wait3A_798, %dma_wait3A_799] : memref<4096x16xf32, #tpu.memory_space<vmem_shared>> -> memref<4096x16xf32, #tpu.memory_space<vmem_shared>>
      tpu.wait_indirect_dma semaphore(%arg18 : memref<!tpu.dma_semaphore, #tpu.memory_space<semaphore_mem>>) src(%dma_wait3A_794 : memref<128x16xf32, #tpu.memory_space<vmem>>) dst(%dma_wait3A_800 : memref<4096x16xf32, #tpu.memory_space<vmem_shared>>)
      %dma_wait3A_801 = arith.constant 27 : i32
      %dma_wait3A_802 = arith.constant 384 : i32
      %dma_wait3A_803 = arith.constant 0 : i32
      %dma_wait3A_804 = tpu.memref_slice %arg13[%dma_wait3A_802, %dma_wait3A_803] : memref<1024x16xf32, #tpu.memory_space<vmem>> -> memref<128x16xf32, #tpu.memory_space<vmem>>
      %dma_wait3A_805 = arith.constant 0 : i32
      %dma_wait3A_806 = tpu.memref_slice %arg16[%dma_wait3A_801, %dma_wait3A_805] : memref<32x128xi32, #tpu.memory_space<vmem>> -> memref<1x128xi32, #tpu.memory_space<vmem>>
      %dma_wait3A_807 = tpu.memref_squeeze %dma_wait3A_806 : memref<1x128xi32, #tpu.memory_space<vmem>> -> memref<128xi32, #tpu.memory_space<vmem>>
      %dma_wait3A_808 = arith.constant 0 : i32
      %dma_wait3A_809 = arith.constant 0 : i32
      %dma_wait3A_810 = tpu.memref_slice %arg20[%dma_wait3A_808, %dma_wait3A_809] : memref<4096x16xf32, #tpu.memory_space<vmem_shared>> -> memref<4096x16xf32, #tpu.memory_space<vmem_shared>>
      tpu.wait_indirect_dma semaphore(%arg18 : memref<!tpu.dma_semaphore, #tpu.memory_space<semaphore_mem>>) src(%dma_wait3A_804 : memref<128x16xf32, #tpu.memory_space<vmem>>) dst(%dma_wait3A_810 : memref<4096x16xf32, #tpu.memory_space<vmem_shared>>)
      %dma_wait3A_811 = arith.constant 28 : i32
      %dma_wait3A_812 = arith.constant 512 : i32
      %dma_wait3A_813 = arith.constant 0 : i32
      %dma_wait3A_814 = tpu.memref_slice %arg13[%dma_wait3A_812, %dma_wait3A_813] : memref<1024x16xf32, #tpu.memory_space<vmem>> -> memref<128x16xf32, #tpu.memory_space<vmem>>
      %dma_wait3A_815 = arith.constant 0 : i32
      %dma_wait3A_816 = tpu.memref_slice %arg16[%dma_wait3A_811, %dma_wait3A_815] : memref<32x128xi32, #tpu.memory_space<vmem>> -> memref<1x128xi32, #tpu.memory_space<vmem>>
      %dma_wait3A_817 = tpu.memref_squeeze %dma_wait3A_816 : memref<1x128xi32, #tpu.memory_space<vmem>> -> memref<128xi32, #tpu.memory_space<vmem>>
      %dma_wait3A_818 = arith.constant 0 : i32
      %dma_wait3A_819 = arith.constant 0 : i32
      %dma_wait3A_820 = tpu.memref_slice %arg20[%dma_wait3A_818, %dma_wait3A_819] : memref<4096x16xf32, #tpu.memory_space<vmem_shared>> -> memref<4096x16xf32, #tpu.memory_space<vmem_shared>>
      tpu.wait_indirect_dma semaphore(%arg18 : memref<!tpu.dma_semaphore, #tpu.memory_space<semaphore_mem>>) src(%dma_wait3A_814 : memref<128x16xf32, #tpu.memory_space<vmem>>) dst(%dma_wait3A_820 : memref<4096x16xf32, #tpu.memory_space<vmem_shared>>)
      %dma_wait3A_821 = arith.constant 29 : i32
      %dma_wait3A_822 = arith.constant 640 : i32
      %dma_wait3A_823 = arith.constant 0 : i32
      %dma_wait3A_824 = tpu.memref_slice %arg13[%dma_wait3A_822, %dma_wait3A_823] : memref<1024x16xf32, #tpu.memory_space<vmem>> -> memref<128x16xf32, #tpu.memory_space<vmem>>
      %dma_wait3A_825 = arith.constant 0 : i32
      %dma_wait3A_826 = tpu.memref_slice %arg16[%dma_wait3A_821, %dma_wait3A_825] : memref<32x128xi32, #tpu.memory_space<vmem>> -> memref<1x128xi32, #tpu.memory_space<vmem>>
      %dma_wait3A_827 = tpu.memref_squeeze %dma_wait3A_826 : memref<1x128xi32, #tpu.memory_space<vmem>> -> memref<128xi32, #tpu.memory_space<vmem>>
      %dma_wait3A_828 = arith.constant 0 : i32
      %dma_wait3A_829 = arith.constant 0 : i32
      %dma_wait3A_830 = tpu.memref_slice %arg20[%dma_wait3A_828, %dma_wait3A_829] : memref<4096x16xf32, #tpu.memory_space<vmem_shared>> -> memref<4096x16xf32, #tpu.memory_space<vmem_shared>>
      tpu.wait_indirect_dma semaphore(%arg18 : memref<!tpu.dma_semaphore, #tpu.memory_space<semaphore_mem>>) src(%dma_wait3A_824 : memref<128x16xf32, #tpu.memory_space<vmem>>) dst(%dma_wait3A_830 : memref<4096x16xf32, #tpu.memory_space<vmem_shared>>)
      %dma_wait3A_831 = arith.constant 30 : i32
      %dma_wait3A_832 = arith.constant 768 : i32
      %dma_wait3A_833 = arith.constant 0 : i32
      %dma_wait3A_834 = tpu.memref_slice %arg13[%dma_wait3A_832, %dma_wait3A_833] : memref<1024x16xf32, #tpu.memory_space<vmem>> -> memref<128x16xf32, #tpu.memory_space<vmem>>
      %dma_wait3A_835 = arith.constant 0 : i32
      %dma_wait3A_836 = tpu.memref_slice %arg16[%dma_wait3A_831, %dma_wait3A_835] : memref<32x128xi32, #tpu.memory_space<vmem>> -> memref<1x128xi32, #tpu.memory_space<vmem>>
      %dma_wait3A_837 = tpu.memref_squeeze %dma_wait3A_836 : memref<1x128xi32, #tpu.memory_space<vmem>> -> memref<128xi32, #tpu.memory_space<vmem>>
      %dma_wait3A_838 = arith.constant 0 : i32
      %dma_wait3A_839 = arith.constant 0 : i32
      %dma_wait3A_840 = tpu.memref_slice %arg20[%dma_wait3A_838, %dma_wait3A_839] : memref<4096x16xf32, #tpu.memory_space<vmem_shared>> -> memref<4096x16xf32, #tpu.memory_space<vmem_shared>>
      tpu.wait_indirect_dma semaphore(%arg18 : memref<!tpu.dma_semaphore, #tpu.memory_space<semaphore_mem>>) src(%dma_wait3A_834 : memref<128x16xf32, #tpu.memory_space<vmem>>) dst(%dma_wait3A_840 : memref<4096x16xf32, #tpu.memory_space<vmem_shared>>)
      %dma_wait3A_841 = arith.constant 31 : i32
      %dma_wait3A_842 = arith.constant 896 : i32
      %dma_wait3A_843 = arith.constant 0 : i32
      %dma_wait3A_844 = tpu.memref_slice %arg13[%dma_wait3A_842, %dma_wait3A_843] : memref<1024x16xf32, #tpu.memory_space<vmem>> -> memref<128x16xf32, #tpu.memory_space<vmem>>
      %dma_wait3A_845 = arith.constant 0 : i32
      %dma_wait3A_846 = tpu.memref_slice %arg16[%dma_wait3A_841, %dma_wait3A_845] : memref<32x128xi32, #tpu.memory_space<vmem>> -> memref<1x128xi32, #tpu.memory_space<vmem>>
      %dma_wait3A_847 = tpu.memref_squeeze %dma_wait3A_846 : memref<1x128xi32, #tpu.memory_space<vmem>> -> memref<128xi32, #tpu.memory_space<vmem>>
      %dma_wait3A_848 = arith.constant 0 : i32
      %dma_wait3A_849 = arith.constant 0 : i32
      %dma_wait3A_850 = tpu.memref_slice %arg20[%dma_wait3A_848, %dma_wait3A_849] : memref<4096x16xf32, #tpu.memory_space<vmem_shared>> -> memref<4096x16xf32, #tpu.memory_space<vmem_shared>>
      tpu.wait_indirect_dma semaphore(%arg18 : memref<!tpu.dma_semaphore, #tpu.memory_space<semaphore_mem>>) src(%dma_wait3A_844 : memref<128x16xf32, #tpu.memory_space<vmem>>) dst(%dma_wait3A_850 : memref<4096x16xf32, #tpu.memory_space<vmem_shared>>)
    } else {
    }
    %barrier3A_199 = arith.constant 0 : index
    tpu.barrier barrier_id(%barrier3A_199)
    %eq3A_200 = arith.constant 0 : i32
    %eq3A_201 = arith.cmpi eq, %select_n3A, %eq3A_200 : i32
    %and3A_202 = arith.andi %eq3A_58, %eq3A_201 : i1
    %convert_element_type3A_203 = arith.extui %and3A_202 : i1 to i32
    %cond3A_204 = arith.constant 0 : i32
    %cond3A_205 = arith.cmpi ne, %convert_element_type3A_203, %cond3A_204 : i32
    scf.if %cond3A_205 {
      %add3A_212 = arith.constant 0 : i32
      %add3A_213 = arith.addi %add3A_32, %add3A_212 : i32
      "tpu.region"() ({
        %run_scoped3A = tpu.sem_alloc : memref<!tpu.dma_semaphore, #tpu.memory_space<semaphore_mem>>
        %dma_start3A_220 = arith.constant 0 : i32
        %dma_start3A_221 = arith.constant 0 : i32
        %dma_start3A_222 = tpu.memref_slice %arg7[%add3A_213, %dma_start3A_220, %dma_start3A_221] : memref<16x1024x16xf32, #tpu.memory_space<hbm>> -> memref<1x1024x16xf32, #tpu.memory_space<hbm>>
        %dma_start3A_223 = tpu.memref_squeeze %dma_start3A_222 : memref<1x1024x16xf32, #tpu.memory_space<hbm>> -> memref<1024x16xf32, #tpu.memory_space<hbm>>
        %dma_start3A_224 = arith.constant 0 : i32
        %dma_start3A_225 = arith.constant 0 : i32
        %dma_start3A_226 = tpu.memref_slice %arg19[%dma_start3A_224, %dma_start3A_225] : memref<4096x16xf32, #tpu.memory_space<vmem_shared>> -> memref<1024x16xf32, #tpu.memory_space<vmem_shared>>
        tpu.enqueue_dma source(%dma_start3A_226 : memref<1024x16xf32, #tpu.memory_space<vmem_shared>>) target(%dma_start3A_223 : memref<1024x16xf32, #tpu.memory_space<hbm>>) target_semaphore(%run_scoped3A : memref<!tpu.dma_semaphore, #tpu.memory_space<semaphore_mem>>)
        %dma_wait3A = arith.constant 0 : i32
        %dma_wait3A_227 = arith.constant 0 : i32
        %dma_wait3A_228 = tpu.memref_slice %arg7[%add3A_213, %dma_wait3A, %dma_wait3A_227] : memref<16x1024x16xf32, #tpu.memory_space<hbm>> -> memref<1x1024x16xf32, #tpu.memory_space<hbm>>
        %dma_wait3A_229 = tpu.memref_squeeze %dma_wait3A_228 : memref<1x1024x16xf32, #tpu.memory_space<hbm>> -> memref<1024x16xf32, #tpu.memory_space<hbm>>
        %dma_wait3A_230 = arith.constant 0 : i32
        %dma_wait3A_231 = arith.constant 0 : i32
        %dma_wait3A_232 = tpu.memref_slice %arg19[%dma_wait3A_230, %dma_wait3A_231] : memref<4096x16xf32, #tpu.memory_space<vmem_shared>> -> memref<1024x16xf32, #tpu.memory_space<vmem_shared>>
        tpu.wait_dma2 semaphore(%run_scoped3A : memref<!tpu.dma_semaphore, #tpu.memory_space<semaphore_mem>>) src(%dma_wait3A_232 : memref<1024x16xf32, #tpu.memory_space<vmem_shared>>) dst(%dma_wait3A_229 : memref<1024x16xf32, #tpu.memory_space<hbm>>)
        tpu.yield
      }) : () -> ()
      %add3A_214 = arith.constant 1 : i32
      %add3A_215 = arith.addi %add3A_32, %add3A_214 : i32
      "tpu.region"() ({
        %run_scoped3A = tpu.sem_alloc : memref<!tpu.dma_semaphore, #tpu.memory_space<semaphore_mem>>
        %dma_start3A_220 = arith.constant 0 : i32
        %dma_start3A_221 = arith.constant 0 : i32
        %dma_start3A_222 = tpu.memref_slice %arg7[%add3A_215, %dma_start3A_220, %dma_start3A_221] : memref<16x1024x16xf32, #tpu.memory_space<hbm>> -> memref<1x1024x16xf32, #tpu.memory_space<hbm>>
        %dma_start3A_223 = tpu.memref_squeeze %dma_start3A_222 : memref<1x1024x16xf32, #tpu.memory_space<hbm>> -> memref<1024x16xf32, #tpu.memory_space<hbm>>
        %dma_start3A_224 = arith.constant 1024 : i32
        %dma_start3A_225 = arith.constant 0 : i32
        %dma_start3A_226 = tpu.memref_slice %arg19[%dma_start3A_224, %dma_start3A_225] : memref<4096x16xf32, #tpu.memory_space<vmem_shared>> -> memref<1024x16xf32, #tpu.memory_space<vmem_shared>>
        tpu.enqueue_dma source(%dma_start3A_226 : memref<1024x16xf32, #tpu.memory_space<vmem_shared>>) target(%dma_start3A_223 : memref<1024x16xf32, #tpu.memory_space<hbm>>) target_semaphore(%run_scoped3A : memref<!tpu.dma_semaphore, #tpu.memory_space<semaphore_mem>>)
        %dma_wait3A = arith.constant 0 : i32
        %dma_wait3A_227 = arith.constant 0 : i32
        %dma_wait3A_228 = tpu.memref_slice %arg7[%add3A_215, %dma_wait3A, %dma_wait3A_227] : memref<16x1024x16xf32, #tpu.memory_space<hbm>> -> memref<1x1024x16xf32, #tpu.memory_space<hbm>>
        %dma_wait3A_229 = tpu.memref_squeeze %dma_wait3A_228 : memref<1x1024x16xf32, #tpu.memory_space<hbm>> -> memref<1024x16xf32, #tpu.memory_space<hbm>>
        %dma_wait3A_230 = arith.constant 1024 : i32
        %dma_wait3A_231 = arith.constant 0 : i32
        %dma_wait3A_232 = tpu.memref_slice %arg19[%dma_wait3A_230, %dma_wait3A_231] : memref<4096x16xf32, #tpu.memory_space<vmem_shared>> -> memref<1024x16xf32, #tpu.memory_space<vmem_shared>>
        tpu.wait_dma2 semaphore(%run_scoped3A : memref<!tpu.dma_semaphore, #tpu.memory_space<semaphore_mem>>) src(%dma_wait3A_232 : memref<1024x16xf32, #tpu.memory_space<vmem_shared>>) dst(%dma_wait3A_229 : memref<1024x16xf32, #tpu.memory_space<hbm>>)
        tpu.yield
      }) : () -> ()
      %add3A_216 = arith.constant 2 : i32
      %add3A_217 = arith.addi %add3A_32, %add3A_216 : i32
      "tpu.region"() ({
        %run_scoped3A = tpu.sem_alloc : memref<!tpu.dma_semaphore, #tpu.memory_space<semaphore_mem>>
        %dma_start3A_220 = arith.constant 0 : i32
        %dma_start3A_221 = arith.constant 0 : i32
        %dma_start3A_222 = tpu.memref_slice %arg7[%add3A_217, %dma_start3A_220, %dma_start3A_221] : memref<16x1024x16xf32, #tpu.memory_space<hbm>> -> memref<1x1024x16xf32, #tpu.memory_space<hbm>>
        %dma_start3A_223 = tpu.memref_squeeze %dma_start3A_222 : memref<1x1024x16xf32, #tpu.memory_space<hbm>> -> memref<1024x16xf32, #tpu.memory_space<hbm>>
        %dma_start3A_224 = arith.constant 2048 : i32
        %dma_start3A_225 = arith.constant 0 : i32
        %dma_start3A_226 = tpu.memref_slice %arg19[%dma_start3A_224, %dma_start3A_225] : memref<4096x16xf32, #tpu.memory_space<vmem_shared>> -> memref<1024x16xf32, #tpu.memory_space<vmem_shared>>
        tpu.enqueue_dma source(%dma_start3A_226 : memref<1024x16xf32, #tpu.memory_space<vmem_shared>>) target(%dma_start3A_223 : memref<1024x16xf32, #tpu.memory_space<hbm>>) target_semaphore(%run_scoped3A : memref<!tpu.dma_semaphore, #tpu.memory_space<semaphore_mem>>)
        %dma_wait3A = arith.constant 0 : i32
        %dma_wait3A_227 = arith.constant 0 : i32
        %dma_wait3A_228 = tpu.memref_slice %arg7[%add3A_217, %dma_wait3A, %dma_wait3A_227] : memref<16x1024x16xf32, #tpu.memory_space<hbm>> -> memref<1x1024x16xf32, #tpu.memory_space<hbm>>
        %dma_wait3A_229 = tpu.memref_squeeze %dma_wait3A_228 : memref<1x1024x16xf32, #tpu.memory_space<hbm>> -> memref<1024x16xf32, #tpu.memory_space<hbm>>
        %dma_wait3A_230 = arith.constant 2048 : i32
        %dma_wait3A_231 = arith.constant 0 : i32
        %dma_wait3A_232 = tpu.memref_slice %arg19[%dma_wait3A_230, %dma_wait3A_231] : memref<4096x16xf32, #tpu.memory_space<vmem_shared>> -> memref<1024x16xf32, #tpu.memory_space<vmem_shared>>
        tpu.wait_dma2 semaphore(%run_scoped3A : memref<!tpu.dma_semaphore, #tpu.memory_space<semaphore_mem>>) src(%dma_wait3A_232 : memref<1024x16xf32, #tpu.memory_space<vmem_shared>>) dst(%dma_wait3A_229 : memref<1024x16xf32, #tpu.memory_space<hbm>>)
        tpu.yield
      }) : () -> ()
      %add3A_218 = arith.constant 3 : i32
      %add3A_219 = arith.addi %add3A_32, %add3A_218 : i32
      "tpu.region"() ({
        %run_scoped3A = tpu.sem_alloc : memref<!tpu.dma_semaphore, #tpu.memory_space<semaphore_mem>>
        %dma_start3A_220 = arith.constant 0 : i32
        %dma_start3A_221 = arith.constant 0 : i32
        %dma_start3A_222 = tpu.memref_slice %arg7[%add3A_219, %dma_start3A_220, %dma_start3A_221] : memref<16x1024x16xf32, #tpu.memory_space<hbm>> -> memref<1x1024x16xf32, #tpu.memory_space<hbm>>
        %dma_start3A_223 = tpu.memref_squeeze %dma_start3A_222 : memref<1x1024x16xf32, #tpu.memory_space<hbm>> -> memref<1024x16xf32, #tpu.memory_space<hbm>>
        %dma_start3A_224 = arith.constant 3072 : i32
        %dma_start3A_225 = arith.constant 0 : i32
        %dma_start3A_226 = tpu.memref_slice %arg19[%dma_start3A_224, %dma_start3A_225] : memref<4096x16xf32, #tpu.memory_space<vmem_shared>> -> memref<1024x16xf32, #tpu.memory_space<vmem_shared>>
        tpu.enqueue_dma source(%dma_start3A_226 : memref<1024x16xf32, #tpu.memory_space<vmem_shared>>) target(%dma_start3A_223 : memref<1024x16xf32, #tpu.memory_space<hbm>>) target_semaphore(%run_scoped3A : memref<!tpu.dma_semaphore, #tpu.memory_space<semaphore_mem>>)
        %dma_wait3A = arith.constant 0 : i32
        %dma_wait3A_227 = arith.constant 0 : i32
        %dma_wait3A_228 = tpu.memref_slice %arg7[%add3A_219, %dma_wait3A, %dma_wait3A_227] : memref<16x1024x16xf32, #tpu.memory_space<hbm>> -> memref<1x1024x16xf32, #tpu.memory_space<hbm>>
        %dma_wait3A_229 = tpu.memref_squeeze %dma_wait3A_228 : memref<1x1024x16xf32, #tpu.memory_space<hbm>> -> memref<1024x16xf32, #tpu.memory_space<hbm>>
        %dma_wait3A_230 = arith.constant 3072 : i32
        %dma_wait3A_231 = arith.constant 0 : i32
        %dma_wait3A_232 = tpu.memref_slice %arg19[%dma_wait3A_230, %dma_wait3A_231] : memref<4096x16xf32, #tpu.memory_space<vmem_shared>> -> memref<1024x16xf32, #tpu.memory_space<vmem_shared>>
        tpu.wait_dma2 semaphore(%run_scoped3A : memref<!tpu.dma_semaphore, #tpu.memory_space<semaphore_mem>>) src(%dma_wait3A_232 : memref<1024x16xf32, #tpu.memory_space<vmem_shared>>) dst(%dma_wait3A_229 : memref<1024x16xf32, #tpu.memory_space<hbm>>)
        tpu.yield
      }) : () -> ()
    } else {
    }
    %eq3A_206 = arith.constant 1 : i32
    %eq3A_207 = arith.cmpi eq, %select_n3A, %eq3A_206 : i32
    %and3A_208 = arith.andi %eq3A_58, %eq3A_207 : i1
    %convert_element_type3A_209 = arith.extui %and3A_208 : i1 to i32
    %cond3A_210 = arith.constant 0 : i32
    %cond3A_211 = arith.cmpi ne, %convert_element_type3A_209, %cond3A_210 : i32
    scf.if %cond3A_211 {
      %add3A_212 = arith.constant 0 : i32
      %add3A_213 = arith.addi %add3A_32, %add3A_212 : i32
      "tpu.region"() ({
        %run_scoped3A = tpu.sem_alloc : memref<!tpu.dma_semaphore, #tpu.memory_space<semaphore_mem>>
        %dma_start3A_220 = arith.constant 0 : i32
        %dma_start3A_221 = arith.constant 0 : i32
        %dma_start3A_222 = tpu.memref_slice %arg7[%add3A_213, %dma_start3A_220, %dma_start3A_221] : memref<16x1024x16xf32, #tpu.memory_space<hbm>> -> memref<1x1024x16xf32, #tpu.memory_space<hbm>>
        %dma_start3A_223 = tpu.memref_squeeze %dma_start3A_222 : memref<1x1024x16xf32, #tpu.memory_space<hbm>> -> memref<1024x16xf32, #tpu.memory_space<hbm>>
        %dma_start3A_224 = arith.constant 0 : i32
        %dma_start3A_225 = arith.constant 0 : i32
        %dma_start3A_226 = tpu.memref_slice %arg20[%dma_start3A_224, %dma_start3A_225] : memref<4096x16xf32, #tpu.memory_space<vmem_shared>> -> memref<1024x16xf32, #tpu.memory_space<vmem_shared>>
        tpu.enqueue_dma source(%dma_start3A_226 : memref<1024x16xf32, #tpu.memory_space<vmem_shared>>) target(%dma_start3A_223 : memref<1024x16xf32, #tpu.memory_space<hbm>>) target_semaphore(%run_scoped3A : memref<!tpu.dma_semaphore, #tpu.memory_space<semaphore_mem>>)
        %dma_wait3A = arith.constant 0 : i32
        %dma_wait3A_227 = arith.constant 0 : i32
        %dma_wait3A_228 = tpu.memref_slice %arg7[%add3A_213, %dma_wait3A, %dma_wait3A_227] : memref<16x1024x16xf32, #tpu.memory_space<hbm>> -> memref<1x1024x16xf32, #tpu.memory_space<hbm>>
        %dma_wait3A_229 = tpu.memref_squeeze %dma_wait3A_228 : memref<1x1024x16xf32, #tpu.memory_space<hbm>> -> memref<1024x16xf32, #tpu.memory_space<hbm>>
        %dma_wait3A_230 = arith.constant 0 : i32
        %dma_wait3A_231 = arith.constant 0 : i32
        %dma_wait3A_232 = tpu.memref_slice %arg20[%dma_wait3A_230, %dma_wait3A_231] : memref<4096x16xf32, #tpu.memory_space<vmem_shared>> -> memref<1024x16xf32, #tpu.memory_space<vmem_shared>>
        tpu.wait_dma2 semaphore(%run_scoped3A : memref<!tpu.dma_semaphore, #tpu.memory_space<semaphore_mem>>) src(%dma_wait3A_232 : memref<1024x16xf32, #tpu.memory_space<vmem_shared>>) dst(%dma_wait3A_229 : memref<1024x16xf32, #tpu.memory_space<hbm>>)
        tpu.yield
      }) : () -> ()
      %add3A_214 = arith.constant 1 : i32
      %add3A_215 = arith.addi %add3A_32, %add3A_214 : i32
      "tpu.region"() ({
        %run_scoped3A = tpu.sem_alloc : memref<!tpu.dma_semaphore, #tpu.memory_space<semaphore_mem>>
        %dma_start3A_220 = arith.constant 0 : i32
        %dma_start3A_221 = arith.constant 0 : i32
        %dma_start3A_222 = tpu.memref_slice %arg7[%add3A_215, %dma_start3A_220, %dma_start3A_221] : memref<16x1024x16xf32, #tpu.memory_space<hbm>> -> memref<1x1024x16xf32, #tpu.memory_space<hbm>>
        %dma_start3A_223 = tpu.memref_squeeze %dma_start3A_222 : memref<1x1024x16xf32, #tpu.memory_space<hbm>> -> memref<1024x16xf32, #tpu.memory_space<hbm>>
        %dma_start3A_224 = arith.constant 1024 : i32
        %dma_start3A_225 = arith.constant 0 : i32
        %dma_start3A_226 = tpu.memref_slice %arg20[%dma_start3A_224, %dma_start3A_225] : memref<4096x16xf32, #tpu.memory_space<vmem_shared>> -> memref<1024x16xf32, #tpu.memory_space<vmem_shared>>
        tpu.enqueue_dma source(%dma_start3A_226 : memref<1024x16xf32, #tpu.memory_space<vmem_shared>>) target(%dma_start3A_223 : memref<1024x16xf32, #tpu.memory_space<hbm>>) target_semaphore(%run_scoped3A : memref<!tpu.dma_semaphore, #tpu.memory_space<semaphore_mem>>)
        %dma_wait3A = arith.constant 0 : i32
        %dma_wait3A_227 = arith.constant 0 : i32
        %dma_wait3A_228 = tpu.memref_slice %arg7[%add3A_215, %dma_wait3A, %dma_wait3A_227] : memref<16x1024x16xf32, #tpu.memory_space<hbm>> -> memref<1x1024x16xf32, #tpu.memory_space<hbm>>
        %dma_wait3A_229 = tpu.memref_squeeze %dma_wait3A_228 : memref<1x1024x16xf32, #tpu.memory_space<hbm>> -> memref<1024x16xf32, #tpu.memory_space<hbm>>
        %dma_wait3A_230 = arith.constant 1024 : i32
        %dma_wait3A_231 = arith.constant 0 : i32
        %dma_wait3A_232 = tpu.memref_slice %arg20[%dma_wait3A_230, %dma_wait3A_231] : memref<4096x16xf32, #tpu.memory_space<vmem_shared>> -> memref<1024x16xf32, #tpu.memory_space<vmem_shared>>
        tpu.wait_dma2 semaphore(%run_scoped3A : memref<!tpu.dma_semaphore, #tpu.memory_space<semaphore_mem>>) src(%dma_wait3A_232 : memref<1024x16xf32, #tpu.memory_space<vmem_shared>>) dst(%dma_wait3A_229 : memref<1024x16xf32, #tpu.memory_space<hbm>>)
        tpu.yield
      }) : () -> ()
      %add3A_216 = arith.constant 2 : i32
      %add3A_217 = arith.addi %add3A_32, %add3A_216 : i32
      "tpu.region"() ({
        %run_scoped3A = tpu.sem_alloc : memref<!tpu.dma_semaphore, #tpu.memory_space<semaphore_mem>>
        %dma_start3A_220 = arith.constant 0 : i32
        %dma_start3A_221 = arith.constant 0 : i32
        %dma_start3A_222 = tpu.memref_slice %arg7[%add3A_217, %dma_start3A_220, %dma_start3A_221] : memref<16x1024x16xf32, #tpu.memory_space<hbm>> -> memref<1x1024x16xf32, #tpu.memory_space<hbm>>
        %dma_start3A_223 = tpu.memref_squeeze %dma_start3A_222 : memref<1x1024x16xf32, #tpu.memory_space<hbm>> -> memref<1024x16xf32, #tpu.memory_space<hbm>>
        %dma_start3A_224 = arith.constant 2048 : i32
        %dma_start3A_225 = arith.constant 0 : i32
        %dma_start3A_226 = tpu.memref_slice %arg20[%dma_start3A_224, %dma_start3A_225] : memref<4096x16xf32, #tpu.memory_space<vmem_shared>> -> memref<1024x16xf32, #tpu.memory_space<vmem_shared>>
        tpu.enqueue_dma source(%dma_start3A_226 : memref<1024x16xf32, #tpu.memory_space<vmem_shared>>) target(%dma_start3A_223 : memref<1024x16xf32, #tpu.memory_space<hbm>>) target_semaphore(%run_scoped3A : memref<!tpu.dma_semaphore, #tpu.memory_space<semaphore_mem>>)
        %dma_wait3A = arith.constant 0 : i32
        %dma_wait3A_227 = arith.constant 0 : i32
        %dma_wait3A_228 = tpu.memref_slice %arg7[%add3A_217, %dma_wait3A, %dma_wait3A_227] : memref<16x1024x16xf32, #tpu.memory_space<hbm>> -> memref<1x1024x16xf32, #tpu.memory_space<hbm>>
        %dma_wait3A_229 = tpu.memref_squeeze %dma_wait3A_228 : memref<1x1024x16xf32, #tpu.memory_space<hbm>> -> memref<1024x16xf32, #tpu.memory_space<hbm>>
        %dma_wait3A_230 = arith.constant 2048 : i32
        %dma_wait3A_231 = arith.constant 0 : i32
        %dma_wait3A_232 = tpu.memref_slice %arg20[%dma_wait3A_230, %dma_wait3A_231] : memref<4096x16xf32, #tpu.memory_space<vmem_shared>> -> memref<1024x16xf32, #tpu.memory_space<vmem_shared>>
        tpu.wait_dma2 semaphore(%run_scoped3A : memref<!tpu.dma_semaphore, #tpu.memory_space<semaphore_mem>>) src(%dma_wait3A_232 : memref<1024x16xf32, #tpu.memory_space<vmem_shared>>) dst(%dma_wait3A_229 : memref<1024x16xf32, #tpu.memory_space<hbm>>)
        tpu.yield
      }) : () -> ()
      %add3A_218 = arith.constant 3 : i32
      %add3A_219 = arith.addi %add3A_32, %add3A_218 : i32
      "tpu.region"() ({
        %run_scoped3A = tpu.sem_alloc : memref<!tpu.dma_semaphore, #tpu.memory_space<semaphore_mem>>
        %dma_start3A_220 = arith.constant 0 : i32
        %dma_start3A_221 = arith.constant 0 : i32
        %dma_start3A_222 = tpu.memref_slice %arg7[%add3A_219, %dma_start3A_220, %dma_start3A_221] : memref<16x1024x16xf32, #tpu.memory_space<hbm>> -> memref<1x1024x16xf32, #tpu.memory_space<hbm>>
        %dma_start3A_223 = tpu.memref_squeeze %dma_start3A_222 : memref<1x1024x16xf32, #tpu.memory_space<hbm>> -> memref<1024x16xf32, #tpu.memory_space<hbm>>
        %dma_start3A_224 = arith.constant 3072 : i32
        %dma_start3A_225 = arith.constant 0 : i32
        %dma_start3A_226 = tpu.memref_slice %arg20[%dma_start3A_224, %dma_start3A_225] : memref<4096x16xf32, #tpu.memory_space<vmem_shared>> -> memref<1024x16xf32, #tpu.memory_space<vmem_shared>>
        tpu.enqueue_dma source(%dma_start3A_226 : memref<1024x16xf32, #tpu.memory_space<vmem_shared>>) target(%dma_start3A_223 : memref<1024x16xf32, #tpu.memory_space<hbm>>) target_semaphore(%run_scoped3A : memref<!tpu.dma_semaphore, #tpu.memory_space<semaphore_mem>>)
        %dma_wait3A = arith.constant 0 : i32
        %dma_wait3A_227 = arith.constant 0 : i32
        %dma_wait3A_228 = tpu.memref_slice %arg7[%add3A_219, %dma_wait3A, %dma_wait3A_227] : memref<16x1024x16xf32, #tpu.memory_space<hbm>> -> memref<1x1024x16xf32, #tpu.memory_space<hbm>>
        %dma_wait3A_229 = tpu.memref_squeeze %dma_wait3A_228 : memref<1x1024x16xf32, #tpu.memory_space<hbm>> -> memref<1024x16xf32, #tpu.memory_space<hbm>>
        %dma_wait3A_230 = arith.constant 3072 : i32
        %dma_wait3A_231 = arith.constant 0 : i32
        %dma_wait3A_232 = tpu.memref_slice %arg20[%dma_wait3A_230, %dma_wait3A_231] : memref<4096x16xf32, #tpu.memory_space<vmem_shared>> -> memref<1024x16xf32, #tpu.memory_space<vmem_shared>>
        tpu.wait_dma2 semaphore(%run_scoped3A : memref<!tpu.dma_semaphore, #tpu.memory_space<semaphore_mem>>) src(%dma_wait3A_232 : memref<1024x16xf32, #tpu.memory_space<vmem_shared>>) dst(%dma_wait3A_229 : memref<1024x16xf32, #tpu.memory_space<hbm>>)
        tpu.yield
      }) : () -> ()
    } else {
    }
    return
  }
}

module attributes {stable_mosaic.version = 14 : i64} {
  func.func @body(%arg0: i32, %arg1: memref<2x262144xi32, #tpu.memory_space<vmem>>, %arg2: memref<262144xi32, #tpu.memory_space<vmem>>) attributes {dimension_semantics = [#tpu.dimension_semantics<arbitrary>], iteration_bounds = array<i64: 11>, scalar_prefetch = 0 : i64, scratch_operands = 0 : i64, tpu.core_type = #tpu.core_type<tc>, window_params = [{transform_indices = @transform_0, window_bounds = array<i64: 2, 262144>}, {transform_indices = @transform_1, window_bounds = array<i64: 262144>}]} {
    %get3A = arith.constant 0 : index
    %get3A_0 = arith.constant 0 : index
    %get3A_1 = vector.load %arg1[%get3A, %get3A_0] : memref<2x262144xi32, #tpu.memory_space<vmem>>, vector<1x262144xi32>
    %get3A_2 = vector.shape_cast %get3A_1 : vector<1x262144xi32> to vector<262144xi32>
    %get3A_3 = arith.constant 1 : index
    %get3A_4 = arith.constant 0 : index
    %get3A_5 = vector.load %arg1[%get3A_3, %get3A_4] : memref<2x262144xi32, #tpu.memory_space<vmem>>, vector<1x262144xi32>
    %get3A_6 = vector.shape_cast %get3A_5 : vector<1x262144xi32> to vector<262144xi32>
    %shift_left3A = arith.constant 14 : i32
    %shift_left3A_7 = vector.broadcast %shift_left3A : i32 to vector<262144xi32>
    %shift_left3A_8 = arith.shli %get3A_6, %shift_left3A_7 : vector<262144xi32>
    %or3A = arith.ori %get3A_2, %shift_left3A_8 : vector<262144xi32>
    %swap3A = arith.constant 0 : index
    %swap3A_9 = vector.load %arg2[%swap3A] : memref<262144xi32, #tpu.memory_space<vmem>>, vector<262144xi32>
    tpu.vector_store %arg2[%swap3A], %or3A {strides = array<i32>} : memref<262144xi32, #tpu.memory_space<vmem>>, vector<262144xi32>,
    return
  }
  func.func @transform_0(%arg0: i32) -> (i32, i32) {
    %c0_i32 = arith.constant 0 : i32
    %c0_i32_0 = arith.constant 0 : i32
    return %c0_i32, %arg0 : i32, i32
  }
  func.func @transform_1(%arg0: i32) -> i32 {
    %c0_i32 = arith.constant 0 : i32
    return %arg0 : i32
  }
}

</mosaic_0001>

<sc_bundles>
// kernel: kernel.4.cloned.1.call-start
scs
__scs_entry_jumppad:
0x0: {  	(pc) =	sbr.rel $0x88, $3  }
0x1: {  	(tag) =	ssettag $0x0;
	lr =	simm.s32 $0x1  }
0x2: {  	[smem:$0x3F9D] =	sst lr;
	_ =	strace $0xD0000000  }
0x3: {  	_ = 	snop  }
0x4: {  	_ = 	snop  }
0x5: {  	_ = 	snop  }
0x6: {  	_ = 	snop  }
0x7: {  	_ = 	snop  }
__scs_overlays_trampoline_lowered:
0x8: {  	[smem:$0x3FAC] =	sst s0  }
0x9: {  	[smem:$0x3FAD] =	sst s1  }
0xa: {  	[smem:$0x3FAE] =	sst s2  }
0xb: {  	[smem:$0x3FAF] =	sst s3  }
0xc: {  	[smem:$0x3FB0] =	sst s4  }
0xd: {  	[smem:$0x3FB1] =	sst s5  }
0xe: {  	[smem:$0x3FB2] =	sst s6  }
0xf: {  	[smem:$0x3FB3] =	sst s7  }
0x10: {  	[smem:$0x3FB4] =	sst s8  }
0x11: {  	[smem:$0x3FB5] =	sst s9;
	s0 =	simm.s32 @!p0 $0x0  }
0x12: {  	s1 =	sld [smem:$0x3F9B];
	s0 =	simm.s32 @p0 $0x1  }
0x13: {  	[smem:$0x3FB6] =	sst s0;
	s0 =	simm.s32 @!p1 $0x0  }
0x14: {  	s2 =	sld [smem:$0x3F9A];
	s0 =	simm.s32 @p1 $0x1  }
0x15: {  	[smem:$0x3FB7] =	sst s0;
	s0 =	simm.s32 @!p2 $0x0  }
0x16: {  	s3 =	sld [smem:$0x3FDB];
	s0 =	simm.s32 @p2 $0x1  }
0x17: {  	s4 =	simm.s32 $0x1BF5;
	[smem:$0x3FB9] =	sst s0  }
0x18: {  	s0 =	sld [smem:$0x3F9C];
	_ =	swait.ge [sflag:s4], $0x0  }
0x19: {  	s7 =	sld [smem:$0x3F9D]  }
0x1a: {  	s8 =	sadd.s32 $0xFFFFE003, lr  }
0x1b: {  	s9 =	sadd.s32 $0xFFFFFEF7, lr;
	s5 =	simm.s32 $0xFFFFFFFF;
	p2 =	slt.u32 s8, $0xFFFFF086  }
0x1c: {  	p1 =	slt.u32 s9, $0xF7A;
	s5 =	simm.s32 @!p2 $0x0  }
0x1d: {  	s5 =	simm.s32 @p1 $0x1;
	p0 =	seq.s32 s7, s2  }
0x1e: {  	s7 =	smul.u32 @!p0 $0xF7A, s2;
	p2 =	seq.s32 @!p0 s5, $0x0  }
0x1f: {  	s9 =	smul.u32 $0xF7A, s1;
	s8 =	simm.s32 @!p0 $0x1BF5;
	p2 =	por !p2, p0  }
0x20: {  	[sflag:s8] =	ssyncset.s32 @!p0 $0xFFFFF086;
	s6 =	sadd.s32 @!p0 s3, s7;
	s7 =	simm.s32 @!p0 $0x108  }
0x21: {  	s3 =	sadd.s32 s3, s9;
	s6 =	sadd.s32 @!p0 $0x88, s6;
	s7 =	simm.s32 @p2 $0x1082  }
0x22: {  	[simem:s7], [sflag:s8] =	dma.local @!p0 [hbm:s6], $0xF7A  }
0x23: {  	s9 =	sor.u32 $0xD0000000, s2;
	s6 =	simm.s32 $0x108;
	_ =	swait.ge @!p0 [sflag:s8], $0x0  }
0x24: {  	s3 =	sadd.s32 $0x88, s3;
	s6 =	simm.s32 @!p1 $0x1082;
	[sflag:s4] =	ssyncset.s32 $0xFFFFF086  }
0x25: {  	[simem:s6], [sflag:s4] =	dma.local [hbm:s3], $0xF7A  }
0x26: {  	[smem:$0x3F9D] =	sst s1;
	(tag) =	ssettag s2;
	_ =	strace s9  }
0x27: {  	s1 =	sld [smem:$0x3FAD]  }
0x28: {  	s2 =	sld [smem:$0x3FAE]  }
0x29: {  	s4 =	sld [smem:$0x3FB0]  }
0x2a: {  	p0 =	seq.s32 s5, $0x0;
	s5 =	sld [smem:$0x3FB1]  }
0x2b: {  	s6 =	sld [smem:$0x3FB2]  }
0x2c: {  	s7 =	sld [smem:$0x3FB3]  }
0x2d: {  	s3 =	simm.s32 $0x108;
	s8 =	sld [smem:$0x3FB4]  }
0x2e: {  	s3 =	simm.s32 @!p0 $0x1082;
	s9 =	sld [smem:$0x3FB5]  }
0x2f: {  	lr =	sadd.s32 s0, s3;
	s0 =	sld [smem:$0x3FAC]  }
0x30: {  	s3 =	sld [smem:$0x3FAF]  }
0x31: {  	[smem:$0x3FB8] =	sst s10  }
0x32: {  	s10 =	sld [smem:$0x3FB6];
	_ =	sdelay $0x3  }
0x33: {  	p0 =	seq.s32 s10, $0x1;
	s10 =	sld [smem:$0x3FB8];
	_ =	sdelay $0x3  }
0x34: {  	[smem:$0x3FB8] =	sst s10  }
0x35: {  	s10 =	sld [smem:$0x3FB7];
	_ =	sdelay $0x3  }
0x36: {  	p1 =	seq.s32 s10, $0x1;
	s10 =	sld [smem:$0x3FB8];
	_ =	sdelay $0x3  }
0x37: {  	[smem:$0x3FB8] =	sst s10  }
0x38: {  	s10 =	sld [smem:$0x3FB9]  }
0x39: {  	_ = 	snop;
	(pc) =	sbr.ind lr, $3  }
0x3a: {  	_ = 	snop  }
0x3b: {  	_ = 	snop  }
0x3c: {  	p2 =	seq.s32 s10, $0x1;
	s10 =	sld [smem:$0x3FB8]  }
0x3d: {  	_ =	shalt  }
0x3e: {  	_ =	shalt  }
0x3f: {  	_ =	shalt  }
0x40: {  	_ =	shalt  }
0x41: {  	_ =	shalt  }
0x42: {  	_ =	shalt  }
0x43: {  	_ =	shalt  }
0x44: {  	_ =	shalt  }
0x45: {  	_ =	shalt  }
0x46: {  	_ =	shalt  }
0x47: {  	_ =	shalt  }
0x48: {  	_ =	shalt  }
0x49: {  	_ =	shalt  }
0x4a: {  	_ =	shalt  }
0x4b: {  	_ =	shalt  }
0x4c: {  	_ =	shalt  }
0x4d: {  	_ =	shalt  }
0x4e: {  	_ =	shalt  }
0x4f: {  	_ =	shalt  }
0x50: {  	_ =	shalt  }
0x51: {  	_ =	shalt  }
0x52: {  	_ =	shalt  }
0x53: {  	_ =	shalt  }
0x54: {  	_ =	shalt  }
0x55: {  	_ =	shalt  }
0x56: {  	_ =	shalt  }
0x57: {  	_ =	shalt  }
0x58: {  	_ =	shalt  }
0x59: {  	_ =	shalt  }
0x5a: {  	_ =	shalt  }
0x5b: {  	_ =	shalt  }
0x5c: {  	_ =	shalt  }
0x5d: {  	_ =	shalt  }
0x5e: {  	_ =	shalt  }
0x5f: {  	_ =	shalt  }
0x60: {  	_ =	shalt  }
0x61: {  	_ =	shalt  }
0x62: {  	_ =	shalt  }
0x63: {  	_ =	shalt  }
0x64: {  	_ =	shalt  }
0x65: {  	_ =	shalt  }
0x66: {  	_ =	shalt  }
0x67: {  	_ =	shalt  }
0x68: {  	_ =	shalt  }
0x69: {  	_ =	shalt  }
0x6a: {  	_ =	shalt  }
0x6b: {  	_ =	shalt  }
0x6c: {  	_ =	shalt  }
0x6d: {  	_ =	shalt  }
0x6e: {  	_ =	shalt  }
0x6f: {  	_ =	shalt  }
0x70: {  	_ =	shalt  }
0x71: {  	_ =	shalt  }
0x72: {  	_ =	shalt  }
0x73: {  	_ =	shalt  }
0x74: {  	_ =	shalt  }
0x75: {  	_ =	shalt  }
0x76: {  	_ =	shalt  }
0x77: {  	_ =	shalt  }
0x78: {  	_ =	shalt  }
0x79: {  	_ =	shalt  }
0x7a: {  	_ =	shalt  }
0x7b: {  	_ =	shalt  }
0x7c: {  	_ =	shalt  }
0x7d: {  	_ =	shalt  }
0x7e: {  	_ =	shalt  }
0x7f: {  	_ =	shalt  }
0x80: {  	_ =	shalt  }
0x81: {  	_ =	shalt  }
0x82: {  	_ =	shalt  }
0x83: {  	_ =	shalt  }
0x84: {  	_ =	shalt  }
0x85: {  	_ =	shalt  }
0x86: {  	_ =	shalt  }
0x87: {  	_ =	shalt  }
.Lfunc_end0:
.L_simem_size_0:
called_computation_lowered:
.L_overlay_start_0:
0x88: {  	s2 =	sld [smem:$0x3FD9]  }
0x89: {  	s3 =	sld [smem:$0x3FFE];
	_ =	sdelay $0x1  }
0x8a: {  	s1 =	srdreg.scid  }
0x8b: {  	s0 =	sand.u32 $0x1, s1  }
0x8c: {  	s17 =	sshll.u32 s0, $0xA;
	s2 =	sadd.s32 s3, s2  }
0x8d: {  	s2 =	sadd.s32 s2, s17  }
0x8e: {  	[smem:$0x3FC4] =	sst s2  }
0x8f: {  	_ = 	snop  }
0x90: {  	s2 =	sld [smem:$0x3FC7]  }
0x91: {  	s18 =	sld [smem:$0x3FC6]  }
0x92: {  	s4 =	sld [smem:$0x3FD0];
	(tm) =	ssettm $0x1  }
0x93: {  	s5 =	sld [smem:$0x3FFB];
	_ =	sdelay $0x3  }
0x94: {  	_ =	strace s5  }
0x95: {  	s5 =	sld [smem:$0x3FFC];
	_ =	sdelay $0x3  }
0x96: {  	_ =	strace s5  }
0x97: {  	s5 =	sld [smem:$0x3FFD];
	_ =	sdelay $0x3  }
0x98: {  	_ =	strace s5  }
0x99: {  	_ =	strace $0x8FFFFFFF  }
0x9a: {  	s19 =	sld [smem:$0x3FDB];
	_ =	sdelay $0x1  }
0x9b: {  	s6 =	simm.s32 $_scs_section_size  }
0x9c: {  	s7 =	simm.s32 $_size__tile_overlayer_lowered;
	s8 =	simm.s32 $_tile_overlayer_lowered  }
0x9d: {  	s22 =	simm.s32 $0x1BFF;
	s21 =	sshll.u32 s8, $0x1;
	s5 =	sadd.s32 s6, s19  }
0x9e: {  	s9 =	simm.s32 $0x0;
	s20 =	sshll.u32 s7, $0x1;
	s7 =	sadd.s32 s21, s5  }
0x9f: {  	[timem:s9], [sflag:s22] =	dma.local [hbm:s7], s20  }
0xa0: {  	_ =	swait.ge [sflag:s22], s20  }
0xa1: {  	s6 =	ssub.s32 $0x0, s20;
	[sflag:s22] =	ssyncset.done $0x0  }
0xa2: {  	[sflag:s22] =	ssyncadd.s32 s6;
	_ =	sdelay $0x1  }
0xa3: {  	s23 =	simm.s32 $0x1B8B  }
0xa4: {  	_ =	swait.ge [sflag:s23], $0x1  }
0xa5: {  	[sflag:s23] =	ssyncset.done $0x0  }
0xa6: {  	s25 =	simm.s32 $0x1B8E;
	s24 =	sld [smem:$0x3FFE];
	[sflag:s23] =	ssyncadd.s32 $0xFFFFFFFF  }
0xa7: {  	s26 =	simm.s32 $execute0_lowered;
	[smem:$0x3FD2] =	sst s25  }
0xa8: {  	s7 =	sshll.u32 s26, $0x1;
	_ =	strace $0x80000046;
	[dreg:$0x1] =	wrdreg $0xFFFFFFFF  }
0xa9: {  	s28 =	simm.s32 $_size_execute0_lowered;
	s5 =	sadd.s32 s5, s7;
	[dreg:$0x0] =	wrdreg $0x0  }
0xaa: {  	s7 =	sshll.u32 s28, $0x1;
	[dreg:$0x2] =	wrdreg s5  }
0xab: {  	[dreg:$0x3] =	wrdreg s7  }
0xac: {  	[dreg:$0x4] =	wrdreg $0xC0  }
0xad: {  	_ =	task [dreg:s9], $0x5FFFF  }
0xae: {  	[dreg:$0x1] =	wrdreg $0xFFFFFFFF  }
0xaf: {  	[dreg:$0x0] =	wrdreg $0x60  }
0xb0: {  	[dreg:$0x2] =	wrdreg s24  }
0xb1: {  	[dreg:$0x3] =	wrdreg s2  }
0xb2: {  	[dreg:$0x4] =	wrdreg s18  }
0xb3: {  	[dreg:$0x5] =	wrdreg s4  }
0xb4: {  	[dreg:$0x6] =	wrdreg $0x1D0000  }
0xb5: {  	[dreg:$0x7] =	wrdreg $0x1E0000  }
0xb6: {  	[dreg:$0x8] =	wrdreg $0x9  }
0xb7: {  	_ =	task.clear_ibuf [dreg:s9], $0x9FFFF;
	_ =	strace $0x90000046  }
0xb8: {  	s29 =	simm.s32 $0x9;
	_ =	strace $0x80000048  }
0xb9: {  	_ =	swait.ge [sflag:s29], $0x1  }
0xba: {  	[sflag:s29] =	ssyncadd.s32 $0xFFFFFFFF  }
0xbb: {  	_ =	strace $0x90000048  }
0xbc: {  	_ =	sfence  }
0xbd: {  	s30 =	sld [smem:$0x0];
	_ =	sdelay $0x2  }
0xbe: {  	s31 =	sshll.u32 s1, $0xD;
	s1 =	sshrl.u32 s1, $0x2  }
0xbf: {  	s3 =	sand.u32 $0x4000, s31;
	s1 =	sadd.s32 s1, s30  }
0xc0: {  	s0 =	sor.u32 s3, s0;
	s1 =	sshll.u32 s1, $0x11  }
0xc1: {  	s0 =	sor.u32 s1, s0  }
0xc2: {  	s0 =	sadd.s32 $0x8F2B, s0  }
0xc3: {  	[sflag:s0] =	ssyncadd.remote.s32 $0x1  }
0xc4: {  	_ =	sfence.sel $0xFFFF  }
0xc5: {  	[dreg:$0x0] =	wrdreg $0xFFFFFFFF;
	(pc) =	sbr.abs _section_cstart, $3  }
0xc6: {  	[dreg:$0x1] =	wrdreg $0xFFFFFFFF  }
0xc7: {  	_ =	task.clear_ibuf [dreg:s9], $0x2FFFF;
	_ =	strace $0x9FFFFFFF  }
0xc8: {  	(tm) =	ssettm $0x7FFFFFFF  }
0xc9: {  	_ =	shalt  }
tec
execute0_lowered:
.L_overlay_start_1:
0x0: {  	(tag) =	ssettag $0x1  }
0x1: {  	s9 =	rddreg [dreg:$0x0]  }
0x2: {  	s10 =	rddreg [dreg:$0x3]  }
0x3: {  	s12 =	stileid.u32;
	s2 =	simm.s32 $0x1;
	s20 =	rddreg [dreg:$0x4]  }
0x4: {  	s21 =	rddreg [dreg:$0x5];
	s11 =	srdreg.scid;
	s30 =	simm.s32 $0x1  }
0x5: {  	s6 =	sand.u32 $0x7, s12;
	s11 =	sand.u32 $0x1, s11;
	s12 =	sshrl.u32 s12, $0x3  }
0x6: {  	s25 =	sadd.s32 $0x800, s10;
	s31 =	sadd.s32 $0x1000, s10;
	s18 =	sadd.s32 $0x1800, s10  }
0x7: {  	s28 =	smov.u32 s21;
	s1 =	smul.u32 $0x52000, s6;
	s14 =	sshll.u32 s11, $0x3  }
0x8: {  	s15 =	sshll.u32 s12, $0x2;
	s24 =	ssub.s32 $0x2, s11;
	s11 =	sshll.u32 s11, $0xE  }
0x9: {  	p2 =	sne.s32 s12, $0x0;
	p3 =	seq.s32 s6, $0x0;
	s14 =	sor.u32 s14, s15  }
0xa: {  	s17 =	sshrl.u32 s24, $0x1;
	s26 =	sadd.s32 s10, s11;
	s29 =	sadd.s32 s11, s25  }
0xb: {  	s22 =	sadd.s32 s11, s31;
	s11 =	sadd.s32 s11, s18;
	s0 =	smin.u32 s1, $0x23D5C2  }
0xc: {  	p3 =	por !p3, !p2;
	s15 =	ssub.s32 s24, s17;
	s5 =	sadd.s32 $0x52000, s0  }
0xd: {  	[dreg:$0x7] =	wrdreg s26;
	s8 =	ssub.s32 s5, s1;
	p0 =	sne.s32 s5, s1  }
0xe: {  	[dreg:$0x8] =	wrdreg s29;
	s3 =	sshra.s32 s8, $0x1F;
	s2 =	simm.s32 @!p0 $0x0  }
0xf: {  	s19 =	sshll.u32 s14, $0xB;
	s4 =	sand.u32 $0x5C2, s0;
	s2 =	sor.u32 s2, s3  }
0x10: {  	[dreg:$0x9] =	wrdreg s22;
	p1 =	sne.s32 s4, $0x0;
	p4 =	sne.s32 s2, $0x1  }
0x11: {  	[dreg:$0xa] =	wrdreg s11;
	s23 =	sshrl.u32 s3, $0x14;
	p0 =	por !p1, !p4  }
0x12: {  	s4 =	simm.s32 $0x1;
	s3 =	sadd.s32 s23, s8;
	p0 =	por !p0, !p0  }
0x13: {  	s24 =	sor.u32 s12, s6;
	s7 =	sshra.s32 s3, $0xC;
	s4 =	simm.s32 @!p0 $0x0  }
0x14: {  	s6 =	smul.u32 $0xA400, s6;
	p3 =	por !p3, !p3;
	s4 =	ssub.s32 s7, s4  }
0x15: {  	s11 =	simm.s32 $0xC000;
	s10 =	sadd.s32 s10, s19;
	s7 =	sand.u32 $0x8000, s4  }
0x16: {  	s17 =	sadd.s32 s19, s25;
	s22 =	sadd.s32 s19, s31;
	s7 =	sshrl.u32 s7, $0xF  }
0x17: {  	s25 =	sshll.u32 s14, $0xA;
	[dreg:$0xb] =	wrdreg s10;
	s7 =	sadd.s32 s7, s4  }
0x18: {  	s31 =	sadd.s32 $0x400, s9;
	[dreg:$0xc] =	wrdreg s17;
	s13 =	sand.u32 $0xFFFFFFFE, s7  }
0x19: {  	s0 =	sadd.s32 $0x51006, s0;
	[dreg:$0xd] =	wrdreg s22;
	s13 =	ssub.s32 s4, s13  }
0x1a: {  	s10 =	sadd.s32 s25, s9;
	s14 =	sand.u32 $0x7FF5C8, s0;
	s16 =	sand.u32 $0xFFFF, s13  }
0x1b: {  	s0 =	sshrl.u32 s0, $0x3;
	p5 =	slt.s32 s4, $0x1;
	p6 =	sne.s32 s16, $0x0  }
0x1c: {  	s2 =	rddreg [dreg:$0x1];
	s23 =	sadd.s32 s19, s18;
	p0 =	por !p5, !p6  }
0x1d: {  	s7 =	sshll.u32 s7, $0x10;
	s16 =	simm.s32 $0x1;
	p0 =	por !p0, !p0  }
0x1e: {  	s3 =	rddreg [dreg:$0x2];
	s7 =	sshra.s32 s7, $0x11;
	s16 =	simm.s32 @!p0 $0x0  }
0x1f: {  	[dreg:$0xe] =	wrdreg s23;
	s7 =	ssub.s32 s7, s16;
	s16 =	simm.s32 $0x0  }
0x20: {  	s22 =	smax.u32 s15, $0x1;
	s18 =	sadd.s32 $0x4600, s9;
	[smem:$0x7FF] =	sst s16  }
0x21: {  	s9 =	sadd.s32 s18, s6;
	_ =	strace $0x80000047;
	[dreg:$0xf] =	wrdreg s31  }
0x22: {  	s25 =	sadd.s32 $0xC000, s20;
	s6 =	sadd.s32 s2, s6;
	[dreg:$0x10] =	wrdreg s9  }
0x23: {  	p4 =	seq.s32 s12, $0x0;
	s12 =	sadd.s32 $0x600, s10;
	[dreg:$0x11] =	wrdreg s6  }
0x24: {  	s26 =	sand.u32 $0x1, s13;
	s13 =	sadd.s32 $0xE00, s10;
	[dreg:$0x12] =	wrdreg s12  }
0x25: {  	s17 =	sadd.s32 s18, s0;
	s0 =	sadd.s32 s2, s0;
	[dreg:$0x13] =	wrdreg s13  }
0x26: {  	s23 =	sadd.s32 $0x4000, s20;
	s29 =	sshll.u32 s4, $0xC;
	[dreg:$0x14] =	wrdreg s14  }
0x27: {  	s28 =	smov.u32 @p4 s20;
	p2 =	sle.s32 s8, s29;
	[dreg:$0x15] =	wrdreg s17  }
0x28: {  	s19 =	sadd.s32 s1, s29;
	s29 =	sadd.s32 $0x8000, s21;
	[dreg:$0x16] =	wrdreg s0  }
0x29: {  	s8 =	simm.s32 $0x4000;
	v0 =	vmov s19;
	s19 =	simm.s32 $0x3;
	[dreg:$0x17] =	wrdreg s22  }
0x2a: {  	p0 =	sne.s32 s24, $0x0;
	s24 =	sadd.s32 $0x8000, s20;
	[dreg:$0x18] =	wrdreg s23  }
0x2b: {  	s10 =	simm.s32 $0x8000;
	p1 =	seq.s32 s26, $0x0;
	[dreg:$0x19] =	wrdreg s24  }
.Ltmp0:
0x2c: {  	s26 =	sadd.s32 $0x4000, s21;
	[dreg:$0x1a] =	wrdreg s25;
	(pc) =	sbr.rel .LBB2_1-.Ltmp0, $4  }
0x2d: {  	s20 =	simm.s32 $0x0;
	p4 =	slt.s32 s7, $0x1;
	[dreg:$0x1b] =	wrdreg s26  }
0x2e: {  	[dreg:$0x1c] =	wrdreg s29;
	s31 =	sadd.s32 $0xC000, s21;
	s0 =	simm.s32 $0x4  }
0x2f: {  	s24 =	simm.s32 $0x1C000;
	s12 =	simm.s32 $0x10000;
	s13 =	simm.s32 $0x14000  }
0x30: {  	v2 =	vimm.f32 $0.0e+00;
	v3 =	vlaneseq.u32;
	v1 =	vmov s5;
	s14 =	simm.s32 $0x2;
	s17 =	simm.s32 $0x80;
	[dreg:$0x1d] =	wrdreg s31  }
.LBB2_17:
0x31: {  	[spmem:s28] =	stream.indirect.scatter.add.f32 [tilespmem:s10], [sflag:$0x3], $0x10, s24, s17, $0xb8;
	[tilespmem:$0x1F000] =	vst v63  }
0x32: {  	s5 =	simm.s32 $0x1C080;
	s6 =	simm.s32 $0x8800  }
0x33: {  	[spmem:s28] =	stream.indirect.scatter.add.f32 [tilespmem:s6], [sflag:$0x3], $0x10, s5, s17, $0xb8;
	[tilespmem:$0x1F000] =	vst v63  }
0x34: {  	s9 =	simm.s32 $0x1C100;
	s23 =	simm.s32 $0x9000  }
0x35: {  	[spmem:s28] =	stream.indirect.scatter.add.f32 [tilespmem:s23], [sflag:$0x3], $0x10, s9, s17, $0xb8;
	[tilespmem:$0x1F000] =	vst v63  }
0x36: {  	s9 =	simm.s32 $0x1C180;
	s23 =	simm.s32 $0x9800  }
0x37: {  	[spmem:s28] =	stream.indirect.scatter.add.f32 [tilespmem:s23], [sflag:$0x3], $0x10, s9, s17, $0xb8;
	[tilespmem:$0x1F000] =	vst v63  }
0x38: {  	s9 =	simm.s32 $0x1C200;
	s23 =	simm.s32 $0xA000  }
0x39: {  	[spmem:s28] =	stream.indirect.scatter.add.f32 [tilespmem:s23], [sflag:$0x3], $0x10, s9, s17, $0xb8;
	[tilespmem:$0x1F000] =	vst v63  }
0x3a: {  	s9 =	simm.s32 $0x1C280;
	s23 =	simm.s32 $0xA800  }
0x3b: {  	[spmem:s28] =	stream.indirect.scatter.add.f32 [tilespmem:s23], [sflag:$0x3], $0x10, s9, s17, $0xb8;
	[tilespmem:$0x1F000] =	vst v63  }
0x3c: {  	s9 =	simm.s32 $0x1C300;
	s23 =	simm.s32 $0xB000  }
0x3d: {  	[spmem:s28] =	stream.indirect.scatter.add.f32 [tilespmem:s23], [sflag:$0x3], $0x10, s9, s17, $0xb8;
	[tilespmem:$0x1F000] =	vst v63  }
0x3e: {  	s9 =	simm.s32 $0x1C380;
	s23 =	simm.s32 $0xB800  }
0x3f: {  	[spmem:s28] =	stream.indirect.scatter.add.f32 [tilespmem:s23], [sflag:$0x3], $0x10, s9, s17, $0xb8;
	[tilespmem:$0x1F000] =	vst v63  }
0x40: {  	s6 =	simm.s32 $0x1C400  }
0x41: {  	[spmem:s28] =	stream.indirect.scatter.add.f32 [tilespmem:s11], [sflag:$0x3], $0x10, s6, s17, $0xb8;
	[tilespmem:$0x1F000] =	vst v63  }
0x42: {  	s9 =	simm.s32 $0x1C480;
	s23 =	simm.s32 $0xC800  }
0x43: {  	[spmem:s28] =	stream.indirect.scatter.add.f32 [tilespmem:s23], [sflag:$0x3], $0x10, s9, s17, $0xb8;
	[tilespmem:$0x1F000] =	vst v63  }
0x44: {  	s9 =	simm.s32 $0x1C500;
	s23 =	simm.s32 $0xD000  }
0x45: {  	[spmem:s28] =	stream.indirect.scatter.add.f32 [tilespmem:s23], [sflag:$0x3], $0x10, s9, s17, $0xb8;
	[tilespmem:$0x1F000] =	vst v63  }
0x46: {  	s9 =	simm.s32 $0x1C580;
	s23 =	simm.s32 $0xD800  }
0x47: {  	[spmem:s28] =	stream.indirect.scatter.add.f32 [tilespmem:s23], [sflag:$0x3], $0x10, s9, s17, $0xb8;
	[tilespmem:$0x1F000] =	vst v63  }
0x48: {  	s9 =	simm.s32 $0x1C600;
	s23 =	simm.s32 $0xE000  }
0x49: {  	[spmem:s28] =	stream.indirect.scatter.add.f32 [tilespmem:s23], [sflag:$0x3], $0x10, s9, s17, $0xb8;
	[tilespmem:$0x1F000] =	vst v63  }
0x4a: {  	s9 =	simm.s32 $0x1C680;
	s23 =	simm.s32 $0xE800  }
0x4b: {  	[spmem:s28] =	stream.indirect.scatter.add.f32 [tilespmem:s23], [sflag:$0x3], $0x10, s9, s17, $0xb8;
	[tilespmem:$0x1F000] =	vst v63  }
0x4c: {  	s9 =	simm.s32 $0x1C700;
	s23 =	simm.s32 $0xF000  }
0x4d: {  	[spmem:s28] =	stream.indirect.scatter.add.f32 [tilespmem:s23], [sflag:$0x3], $0x10, s9, s17, $0xb8;
	[tilespmem:$0x1F000] =	vst v63  }
0x4e: {  	s9 =	simm.s32 $0x1C780;
	s23 =	simm.s32 $0xF800  }
0x4f: {  	[spmem:s28] =	stream.indirect.scatter.add.f32 [tilespmem:s23], [sflag:$0x3], $0x10, s9, s17, $0xb8;
	[tilespmem:$0x1F000] =	vst v63  }
0x50: {  	s6 =	simm.s32 $0x1C800  }
0x51: {  	[spmem:s28] =	stream.indirect.scatter.add.f32 [tilespmem:s12], [sflag:$0x3], $0x10, s6, s17, $0xb8;
	[tilespmem:$0x1F000] =	vst v63  }
0x52: {  	s9 =	simm.s32 $0x1C880;
	s23 =	simm.s32 $0x10800  }
0x53: {  	[spmem:s28] =	stream.indirect.scatter.add.f32 [tilespmem:s23], [sflag:$0x3], $0x10, s9, s17, $0xb8;
	[tilespmem:$0x1F000] =	vst v63  }
0x54: {  	s9 =	simm.s32 $0x1C900;
	s23 =	simm.s32 $0x11000  }
0x55: {  	[spmem:s28] =	stream.indirect.scatter.add.f32 [tilespmem:s23], [sflag:$0x3], $0x10, s9, s17, $0xb8;
	[tilespmem:$0x1F000] =	vst v63  }
0x56: {  	s9 =	simm.s32 $0x1C980;
	s23 =	simm.s32 $0x11800  }
0x57: {  	[spmem:s28] =	stream.indirect.scatter.add.f32 [tilespmem:s23], [sflag:$0x3], $0x10, s9, s17, $0xb8;
	[tilespmem:$0x1F000] =	vst v63  }
0x58: {  	s9 =	simm.s32 $0x1CA00;
	s23 =	simm.s32 $0x12000  }
0x59: {  	[spmem:s28] =	stream.indirect.scatter.add.f32 [tilespmem:s23], [sflag:$0x3], $0x10, s9, s17, $0xb8;
	[tilespmem:$0x1F000] =	vst v63  }
0x5a: {  	s9 =	simm.s32 $0x1CA80;
	s23 =	simm.s32 $0x12800  }
0x5b: {  	[spmem:s28] =	stream.indirect.scatter.add.f32 [tilespmem:s23], [sflag:$0x3], $0x10, s9, s17, $0xb8;
	[tilespmem:$0x1F000] =	vst v63  }
0x5c: {  	s9 =	simm.s32 $0x1CB00;
	s23 =	simm.s32 $0x13000  }
0x5d: {  	[spmem:s28] =	stream.indirect.scatter.add.f32 [tilespmem:s23], [sflag:$0x3], $0x10, s9, s17, $0xb8;
	[tilespmem:$0x1F000] =	vst v63  }
0x5e: {  	s9 =	simm.s32 $0x1CB80;
	s23 =	simm.s32 $0x13800  }
0x5f: {  	[spmem:s28] =	stream.indirect.scatter.add.f32 [tilespmem:s23], [sflag:$0x3], $0x10, s9, s17, $0xb8;
	[tilespmem:$0x1F000] =	vst v63  }
0x60: {  	s6 =	simm.s32 $0x1CC00  }
0x61: {  	[spmem:s28] =	stream.indirect.scatter.add.f32 [tilespmem:s13], [sflag:$0x3], $0x10, s6, s17, $0xb8;
	[tilespmem:$0x1F000] =	vst v63  }
0x62: {  	s9 =	simm.s32 $0x1CC80;
	s23 =	simm.s32 $0x14800  }
0x63: {  	[spmem:s28] =	stream.indirect.scatter.add.f32 [tilespmem:s23], [sflag:$0x3], $0x10, s9, s17, $0xb8;
	[tilespmem:$0x1F000] =	vst v63  }
0x64: {  	s9 =	simm.s32 $0x1CD00;
	s23 =	simm.s32 $0x15000  }
0x65: {  	[spmem:s28] =	stream.indirect.scatter.add.f32 [tilespmem:s23], [sflag:$0x3], $0x10, s9, s17, $0xb8;
	[tilespmem:$0x1F000] =	vst v63  }
0x66: {  	s9 =	simm.s32 $0x1CD80;
	s23 =	simm.s32 $0x15800  }
0x67: {  	[spmem:s28] =	stream.indirect.scatter.add.f32 [tilespmem:s23], [sflag:$0x3], $0x10, s9, s17, $0xb8;
	[tilespmem:$0x1F000] =	vst v63  }
0x68: {  	s9 =	simm.s32 $0x1CE00;
	s23 =	simm.s32 $0x16000  }
0x69: {  	[spmem:s28] =	stream.indirect.scatter.add.f32 [tilespmem:s23], [sflag:$0x3], $0x10, s9, s17, $0xb8;
	[tilespmem:$0x1F000] =	vst v63  }
0x6a: {  	s9 =	simm.s32 $0x1CE80;
	s23 =	simm.s32 $0x16800  }
0x6b: {  	[spmem:s28] =	stream.indirect.scatter.add.f32 [tilespmem:s23], [sflag:$0x3], $0x10, s9, s17, $0xb8;
	[tilespmem:$0x1F000] =	vst v63  }
0x6c: {  	s9 =	simm.s32 $0x1CF00;
	s23 =	simm.s32 $0x17000  }
0x6d: {  	[spmem:s28] =	stream.indirect.scatter.add.f32 [tilespmem:s23], [sflag:$0x3], $0x10, s9, s17, $0xb8;
	[tilespmem:$0x1F000] =	vst v63  }
0x6e: {  	s9 =	simm.s32 $0x1CF80;
	s23 =	simm.s32 $0x17800  }
0x6f: {  	[spmem:s28] =	stream.indirect.scatter.add.f32 [tilespmem:s23], [sflag:$0x3], $0x10, s9, s17, $0xb8;
	[tilespmem:$0x1F000] =	vst v63  }
0x70: {  	_ =	swait.ge [sflag:s19], $0x800  }
0x71: {  	[sflag:s19] =	ssyncset.done $0x0  }
0x72: {  	[sflag:s19] =	ssyncadd.s32 $0xFFFFF800  }
0x73: {  	_ =	swait.ge [sflag:s19], $0x800  }
0x74: {  	[sflag:s19] =	ssyncset.done $0x0  }
0x75: {  	[sflag:s19] =	ssyncadd.s32 $0xFFFFF800  }
0x76: {  	_ =	swait.ge [sflag:s19], $0x800  }
0x77: {  	[sflag:s19] =	ssyncset.done $0x0  }
0x78: {  	[sflag:s19] =	ssyncadd.s32 $0xFFFFF800  }
0x79: {  	_ =	swait.ge [sflag:s19], $0x800  }
0x7a: {  	[sflag:s19] =	ssyncset.done $0x0  }
0x7b: {  	[sflag:s19] =	ssyncadd.s32 $0xFFFFF800  }
0x7c: {  	_ =	swait.ge [sflag:s19], $0x800  }
0x7d: {  	[sflag:s19] =	ssyncset.done $0x0  }
0x7e: {  	[sflag:s19] =	ssyncadd.s32 $0xFFFFF800  }
0x7f: {  	_ =	swait.ge [sflag:s19], $0x800  }
0x80: {  	[sflag:s19] =	ssyncset.done $0x0  }
0x81: {  	[sflag:s19] =	ssyncadd.s32 $0xFFFFF800  }
0x82: {  	_ =	swait.ge [sflag:s19], $0x800  }
0x83: {  	[sflag:s19] =	ssyncset.done $0x0  }
0x84: {  	[sflag:s19] =	ssyncadd.s32 $0xFFFFF800  }
0x85: {  	_ =	swait.ge [sflag:s19], $0x800  }
0x86: {  	[sflag:s19] =	ssyncset.done $0x0  }
0x87: {  	[sflag:s19] =	ssyncadd.s32 $0xFFFFF800  }
0x88: {  	_ =	swait.ge [sflag:s19], $0x800  }
0x89: {  	[sflag:s19] =	ssyncset.done $0x0  }
0x8a: {  	[sflag:s19] =	ssyncadd.s32 $0xFFFFF800  }
0x8b: {  	_ =	swait.ge [sflag:s19], $0x800  }
0x8c: {  	[sflag:s19] =	ssyncset.done $0x0  }
0x8d: {  	[sflag:s19] =	ssyncadd.s32 $0xFFFFF800  }
0x8e: {  	_ =	swait.ge [sflag:s19], $0x800  }
0x8f: {  	[sflag:s19] =	ssyncset.done $0x0  }
0x90: {  	[sflag:s19] =	ssyncadd.s32 $0xFFFFF800  }
0x91: {  	_ =	swait.ge [sflag:s19], $0x800  }
0x92: {  	[sflag:s19] =	ssyncset.done $0x0  }
0x93: {  	[sflag:s19] =	ssyncadd.s32 $0xFFFFF800  }
0x94: {  	_ =	swait.ge [sflag:s19], $0x800  }
0x95: {  	[sflag:s19] =	ssyncset.done $0x0  }
0x96: {  	[sflag:s19] =	ssyncadd.s32 $0xFFFFF800  }
0x97: {  	_ =	swait.ge [sflag:s19], $0x800  }
0x98: {  	[sflag:s19] =	ssyncset.done $0x0  }
0x99: {  	[sflag:s19] =	ssyncadd.s32 $0xFFFFF800  }
0x9a: {  	_ =	swait.ge [sflag:s19], $0x800  }
0x9b: {  	[sflag:s19] =	ssyncset.done $0x0  }
0x9c: {  	[sflag:s19] =	ssyncadd.s32 $0xFFFFF800  }
0x9d: {  	_ =	swait.ge [sflag:s19], $0x800  }
0x9e: {  	[sflag:s19] =	ssyncset.done $0x0  }
0x9f: {  	[sflag:s19] =	ssyncadd.s32 $0xFFFFF800  }
0xa0: {  	_ =	swait.ge [sflag:s19], $0x800  }
0xa1: {  	[sflag:s19] =	ssyncset.done $0x0  }
0xa2: {  	[sflag:s19] =	ssyncadd.s32 $0xFFFFF800  }
0xa3: {  	_ =	swait.ge [sflag:s19], $0x800  }
0xa4: {  	[sflag:s19] =	ssyncset.done $0x0  }
0xa5: {  	[sflag:s19] =	ssyncadd.s32 $0xFFFFF800  }
0xa6: {  	_ =	swait.ge [sflag:s19], $0x800  }
0xa7: {  	[sflag:s19] =	ssyncset.done $0x0  }
0xa8: {  	[sflag:s19] =	ssyncadd.s32 $0xFFFFF800  }
0xa9: {  	_ =	swait.ge [sflag:s19], $0x800  }
0xaa: {  	[sflag:s19] =	ssyncset.done $0x0  }
0xab: {  	[sflag:s19] =	ssyncadd.s32 $0xFFFFF800  }
0xac: {  	_ =	swait.ge [sflag:s19], $0x800  }
0xad: {  	[sflag:s19] =	ssyncset.done $0x0  }
0xae: {  	[sflag:s19] =	ssyncadd.s32 $0xFFFFF800  }
0xaf: {  	_ =	swait.ge [sflag:s19], $0x800  }
0xb0: {  	[sflag:s19] =	ssyncset.done $0x0  }
0xb1: {  	[sflag:s19] =	ssyncadd.s32 $0xFFFFF800  }
0xb2: {  	_ =	swait.ge [sflag:s19], $0x800  }
0xb3: {  	[sflag:s19] =	ssyncset.done $0x0  }
0xb4: {  	[sflag:s19] =	ssyncadd.s32 $0xFFFFF800  }
0xb5: {  	_ =	swait.ge [sflag:s19], $0x800  }
0xb6: {  	[sflag:s19] =	ssyncset.done $0x0  }
0xb7: {  	[sflag:s19] =	ssyncadd.s32 $0xFFFFF800  }
0xb8: {  	_ =	swait.ge [sflag:s19], $0x800  }
0xb9: {  	[sflag:s19] =	ssyncset.done $0x0  }
0xba: {  	[sflag:s19] =	ssyncadd.s32 $0xFFFFF800  }
0xbb: {  	_ =	swait.ge [sflag:s19], $0x800  }
0xbc: {  	[sflag:s19] =	ssyncset.done $0x0  }
0xbd: {  	[sflag:s19] =	ssyncadd.s32 $0xFFFFF800  }
0xbe: {  	_ =	swait.ge [sflag:s19], $0x800  }
0xbf: {  	[sflag:s19] =	ssyncset.done $0x0  }
0xc0: {  	[sflag:s19] =	ssyncadd.s32 $0xFFFFF800  }
0xc1: {  	_ =	swait.ge [sflag:s19], $0x800  }
0xc2: {  	[sflag:s19] =	ssyncset.done $0x0  }
0xc3: {  	[sflag:s19] =	ssyncadd.s32 $0xFFFFF800  }
0xc4: {  	_ =	swait.ge [sflag:s19], $0x800  }
0xc5: {  	[sflag:s19] =	ssyncset.done $0x0  }
0xc6: {  	[sflag:s19] =	ssyncadd.s32 $0xFFFFF800  }
0xc7: {  	_ =	swait.ge [sflag:s19], $0x800  }
0xc8: {  	[sflag:s19] =	ssyncset.done $0x0  }
0xc9: {  	[sflag:s19] =	ssyncadd.s32 $0xFFFFF800  }
0xca: {  	_ =	swait.ge [sflag:s19], $0x800  }
0xcb: {  	[sflag:s19] =	ssyncset.done $0x0  }
0xcc: {  	[sflag:s19] =	ssyncadd.s32 $0xFFFFF800  }
0xcd: {  	_ =	swait.ge [sflag:s19], $0x800  }
0xce: {  	[sflag:s19] =	ssyncset.done $0x0  }
0xcf: {  	[sflag:s19] =	ssyncadd.s32 $0xFFFFF800  }
0xd0: {  	[bflag:$0x0] =	sbarrier.arrive $0xFFFF  }
0xd1: {  	s5 =	rddreg [dreg:$0x7]  }
0xd2: {  	s6 =	rddreg [dreg:$0x1e]  }
0xd3: {  	[hbm:s5], [sflag:s21] =	dma.local @!p0 [spmem:s6], $0x800  }
0xd4: {  	s5 =	simm.s32 @!p0 $0x4  }
0xd5: {  	_ =	swait.ge @!p0 [sflag:s5], $0x800  }
0xd6: {  	[sflag:s5] =	ssyncset.done @!p0 $0x0;
	s6 =	rddreg [dreg:$0x8]  }
0xd7: {  	s9 =	rddreg [dreg:$0x1f];
	[sflag:s5] =	ssyncadd.s32 @!p0 $0xFFFFF800  }
0xd8: {  	[hbm:s6], [sflag:s21] =	dma.local @!p0 [spmem:s9], $0x800  }
0xd9: {  	_ =	swait.ge @!p0 [sflag:s5], $0x800  }
0xda: {  	s9 =	sld [smem:$0x7FD]  }
0xdb: {  	[sflag:s5] =	ssyncset.done @!p0 $0x0  }
0xdc: {  	s6 =	rddreg [dreg:$0x9];
	[sflag:s5] =	ssyncadd.s32 @!p0 $0xFFFFF800  }
0xdd: {  	[hbm:s6], [sflag:s21] =	dma.local @!p0 [spmem:s9], $0x800  }
0xde: {  	_ =	swait.ge @!p0 [sflag:s5], $0x800  }
0xdf: {  	[sflag:s5] =	ssyncset.done @!p0 $0x0  }
0xe0: {  	s6 =	rddreg [dreg:$0xa];
	[sflag:s5] =	ssyncadd.s32 @!p0 $0xFFFFF800  }
0xe1: {  	[hbm:s6], [sflag:s21] =	dma.local @!p0 [spmem:s29], $0x800  }
0xe2: {  	_ =	swait.ge @!p0 [sflag:s5], $0x800  }
0xe3: {  	[sflag:s5] =	ssyncset.done @!p0 $0x0  }
0xe4: {  	[sflag:s5] =	ssyncadd.s32 @!p0 $0xFFFFF800;
	s5 =	rddreg [dreg:$0xb]  }
0xe5: {  	[hbm:s5], [sflag:s22] =	dma.local @p3 [spmem:s31], $0x800  }
0xe6: {  	s5 =	simm.s32 @p3 $0x4  }
0xe7: {  	_ =	swait.ge @p3 [sflag:s5], $0x800  }
0xe8: {  	[sflag:s5] =	ssyncset.done @p3 $0x0  }
0xe9: {  	s6 =	rddreg [dreg:$0xc];
	[sflag:s5] =	ssyncadd.s32 @p3 $0xFFFFF800  }
0xea: {  	[hbm:s6], [sflag:s22] =	dma.local @p3 [spmem:s15], $0x800  }
0xeb: {  	_ =	swait.ge @p3 [sflag:s5], $0x800  }
0xec: {  	[sflag:s5] =	ssyncset.done @p3 $0x0  }
0xed: {  	s6 =	rddreg [dreg:$0xd];
	[sflag:s5] =	ssyncadd.s32 @p3 $0xFFFFF800  }
0xee: {  	[hbm:s6], [sflag:s22] =	dma.local @p3 [spmem:s25], $0x800  }
0xef: {  	_ =	swait.ge @p3 [sflag:s5], $0x800  }
0xf0: {  	[sflag:s5] =	ssyncset.done @p3 $0x0  }
0xf1: {  	s6 =	rddreg [dreg:$0xe];
	[sflag:s5] =	ssyncadd.s32 @p3 $0xFFFFF800  }
0xf2: {  	[hbm:s6], [sflag:s22] =	dma.local @p3 [spmem:s26], $0x800  }
0xf3: {  	_ =	swait.ge @p3 [sflag:s5], $0x800  }
0xf4: {  	s20 =	sadd.s32 $0x1, s20;
	s31 =	rddreg [dreg:$0x17]  }
0xf5: {  	p5 =	sne.s32 s20, s31  }
.Ltmp1:
0xf6: {  	_ = 	snop;
	(pc) =	sbr.rel @!p5 .LBB2_18-.Ltmp1, $3  }
0xf7: {  	_ =	sdelay $0x1  }
0xf8: {  	[sflag:s5] =	ssyncset.done @p3 $0x0  }
0xf9: {  	[sflag:s5] =	ssyncadd.s32 @p3 $0xFFFFF800  }
.LBB2_1:
0xfa: {  	s5 =	rddreg [dreg:$0x10];
	s6 =	simm.s32 $0x18000  }
0xfb: {  	[tilespmem:s6], [sflag:$0x1] =	stream.linear.gather [hbm4b:s5+s16], $0x1000, $0x38;
	[tilespmem:$0x1F000] =	vst v63  }
0xfc: {  	s9 =	rddreg [dreg:$0x11];
	s15 =	simm.s32 $0x1A000  }
0xfd: {  	[tilespmem:s15], [sflag:$0x1] =	stream.linear.gather [hbm4b:s9+s16], $0x1000, $0x38;
	[tilespmem:$0x1F000] =	vst v63  }
0xfe: {  	s21 =	rddreg [dreg:$0x12]  }
0xff: {  	[tilespmem:s16], [sflag:$0x4] =	stream.linear.gather [hbm4b:s21+s16], $0x4000, $0x38;
	[tilespmem:$0x1F000] =	vst v63  }
0x100: {  	_ =	swait.ge [sflag:s0], $0x4000  }
0x101: {  	[sflag:s0] =	ssyncset.done $0x0  }
0x102: {  	s22 =	rddreg [dreg:$0x13];
	[sflag:s0] =	ssyncadd.s32 $0xFFFFC000  }
0x103: {  	[tilespmem:s8], [sflag:$0x4] =	stream.linear.gather [hbm4b:s22+s16], $0x4000, $0x38;
	[tilespmem:$0x1F000] =	vst v63  }
0x104: {  	_ =	swait.ge [sflag:s0], $0x4000  }
0x105: {  	[sflag:s0] =	ssyncset.done $0x0  }
0x106: {  	s23 =	rddreg [dreg:$0xf];
	[sflag:s0] =	ssyncadd.s32 $0xFFFFC000  }
0x107: {  	[tilespmem:s24], [sflag:$0x4] =	stream.linear.gather [hbm4b:s23+s16], $0x1000, $0x38;
	[tilespmem:$0x1F000] =	vst v63  }
0x108: {  	_ =	swait.ge [sflag:s0], $0x1000  }
0x109: {  	s6 =	stileid.u32;
	[sflag:s0] =	ssyncset.done $0x0  }
0x10a: {  	s5 =	sshll.u32 @!p0 s6, $0x6;
	[sflag:s0] =	ssyncadd.s32 $0xFFFFF000  }
0x10b: {  	s21 =	sor.u32 @!p0 $0x1C04, s5;
	s5 =	rddreg [dreg:$0x4]  }
0x10c: {  	s5 =	sshrl.u32 @!p0 s5, $0x3  }
0x10d: {  	[dreg:$0x1e] =	wrdreg s5  }
0x10e: {  	[spmem:s5], [sflag:s21] =	dma.local @!p0 [hbm:s3], $0x800  }
0x10f: {  	s5 =	simm.s32 @!p0 $0x4  }
0x110: {  	_ =	swait.ge @!p0 [sflag:s5], $0x800  }
0x111: {  	s9 =	rddreg [dreg:$0x18]  }
0x112: {  	[sflag:s5] =	ssyncset.done @!p0 $0x0;
	s9 =	sshrl.u32 @!p0 s9, $0x3  }
0x113: {  	[sflag:s5] =	ssyncadd.s32 @!p0 $0xFFFFF800;
	[dreg:$0x1f] =	wrdreg s9  }
0x114: {  	[spmem:s9], [sflag:s21] =	dma.local @!p0 [hbm:s3], $0x800  }
0x115: {  	_ =	swait.ge @!p0 [sflag:s5], $0x800  }
0x116: {  	s9 =	rddreg [dreg:$0x19]  }
0x117: {  	[sflag:s5] =	ssyncset.done @!p0 $0x0;
	s9 =	sshrl.u32 @!p0 s9, $0x3  }
0x118: {  	[sflag:s5] =	ssyncadd.s32 @!p0 $0xFFFFF800;
	[smem:$0x7FD] =	sst s9  }
0x119: {  	[spmem:s9], [sflag:s21] =	dma.local @!p0 [hbm:s3], $0x800  }
0x11a: {  	_ =	swait.ge @!p0 [sflag:s5], $0x800  }
0x11b: {  	[sflag:s5] =	ssyncset.done @!p0 $0x0;
	s9 =	rddreg [dreg:$0x1a]  }
0x11c: {  	[sflag:s5] =	ssyncadd.s32 @!p0 $0xFFFFF800;
	s29 =	sshrl.u32 @!p0 s9, $0x3  }
0x11d: {  	[spmem:s29], [sflag:s21] =	dma.local @!p0 [hbm:s3], $0x800  }
0x11e: {  	_ =	swait.ge @!p0 [sflag:s5], $0x800  }
0x11f: {  	[sflag:s5] =	ssyncset.done @!p0 $0x0  }
0x120: {  	[sflag:s5] =	ssyncadd.s32 @!p0 $0xFFFFF800  }
0x121: {  	s6 =	sshll.u32 @p3 s6, $0x6;
	s5 =	rddreg [dreg:$0x5]  }
0x122: {  	s22 =	sor.u32 @p3 $0x1C04, s6;
	s31 =	sshrl.u32 @p3 s5, $0x3;
	s5 =	simm.s32 @p3 $0x4  }
0x123: {  	[spmem:s31], [sflag:s22] =	dma.local @p3 [hbm:s3], $0x800  }
0x124: {  	_ =	swait.ge @p3 [sflag:s5], $0x800  }
0x125: {  	[sflag:s5] =	ssyncset.done @p3 $0x0;
	s6 =	rddreg [dreg:$0x1b]  }
0x126: {  	[sflag:s5] =	ssyncadd.s32 @p3 $0xFFFFF800;
	s15 =	sshrl.u32 @p3 s6, $0x3  }
0x127: {  	[spmem:s15], [sflag:s22] =	dma.local @p3 [hbm:s3], $0x800  }
0x128: {  	_ =	swait.ge @p3 [sflag:s5], $0x800  }
0x129: {  	[sflag:s5] =	ssyncset.done @p3 $0x0;
	s6 =	rddreg [dreg:$0x1c]  }
0x12a: {  	[sflag:s5] =	ssyncadd.s32 @p3 $0xFFFFF800;
	s25 =	sshrl.u32 @p3 s6, $0x3  }
0x12b: {  	[spmem:s25], [sflag:s22] =	dma.local @p3 [hbm:s3], $0x800  }
0x12c: {  	_ =	swait.ge @p3 [sflag:s5], $0x800  }
0x12d: {  	[sflag:s5] =	ssyncset.done @p3 $0x0;
	s6 =	rddreg [dreg:$0x1d]  }
0x12e: {  	[sflag:s5] =	ssyncadd.s32 @p3 $0xFFFFF800;
	s26 =	sshrl.u32 @p3 s6, $0x3  }
0x12f: {  	[spmem:s26], [sflag:s22] =	dma.local @p3 [hbm:s3], $0x800  }
0x130: {  	_ =	swait.ge @p3 [sflag:s5], $0x800  }
0x131: {  	[sflag:s5] =	ssyncset.done @p3 $0x0  }
0x132: {  	s24 =	simm.s32 $0x8020;
	[sflag:s5] =	ssyncadd.s32 @p3 $0xFFFFF800  }
0x133: {  	[tilespmem:s24+$0xFFFFFFF0] =	vst v2  }
0x134: {  	[tilespmem:s24+$0x0] =	vst v2  }
0x135: {  	[tilespmem:s24+$0x10] =	vst v2  }
0x136: {  	s5 =	simm.s32 $0xC020;
	[tilespmem:s24+$0xFFFFFFE0] =	vst v2  }
0x137: {  	[tilespmem:s5+$0xFFFFFFF0] =	vst v2  }
0x138: {  	[tilespmem:s5+$0x0] =	vst v2  }
0x139: {  	[tilespmem:s5+$0x10] =	vst v2  }
0x13a: {  	s6 =	simm.s32 $0x10020;
	[tilespmem:s5+$0xFFFFFFE0] =	vst v2  }
0x13b: {  	[tilespmem:s6+$0xFFFFFFF0] =	vst v2  }
0x13c: {  	[tilespmem:s6+$0x0] =	vst v2  }
0x13d: {  	[tilespmem:s6+$0x10] =	vst v2  }
0x13e: {  	s23 =	simm.s32 $0x14020;
	[tilespmem:s6+$0xFFFFFFE0] =	vst v2  }
0x13f: {  	[tilespmem:s23+$0xFFFFFFF0] =	vst v2  }
0x140: {  	[tilespmem:s23+$0x0] =	vst v2  }
0x141: {  	[tilespmem:s23+$0x10] =	vst v2  }
0x142: {  	s9 =	simm.s32 $0x8060;
	s24 =	simm.s32 $0x0;
	[tilespmem:s23+$0xFFFFFFE0] =	vst v2  }
.LBB2_2:
0x143: {  	[tilespmem:s9+$0xFFFFFFF0] =	vst v2;
	s5 =	sadd.s32 $0x40, s5  }
0x144: {  	s6 =	sadd.s32 $0x40, s6;
	[tilespmem:s5+$0xFFFFFFF0] =	vst v2  }
0x145: {  	s23 =	sadd.s32 $0x40, s23;
	[tilespmem:s6+$0xFFFFFFF0] =	vst v2  }
0x146: {  	[tilespmem:s23+$0xFFFFFFF0] =	vst v2  }
0x147: {  	[tilespmem:s9+$0x0] =	vst v2  }
0x148: {  	[tilespmem:s5+$0x0] =	vst v2  }
0x149: {  	[tilespmem:s6+$0x0] =	vst v2  }
0x14a: {  	[tilespmem:s23+$0x0] =	vst v2  }
0x14b: {  	[tilespmem:s9+$0x10] =	vst v2  }
0x14c: {  	s24 =	sadd.s32 $0x4, s24;
	[tilespmem:s5+$0x10] =	vst v2  }
0x14d: {  	p5 =	slt.u32 s24, $0x3FC;
	[tilespmem:s6+$0x10] =	vst v2  }
.Ltmp2:
0x14e: {  	[tilespmem:s23+$0x10] =	vst v2;
	(pc) =	sbr.rel @p5 .LBB2_2-.Ltmp2, $4  }
0x14f: {  	[tilespmem:s9+$0xFFFFFFE0] =	vst v2  }
0x150: {  	[tilespmem:s5+$0xFFFFFFE0] =	vst v2  }
0x151: {  	[tilespmem:s6+$0xFFFFFFE0] =	vst v2  }
0x152: {  	s9 =	sadd.s32 $0x40, s9;
	[tilespmem:s23+$0xFFFFFFE0] =	vst v2  }
.Ltmp3:
0x153: {  	(pc) =	sbr.rel @p4 .LBB2_9-.Ltmp3, $3  }
0x154: {  	_ =	sdelay $0x1  }
0x155: {  	[bflag:$0x0] =	sbarrier.arrive $0xFFFF  }
0x156: {  	s5 =	simm.s32 $0x0  }
.LBB2_4:
0x157: {  	s6 =	sshllo.u32 s5, $0x1  }
0x158: {  	p5 =	sge.s32 s6, s4  }
0x159: {  	s6 =	sshll.u32 @!p5 s6, $0xC  }
0x15a: {  	s6 =	sadd.s32 @!p5 s1, s6  }
0x15b: {  	s6 =	sshrl.u32 @!p5 s6, $0x3  }
0x15c: {  	s23 =	simm.s32 @!p5 $0x0;
	s24 =	simm.s32 @!p5 $0x19000;
	s9 =	sadd.s32 @!p5 s18, s6  }
0x15d: {  	[tilespmem:s24], [sflag:$0x2] =	stream.linear.gather @!p5 [hbm4b:s9+s23], $0x1000, $0x38;
	[tilespmem:$0x1F000] =	vst v63  }
0x15e: {  	s6 =	sadd.s32 @!p5 s2, s6;
	s9 =	simm.s32 @!p5 $0x1B000  }
0x15f: {  	[tilespmem:s9], [sflag:$0x2] =	stream.linear.gather @!p5 [hbm4b:s6+s23], $0x1000, $0x38;
	[tilespmem:$0x1F000] =	vst v63  }
0x160: {  	_ =	swait.ge [sflag:s30], $0x1000  }
0x161: {  	[sflag:s30] =	ssyncset.done $0x0  }
0x162: {  	[sflag:s30] =	ssyncadd.s32 $0xFFFFF000  }
0x163: {  	_ =	swait.ge [sflag:s30], $0x1000  }
0x164: {  	[sflag:s30] =	ssyncset.done $0x0  }
0x165: {  	s23 =	simm.s32 $0x0;
	[sflag:s30] =	ssyncadd.s32 $0xFFFFF000  }
0x166: {  	v4 =	vld [tilespmem:s23+$0x18000];
	_ =	sdelay $0x4  }
0x167: {  	s24 =	simm.s32 $0x10;
	v5 =	vand.u32 $0x3FFF, v4  }
0x168: {  	v7 =	vld [tilespmem:s24+$0x18000];
	_ =	sdelay $0x2  }
0x169: {  	v6 =	vld [tilespmem:s23+$0x1A000]  }
0x16a: {  	v9 =	vld.idx.msk [tilespmem:v5+s16+$0x0], $0xffff  }
0x16b: {  	v13 =	vand.u32 $0x3FFF, v7;
	v11 =	vld.idx.msk [tilespmem:v5+s8+$0x0], $0xffff;
	v5 =	vshrl.u32 v4, $0xE;
	v4 =	vshra.s32 v4, $0xE  }
0x16c: {  	v8 =	vand.u32 $0xFFFFFFF0, v4;
	v5 =	vand.u32 $0xF, v5  }
0x16d: {  	s23 =	simm.s32 $0x20;
	v5 =	vor.u32 v5, v8  }
0x16e: {  	v10 =	vld [tilespmem:s23+$0x18000]  }
0x16f: {  	v4 =	vld [tilespmem:s24+$0x1A000];
	v12 =	vshll.u32 v9, $0x10  }
0x170: {  	v8 =	vld.idx.msk [tilespmem:v13+s16+$0x0], $0xffff;
	v15 =	vand.u32 $0xFFFF0000, v9;
	v12 =	vmul.f32 v12, v6  }
0x171: {  	s6 =	sshll.u32 s5, $0x1;
	s24 =	simm.s32 $0xC0;
	v9 =	vld.idx.msk [tilespmem:v13+s8+$0x0], $0xffff;
	v14 =	vshll.u32 v11, $0x10;
	v13 =	vmul.f32 v15, v6  }
.LBB2_5:
0x172: {  	p5 =	sne.s32 s24, $0x3FC0;
	v15 =	vshrl.u32 v7, $0xE;
	v11 =	vand.u32 $0xFFFF0000, v11;
	[tilespmem:v5+s10+$0x0] =	vst.idx.add.f32.msk $0xffff, v12;
	v12 =	vmul.f32 v14, v6  }
0x173: {  	v16 =	vshra.s32 v7, $0xE;
	v14 =	vand.u32 $0x3FFF, v10;
	[tilespmem:v5+s11+$0x0] =	vst.idx.add.f32.msk $0xffff, v13;
	v11 =	vmul.f32 v11, v6;
	v7 =	vmovc v10  }
0x174: {  	v10 =	vand.u32 $0xFFFFFFF0, v16;
	v13 =	vand.u32 $0xF, v15;
	[tilespmem:v5+s12+$0x0] =	vst.idx.add.f32.msk $0xffff, v12;
	v6 =	vmov v4  }
.Ltmp4:
0x175: {  	s9 =	sshra.s32 s24, $0x2;
	[tilespmem:v5+s13+$0x0] =	vst.idx.add.f32.msk $0xffff, v11;
	v5 =	vor.u32 v13, v10;
	(pc) =	sbr.rel @p5 .LBB2_5-.Ltmp4, $4  }
0x176: {  	v10 =	vld [tilespmem:s9+$0x18000]  }
0x177: {  	v12 =	vshll.u32 v8, $0x10;
	v4 =	vld [tilespmem:s23+$0x1A000];
	v11 =	vmov v9;
	s23 =	smov.u32 s9  }
0x178: {  	v13 =	vand.u32 $0xFFFF0000, v8;
	v12 =	vmul.f32 v12, v6;
	v8 =	vld.idx.msk [tilespmem:v14+s16+$0x0], $0xffff  }
0x179: {  	s24 =	sadd.s32 $0x40, s24;
	v13 =	vmul.f32 v13, v6;
	v9 =	vld.idx.msk [tilespmem:v14+s8+$0x0], $0xffff;
	v14 =	vshll.u32 v11, $0x10  }
0x17a: {  	_ =	sdelay $0x1  }
0x17b: {  	v15 =	vand.u32 $0x3FFF, v10;
	_ =	sdelay $0x1  }
0x17c: {  	[tilespmem:v5+s10+$0x0] =	vst.idx.add.f32.msk $0xffff, v12;
	v12 =	vshrl.u32 v7, $0xE;
	v14 =	vmul.f32 v14, v6;
	v7 =	vshra.s32 v7, $0xE  }
0x17d: {  	[tilespmem:v5+s11+$0x0] =	vst.idx.add.f32.msk $0xffff, v13;
	v7 =	vand.u32 $0xFFFFFFF0, v7;
	v12 =	vand.u32 $0xF, v12  }
0x17e: {  	v11 =	vand.u32 $0xFFFF0000, v11;
	[tilespmem:v5+s12+$0x0] =	vst.idx.add.f32.msk $0xffff, v14;
	v7 =	vor.u32 v12, v7  }
0x17f: {  	v6 =	vmul.f32 v11, v6;
	v14 =	vshrl.u32 v10, $0xE;
	v12 =	vld.idx.msk [tilespmem:v15+s16+$0x0], $0xffff  }
0x180: {  	v13 =	vld [tilespmem:s23+$0x1A000];
	v10 =	vshra.s32 v10, $0xE;
	v11 =	vshll.u32 v8, $0x10;
	v8 =	vand.u32 $0xFFFF0000, v8  }
0x181: {  	v10 =	vand.u32 $0xFFFFFFF0, v10;
	v14 =	vand.u32 $0xF, v14;
	v11 =	vmul.f32 v11, v4;
	v15 =	vld.idx.msk [tilespmem:v15+s8+$0x0], $0xffff  }
0x182: {  	[tilespmem:v5+s13+$0x0] =	vst.idx.add.f32.msk $0xffff, v6;
	v5 =	vshll.u32 v9, $0x10;
	v6 =	vmul.f32 v8, v4;
	v8 =	vor.u32 v14, v10  }
0x183: {  	v9 =	vand.u32 $0xFFFF0000, v9;
	v5 =	vmul.f32 v5, v4;
	[tilespmem:v7+s10+$0x0] =	vst.idx.add.f32.msk $0xffff, v11  }
0x184: {  	v4 =	vmul.f32 v9, v4;
	[tilespmem:v7+s11+$0x0] =	vst.idx.add.f32.msk $0xffff, v6;
	v6 =	vshll.u32 v12, $0x10  }
0x185: {  	s6 =	sadd.s32 $0x2, s6;
	[tilespmem:v7+s12+$0x0] =	vst.idx.add.f32.msk $0xffff, v5;
	v5 =	vand.u32 $0xFFFF0000, v12;
	v6 =	vmul.f32 v6, v13  }
0x186: {  	p5 =	sge.s32 s6, s4;
	[tilespmem:v7+s13+$0x0] =	vst.idx.add.f32.msk $0xffff, v4;
	v4 =	vshll.u32 v15, $0x10;
	v5 =	vmul.f32 v5, v13  }
0x187: {  	s6 =	sshll.u32 @!p5 s6, $0xC;
	v7 =	vand.u32 $0xFFFF0000, v15;
	v4 =	vmul.f32 v4, v13;
	[tilespmem:v8+s10+$0x0] =	vst.idx.add.f32.msk $0xffff, v6  }
0x188: {  	s6 =	sadd.s32 @!p5 s1, s6;
	[tilespmem:v8+s11+$0x0] =	vst.idx.add.f32.msk $0xffff, v5;
	v5 =	vmul.f32 v7, v13  }
0x189: {  	s6 =	sshrl.u32 @!p5 s6, $0x3;
	[tilespmem:v8+s12+$0x0] =	vst.idx.add.f32.msk $0xffff, v4  }
0x18a: {  	s23 =	simm.s32 @!p5 $0x0;
	s24 =	simm.s32 @!p5 $0x18000;
	s9 =	sadd.s32 @!p5 s18, s6;
	[tilespmem:v8+s13+$0x0] =	vst.idx.add.f32.msk $0xffff, v5  }
0x18b: {  	[tilespmem:s24], [sflag:$0x1] =	stream.linear.gather @!p5 [hbm4b:s9+s23], $0x1000, $0x38;
	[tilespmem:$0x1F000] =	vst v63  }
0x18c: {  	s6 =	sadd.s32 @!p5 s2, s6;
	s9 =	simm.s32 @!p5 $0x1A000  }
0x18d: {  	[tilespmem:s9], [sflag:$0x1] =	stream.linear.gather @!p5 [hbm4b:s6+s23], $0x1000, $0x38;
	[tilespmem:$0x1F000] =	vst v63  }
0x18e: {  	_ =	swait.ge [sflag:s14], $0x1000  }
0x18f: {  	[sflag:s14] =	ssyncset.done $0x0  }
0x190: {  	[sflag:s14] =	ssyncadd.s32 $0xFFFFF000  }
0x191: {  	_ =	swait.ge [sflag:s14], $0x1000  }
0x192: {  	[sflag:s14] =	ssyncset.done $0x0  }
0x193: {  	s23 =	simm.s32 $0x0;
	[sflag:s14] =	ssyncadd.s32 $0xFFFFF000  }
0x194: {  	v4 =	vld [tilespmem:s23+$0x19000];
	_ =	sdelay $0x4  }
0x195: {  	s24 =	simm.s32 $0x10;
	v5 =	vand.u32 $0x3FFF, v4  }
0x196: {  	v7 =	vld [tilespmem:s24+$0x19000];
	_ =	sdelay $0x2  }
0x197: {  	v6 =	vld [tilespmem:s23+$0x1B000]  }
0x198: {  	v9 =	vld.idx.msk [tilespmem:v5+s16+$0x0], $0xffff  }
0x199: {  	v13 =	vand.u32 $0x3FFF, v7;
	v11 =	vld.idx.msk [tilespmem:v5+s8+$0x0], $0xffff;
	v5 =	vshrl.u32 v4, $0xE;
	v4 =	vshra.s32 v4, $0xE  }
0x19a: {  	v8 =	vand.u32 $0xFFFFFFF0, v4;
	v5 =	vand.u32 $0xF, v5  }
0x19b: {  	s6 =	simm.s32 $0x20;
	v5 =	vor.u32 v5, v8  }
0x19c: {  	v10 =	vld [tilespmem:s6+$0x19000]  }
0x19d: {  	v4 =	vld [tilespmem:s24+$0x1B000];
	v12 =	vshll.u32 v9, $0x10  }
0x19e: {  	v8 =	vld.idx.msk [tilespmem:v13+s16+$0x0], $0xffff;
	v15 =	vand.u32 $0xFFFF0000, v9;
	v12 =	vmul.f32 v12, v6  }
0x19f: {  	s23 =	simm.s32 $0xC0;
	v9 =	vld.idx.msk [tilespmem:v13+s8+$0x0], $0xffff;
	v14 =	vshll.u32 v11, $0x10;
	v13 =	vmul.f32 v15, v6  }
.LBB2_7:
0x1a0: {  	p5 =	sne.s32 s23, $0x3FC0;
	v15 =	vshrl.u32 v7, $0xE;
	v11 =	vand.u32 $0xFFFF0000, v11;
	[tilespmem:v5+s10+$0x0] =	vst.idx.add.f32.msk $0xffff, v12;
	v12 =	vmul.f32 v14, v6  }
0x1a1: {  	v16 =	vshra.s32 v7, $0xE;
	v14 =	vand.u32 $0x3FFF, v10;
	[tilespmem:v5+s11+$0x0] =	vst.idx.add.f32.msk $0xffff, v13;
	v11 =	vmul.f32 v11, v6;
	v7 =	vmovc v10  }
0x1a2: {  	v10 =	vand.u32 $0xFFFFFFF0, v16;
	v13 =	vand.u32 $0xF, v15;
	[tilespmem:v5+s12+$0x0] =	vst.idx.add.f32.msk $0xffff, v12;
	v6 =	vmov v4  }
.Ltmp5:
0x1a3: {  	s9 =	sshra.s32 s23, $0x2;
	[tilespmem:v5+s13+$0x0] =	vst.idx.add.f32.msk $0xffff, v11;
	v5 =	vor.u32 v13, v10;
	(pc) =	sbr.rel @p5 .LBB2_7-.Ltmp5, $4  }
0x1a4: {  	v10 =	vld [tilespmem:s9+$0x19000]  }
0x1a5: {  	v12 =	vshll.u32 v8, $0x10;
	v4 =	vld [tilespmem:s6+$0x1B000];
	v11 =	vmov v9;
	s6 =	smov.u32 s9  }
0x1a6: {  	v13 =	vand.u32 $0xFFFF0000, v8;
	v12 =	vmul.f32 v12, v6;
	v8 =	vld.idx.msk [tilespmem:v14+s16+$0x0], $0xffff  }
0x1a7: {  	s23 =	sadd.s32 $0x40, s23;
	v13 =	vmul.f32 v13, v6;
	v9 =	vld.idx.msk [tilespmem:v14+s8+$0x0], $0xffff;
	v14 =	vshll.u32 v11, $0x10  }
0x1a8: {  	_ =	sdelay $0x1  }
0x1a9: {  	v15 =	vand.u32 $0x3FFF, v10;
	_ =	sdelay $0x1  }
0x1aa: {  	[tilespmem:v5+s10+$0x0] =	vst.idx.add.f32.msk $0xffff, v12;
	v50 =	vshrl.u32 v7, $0xE;
	v51 =	vshra.s32 v7, $0xE  }
0x1ab: {  	v55 =	vld [tilespmem:s6+$0x1B000];
	v7 =	vand.u32 $0xFFFFFFF0, v51;
	v12 =	vand.u32 $0xF, v50  }
0x1ac: {  	v14 =	vmul.f32 v14, v6;
	v11 =	vand.u32 $0xFFFF0000, v11;
	[tilespmem:v5+s11+$0x0] =	vst.idx.add.f32.msk $0xffff, v13;
	v7 =	vor.u32 v12, v7  }
0x1ad: {  	v52 =	vmul.f32 v11, v6;
	v58 =	vshra.s32 v10, $0xE;
	v54 =	vld.idx.msk [tilespmem:v15+s16+$0x0], $0xffff  }
0x1ae: {  	v57 =	vshrl.u32 v10, $0xE;
	[tilespmem:v5+s12+$0x0] =	vst.idx.add.f32.msk $0xffff, v14;
	v10 =	vand.u32 $0xFFFFFFF0, v58;
	v53 =	vshll.u32 v8, $0x10  }
0x1af: {  	v14 =	vand.u32 $0xF, v57;
	v56 =	vand.u32 $0xFFFF0000, v8;
	v11 =	vmul.f32 v53, v4;
	v15 =	vld.idx.msk [tilespmem:v15+s8+$0x0], $0xffff  }
0x1b0: {  	[tilespmem:v5+s13+$0x0] =	vst.idx.add.f32.msk $0xffff, v52;
	v60 =	vor.u32 v14, v10;
	v5 =	vshll.u32 v9, $0x10;
	v59 =	vmul.f32 v56, v4  }
0x1b1: {  	v61 =	vand.u32 $0xFFFF0000, v9;
	v5 =	vmul.f32 v5, v4;
	[tilespmem:v7+s10+$0x0] =	vst.idx.add.f32.msk $0xffff, v11  }
0x1b2: {  	s5 =	sadd.s32 $0x1, s5;
	v4 =	vmul.f32 v61, v4;
	[tilespmem:v7+s11+$0x0] =	vst.idx.add.f32.msk $0xffff, v59;
	v62 =	vshll.u32 v54, $0x10  }
0x1b3: {  	p5 =	sne.s32 s5, s7;
	[tilespmem:v7+s12+$0x0] =	vst.idx.add.f32.msk $0xffff, v5;
	v5 =	vand.u32 $0xFFFF0000, v54;
	v6 =	vmul.f32 v62, v55  }
.Ltmp6:
0x1b4: {  	[tilespmem:v7+s13+$0x0] =	vst.idx.add.f32.msk $0xffff, v4;
	v4 =	vshll.u32 v15, $0x10;
	v5 =	vmul.f32 v5, v55;
	(pc) =	sbr.rel @p5 .LBB2_4-.Ltmp6, $4  }
0x1b5: {  	v63 =	vand.u32 $0xFFFF0000, v15;
	v4 =	vmul.f32 v4, v55;
	[tilespmem:v60+s10+$0x0] =	vst.idx.add.f32.msk $0xffff, v6  }
0x1b6: {  	[tilespmem:v60+s11+$0x0] =	vst.idx.add.f32.msk $0xffff, v5;
	v5 =	vmul.f32 v63, v55  }
0x1b7: {  	[tilespmem:v60+s12+$0x0] =	vst.idx.add.f32.msk $0xffff, v4  }
0x1b8: {  	[tilespmem:v60+s13+$0x0] =	vst.idx.add.f32.msk $0xffff, v5  }
.LBB2_9:
.Ltmp7:
0x1b9: {  	(pc) =	sbr.rel @p1 .LBB2_13-.Ltmp7, $2  }
0x1ba: {  	_ =	sdelay $0x2  }
0x1bb: {  	s24 =	simm.s32 $0x1C000  }
0x1bc: {  	_ =	swait.ge [sflag:s30], $0x1000  }
0x1bd: {  	[sflag:s30] =	ssyncset.done $0x0  }
0x1be: {  	[sflag:s30] =	ssyncadd.s32 $0xFFFFF000  }
0x1bf: {  	_ =	swait.ge [sflag:s30], $0x1000  }
0x1c0: {  	[sflag:s30] =	ssyncset.done $0x0  }
0x1c1: {  	s5 =	simm.s32 $0x0;
	[sflag:s30] =	ssyncadd.s32 $0xFFFFF000  }
0x1c2: {  	v4 =	vld [tilespmem:s5+$0x18000];
	_ =	sdelay $0x4  }
0x1c3: {  	s6 =	simm.s32 $0x10;
	v5 =	vand.u32 $0x3FFF, v4  }
0x1c4: {  	v7 =	vld [tilespmem:s6+$0x18000];
	_ =	sdelay $0x2  }
0x1c5: {  	v6 =	vld [tilespmem:s5+$0x1A000]  }
0x1c6: {  	v9 =	vld.idx.msk [tilespmem:v5+s16+$0x0], $0xffff  }
0x1c7: {  	v13 =	vand.u32 $0x3FFF, v7;
	v11 =	vld.idx.msk [tilespmem:v5+s8+$0x0], $0xffff;
	v5 =	vshrl.u32 v4, $0xE;
	v4 =	vshra.s32 v4, $0xE  }
0x1c8: {  	v8 =	vand.u32 $0xFFFFFFF0, v4;
	v5 =	vand.u32 $0xF, v5  }
0x1c9: {  	s5 =	simm.s32 $0x20;
	v5 =	vor.u32 v5, v8  }
0x1ca: {  	v10 =	vld [tilespmem:s5+$0x18000]  }
0x1cb: {  	v4 =	vld [tilespmem:s6+$0x1A000];
	v12 =	vshll.u32 v9, $0x10  }
0x1cc: {  	v8 =	vld.idx.msk [tilespmem:v13+s16+$0x0], $0xffff;
	v15 =	vand.u32 $0xFFFF0000, v9;
	v12 =	vmul.f32 v12, v6  }
0x1cd: {  	s6 =	simm.s32 $0xC0;
	v9 =	vld.idx.msk [tilespmem:v13+s8+$0x0], $0xffff;
	v14 =	vshll.u32 v11, $0x10;
	v13 =	vmul.f32 v15, v6  }
.LBB2_11:
0x1ce: {  	p5 =	sne.s32 s6, $0x3FC0;
	v15 =	vshrl.u32 v7, $0xE;
	v11 =	vand.u32 $0xFFFF0000, v11;
	[tilespmem:v5+s10+$0x0] =	vst.idx.add.f32.msk $0xffff, v12;
	v12 =	vmul.f32 v14, v6  }
0x1cf: {  	v16 =	vshra.s32 v7, $0xE;
	v14 =	vand.u32 $0x3FFF, v10;
	[tilespmem:v5+s11+$0x0] =	vst.idx.add.f32.msk $0xffff, v13;
	v11 =	vmul.f32 v11, v6;
	v7 =	vmovc v10  }
0x1d0: {  	v10 =	vand.u32 $0xFFFFFFF0, v16;
	v13 =	vand.u32 $0xF, v15;
	[tilespmem:v5+s12+$0x0] =	vst.idx.add.f32.msk $0xffff, v12;
	v6 =	vmov v4  }
.Ltmp8:
0x1d1: {  	s9 =	sshra.s32 s6, $0x2;
	[tilespmem:v5+s13+$0x0] =	vst.idx.add.f32.msk $0xffff, v11;
	v5 =	vor.u32 v13, v10;
	(pc) =	sbr.rel @p5 .LBB2_11-.Ltmp8, $4  }
0x1d2: {  	v10 =	vld [tilespmem:s9+$0x18000]  }
0x1d3: {  	v12 =	vshll.u32 v8, $0x10;
	v4 =	vld [tilespmem:s5+$0x1A000];
	v11 =	vmov v9;
	s5 =	smov.u32 s9  }
0x1d4: {  	v13 =	vand.u32 $0xFFFF0000, v8;
	v12 =	vmul.f32 v12, v6;
	v8 =	vld.idx.msk [tilespmem:v14+s16+$0x0], $0xffff  }
0x1d5: {  	s6 =	sadd.s32 $0x40, s6;
	v13 =	vmul.f32 v13, v6;
	v9 =	vld.idx.msk [tilespmem:v14+s8+$0x0], $0xffff;
	v14 =	vshll.u32 v11, $0x10  }
0x1d6: {  	_ =	sdelay $0x1  }
0x1d7: {  	v15 =	vand.u32 $0x3FFF, v10;
	_ =	sdelay $0x1  }
0x1d8: {  	[tilespmem:v5+s10+$0x0] =	vst.idx.add.f32.msk $0xffff, v12;
	v50 =	vshrl.u32 v7, $0xE;
	v51 =	vshra.s32 v7, $0xE  }
0x1d9: {  	v55 =	vld [tilespmem:s5+$0x1A000];
	v7 =	vand.u32 $0xFFFFFFF0, v51;
	v12 =	vand.u32 $0xF, v50  }
0x1da: {  	v14 =	vmul.f32 v14, v6;
	v11 =	vand.u32 $0xFFFF0000, v11;
	[tilespmem:v5+s11+$0x0] =	vst.idx.add.f32.msk $0xffff, v13;
	v7 =	vor.u32 v12, v7  }
0x1db: {  	v52 =	vmul.f32 v11, v6;
	v58 =	vshra.s32 v10, $0xE;
	v54 =	vld.idx.msk [tilespmem:v15+s16+$0x0], $0xffff  }
0x1dc: {  	v57 =	vshrl.u32 v10, $0xE;
	[tilespmem:v5+s12+$0x0] =	vst.idx.add.f32.msk $0xffff, v14;
	v10 =	vand.u32 $0xFFFFFFF0, v58;
	v53 =	vshll.u32 v8, $0x10  }
0x1dd: {  	v14 =	vand.u32 $0xF, v57;
	v56 =	vand.u32 $0xFFFF0000, v8;
	v11 =	vmul.f32 v53, v4;
	v15 =	vld.idx.msk [tilespmem:v15+s8+$0x0], $0xffff  }
0x1de: {  	[tilespmem:v5+s13+$0x0] =	vst.idx.add.f32.msk $0xffff, v52;
	v60 =	vor.u32 v14, v10;
	v5 =	vshll.u32 v9, $0x10;
	v59 =	vmul.f32 v56, v4  }
0x1df: {  	v61 =	vand.u32 $0xFFFF0000, v9;
	v5 =	vmul.f32 v5, v4;
	[tilespmem:v7+s10+$0x0] =	vst.idx.add.f32.msk $0xffff, v11  }
0x1e0: {  	v4 =	vmul.f32 v61, v4;
	[tilespmem:v7+s11+$0x0] =	vst.idx.add.f32.msk $0xffff, v59;
	v62 =	vshll.u32 v54, $0x10  }
0x1e1: {  	[tilespmem:v7+s12+$0x0] =	vst.idx.add.f32.msk $0xffff, v5;
	v5 =	vand.u32 $0xFFFF0000, v54;
	v6 =	vmul.f32 v62, v55  }
0x1e2: {  	[tilespmem:v7+s13+$0x0] =	vst.idx.add.f32.msk $0xffff, v4;
	v4 =	vshll.u32 v15, $0x10;
	v5 =	vmul.f32 v5, v55  }
0x1e3: {  	v63 =	vand.u32 $0xFFFF0000, v15;
	v4 =	vmul.f32 v4, v55;
	[tilespmem:v60+s10+$0x0] =	vst.idx.add.f32.msk $0xffff, v6  }
0x1e4: {  	[tilespmem:v60+s11+$0x0] =	vst.idx.add.f32.msk $0xffff, v5;
	v5 =	vmul.f32 v63, v55  }
0x1e5: {  	[tilespmem:v60+s12+$0x0] =	vst.idx.add.f32.msk $0xffff, v4  }
0x1e6: {  	[tilespmem:v60+s13+$0x0] =	vst.idx.add.f32.msk $0xffff, v5  }
.LBB2_13:
.Ltmp9:
0x1e7: {  	(pc) =	sbr.rel @p2 .LBB2_17-.Ltmp9, $1  }
0x1e8: {  	_ =	sdelay $0x3  }
0x1e9: {  	s5 =	simm.s32 $0x0;
	s6 =	rddreg [dreg:$0x15];
	s9 =	simm.s32 $0x19000  }
0x1ea: {  	[tilespmem:s9], [sflag:$0x4] =	stream.linear.gather [hbm4b:s6+s5], $0x1000, $0x38;
	[tilespmem:$0x1F000] =	vst v63  }
0x1eb: {  	_ =	swait.ge [sflag:s0], $0x1000  }
0x1ec: {  	[sflag:s0] =	ssyncset.done $0x0  }
0x1ed: {  	s23 =	simm.s32 $0x1B000;
	s9 =	rddreg [dreg:$0x16];
	[sflag:s0] =	ssyncadd.s32 $0xFFFFF000  }
0x1ee: {  	[tilespmem:s23], [sflag:$0x4] =	stream.linear.gather [hbm4b:s9+s5], $0x1000, $0x38;
	[tilespmem:$0x1F000] =	vst v63  }
0x1ef: {  	_ =	swait.ge [sflag:s0], $0x1000  }
0x1f0: {  	[sflag:s0] =	ssyncset.done $0x0  }
0x1f1: {  	s5 =	simm.s32 $0x0;
	[sflag:s0] =	ssyncadd.s32 $0xFFFFF000  }
0x1f2: {  	v4 =	vld [tilespmem:s5+$0x19000]  }
0x1f3: {  	s9 =	rddreg [dreg:$0x14]  }
0x1f4: {  	v5 =	vadd.s32 s9, v3  }
0x1f5: {  	s23 =	simm.s32 $0x10;
	vm0 =	vge.s32 v5, v0;
	vm1 =	vlt.u32 v5, v1  }
0x1f6: {  	v5 =	vld [tilespmem:s23+$0x19000];
	vm0 =	vmand vm0, vm1  }
0x1f7: {  	s6 =	sadd.s32 $0x10, s9;
	v7 =	vand.u32 $0x3FFF, v4  }
0x1f8: {  	v6 =	vadd.s32 s6, v3  }
0x1f9: {  	vm1 =	vge.s32 v6, v0;
	vm2 =	vlt.u32 v6, v1  }
0x1fa: {  	vm1 =	vmand vm1, vm2  }
0x1fb: {  	v6 =	vld [tilespmem:s5+$0x1B000];
	v13 =	vand.u32 $0x3FFF, v5  }
0x1fc: {  	v9 =	vld.idx.msk [tilespmem:v7+s16+$0x0], vm0  }
0x1fd: {  	v11 =	vld.idx.msk [tilespmem:v7+s8+$0x0], vm0;
	v7 =	vshrl.u32 v4, $0xE;
	v4 =	vshra.s32 v4, $0xE  }
0x1fe: {  	s6 =	sadd.s32 $0x10, s6;
	s5 =	simm.s32 $0x20;
	vm3 =	vmmov vm0;
	v4 =	vand.u32 $0xFFFFFFF0, v4;
	v7 =	vand.u32 $0xF, v7  }
0x1ff: {  	v8 =	vadd.s32 s6, v3;
	v10 =	vld [tilespmem:s5+$0x19000];
	vm0 =	vmmov vm3;
	v4 =	vor.u32 v7, v4  }
0x200: {  	vm4 =	vge.s32 v8, v0;
	vm5 =	vlt.u32 v8, v1;
	vm2 =	vmmov vm1;
	v8 =	vld.idx.msk [tilespmem:v13+s16+$0x0], vm1  }
0x201: {  	vm4 =	vmand vm4, vm5;
	v7 =	vld [tilespmem:s23+$0x1B000];
	v12 =	vshll.u32 v9, $0x10;
	v15 =	vand.u32 $0xFFFF0000, v9  }
0x202: {  	s23 =	simm.s32 $0xC0;
	v9 =	vld.idx.msk [tilespmem:v13+s8+$0x0], vm1;
	v14 =	vshll.u32 v11, $0x10;
	v12 =	vmul.f32 v12, v6;
	v13 =	vmul.f32 v15, v6  }
.LBB2_15:
0x203: {  	vm5 =	vmmov vm1;
	vm1 =	vmmov vm4  }
0x204: {  	p5 =	sne.s32 s23, $0x3FC0;
	v15 =	vshrl.u32 v5, $0xE;
	v11 =	vand.u32 $0xFFFF0000, v11;
	[tilespmem:v4+s10+$0x0] =	vst.idx.add.f32.msk vm3, v12;
	v12 =	vmul.f32 v14, v6  }
0x205: {  	v16 =	vshra.s32 v5, $0xE;
	v14 =	vand.u32 $0x3FFF, v10;
	v11 =	vmul.f32 v11, v6;
	v5 =	vmovc v10;
	[tilespmem:v4+s11+$0x0] =	vst.idx.add.f32.msk vm0, v13  }
0x206: {  	v10 =	vand.u32 $0xFFFFFFF0, v16;
	vm3 =	vmmov vm5;
	v13 =	vand.u32 $0xF, v15;
	v6 =	vmovc v7;
	[tilespmem:v4+s12+$0x0] =	vst.idx.add.f32.msk vm0, v12  }
.Ltmp10:
0x207: {  	s9 =	sshra.s32 s23, $0x2;
	s6 =	sadd.s32 $0x10, s6;
	[tilespmem:v4+s13+$0x0] =	vst.idx.add.f32.msk vm0, v11;
	v4 =	vor.u32 v13, v10;
	vm0 =	vmmov vm2;
	vm2 =	vmmov vm4;
	(pc) =	sbr.rel @p5 .LBB2_15-.Ltmp10, $4  }
0x208: {  	v12 =	vadd.s32 s6, v3;
	v10 =	vld [tilespmem:s9+$0x19000]  }
0x209: {  	vm4 =	vge.s32 v12, v0;
	v13 =	vshll.u32 v8, $0x10;
	v11 =	vmov v9;
	v7 =	vld [tilespmem:s5+$0x1B000];
	s5 =	smov.u32 s9  }
0x20a: {  	v15 =	vand.u32 $0xFFFF0000, v8;
	vm5 =	vlt.u32 v12, v1;
	v12 =	vmul.f32 v13, v6;
	v8 =	vld.idx.msk [tilespmem:v14+s16+$0x0], vm1  }
0x20b: {  	s23 =	sadd.s32 $0x40, s23;
	vm4 =	vmand vm4, vm5;
	v13 =	vmul.f32 v15, v6;
	v9 =	vld.idx.msk [tilespmem:v14+s8+$0x0], vm1;
	v14 =	vshll.u32 v11, $0x10  }
0x20c: {  	_ =	sdelay $0x2  }
0x20d: {  	v15 =	vand.u32 $0x3FFF, v10;
	_ =	sdelay $0x1  }
0x20e: {  	v16 =	vshrl.u32 v5, $0xE;
	[tilespmem:v4+s10+$0x0] =	vst.idx.add.f32.msk vm3, v12;
	v11 =	vand.u32 $0xFFFF0000, v11;
	v5 =	vshra.s32 v5, $0xE  }
0x20f: {  	vm1 =	vmmov vm1;
	v54 =	vld [tilespmem:s5+$0x1B000];
	v5 =	vand.u32 $0xFFFFFFF0, v5;
	v49 =	vand.u32 $0xF, v16  }
0x210: {  	v48 =	vmul.f32 v14, v6;
	vm2 =	vmmov vm2;
	[tilespmem:v4+s11+$0x0] =	vst.idx.add.f32.msk vm0, v13;
	v5 =	vor.u32 v49, v5  }
0x211: {  	vm14 =	vmmov vm4;
	v50 =	vmul.f32 v11, v6;
	v56 =	vshra.s32 v10, $0xE;
	v52 =	vld.idx.msk [tilespmem:v15+s16+$0x0], vm4  }
0x212: {  	v55 =	vshrl.u32 v10, $0xE;
	[tilespmem:v4+s12+$0x0] =	vst.idx.add.f32.msk vm0, v48;
	v10 =	vand.u32 $0xFFFFFFF0, v56;
	v51 =	vshll.u32 v8, $0x10  }
0x213: {  	v14 =	vand.u32 $0xF, v55;
	v53 =	vand.u32 $0xFFFF0000, v8;
	v11 =	vmul.f32 v51, v7;
	v15 =	vld.idx.msk [tilespmem:v15+s8+$0x0], vm4  }
0x214: {  	[tilespmem:v4+s13+$0x0] =	vst.idx.add.f32.msk vm0, v50;
	v58 =	vor.u32 v14, v10;
	v57 =	vshll.u32 v9, $0x10;
	v4 =	vmul.f32 v53, v7  }
0x215: {  	v59 =	vand.u32 $0xFFFF0000, v9;
	v60 =	vmul.f32 v57, v7;
	[tilespmem:v5+s10+$0x0] =	vst.idx.add.f32.msk vm1, v11  }
0x216: {  	[tilespmem:v5+s11+$0x0] =	vst.idx.add.f32.msk vm2, v4;
	v4 =	vmul.f32 v59, v7;
	v61 =	vshll.u32 v52, $0x10  }
0x217: {  	[tilespmem:v5+s12+$0x0] =	vst.idx.add.f32.msk vm2, v60;
	v62 =	vand.u32 $0xFFFF0000, v52;
	v7 =	vmul.f32 v61, v54  }
.Ltmp11:
0x218: {  	[tilespmem:v5+s13+$0x0] =	vst.idx.add.f32.msk vm2, v4;
	v4 =	vshll.u32 v15, $0x10;
	v5 =	vmul.f32 v62, v54;
	(pc) =	sbr.rel .LBB2_17-.Ltmp11, $4  }
0x219: {  	v63 =	vand.u32 $0xFFFF0000, v15;
	v4 =	vmul.f32 v4, v54;
	[tilespmem:v58+s10+$0x0] =	vst.idx.add.f32.msk vm4, v7  }
0x21a: {  	[tilespmem:v58+s11+$0x0] =	vst.idx.add.f32.msk vm14, v5;
	v5 =	vmul.f32 v63, v54  }
0x21b: {  	[tilespmem:v58+s12+$0x0] =	vst.idx.add.f32.msk vm14, v4  }
0x21c: {  	vm15 =	vmmov vm14;
	[tilespmem:v58+s13+$0x0] =	vst.idx.add.f32.msk vm14, v5  }
.LBB2_18:
0x21d: {  	_ =	sfence.sel $0x180000  }
0x21e: {  	[bflag:$0x0] =	sbarrier.arrive $0xFFFF  }
0x21f: {  	_ =	strace $0x90000047  }
0x220: {  	s0 =	stileid.u32;
	[bflag:$0x2] =	sbarrier.arrive $0xFFFF  }
0x221: {  	p0 =	sne.s32 s0, $0x0;
	s0 =	rddreg [dreg:$0x6]  }
0x222: {  	s0 =	sadd.s32 @!p0 $0x100000, s0  }
0x223: {  	[sflag:s0] =	ssyncadd.tile.s32 @!p0 $0x1;
	_ =	shalt  }
.Lfunc_end2:
_tile_overlayer_lowered:
.L_overlay_start_2:
0x224: {  	(tag) =	ssettag $0x2  }
0x225: {  	s0 =	rddreg [dreg:$0x0];
	s2 =	stileid.u32  }
0x226: {  	s1 =	rddreg [dreg:$0x1];
	p0 =	sne.s32 s2, $0x0  }
0x227: {  	s3 =	rddreg [dreg:$0x2];
	[bflag:$0x3] =	sbarrier.arrive $0xFFFF;
	s2 =	simm.s32 @!p0 $0x1C04  }
0x228: {  	[timem:s3], [sflag:s2] =	dma.local @!p0 [hbm:s0], s1  }
0x229: {  	s0 =	simm.s32 @!p0 $0x4  }
0x22a: {  	_ =	swait.ge @!p0 [sflag:s0], s1  }
0x22b: {  	s1 =	ssub.s32 @!p0 $0x0, s1;
	[sflag:s0] =	ssyncset.done @!p0 $0x0  }
0x22c: {  	[sflag:s0] =	ssyncadd.s32 @!p0 s1  }
0x22d: {  	[bflag:$0x3] =	sbarrier.arrive $0xFFFF  }
0x22e: {  	_ =	shalt  }

</sc_bundles>
